<compile_context>
chip_gen: v7x
topology: tpu7x:2x2x1
jax: 0.10.2.dev20260603
libtpu: 0.0.44.dev20260713+nightly
codegen_flags: <defaults>
</compile_context>

<pallas_src>
import functools

import jax
import jax.numpy as jnp
from jax import lax
from jax.experimental import pallas as pl
from jax.experimental.pallas import tpu as pltpu
from jax.experimental.pallas import tpu_sc as plsc

TOPK = 16
B, P, D = 1024, 16, 64
M = 100000
M_PAD = 102400
BM = 2048
CHUNK = 16
NCHUNK = M_PAD // CHUNK
NCHUNK_REAL = M // CHUNK
CHUNKS_PER_BLK = BM // CHUNK
NBLK = M_PAD // BM
NSEL = 32
NCAND = NSEL * CHUNK
BB = 256
NBB = B // BB
NEG = -1e30


def _meanpool_kernel(qp_ref, qf_ref):
    qf_ref[...] = jnp.mean(qp_ref[...], axis=1)


def _meanpool(query_patches, interpret=False):
    return pl.pallas_call(
        _meanpool_kernel,
        out_shape=jax.ShapeDtypeStruct((B, D), jnp.float32),
        interpret=interpret,
    )(query_patches)


def _simchunk_kernel(mem_ref, qfT_ref, cmT_ref):
    i = pl.program_id(0)
    simsT = jax.lax.dot_general(
        mem_ref[...], qfT_ref[...], (((1,), (0,)), ((), ())),
        preferred_element_type=jnp.float32)
    cmT = jnp.max(simsT.reshape(CHUNKS_PER_BLK, CHUNK, BB), axis=1)
    gchunk = i * CHUNKS_PER_BLK + jax.lax.broadcasted_iota(
        jnp.int32, (CHUNKS_PER_BLK, 1), 0)
    cmT_ref[...] = jnp.where(gchunk >= NCHUNK_REAL, NEG, cmT)


def _simchunk(mem_bf, qfT_bf, interpret=False):
    return pl.pallas_call(
        _simchunk_kernel,
        grid=(NBLK, NBB),
        in_specs=[
            pl.BlockSpec((BM, D), lambda i, b: (i, 0)),
            pl.BlockSpec((D, BB), lambda i, b: (0, b)),
        ],
        out_specs=pl.BlockSpec((CHUNKS_PER_BLK, BB), lambda i, b: (i, b)),
        out_shape=jax.ShapeDtypeStruct((NCHUNK, B), jnp.float32),
        interpret=interpret,
    )(mem_bf, qfT_bf)


def _select_kernel(cmT_ref, idsT_ref):
    cm = cmT_ref[...]
    i = jax.lax.bitcast_convert_type(cm, jnp.int32)
    key = jnp.where(i < 0, jnp.bitwise_xor(~i, jnp.int32(-2**31)), i)
    iota = jax.lax.broadcasted_iota(jnp.int32, (NCHUNK, BB), 0)
    key = jnp.bitwise_or(jnp.bitwise_and(key, jnp.int32(~0x1FFF)), iota)
    rows = []
    for _ in range(NSEL):
        m = jnp.max(key, axis=0, keepdims=True)
        rows.append(jnp.bitwise_and(m, jnp.int32(0x1FFF)))
        key = jnp.where(key == m, jnp.int32(-2**31), key)
    idsT_ref[...] = jnp.concatenate(rows, axis=0)


def _select(cmT, interpret=False):
    return pl.pallas_call(
        _select_kernel,
        grid=(NBB,),
        in_specs=[pl.BlockSpec((NCHUNK, BB), lambda b: (0, b))],
        out_specs=pl.BlockSpec((NSEL, BB), lambda b: (0, b)),
        out_shape=jax.ShapeDtypeStruct((NSEL, B), jnp.int32),
        interpret=interpret,
    )(cmT)


SC_CORES = 2
SC_SUBCORES = 16
NW = SC_CORES * SC_SUBCORES
NIDX = B * NSEL
PER_W = NIDX // NW
GBATCH = 64
NBATCH = PER_W // GBATCH
ROWS_PER_W = B * TOPK // NW


def _gather_chunks(mem_chunks, idx_flat):
    mesh = plsc.VectorSubcoreMesh(core_axis_name="c", subcore_axis_name="s")

    @functools.partial(
        pl.kernel, mesh=mesh,
        out_type=jax.ShapeDtypeStruct((NIDX, CHUNK * D), jnp.float32),
        scratch_types=[
            pltpu.VMEM((GBATCH,), jnp.int32),
            pltpu.VMEM((GBATCH, CHUNK * D), jnp.float32),
            pltpu.SemaphoreType.DMA,
        ],
    )
    def k(mem_hbm, idx_hbm, out_hbm, idx_v, rows_v, sem):
        wid = lax.axis_index("s") * SC_CORES + lax.axis_index("c")
        base = wid * PER_W
        for b in range(NBATCH):
            off = base + b * GBATCH
            pltpu.sync_copy(idx_hbm.at[pl.ds(off, GBATCH)], idx_v)
            pltpu.async_copy(mem_hbm.at[idx_v], rows_v, sem).wait()
            pltpu.sync_copy(rows_v, out_hbm.at[pl.ds(off, GBATCH)])

    return k(mem_chunks, idx_flat)


def _gather_rows(mem_pairs, pair_idx):
    mesh = plsc.VectorSubcoreMesh(core_axis_name="c", subcore_axis_name="s")

    @functools.partial(
        pl.kernel, mesh=mesh,
        out_type=jax.ShapeDtypeStruct((B * TOPK, 2 * D), jnp.float32),
        scratch_types=[
            pltpu.VMEM((ROWS_PER_W,), jnp.int32),
            pltpu.VMEM((ROWS_PER_W, 2 * D), jnp.float32),
            pltpu.SemaphoreType.DMA,
        ],
    )
    def k(mem_hbm, idx_hbm, out_hbm, idx_v, rows_v, sem):
        wid = lax.axis_index("s") * SC_CORES + lax.axis_index("c")
        base = wid * ROWS_PER_W
        pltpu.sync_copy(idx_hbm.at[pl.ds(base, ROWS_PER_W)], idx_v)
        pltpu.async_copy(mem_hbm.at[idx_v], rows_v, sem).wait()
        pltpu.sync_copy(rows_v, out_hbm.at[pl.ds(base, ROWS_PER_W)])

    return k(mem_pairs, pair_idx)


BQ = 64
NBQ = B // BQ
BR = 2048
BQM = BR // TOPK
I32MAX = 2 ** 30


NCS = 128
NSPLIT = NCAND // NCS


def _candsims_kernel(cand_ref, qf_ref, sims_ref):
    rows = cand_ref[...].astype(jnp.bfloat16).astype(jnp.float32)
    qf = qf_ref[...].astype(jnp.bfloat16).astype(jnp.float32)
    sims_ref[...] = jnp.sum(rows * qf[:, None, :], axis=-1)


def _candsims(cand_rows, qf, interpret=False):
    return pl.pallas_call(
        _candsims_kernel,
        grid=(NBQ, NSPLIT),
        in_specs=[
            pl.BlockSpec((BQ, NCS, D), lambda b, c: (b, c, 0)),
            pl.BlockSpec((BQ, D), lambda b, c: (b, 0)),
        ],
        out_specs=pl.BlockSpec((BQ, NCS), lambda b, c: (b, c)),
        out_shape=jax.ShapeDtypeStruct((B, NCAND), jnp.float32),
        interpret=interpret,
    )(cand_rows, qf)


def _refine_kernel(sims_ref, rid_ref, idx_ref):
    sims = sims_ref[...]
    rowids = rid_ref[...]
    cols = []
    for _ in range(TOPK):
        m = jnp.max(sims, axis=1, keepdims=True)
        hit = sims == m
        rid = jnp.min(jnp.where(hit, rowids, I32MAX), axis=1, keepdims=True)
        cols.append(rid)
        sims = jnp.where(hit, NEG, sims)
    idx_ref[...] = jnp.concatenate(cols, axis=1)


def _refine(sims, rowids, interpret=False):
    return pl.pallas_call(
        _refine_kernel,
        grid=(NBQ,),
        in_specs=[
            pl.BlockSpec((BQ, NCAND), lambda b: (b, 0)),
            pl.BlockSpec((BQ, NCAND), lambda b: (b, 0)),
        ],
        out_specs=pl.BlockSpec((BQ, TOPK), lambda b: (b, 0)),
        out_shape=jax.ShapeDtypeStruct((B, TOPK), jnp.int32),
        interpret=interpret,
    )(sims, rowids)


def _mlp_kernel(ret_ref, par_ref, qp_ref, w1_ref, b1_ref, w2_ref, b2_ref,
                out_ref):
    pairs = ret_ref[...]
    par = par_ref[...]
    r = jnp.where(par > 0.5, pairs[:, D:], pairs[:, :D])
    h = jax.nn.gelu(r @ w1_ref[...] + b1_ref[...])
    loc = h @ w2_ref[...] + b2_ref[...]
    lm = jnp.mean(loc.reshape(BQM, TOPK, D), axis=1)
    out_ref[...] = qp_ref[...] + lm[:, None, :]


def _mlp(ret_pairs, parity, query_patches, W1, b1, W2, b2, interpret=False):
    return pl.pallas_call(
        _mlp_kernel,
        grid=(B // BQM,),
        in_specs=[
            pl.BlockSpec((BR, 2 * D), lambda b: (b, 0)),
            pl.BlockSpec((BR, 1), lambda b: (b, 0)),
            pl.BlockSpec((BQM, P, D), lambda b: (b, 0, 0)),
            pl.BlockSpec((D, 2 * D), lambda b: (0, 0)),
            pl.BlockSpec((1, 2 * D), lambda b: (0, 0)),
            pl.BlockSpec((2 * D, D), lambda b: (0, 0)),
            pl.BlockSpec((1, D), lambda b: (0, 0)),
        ],
        out_specs=pl.BlockSpec((BQM, P, D), lambda b: (b, 0, 0)),
        out_shape=jax.ShapeDtypeStruct((B, P, D), jnp.float32),
        interpret=interpret,
    )(ret_pairs, parity, query_patches, W1, b1.reshape(1, -1), W2,
      b2.reshape(1, -1))


def kernel(query_patches, memory, W1, b1, W2, b2):
    mem_pad = jnp.pad(memory, ((0, M_PAD - M), (0, 0)))
    mem_bf = mem_pad.astype(jnp.bfloat16)
    qf = _meanpool(query_patches)
    qfT_bf = qf.T.astype(jnp.bfloat16)
    cmT = _simchunk(mem_bf, qfT_bf)
    chunk_ids = _select(cmT).T

    rowids = chunk_ids[:, :, None] * CHUNK + jnp.arange(CHUNK)[None, None, :]
    rowids = rowids.reshape(B, NCAND)
    mem_chunks = mem_pad.reshape(NCHUNK, CHUNK * D)
    cand_rows = _gather_chunks(mem_chunks, chunk_ids.reshape(-1))
    cand_rows = cand_rows.reshape(B, NCAND, D)
    sims = _candsims(cand_rows, qf)
    final_idx = _refine(sims, rowids).reshape(-1)
    mem_pairs = mem_pad.reshape(M_PAD // 2, 2 * D)
    ret_pairs = _gather_rows(mem_pairs, final_idx // 2)
    parity = (final_idx % 2).astype(jnp.float32).reshape(-1, 1)
    return _mlp(ret_pairs, parity, query_patches, W1, b1, W2, b2)

# --- scband reference (transcript-rebuilt; emitter-appended) ---
"""Pipeline reference for scband-model-40939628265923 (READ-ONLY COPY).

The authoritative reference and input builder live on the scoring server;
editing this copy changes nothing except your own understanding.
"""

import jax, jax.numpy as jnp
import numpy as np

TOP_K = 16

def setup_inputs(seed: int = 0) -> dict:
    key = jax.random.key(seed)
    k1, k2, k3, k4 = jax.random.split(key, 4)
    B, P, D, M = 1024, 16, 64, 100000
    query_patches = jax.random.normal(k1, (B, P, D), dtype=jnp.float32)
    memory = jax.random.normal(k2, (M, D), dtype=jnp.float32)
    W1 = jax.random.normal(k3, (D, 2 * D), dtype=jnp.float32) * (1.0 / np.sqrt(D))
    b1 = jnp.zeros((2 * D,), dtype=jnp.float32)
    W2 = jax.random.normal(k4, (2 * D, D), dtype=jnp.float32) * (1.0 / np.sqrt(2 * D))
    b2 = jnp.zeros((D,), dtype=jnp.float32)
    return {"query_patches": query_patches, "memory": memory, "W1": W1, "b1": b1, "W2": W2, "b2": b2}

def reference(query_patches, memory, W1, b1, W2, b2):
    # PatchMemoryBank.retrieve: mean-pool query patches, dot-product similarity, top-k gather
    query_flat = query_patches.mean(axis=1)                  # [B, D]
    similarity = query_flat @ memory.T                       # [B, M]
    _, indices = jax.lax.top_k(similarity, TOP_K)            # [B, K]
    retrieved = jnp.take(memory, indices, axis=0)            # [B, K, D]
    # Model._compute_local_memory: MLP(d -> 2d -> d) with GELU, mean over retrieved, residual add
    h = jax.nn.gelu(retrieved @ W1 + b1)                     # [B, K, 2D]
    local_memory = h @ W2 + b2                               # [B, K, D]
    local_memory = local_memory.mean(axis=1, keepdims=True)  # [B, 1, D]
    out = local_memory + query_patches                       # [B, P, D]
    return out

if __name__ == "__main__":
    import jax
    _d = setup_inputs()
    print(jax.jit(kernel)(*tuple(_d.values())))

</pallas_src>

<mosaic_0001>
#map = affine_map<(d0, d1) -> (0, 0)>
#map1 = affine_map<(d0, d1) -> (0)>
module attributes {stable_mosaic.version = 14 : i64} {
  func.func @k(%arg0: i32, %arg1: i32, %arg2: memref<6400x1024xf32, #tpu.memory_space<hbm>>, %arg3: memref<32768xi32, #tpu.memory_space<hbm>>, %arg4: memref<32768x1024xf32, #tpu.memory_space<hbm>>, %arg5: memref<64xi32, #tpu.memory_space<vmem>>, %arg6: memref<64x1024xf32, #tpu.memory_space<vmem>>, %arg7: memref<!tpu.dma_semaphore, #tpu.memory_space<semaphore_mem>>) attributes {dimension_semantics = [#tpu.dimension_semantics<core_parallel>, #tpu.dimension_semantics<subcore_parallel>], iteration_bounds = array<i64: 2, 16>, scalar_prefetch = 0 : i64, scratch_operands = 3 : i64, tpu.core_type = #tpu.core_type<sc_vector_subcore>, window_params = [{transform_indices = #map}, {transform_indices = #map1}, {transform_indices = #map}]} {
    %mul3A = arith.constant 2 : i32
    %mul3A_0 = arith.muli %arg1, %mul3A : i32
    %add3A = arith.addi %mul3A_0, %arg0 : i32
    %mul3A_1 = arith.constant 1024 : i32
    %mul3A_2 = arith.muli %add3A, %mul3A_1 : i32
    %add3A_3 = arith.constant 0 : i32
    %add3A_4 = arith.addi %mul3A_2, %add3A_3 : i32
    "tpu.region"() ({
      %run_scoped3A = tpu.sem_alloc : memref<!tpu.dma_semaphore, #tpu.memory_space<semaphore_mem>>
      %dma_start3A_129 = tpu.memref_slice %arg3[%add3A_4] : memref<32768xi32, #tpu.memory_space<hbm>> -> memref<64xi32, #tpu.memory_space<hbm>>
      %dma_start3A_130 = tpu.memref_slice %arg3[%add3A_4] : memref<32768xi32, #tpu.memory_space<hbm>> -> memref<64xi32, #tpu.memory_space<hbm>>
      tpu.enqueue_dma source(%dma_start3A_130 : memref<64xi32, #tpu.memory_space<hbm>>) target(%arg5 : memref<64xi32, #tpu.memory_space<vmem>>) target_semaphore(%run_scoped3A : memref<!tpu.dma_semaphore, #tpu.memory_space<semaphore_mem>>)
      %dma_wait3A_131 = tpu.memref_slice %arg3[%add3A_4] : memref<32768xi32, #tpu.memory_space<hbm>> -> memref<64xi32, #tpu.memory_space<hbm>>
      %dma_wait3A_132 = tpu.memref_slice %arg3[%add3A_4] : memref<32768xi32, #tpu.memory_space<hbm>> -> memref<64xi32, #tpu.memory_space<hbm>>
      tpu.wait_dma2 semaphore(%run_scoped3A : memref<!tpu.dma_semaphore, #tpu.memory_space<semaphore_mem>>) src(%dma_wait3A_132 : memref<64xi32, #tpu.memory_space<hbm>>) dst(%arg5 : memref<64xi32, #tpu.memory_space<vmem>>)
      tpu.yield
    }) : () -> ()
    %dma_start3A = arith.constant 0 : i32
    %dma_start3A_5 = arith.constant 0 : i32
    %dma_start3A_6 = tpu.memref_slice %arg2[%dma_start3A, %dma_start3A_5] : memref<6400x1024xf32, #tpu.memory_space<hbm>> -> memref<6400x1024xf32, #tpu.memory_space<hbm>>
    tpu.enqueue_indirect_dma source(%dma_start3A_6 : memref<6400x1024xf32, #tpu.memory_space<hbm>>) target(%arg6 : memref<64x1024xf32, #tpu.memory_space<vmem>>) offsets(%arg5 : memref<64xi32, #tpu.memory_space<vmem>>) semaphore(%arg7 : memref<!tpu.dma_semaphore, #tpu.memory_space<semaphore_mem>>)
    %dma_wait3A = arith.constant 0 : i32
    %dma_wait3A_7 = arith.constant 0 : i32
    %dma_wait3A_8 = tpu.memref_slice %arg2[%dma_wait3A, %dma_wait3A_7] : memref<6400x1024xf32, #tpu.memory_space<hbm>> -> memref<6400x1024xf32, #tpu.memory_space<hbm>>
    tpu.wait_indirect_dma semaphore(%arg7 : memref<!tpu.dma_semaphore, #tpu.memory_space<semaphore_mem>>) src(%dma_wait3A_8 : memref<6400x1024xf32, #tpu.memory_space<hbm>>) dst(%arg6 : memref<64x1024xf32, #tpu.memory_space<vmem>>)
    "tpu.region"() ({
      %run_scoped3A = tpu.sem_alloc : memref<!tpu.dma_semaphore, #tpu.memory_space<semaphore_mem>>
      %dma_start3A_129 = arith.constant 0 : i32
      %dma_start3A_130 = tpu.memref_slice %arg4[%add3A_4, %dma_start3A_129] : memref<32768x1024xf32, #tpu.memory_space<hbm>> -> memref<64x1024xf32, #tpu.memory_space<hbm>>
      %dma_start3A_131 = arith.constant 0 : i32
      %dma_start3A_132 = tpu.memref_slice %arg4[%add3A_4, %dma_start3A_131] : memref<32768x1024xf32, #tpu.memory_space<hbm>> -> memref<64x1024xf32, #tpu.memory_space<hbm>>
      tpu.enqueue_dma source(%arg6 : memref<64x1024xf32, #tpu.memory_space<vmem>>) target(%dma_start3A_132 : memref<64x1024xf32, #tpu.memory_space<hbm>>) target_semaphore(%run_scoped3A : memref<!tpu.dma_semaphore, #tpu.memory_space<semaphore_mem>>)
      %dma_wait3A_133 = arith.constant 0 : i32
      %dma_wait3A_134 = tpu.memref_slice %arg4[%add3A_4, %dma_wait3A_133] : memref<32768x1024xf32, #tpu.memory_space<hbm>> -> memref<64x1024xf32, #tpu.memory_space<hbm>>
      %dma_wait3A_135 = arith.constant 0 : i32
      %dma_wait3A_136 = tpu.memref_slice %arg4[%add3A_4, %dma_wait3A_135] : memref<32768x1024xf32, #tpu.memory_space<hbm>> -> memref<64x1024xf32, #tpu.memory_space<hbm>>
      tpu.wait_dma2 semaphore(%run_scoped3A : memref<!tpu.dma_semaphore, #tpu.memory_space<semaphore_mem>>) src(%arg6 : memref<64x1024xf32, #tpu.memory_space<vmem>>) dst(%dma_wait3A_136 : memref<64x1024xf32, #tpu.memory_space<hbm>>)
      tpu.yield
    }) : () -> ()
    %add3A_9 = arith.constant 64 : i32
    %add3A_10 = arith.addi %mul3A_2, %add3A_9 : i32
    "tpu.region"() ({
      %run_scoped3A = tpu.sem_alloc : memref<!tpu.dma_semaphore, #tpu.memory_space<semaphore_mem>>
      %dma_start3A_129 = tpu.memref_slice %arg3[%add3A_10] : memref<32768xi32, #tpu.memory_space<hbm>> -> memref<64xi32, #tpu.memory_space<hbm>>
      %dma_start3A_130 = tpu.memref_slice %arg3[%add3A_10] : memref<32768xi32, #tpu.memory_space<hbm>> -> memref<64xi32, #tpu.memory_space<hbm>>
      tpu.enqueue_dma source(%dma_start3A_130 : memref<64xi32, #tpu.memory_space<hbm>>) target(%arg5 : memref<64xi32, #tpu.memory_space<vmem>>) target_semaphore(%run_scoped3A : memref<!tpu.dma_semaphore, #tpu.memory_space<semaphore_mem>>)
      %dma_wait3A_131 = tpu.memref_slice %arg3[%add3A_10] : memref<32768xi32, #tpu.memory_space<hbm>> -> memref<64xi32, #tpu.memory_space<hbm>>
      %dma_wait3A_132 = tpu.memref_slice %arg3[%add3A_10] : memref<32768xi32, #tpu.memory_space<hbm>> -> memref<64xi32, #tpu.memory_space<hbm>>
      tpu.wait_dma2 semaphore(%run_scoped3A : memref<!tpu.dma_semaphore, #tpu.memory_space<semaphore_mem>>) src(%dma_wait3A_132 : memref<64xi32, #tpu.memory_space<hbm>>) dst(%arg5 : memref<64xi32, #tpu.memory_space<vmem>>)
      tpu.yield
    }) : () -> ()
    %dma_start3A_11 = arith.constant 0 : i32
    %dma_start3A_12 = arith.constant 0 : i32
    %dma_start3A_13 = tpu.memref_slice %arg2[%dma_start3A_11, %dma_start3A_12] : memref<6400x1024xf32, #tpu.memory_space<hbm>> -> memref<6400x1024xf32, #tpu.memory_space<hbm>>
    tpu.enqueue_indirect_dma source(%dma_start3A_13 : memref<6400x1024xf32, #tpu.memory_space<hbm>>) target(%arg6 : memref<64x1024xf32, #tpu.memory_space<vmem>>) offsets(%arg5 : memref<64xi32, #tpu.memory_space<vmem>>) semaphore(%arg7 : memref<!tpu.dma_semaphore, #tpu.memory_space<semaphore_mem>>)
    %dma_wait3A_14 = arith.constant 0 : i32
    %dma_wait3A_15 = arith.constant 0 : i32
    %dma_wait3A_16 = tpu.memref_slice %arg2[%dma_wait3A_14, %dma_wait3A_15] : memref<6400x1024xf32, #tpu.memory_space<hbm>> -> memref<6400x1024xf32, #tpu.memory_space<hbm>>
    tpu.wait_indirect_dma semaphore(%arg7 : memref<!tpu.dma_semaphore, #tpu.memory_space<semaphore_mem>>) src(%dma_wait3A_16 : memref<6400x1024xf32, #tpu.memory_space<hbm>>) dst(%arg6 : memref<64x1024xf32, #tpu.memory_space<vmem>>)
    "tpu.region"() ({
      %run_scoped3A = tpu.sem_alloc : memref<!tpu.dma_semaphore, #tpu.memory_space<semaphore_mem>>
      %dma_start3A_129 = arith.constant 0 : i32
      %dma_start3A_130 = tpu.memref_slice %arg4[%add3A_10, %dma_start3A_129] : memref<32768x1024xf32, #tpu.memory_space<hbm>> -> memref<64x1024xf32, #tpu.memory_space<hbm>>
      %dma_start3A_131 = arith.constant 0 : i32
      %dma_start3A_132 = tpu.memref_slice %arg4[%add3A_10, %dma_start3A_131] : memref<32768x1024xf32, #tpu.memory_space<hbm>> -> memref<64x1024xf32, #tpu.memory_space<hbm>>
      tpu.enqueue_dma source(%arg6 : memref<64x1024xf32, #tpu.memory_space<vmem>>) target(%dma_start3A_132 : memref<64x1024xf32, #tpu.memory_space<hbm>>) target_semaphore(%run_scoped3A : memref<!tpu.dma_semaphore, #tpu.memory_space<semaphore_mem>>)
      %dma_wait3A_133 = arith.constant 0 : i32
      %dma_wait3A_134 = tpu.memref_slice %arg4[%add3A_10, %dma_wait3A_133] : memref<32768x1024xf32, #tpu.memory_space<hbm>> -> memref<64x1024xf32, #tpu.memory_space<hbm>>
      %dma_wait3A_135 = arith.constant 0 : i32
      %dma_wait3A_136 = tpu.memref_slice %arg4[%add3A_10, %dma_wait3A_135] : memref<32768x1024xf32, #tpu.memory_space<hbm>> -> memref<64x1024xf32, #tpu.memory_space<hbm>>
      tpu.wait_dma2 semaphore(%run_scoped3A : memref<!tpu.dma_semaphore, #tpu.memory_space<semaphore_mem>>) src(%arg6 : memref<64x1024xf32, #tpu.memory_space<vmem>>) dst(%dma_wait3A_136 : memref<64x1024xf32, #tpu.memory_space<hbm>>)
      tpu.yield
    }) : () -> ()
    %add3A_17 = arith.constant 128 : i32
    %add3A_18 = arith.addi %mul3A_2, %add3A_17 : i32
    "tpu.region"() ({
      %run_scoped3A = tpu.sem_alloc : memref<!tpu.dma_semaphore, #tpu.memory_space<semaphore_mem>>
      %dma_start3A_129 = tpu.memref_slice %arg3[%add3A_18] : memref<32768xi32, #tpu.memory_space<hbm>> -> memref<64xi32, #tpu.memory_space<hbm>>
      %dma_start3A_130 = tpu.memref_slice %arg3[%add3A_18] : memref<32768xi32, #tpu.memory_space<hbm>> -> memref<64xi32, #tpu.memory_space<hbm>>
      tpu.enqueue_dma source(%dma_start3A_130 : memref<64xi32, #tpu.memory_space<hbm>>) target(%arg5 : memref<64xi32, #tpu.memory_space<vmem>>) target_semaphore(%run_scoped3A : memref<!tpu.dma_semaphore, #tpu.memory_space<semaphore_mem>>)
      %dma_wait3A_131 = tpu.memref_slice %arg3[%add3A_18] : memref<32768xi32, #tpu.memory_space<hbm>> -> memref<64xi32, #tpu.memory_space<hbm>>
      %dma_wait3A_132 = tpu.memref_slice %arg3[%add3A_18] : memref<32768xi32, #tpu.memory_space<hbm>> -> memref<64xi32, #tpu.memory_space<hbm>>
      tpu.wait_dma2 semaphore(%run_scoped3A : memref<!tpu.dma_semaphore, #tpu.memory_space<semaphore_mem>>) src(%dma_wait3A_132 : memref<64xi32, #tpu.memory_space<hbm>>) dst(%arg5 : memref<64xi32, #tpu.memory_space<vmem>>)
      tpu.yield
    }) : () -> ()
    %dma_start3A_19 = arith.constant 0 : i32
    %dma_start3A_20 = arith.constant 0 : i32
    %dma_start3A_21 = tpu.memref_slice %arg2[%dma_start3A_19, %dma_start3A_20] : memref<6400x1024xf32, #tpu.memory_space<hbm>> -> memref<6400x1024xf32, #tpu.memory_space<hbm>>
    tpu.enqueue_indirect_dma source(%dma_start3A_21 : memref<6400x1024xf32, #tpu.memory_space<hbm>>) target(%arg6 : memref<64x1024xf32, #tpu.memory_space<vmem>>) offsets(%arg5 : memref<64xi32, #tpu.memory_space<vmem>>) semaphore(%arg7 : memref<!tpu.dma_semaphore, #tpu.memory_space<semaphore_mem>>)
    %dma_wait3A_22 = arith.constant 0 : i32
    %dma_wait3A_23 = arith.constant 0 : i32
    %dma_wait3A_24 = tpu.memref_slice %arg2[%dma_wait3A_22, %dma_wait3A_23] : memref<6400x1024xf32, #tpu.memory_space<hbm>> -> memref<6400x1024xf32, #tpu.memory_space<hbm>>
    tpu.wait_indirect_dma semaphore(%arg7 : memref<!tpu.dma_semaphore, #tpu.memory_space<semaphore_mem>>) src(%dma_wait3A_24 : memref<6400x1024xf32, #tpu.memory_space<hbm>>) dst(%arg6 : memref<64x1024xf32, #tpu.memory_space<vmem>>)
    "tpu.region"() ({
      %run_scoped3A = tpu.sem_alloc : memref<!tpu.dma_semaphore, #tpu.memory_space<semaphore_mem>>
      %dma_start3A_129 = arith.constant 0 : i32
      %dma_start3A_130 = tpu.memref_slice %arg4[%add3A_18, %dma_start3A_129] : memref<32768x1024xf32, #tpu.memory_space<hbm>> -> memref<64x1024xf32, #tpu.memory_space<hbm>>
      %dma_start3A_131 = arith.constant 0 : i32
      %dma_start3A_132 = tpu.memref_slice %arg4[%add3A_18, %dma_start3A_131] : memref<32768x1024xf32, #tpu.memory_space<hbm>> -> memref<64x1024xf32, #tpu.memory_space<hbm>>
      tpu.enqueue_dma source(%arg6 : memref<64x1024xf32, #tpu.memory_space<vmem>>) target(%dma_start3A_132 : memref<64x1024xf32, #tpu.memory_space<hbm>>) target_semaphore(%run_scoped3A : memref<!tpu.dma_semaphore, #tpu.memory_space<semaphore_mem>>)
      %dma_wait3A_133 = arith.constant 0 : i32
      %dma_wait3A_134 = tpu.memref_slice %arg4[%add3A_18, %dma_wait3A_133] : memref<32768x1024xf32, #tpu.memory_space<hbm>> -> memref<64x1024xf32, #tpu.memory_space<hbm>>
      %dma_wait3A_135 = arith.constant 0 : i32
      %dma_wait3A_136 = tpu.memref_slice %arg4[%add3A_18, %dma_wait3A_135] : memref<32768x1024xf32, #tpu.memory_space<hbm>> -> memref<64x1024xf32, #tpu.memory_space<hbm>>
      tpu.wait_dma2 semaphore(%run_scoped3A : memref<!tpu.dma_semaphore, #tpu.memory_space<semaphore_mem>>) src(%arg6 : memref<64x1024xf32, #tpu.memory_space<vmem>>) dst(%dma_wait3A_136 : memref<64x1024xf32, #tpu.memory_space<hbm>>)
      tpu.yield
    }) : () -> ()
    %add3A_25 = arith.constant 192 : i32
    %add3A_26 = arith.addi %mul3A_2, %add3A_25 : i32
    "tpu.region"() ({
      %run_scoped3A = tpu.sem_alloc : memref<!tpu.dma_semaphore, #tpu.memory_space<semaphore_mem>>
      %dma_start3A_129 = tpu.memref_slice %arg3[%add3A_26] : memref<32768xi32, #tpu.memory_space<hbm>> -> memref<64xi32, #tpu.memory_space<hbm>>
      %dma_start3A_130 = tpu.memref_slice %arg3[%add3A_26] : memref<32768xi32, #tpu.memory_space<hbm>> -> memref<64xi32, #tpu.memory_space<hbm>>
      tpu.enqueue_dma source(%dma_start3A_130 : memref<64xi32, #tpu.memory_space<hbm>>) target(%arg5 : memref<64xi32, #tpu.memory_space<vmem>>) target_semaphore(%run_scoped3A : memref<!tpu.dma_semaphore, #tpu.memory_space<semaphore_mem>>)
      %dma_wait3A_131 = tpu.memref_slice %arg3[%add3A_26] : memref<32768xi32, #tpu.memory_space<hbm>> -> memref<64xi32, #tpu.memory_space<hbm>>
      %dma_wait3A_132 = tpu.memref_slice %arg3[%add3A_26] : memref<32768xi32, #tpu.memory_space<hbm>> -> memref<64xi32, #tpu.memory_space<hbm>>
      tpu.wait_dma2 semaphore(%run_scoped3A : memref<!tpu.dma_semaphore, #tpu.memory_space<semaphore_mem>>) src(%dma_wait3A_132 : memref<64xi32, #tpu.memory_space<hbm>>) dst(%arg5 : memref<64xi32, #tpu.memory_space<vmem>>)
      tpu.yield
    }) : () -> ()
    %dma_start3A_27 = arith.constant 0 : i32
    %dma_start3A_28 = arith.constant 0 : i32
    %dma_start3A_29 = tpu.memref_slice %arg2[%dma_start3A_27, %dma_start3A_28] : memref<6400x1024xf32, #tpu.memory_space<hbm>> -> memref<6400x1024xf32, #tpu.memory_space<hbm>>
    tpu.enqueue_indirect_dma source(%dma_start3A_29 : memref<6400x1024xf32, #tpu.memory_space<hbm>>) target(%arg6 : memref<64x1024xf32, #tpu.memory_space<vmem>>) offsets(%arg5 : memref<64xi32, #tpu.memory_space<vmem>>) semaphore(%arg7 : memref<!tpu.dma_semaphore, #tpu.memory_space<semaphore_mem>>)
    %dma_wait3A_30 = arith.constant 0 : i32
    %dma_wait3A_31 = arith.constant 0 : i32
    %dma_wait3A_32 = tpu.memref_slice %arg2[%dma_wait3A_30, %dma_wait3A_31] : memref<6400x1024xf32, #tpu.memory_space<hbm>> -> memref<6400x1024xf32, #tpu.memory_space<hbm>>
    tpu.wait_indirect_dma semaphore(%arg7 : memref<!tpu.dma_semaphore, #tpu.memory_space<semaphore_mem>>) src(%dma_wait3A_32 : memref<6400x1024xf32, #tpu.memory_space<hbm>>) dst(%arg6 : memref<64x1024xf32, #tpu.memory_space<vmem>>)
    "tpu.region"() ({
      %run_scoped3A = tpu.sem_alloc : memref<!tpu.dma_semaphore, #tpu.memory_space<semaphore_mem>>
      %dma_start3A_129 = arith.constant 0 : i32
      %dma_start3A_130 = tpu.memref_slice %arg4[%add3A_26, %dma_start3A_129] : memref<32768x1024xf32, #tpu.memory_space<hbm>> -> memref<64x1024xf32, #tpu.memory_space<hbm>>
      %dma_start3A_131 = arith.constant 0 : i32
      %dma_start3A_132 = tpu.memref_slice %arg4[%add3A_26, %dma_start3A_131] : memref<32768x1024xf32, #tpu.memory_space<hbm>> -> memref<64x1024xf32, #tpu.memory_space<hbm>>
      tpu.enqueue_dma source(%arg6 : memref<64x1024xf32, #tpu.memory_space<vmem>>) target(%dma_start3A_132 : memref<64x1024xf32, #tpu.memory_space<hbm>>) target_semaphore(%run_scoped3A : memref<!tpu.dma_semaphore, #tpu.memory_space<semaphore_mem>>)
      %dma_wait3A_133 = arith.constant 0 : i32
      %dma_wait3A_134 = tpu.memref_slice %arg4[%add3A_26, %dma_wait3A_133] : memref<32768x1024xf32, #tpu.memory_space<hbm>> -> memref<64x1024xf32, #tpu.memory_space<hbm>>
      %dma_wait3A_135 = arith.constant 0 : i32
      %dma_wait3A_136 = tpu.memref_slice %arg4[%add3A_26, %dma_wait3A_135] : memref<32768x1024xf32, #tpu.memory_space<hbm>> -> memref<64x1024xf32, #tpu.memory_space<hbm>>
      tpu.wait_dma2 semaphore(%run_scoped3A : memref<!tpu.dma_semaphore, #tpu.memory_space<semaphore_mem>>) src(%arg6 : memref<64x1024xf32, #tpu.memory_space<vmem>>) dst(%dma_wait3A_136 : memref<64x1024xf32, #tpu.memory_space<hbm>>)
      tpu.yield
    }) : () -> ()
    %add3A_33 = arith.constant 256 : i32
    %add3A_34 = arith.addi %mul3A_2, %add3A_33 : i32
    "tpu.region"() ({
      %run_scoped3A = tpu.sem_alloc : memref<!tpu.dma_semaphore, #tpu.memory_space<semaphore_mem>>
      %dma_start3A_129 = tpu.memref_slice %arg3[%add3A_34] : memref<32768xi32, #tpu.memory_space<hbm>> -> memref<64xi32, #tpu.memory_space<hbm>>
      %dma_start3A_130 = tpu.memref_slice %arg3[%add3A_34] : memref<32768xi32, #tpu.memory_space<hbm>> -> memref<64xi32, #tpu.memory_space<hbm>>
      tpu.enqueue_dma source(%dma_start3A_130 : memref<64xi32, #tpu.memory_space<hbm>>) target(%arg5 : memref<64xi32, #tpu.memory_space<vmem>>) target_semaphore(%run_scoped3A : memref<!tpu.dma_semaphore, #tpu.memory_space<semaphore_mem>>)
      %dma_wait3A_131 = tpu.memref_slice %arg3[%add3A_34] : memref<32768xi32, #tpu.memory_space<hbm>> -> memref<64xi32, #tpu.memory_space<hbm>>
      %dma_wait3A_132 = tpu.memref_slice %arg3[%add3A_34] : memref<32768xi32, #tpu.memory_space<hbm>> -> memref<64xi32, #tpu.memory_space<hbm>>
      tpu.wait_dma2 semaphore(%run_scoped3A : memref<!tpu.dma_semaphore, #tpu.memory_space<semaphore_mem>>) src(%dma_wait3A_132 : memref<64xi32, #tpu.memory_space<hbm>>) dst(%arg5 : memref<64xi32, #tpu.memory_space<vmem>>)
      tpu.yield
    }) : () -> ()
    %dma_start3A_35 = arith.constant 0 : i32
    %dma_start3A_36 = arith.constant 0 : i32
    %dma_start3A_37 = tpu.memref_slice %arg2[%dma_start3A_35, %dma_start3A_36] : memref<6400x1024xf32, #tpu.memory_space<hbm>> -> memref<6400x1024xf32, #tpu.memory_space<hbm>>
    tpu.enqueue_indirect_dma source(%dma_start3A_37 : memref<6400x1024xf32, #tpu.memory_space<hbm>>) target(%arg6 : memref<64x1024xf32, #tpu.memory_space<vmem>>) offsets(%arg5 : memref<64xi32, #tpu.memory_space<vmem>>) semaphore(%arg7 : memref<!tpu.dma_semaphore, #tpu.memory_space<semaphore_mem>>)
    %dma_wait3A_38 = arith.constant 0 : i32
    %dma_wait3A_39 = arith.constant 0 : i32
    %dma_wait3A_40 = tpu.memref_slice %arg2[%dma_wait3A_38, %dma_wait3A_39] : memref<6400x1024xf32, #tpu.memory_space<hbm>> -> memref<6400x1024xf32, #tpu.memory_space<hbm>>
    tpu.wait_indirect_dma semaphore(%arg7 : memref<!tpu.dma_semaphore, #tpu.memory_space<semaphore_mem>>) src(%dma_wait3A_40 : memref<6400x1024xf32, #tpu.memory_space<hbm>>) dst(%arg6 : memref<64x1024xf32, #tpu.memory_space<vmem>>)
    "tpu.region"() ({
      %run_scoped3A = tpu.sem_alloc : memref<!tpu.dma_semaphore, #tpu.memory_space<semaphore_mem>>
      %dma_start3A_129 = arith.constant 0 : i32
      %dma_start3A_130 = tpu.memref_slice %arg4[%add3A_34, %dma_start3A_129] : memref<32768x1024xf32, #tpu.memory_space<hbm>> -> memref<64x1024xf32, #tpu.memory_space<hbm>>
      %dma_start3A_131 = arith.constant 0 : i32
      %dma_start3A_132 = tpu.memref_slice %arg4[%add3A_34, %dma_start3A_131] : memref<32768x1024xf32, #tpu.memory_space<hbm>> -> memref<64x1024xf32, #tpu.memory_space<hbm>>
      tpu.enqueue_dma source(%arg6 : memref<64x1024xf32, #tpu.memory_space<vmem>>) target(%dma_start3A_132 : memref<64x1024xf32, #tpu.memory_space<hbm>>) target_semaphore(%run_scoped3A : memref<!tpu.dma_semaphore, #tpu.memory_space<semaphore_mem>>)
      %dma_wait3A_133 = arith.constant 0 : i32
      %dma_wait3A_134 = tpu.memref_slice %arg4[%add3A_34, %dma_wait3A_133] : memref<32768x1024xf32, #tpu.memory_space<hbm>> -> memref<64x1024xf32, #tpu.memory_space<hbm>>
      %dma_wait3A_135 = arith.constant 0 : i32
      %dma_wait3A_136 = tpu.memref_slice %arg4[%add3A_34, %dma_wait3A_135] : memref<32768x1024xf32, #tpu.memory_space<hbm>> -> memref<64x1024xf32, #tpu.memory_space<hbm>>
      tpu.wait_dma2 semaphore(%run_scoped3A : memref<!tpu.dma_semaphore, #tpu.memory_space<semaphore_mem>>) src(%arg6 : memref<64x1024xf32, #tpu.memory_space<vmem>>) dst(%dma_wait3A_136 : memref<64x1024xf32, #tpu.memory_space<hbm>>)
      tpu.yield
    }) : () -> ()
    %add3A_41 = arith.constant 320 : i32
    %add3A_42 = arith.addi %mul3A_2, %add3A_41 : i32
    "tpu.region"() ({
      %run_scoped3A = tpu.sem_alloc : memref<!tpu.dma_semaphore, #tpu.memory_space<semaphore_mem>>
      %dma_start3A_129 = tpu.memref_slice %arg3[%add3A_42] : memref<32768xi32, #tpu.memory_space<hbm>> -> memref<64xi32, #tpu.memory_space<hbm>>
      %dma_start3A_130 = tpu.memref_slice %arg3[%add3A_42] : memref<32768xi32, #tpu.memory_space<hbm>> -> memref<64xi32, #tpu.memory_space<hbm>>
      tpu.enqueue_dma source(%dma_start3A_130 : memref<64xi32, #tpu.memory_space<hbm>>) target(%arg5 : memref<64xi32, #tpu.memory_space<vmem>>) target_semaphore(%run_scoped3A : memref<!tpu.dma_semaphore, #tpu.memory_space<semaphore_mem>>)
      %dma_wait3A_131 = tpu.memref_slice %arg3[%add3A_42] : memref<32768xi32, #tpu.memory_space<hbm>> -> memref<64xi32, #tpu.memory_space<hbm>>
      %dma_wait3A_132 = tpu.memref_slice %arg3[%add3A_42] : memref<32768xi32, #tpu.memory_space<hbm>> -> memref<64xi32, #tpu.memory_space<hbm>>
      tpu.wait_dma2 semaphore(%run_scoped3A : memref<!tpu.dma_semaphore, #tpu.memory_space<semaphore_mem>>) src(%dma_wait3A_132 : memref<64xi32, #tpu.memory_space<hbm>>) dst(%arg5 : memref<64xi32, #tpu.memory_space<vmem>>)
      tpu.yield
    }) : () -> ()
    %dma_start3A_43 = arith.constant 0 : i32
    %dma_start3A_44 = arith.constant 0 : i32
    %dma_start3A_45 = tpu.memref_slice %arg2[%dma_start3A_43, %dma_start3A_44] : memref<6400x1024xf32, #tpu.memory_space<hbm>> -> memref<6400x1024xf32, #tpu.memory_space<hbm>>
    tpu.enqueue_indirect_dma source(%dma_start3A_45 : memref<6400x1024xf32, #tpu.memory_space<hbm>>) target(%arg6 : memref<64x1024xf32, #tpu.memory_space<vmem>>) offsets(%arg5 : memref<64xi32, #tpu.memory_space<vmem>>) semaphore(%arg7 : memref<!tpu.dma_semaphore, #tpu.memory_space<semaphore_mem>>)
    %dma_wait3A_46 = arith.constant 0 : i32
    %dma_wait3A_47 = arith.constant 0 : i32
    %dma_wait3A_48 = tpu.memref_slice %arg2[%dma_wait3A_46, %dma_wait3A_47] : memref<6400x1024xf32, #tpu.memory_space<hbm>> -> memref<6400x1024xf32, #tpu.memory_space<hbm>>
    tpu.wait_indirect_dma semaphore(%arg7 : memref<!tpu.dma_semaphore, #tpu.memory_space<semaphore_mem>>) src(%dma_wait3A_48 : memref<6400x1024xf32, #tpu.memory_space<hbm>>) dst(%arg6 : memref<64x1024xf32, #tpu.memory_space<vmem>>)
    "tpu.region"() ({
      %run_scoped3A = tpu.sem_alloc : memref<!tpu.dma_semaphore, #tpu.memory_space<semaphore_mem>>
      %dma_start3A_129 = arith.constant 0 : i32
      %dma_start3A_130 = tpu.memref_slice %arg4[%add3A_42, %dma_start3A_129] : memref<32768x1024xf32, #tpu.memory_space<hbm>> -> memref<64x1024xf32, #tpu.memory_space<hbm>>
      %dma_start3A_131 = arith.constant 0 : i32
      %dma_start3A_132 = tpu.memref_slice %arg4[%add3A_42, %dma_start3A_131] : memref<32768x1024xf32, #tpu.memory_space<hbm>> -> memref<64x1024xf32, #tpu.memory_space<hbm>>
      tpu.enqueue_dma source(%arg6 : memref<64x1024xf32, #tpu.memory_space<vmem>>) target(%dma_start3A_132 : memref<64x1024xf32, #tpu.memory_space<hbm>>) target_semaphore(%run_scoped3A : memref<!tpu.dma_semaphore, #tpu.memory_space<semaphore_mem>>)
      %dma_wait3A_133 = arith.constant 0 : i32
      %dma_wait3A_134 = tpu.memref_slice %arg4[%add3A_42, %dma_wait3A_133] : memref<32768x1024xf32, #tpu.memory_space<hbm>> -> memref<64x1024xf32, #tpu.memory_space<hbm>>
      %dma_wait3A_135 = arith.constant 0 : i32
      %dma_wait3A_136 = tpu.memref_slice %arg4[%add3A_42, %dma_wait3A_135] : memref<32768x1024xf32, #tpu.memory_space<hbm>> -> memref<64x1024xf32, #tpu.memory_space<hbm>>
      tpu.wait_dma2 semaphore(%run_scoped3A : memref<!tpu.dma_semaphore, #tpu.memory_space<semaphore_mem>>) src(%arg6 : memref<64x1024xf32, #tpu.memory_space<vmem>>) dst(%dma_wait3A_136 : memref<64x1024xf32, #tpu.memory_space<hbm>>)
      tpu.yield
    }) : () -> ()
    %add3A_49 = arith.constant 384 : i32
    %add3A_50 = arith.addi %mul3A_2, %add3A_49 : i32
    "tpu.region"() ({
      %run_scoped3A = tpu.sem_alloc : memref<!tpu.dma_semaphore, #tpu.memory_space<semaphore_mem>>
      %dma_start3A_129 = tpu.memref_slice %arg3[%add3A_50] : memref<32768xi32, #tpu.memory_space<hbm>> -> memref<64xi32, #tpu.memory_space<hbm>>
      %dma_start3A_130 = tpu.memref_slice %arg3[%add3A_50] : memref<32768xi32, #tpu.memory_space<hbm>> -> memref<64xi32, #tpu.memory_space<hbm>>
      tpu.enqueue_dma source(%dma_start3A_130 : memref<64xi32, #tpu.memory_space<hbm>>) target(%arg5 : memref<64xi32, #tpu.memory_space<vmem>>) target_semaphore(%run_scoped3A : memref<!tpu.dma_semaphore, #tpu.memory_space<semaphore_mem>>)
      %dma_wait3A_131 = tpu.memref_slice %arg3[%add3A_50] : memref<32768xi32, #tpu.memory_space<hbm>> -> memref<64xi32, #tpu.memory_space<hbm>>
      %dma_wait3A_132 = tpu.memref_slice %arg3[%add3A_50] : memref<32768xi32, #tpu.memory_space<hbm>> -> memref<64xi32, #tpu.memory_space<hbm>>
      tpu.wait_dma2 semaphore(%run_scoped3A : memref<!tpu.dma_semaphore, #tpu.memory_space<semaphore_mem>>) src(%dma_wait3A_132 : memref<64xi32, #tpu.memory_space<hbm>>) dst(%arg5 : memref<64xi32, #tpu.memory_space<vmem>>)
      tpu.yield
    }) : () -> ()
    %dma_start3A_51 = arith.constant 0 : i32
    %dma_start3A_52 = arith.constant 0 : i32
    %dma_start3A_53 = tpu.memref_slice %arg2[%dma_start3A_51, %dma_start3A_52] : memref<6400x1024xf32, #tpu.memory_space<hbm>> -> memref<6400x1024xf32, #tpu.memory_space<hbm>>
    tpu.enqueue_indirect_dma source(%dma_start3A_53 : memref<6400x1024xf32, #tpu.memory_space<hbm>>) target(%arg6 : memref<64x1024xf32, #tpu.memory_space<vmem>>) offsets(%arg5 : memref<64xi32, #tpu.memory_space<vmem>>) semaphore(%arg7 : memref<!tpu.dma_semaphore, #tpu.memory_space<semaphore_mem>>)
    %dma_wait3A_54 = arith.constant 0 : i32
    %dma_wait3A_55 = arith.constant 0 : i32
    %dma_wait3A_56 = tpu.memref_slice %arg2[%dma_wait3A_54, %dma_wait3A_55] : memref<6400x1024xf32, #tpu.memory_space<hbm>> -> memref<6400x1024xf32, #tpu.memory_space<hbm>>
    tpu.wait_indirect_dma semaphore(%arg7 : memref<!tpu.dma_semaphore, #tpu.memory_space<semaphore_mem>>) src(%dma_wait3A_56 : memref<6400x1024xf32, #tpu.memory_space<hbm>>) dst(%arg6 : memref<64x1024xf32, #tpu.memory_space<vmem>>)
    "tpu.region"() ({
      %run_scoped3A = tpu.sem_alloc : memref<!tpu.dma_semaphore, #tpu.memory_space<semaphore_mem>>
      %dma_start3A_129 = arith.constant 0 : i32
      %dma_start3A_130 = tpu.memref_slice %arg4[%add3A_50, %dma_start3A_129] : memref<32768x1024xf32, #tpu.memory_space<hbm>> -> memref<64x1024xf32, #tpu.memory_space<hbm>>
      %dma_start3A_131 = arith.constant 0 : i32
      %dma_start3A_132 = tpu.memref_slice %arg4[%add3A_50, %dma_start3A_131] : memref<32768x1024xf32, #tpu.memory_space<hbm>> -> memref<64x1024xf32, #tpu.memory_space<hbm>>
      tpu.enqueue_dma source(%arg6 : memref<64x1024xf32, #tpu.memory_space<vmem>>) target(%dma_start3A_132 : memref<64x1024xf32, #tpu.memory_space<hbm>>) target_semaphore(%run_scoped3A : memref<!tpu.dma_semaphore, #tpu.memory_space<semaphore_mem>>)
      %dma_wait3A_133 = arith.constant 0 : i32
      %dma_wait3A_134 = tpu.memref_slice %arg4[%add3A_50, %dma_wait3A_133] : memref<32768x1024xf32, #tpu.memory_space<hbm>> -> memref<64x1024xf32, #tpu.memory_space<hbm>>
      %dma_wait3A_135 = arith.constant 0 : i32
      %dma_wait3A_136 = tpu.memref_slice %arg4[%add3A_50, %dma_wait3A_135] : memref<32768x1024xf32, #tpu.memory_space<hbm>> -> memref<64x1024xf32, #tpu.memory_space<hbm>>
      tpu.wait_dma2 semaphore(%run_scoped3A : memref<!tpu.dma_semaphore, #tpu.memory_space<semaphore_mem>>) src(%arg6 : memref<64x1024xf32, #tpu.memory_space<vmem>>) dst(%dma_wait3A_136 : memref<64x1024xf32, #tpu.memory_space<hbm>>)
      tpu.yield
    }) : () -> ()
    %add3A_57 = arith.constant 448 : i32
    %add3A_58 = arith.addi %mul3A_2, %add3A_57 : i32
    "tpu.region"() ({
      %run_scoped3A = tpu.sem_alloc : memref<!tpu.dma_semaphore, #tpu.memory_space<semaphore_mem>>
      %dma_start3A_129 = tpu.memref_slice %arg3[%add3A_58] : memref<32768xi32, #tpu.memory_space<hbm>> -> memref<64xi32, #tpu.memory_space<hbm>>
      %dma_start3A_130 = tpu.memref_slice %arg3[%add3A_58] : memref<32768xi32, #tpu.memory_space<hbm>> -> memref<64xi32, #tpu.memory_space<hbm>>
      tpu.enqueue_dma source(%dma_start3A_130 : memref<64xi32, #tpu.memory_space<hbm>>) target(%arg5 : memref<64xi32, #tpu.memory_space<vmem>>) target_semaphore(%run_scoped3A : memref<!tpu.dma_semaphore, #tpu.memory_space<semaphore_mem>>)
      %dma_wait3A_131 = tpu.memref_slice %arg3[%add3A_58] : memref<32768xi32, #tpu.memory_space<hbm>> -> memref<64xi32, #tpu.memory_space<hbm>>
      %dma_wait3A_132 = tpu.memref_slice %arg3[%add3A_58] : memref<32768xi32, #tpu.memory_space<hbm>> -> memref<64xi32, #tpu.memory_space<hbm>>
      tpu.wait_dma2 semaphore(%run_scoped3A : memref<!tpu.dma_semaphore, #tpu.memory_space<semaphore_mem>>) src(%dma_wait3A_132 : memref<64xi32, #tpu.memory_space<hbm>>) dst(%arg5 : memref<64xi32, #tpu.memory_space<vmem>>)
      tpu.yield
    }) : () -> ()
    %dma_start3A_59 = arith.constant 0 : i32
    %dma_start3A_60 = arith.constant 0 : i32
    %dma_start3A_61 = tpu.memref_slice %arg2[%dma_start3A_59, %dma_start3A_60] : memref<6400x1024xf32, #tpu.memory_space<hbm>> -> memref<6400x1024xf32, #tpu.memory_space<hbm>>
    tpu.enqueue_indirect_dma source(%dma_start3A_61 : memref<6400x1024xf32, #tpu.memory_space<hbm>>) target(%arg6 : memref<64x1024xf32, #tpu.memory_space<vmem>>) offsets(%arg5 : memref<64xi32, #tpu.memory_space<vmem>>) semaphore(%arg7 : memref<!tpu.dma_semaphore, #tpu.memory_space<semaphore_mem>>)
    %dma_wait3A_62 = arith.constant 0 : i32
    %dma_wait3A_63 = arith.constant 0 : i32
    %dma_wait3A_64 = tpu.memref_slice %arg2[%dma_wait3A_62, %dma_wait3A_63] : memref<6400x1024xf32, #tpu.memory_space<hbm>> -> memref<6400x1024xf32, #tpu.memory_space<hbm>>
    tpu.wait_indirect_dma semaphore(%arg7 : memref<!tpu.dma_semaphore, #tpu.memory_space<semaphore_mem>>) src(%dma_wait3A_64 : memref<6400x1024xf32, #tpu.memory_space<hbm>>) dst(%arg6 : memref<64x1024xf32, #tpu.memory_space<vmem>>)
    "tpu.region"() ({
      %run_scoped3A = tpu.sem_alloc : memref<!tpu.dma_semaphore, #tpu.memory_space<semaphore_mem>>
      %dma_start3A_129 = arith.constant 0 : i32
      %dma_start3A_130 = tpu.memref_slice %arg4[%add3A_58, %dma_start3A_129] : memref<32768x1024xf32, #tpu.memory_space<hbm>> -> memref<64x1024xf32, #tpu.memory_space<hbm>>
      %dma_start3A_131 = arith.constant 0 : i32
      %dma_start3A_132 = tpu.memref_slice %arg4[%add3A_58, %dma_start3A_131] : memref<32768x1024xf32, #tpu.memory_space<hbm>> -> memref<64x1024xf32, #tpu.memory_space<hbm>>
      tpu.enqueue_dma source(%arg6 : memref<64x1024xf32, #tpu.memory_space<vmem>>) target(%dma_start3A_132 : memref<64x1024xf32, #tpu.memory_space<hbm>>) target_semaphore(%run_scoped3A : memref<!tpu.dma_semaphore, #tpu.memory_space<semaphore_mem>>)
      %dma_wait3A_133 = arith.constant 0 : i32
      %dma_wait3A_134 = tpu.memref_slice %arg4[%add3A_58, %dma_wait3A_133] : memref<32768x1024xf32, #tpu.memory_space<hbm>> -> memref<64x1024xf32, #tpu.memory_space<hbm>>
      %dma_wait3A_135 = arith.constant 0 : i32
      %dma_wait3A_136 = tpu.memref_slice %arg4[%add3A_58, %dma_wait3A_135] : memref<32768x1024xf32, #tpu.memory_space<hbm>> -> memref<64x1024xf32, #tpu.memory_space<hbm>>
      tpu.wait_dma2 semaphore(%run_scoped3A : memref<!tpu.dma_semaphore, #tpu.memory_space<semaphore_mem>>) src(%arg6 : memref<64x1024xf32, #tpu.memory_space<vmem>>) dst(%dma_wait3A_136 : memref<64x1024xf32, #tpu.memory_space<hbm>>)
      tpu.yield
    }) : () -> ()
    %add3A_65 = arith.constant 512 : i32
    %add3A_66 = arith.addi %mul3A_2, %add3A_65 : i32
    "tpu.region"() ({
      %run_scoped3A = tpu.sem_alloc : memref<!tpu.dma_semaphore, #tpu.memory_space<semaphore_mem>>
      %dma_start3A_129 = tpu.memref_slice %arg3[%add3A_66] : memref<32768xi32, #tpu.memory_space<hbm>> -> memref<64xi32, #tpu.memory_space<hbm>>
      %dma_start3A_130 = tpu.memref_slice %arg3[%add3A_66] : memref<32768xi32, #tpu.memory_space<hbm>> -> memref<64xi32, #tpu.memory_space<hbm>>
      tpu.enqueue_dma source(%dma_start3A_130 : memref<64xi32, #tpu.memory_space<hbm>>) target(%arg5 : memref<64xi32, #tpu.memory_space<vmem>>) target_semaphore(%run_scoped3A : memref<!tpu.dma_semaphore, #tpu.memory_space<semaphore_mem>>)
      %dma_wait3A_131 = tpu.memref_slice %arg3[%add3A_66] : memref<32768xi32, #tpu.memory_space<hbm>> -> memref<64xi32, #tpu.memory_space<hbm>>
      %dma_wait3A_132 = tpu.memref_slice %arg3[%add3A_66] : memref<32768xi32, #tpu.memory_space<hbm>> -> memref<64xi32, #tpu.memory_space<hbm>>
      tpu.wait_dma2 semaphore(%run_scoped3A : memref<!tpu.dma_semaphore, #tpu.memory_space<semaphore_mem>>) src(%dma_wait3A_132 : memref<64xi32, #tpu.memory_space<hbm>>) dst(%arg5 : memref<64xi32, #tpu.memory_space<vmem>>)
      tpu.yield
    }) : () -> ()
    %dma_start3A_67 = arith.constant 0 : i32
    %dma_start3A_68 = arith.constant 0 : i32
    %dma_start3A_69 = tpu.memref_slice %arg2[%dma_start3A_67, %dma_start3A_68] : memref<6400x1024xf32, #tpu.memory_space<hbm>> -> memref<6400x1024xf32, #tpu.memory_space<hbm>>
    tpu.enqueue_indirect_dma source(%dma_start3A_69 : memref<6400x1024xf32, #tpu.memory_space<hbm>>) target(%arg6 : memref<64x1024xf32, #tpu.memory_space<vmem>>) offsets(%arg5 : memref<64xi32, #tpu.memory_space<vmem>>) semaphore(%arg7 : memref<!tpu.dma_semaphore, #tpu.memory_space<semaphore_mem>>)
    %dma_wait3A_70 = arith.constant 0 : i32
    %dma_wait3A_71 = arith.constant 0 : i32
    %dma_wait3A_72 = tpu.memref_slice %arg2[%dma_wait3A_70, %dma_wait3A_71] : memref<6400x1024xf32, #tpu.memory_space<hbm>> -> memref<6400x1024xf32, #tpu.memory_space<hbm>>
    tpu.wait_indirect_dma semaphore(%arg7 : memref<!tpu.dma_semaphore, #tpu.memory_space<semaphore_mem>>) src(%dma_wait3A_72 : memref<6400x1024xf32, #tpu.memory_space<hbm>>) dst(%arg6 : memref<64x1024xf32, #tpu.memory_space<vmem>>)
    "tpu.region"() ({
      %run_scoped3A = tpu.sem_alloc : memref<!tpu.dma_semaphore, #tpu.memory_space<semaphore_mem>>
      %dma_start3A_129 = arith.constant 0 : i32
      %dma_start3A_130 = tpu.memref_slice %arg4[%add3A_66, %dma_start3A_129] : memref<32768x1024xf32, #tpu.memory_space<hbm>> -> memref<64x1024xf32, #tpu.memory_space<hbm>>
      %dma_start3A_131 = arith.constant 0 : i32
      %dma_start3A_132 = tpu.memref_slice %arg4[%add3A_66, %dma_start3A_131] : memref<32768x1024xf32, #tpu.memory_space<hbm>> -> memref<64x1024xf32, #tpu.memory_space<hbm>>
      tpu.enqueue_dma source(%arg6 : memref<64x1024xf32, #tpu.memory_space<vmem>>) target(%dma_start3A_132 : memref<64x1024xf32, #tpu.memory_space<hbm>>) target_semaphore(%run_scoped3A : memref<!tpu.dma_semaphore, #tpu.memory_space<semaphore_mem>>)
      %dma_wait3A_133 = arith.constant 0 : i32
      %dma_wait3A_134 = tpu.memref_slice %arg4[%add3A_66, %dma_wait3A_133] : memref<32768x1024xf32, #tpu.memory_space<hbm>> -> memref<64x1024xf32, #tpu.memory_space<hbm>>
      %dma_wait3A_135 = arith.constant 0 : i32
      %dma_wait3A_136 = tpu.memref_slice %arg4[%add3A_66, %dma_wait3A_135] : memref<32768x1024xf32, #tpu.memory_space<hbm>> -> memref<64x1024xf32, #tpu.memory_space<hbm>>
      tpu.wait_dma2 semaphore(%run_scoped3A : memref<!tpu.dma_semaphore, #tpu.memory_space<semaphore_mem>>) src(%arg6 : memref<64x1024xf32, #tpu.memory_space<vmem>>) dst(%dma_wait3A_136 : memref<64x1024xf32, #tpu.memory_space<hbm>>)
      tpu.yield
    }) : () -> ()
    %add3A_73 = arith.constant 576 : i32
    %add3A_74 = arith.addi %mul3A_2, %add3A_73 : i32
    "tpu.region"() ({
      %run_scoped3A = tpu.sem_alloc : memref<!tpu.dma_semaphore, #tpu.memory_space<semaphore_mem>>
      %dma_start3A_129 = tpu.memref_slice %arg3[%add3A_74] : memref<32768xi32, #tpu.memory_space<hbm>> -> memref<64xi32, #tpu.memory_space<hbm>>
      %dma_start3A_130 = tpu.memref_slice %arg3[%add3A_74] : memref<32768xi32, #tpu.memory_space<hbm>> -> memref<64xi32, #tpu.memory_space<hbm>>
      tpu.enqueue_dma source(%dma_start3A_130 : memref<64xi32, #tpu.memory_space<hbm>>) target(%arg5 : memref<64xi32, #tpu.memory_space<vmem>>) target_semaphore(%run_scoped3A : memref<!tpu.dma_semaphore, #tpu.memory_space<semaphore_mem>>)
      %dma_wait3A_131 = tpu.memref_slice %arg3[%add3A_74] : memref<32768xi32, #tpu.memory_space<hbm>> -> memref<64xi32, #tpu.memory_space<hbm>>
      %dma_wait3A_132 = tpu.memref_slice %arg3[%add3A_74] : memref<32768xi32, #tpu.memory_space<hbm>> -> memref<64xi32, #tpu.memory_space<hbm>>
      tpu.wait_dma2 semaphore(%run_scoped3A : memref<!tpu.dma_semaphore, #tpu.memory_space<semaphore_mem>>) src(%dma_wait3A_132 : memref<64xi32, #tpu.memory_space<hbm>>) dst(%arg5 : memref<64xi32, #tpu.memory_space<vmem>>)
      tpu.yield
    }) : () -> ()
    %dma_start3A_75 = arith.constant 0 : i32
    %dma_start3A_76 = arith.constant 0 : i32
    %dma_start3A_77 = tpu.memref_slice %arg2[%dma_start3A_75, %dma_start3A_76] : memref<6400x1024xf32, #tpu.memory_space<hbm>> -> memref<6400x1024xf32, #tpu.memory_space<hbm>>
    tpu.enqueue_indirect_dma source(%dma_start3A_77 : memref<6400x1024xf32, #tpu.memory_space<hbm>>) target(%arg6 : memref<64x1024xf32, #tpu.memory_space<vmem>>) offsets(%arg5 : memref<64xi32, #tpu.memory_space<vmem>>) semaphore(%arg7 : memref<!tpu.dma_semaphore, #tpu.memory_space<semaphore_mem>>)
    %dma_wait3A_78 = arith.constant 0 : i32
    %dma_wait3A_79 = arith.constant 0 : i32
    %dma_wait3A_80 = tpu.memref_slice %arg2[%dma_wait3A_78, %dma_wait3A_79] : memref<6400x1024xf32, #tpu.memory_space<hbm>> -> memref<6400x1024xf32, #tpu.memory_space<hbm>>
    tpu.wait_indirect_dma semaphore(%arg7 : memref<!tpu.dma_semaphore, #tpu.memory_space<semaphore_mem>>) src(%dma_wait3A_80 : memref<6400x1024xf32, #tpu.memory_space<hbm>>) dst(%arg6 : memref<64x1024xf32, #tpu.memory_space<vmem>>)
    "tpu.region"() ({
      %run_scoped3A = tpu.sem_alloc : memref<!tpu.dma_semaphore, #tpu.memory_space<semaphore_mem>>
      %dma_start3A_129 = arith.constant 0 : i32
      %dma_start3A_130 = tpu.memref_slice %arg4[%add3A_74, %dma_start3A_129] : memref<32768x1024xf32, #tpu.memory_space<hbm>> -> memref<64x1024xf32, #tpu.memory_space<hbm>>
      %dma_start3A_131 = arith.constant 0 : i32
      %dma_start3A_132 = tpu.memref_slice %arg4[%add3A_74, %dma_start3A_131] : memref<32768x1024xf32, #tpu.memory_space<hbm>> -> memref<64x1024xf32, #tpu.memory_space<hbm>>
      tpu.enqueue_dma source(%arg6 : memref<64x1024xf32, #tpu.memory_space<vmem>>) target(%dma_start3A_132 : memref<64x1024xf32, #tpu.memory_space<hbm>>) target_semaphore(%run_scoped3A : memref<!tpu.dma_semaphore, #tpu.memory_space<semaphore_mem>>)
      %dma_wait3A_133 = arith.constant 0 : i32
      %dma_wait3A_134 = tpu.memref_slice %arg4[%add3A_74, %dma_wait3A_133] : memref<32768x1024xf32, #tpu.memory_space<hbm>> -> memref<64x1024xf32, #tpu.memory_space<hbm>>
      %dma_wait3A_135 = arith.constant 0 : i32
      %dma_wait3A_136 = tpu.memref_slice %arg4[%add3A_74, %dma_wait3A_135] : memref<32768x1024xf32, #tpu.memory_space<hbm>> -> memref<64x1024xf32, #tpu.memory_space<hbm>>
      tpu.wait_dma2 semaphore(%run_scoped3A : memref<!tpu.dma_semaphore, #tpu.memory_space<semaphore_mem>>) src(%arg6 : memref<64x1024xf32, #tpu.memory_space<vmem>>) dst(%dma_wait3A_136 : memref<64x1024xf32, #tpu.memory_space<hbm>>)
      tpu.yield
    }) : () -> ()
    %add3A_81 = arith.constant 640 : i32
    %add3A_82 = arith.addi %mul3A_2, %add3A_81 : i32
    "tpu.region"() ({
      %run_scoped3A = tpu.sem_alloc : memref<!tpu.dma_semaphore, #tpu.memory_space<semaphore_mem>>
      %dma_start3A_129 = tpu.memref_slice %arg3[%add3A_82] : memref<32768xi32, #tpu.memory_space<hbm>> -> memref<64xi32, #tpu.memory_space<hbm>>
      %dma_start3A_130 = tpu.memref_slice %arg3[%add3A_82] : memref<32768xi32, #tpu.memory_space<hbm>> -> memref<64xi32, #tpu.memory_space<hbm>>
      tpu.enqueue_dma source(%dma_start3A_130 : memref<64xi32, #tpu.memory_space<hbm>>) target(%arg5 : memref<64xi32, #tpu.memory_space<vmem>>) target_semaphore(%run_scoped3A : memref<!tpu.dma_semaphore, #tpu.memory_space<semaphore_mem>>)
      %dma_wait3A_131 = tpu.memref_slice %arg3[%add3A_82] : memref<32768xi32, #tpu.memory_space<hbm>> -> memref<64xi32, #tpu.memory_space<hbm>>
      %dma_wait3A_132 = tpu.memref_slice %arg3[%add3A_82] : memref<32768xi32, #tpu.memory_space<hbm>> -> memref<64xi32, #tpu.memory_space<hbm>>
      tpu.wait_dma2 semaphore(%run_scoped3A : memref<!tpu.dma_semaphore, #tpu.memory_space<semaphore_mem>>) src(%dma_wait3A_132 : memref<64xi32, #tpu.memory_space<hbm>>) dst(%arg5 : memref<64xi32, #tpu.memory_space<vmem>>)
      tpu.yield
    }) : () -> ()
    %dma_start3A_83 = arith.constant 0 : i32
    %dma_start3A_84 = arith.constant 0 : i32
    %dma_start3A_85 = tpu.memref_slice %arg2[%dma_start3A_83, %dma_start3A_84] : memref<6400x1024xf32, #tpu.memory_space<hbm>> -> memref<6400x1024xf32, #tpu.memory_space<hbm>>
    tpu.enqueue_indirect_dma source(%dma_start3A_85 : memref<6400x1024xf32, #tpu.memory_space<hbm>>) target(%arg6 : memref<64x1024xf32, #tpu.memory_space<vmem>>) offsets(%arg5 : memref<64xi32, #tpu.memory_space<vmem>>) semaphore(%arg7 : memref<!tpu.dma_semaphore, #tpu.memory_space<semaphore_mem>>)
    %dma_wait3A_86 = arith.constant 0 : i32
    %dma_wait3A_87 = arith.constant 0 : i32
    %dma_wait3A_88 = tpu.memref_slice %arg2[%dma_wait3A_86, %dma_wait3A_87] : memref<6400x1024xf32, #tpu.memory_space<hbm>> -> memref<6400x1024xf32, #tpu.memory_space<hbm>>
    tpu.wait_indirect_dma semaphore(%arg7 : memref<!tpu.dma_semaphore, #tpu.memory_space<semaphore_mem>>) src(%dma_wait3A_88 : memref<6400x1024xf32, #tpu.memory_space<hbm>>) dst(%arg6 : memref<64x1024xf32, #tpu.memory_space<vmem>>)
    "tpu.region"() ({
      %run_scoped3A = tpu.sem_alloc : memref<!tpu.dma_semaphore, #tpu.memory_space<semaphore_mem>>
      %dma_start3A_129 = arith.constant 0 : i32
      %dma_start3A_130 = tpu.memref_slice %arg4[%add3A_82, %dma_start3A_129] : memref<32768x1024xf32, #tpu.memory_space<hbm>> -> memref<64x1024xf32, #tpu.memory_space<hbm>>
      %dma_start3A_131 = arith.constant 0 : i32
      %dma_start3A_132 = tpu.memref_slice %arg4[%add3A_82, %dma_start3A_131] : memref<32768x1024xf32, #tpu.memory_space<hbm>> -> memref<64x1024xf32, #tpu.memory_space<hbm>>
      tpu.enqueue_dma source(%arg6 : memref<64x1024xf32, #tpu.memory_space<vmem>>) target(%dma_start3A_132 : memref<64x1024xf32, #tpu.memory_space<hbm>>) target_semaphore(%run_scoped3A : memref<!tpu.dma_semaphore, #tpu.memory_space<semaphore_mem>>)
      %dma_wait3A_133 = arith.constant 0 : i32
      %dma_wait3A_134 = tpu.memref_slice %arg4[%add3A_82, %dma_wait3A_133] : memref<32768x1024xf32, #tpu.memory_space<hbm>> -> memref<64x1024xf32, #tpu.memory_space<hbm>>
      %dma_wait3A_135 = arith.constant 0 : i32
      %dma_wait3A_136 = tpu.memref_slice %arg4[%add3A_82, %dma_wait3A_135] : memref<32768x1024xf32, #tpu.memory_space<hbm>> -> memref<64x1024xf32, #tpu.memory_space<hbm>>
      tpu.wait_dma2 semaphore(%run_scoped3A : memref<!tpu.dma_semaphore, #tpu.memory_space<semaphore_mem>>) src(%arg6 : memref<64x1024xf32, #tpu.memory_space<vmem>>) dst(%dma_wait3A_136 : memref<64x1024xf32, #tpu.memory_space<hbm>>)
      tpu.yield
    }) : () -> ()
    %add3A_89 = arith.constant 704 : i32
    %add3A_90 = arith.addi %mul3A_2, %add3A_89 : i32
    "tpu.region"() ({
      %run_scoped3A = tpu.sem_alloc : memref<!tpu.dma_semaphore, #tpu.memory_space<semaphore_mem>>
      %dma_start3A_129 = tpu.memref_slice %arg3[%add3A_90] : memref<32768xi32, #tpu.memory_space<hbm>> -> memref<64xi32, #tpu.memory_space<hbm>>
      %dma_start3A_130 = tpu.memref_slice %arg3[%add3A_90] : memref<32768xi32, #tpu.memory_space<hbm>> -> memref<64xi32, #tpu.memory_space<hbm>>
      tpu.enqueue_dma source(%dma_start3A_130 : memref<64xi32, #tpu.memory_space<hbm>>) target(%arg5 : memref<64xi32, #tpu.memory_space<vmem>>) target_semaphore(%run_scoped3A : memref<!tpu.dma_semaphore, #tpu.memory_space<semaphore_mem>>)
      %dma_wait3A_131 = tpu.memref_slice %arg3[%add3A_90] : memref<32768xi32, #tpu.memory_space<hbm>> -> memref<64xi32, #tpu.memory_space<hbm>>
      %dma_wait3A_132 = tpu.memref_slice %arg3[%add3A_90] : memref<32768xi32, #tpu.memory_space<hbm>> -> memref<64xi32, #tpu.memory_space<hbm>>
      tpu.wait_dma2 semaphore(%run_scoped3A : memref<!tpu.dma_semaphore, #tpu.memory_space<semaphore_mem>>) src(%dma_wait3A_132 : memref<64xi32, #tpu.memory_space<hbm>>) dst(%arg5 : memref<64xi32, #tpu.memory_space<vmem>>)
      tpu.yield
    }) : () -> ()
    %dma_start3A_91 = arith.constant 0 : i32
    %dma_start3A_92 = arith.constant 0 : i32
    %dma_start3A_93 = tpu.memref_slice %arg2[%dma_start3A_91, %dma_start3A_92] : memref<6400x1024xf32, #tpu.memory_space<hbm>> -> memref<6400x1024xf32, #tpu.memory_space<hbm>>
    tpu.enqueue_indirect_dma source(%dma_start3A_93 : memref<6400x1024xf32, #tpu.memory_space<hbm>>) target(%arg6 : memref<64x1024xf32, #tpu.memory_space<vmem>>) offsets(%arg5 : memref<64xi32, #tpu.memory_space<vmem>>) semaphore(%arg7 : memref<!tpu.dma_semaphore, #tpu.memory_space<semaphore_mem>>)
    %dma_wait3A_94 = arith.constant 0 : i32
    %dma_wait3A_95 = arith.constant 0 : i32
    %dma_wait3A_96 = tpu.memref_slice %arg2[%dma_wait3A_94, %dma_wait3A_95] : memref<6400x1024xf32, #tpu.memory_space<hbm>> -> memref<6400x1024xf32, #tpu.memory_space<hbm>>
    tpu.wait_indirect_dma semaphore(%arg7 : memref<!tpu.dma_semaphore, #tpu.memory_space<semaphore_mem>>) src(%dma_wait3A_96 : memref<6400x1024xf32, #tpu.memory_space<hbm>>) dst(%arg6 : memref<64x1024xf32, #tpu.memory_space<vmem>>)
    "tpu.region"() ({
      %run_scoped3A = tpu.sem_alloc : memref<!tpu.dma_semaphore, #tpu.memory_space<semaphore_mem>>
      %dma_start3A_129 = arith.constant 0 : i32
      %dma_start3A_130 = tpu.memref_slice %arg4[%add3A_90, %dma_start3A_129] : memref<32768x1024xf32, #tpu.memory_space<hbm>> -> memref<64x1024xf32, #tpu.memory_space<hbm>>
      %dma_start3A_131 = arith.constant 0 : i32
      %dma_start3A_132 = tpu.memref_slice %arg4[%add3A_90, %dma_start3A_131] : memref<32768x1024xf32, #tpu.memory_space<hbm>> -> memref<64x1024xf32, #tpu.memory_space<hbm>>
      tpu.enqueue_dma source(%arg6 : memref<64x1024xf32, #tpu.memory_space<vmem>>) target(%dma_start3A_132 : memref<64x1024xf32, #tpu.memory_space<hbm>>) target_semaphore(%run_scoped3A : memref<!tpu.dma_semaphore, #tpu.memory_space<semaphore_mem>>)
      %dma_wait3A_133 = arith.constant 0 : i32
      %dma_wait3A_134 = tpu.memref_slice %arg4[%add3A_90, %dma_wait3A_133] : memref<32768x1024xf32, #tpu.memory_space<hbm>> -> memref<64x1024xf32, #tpu.memory_space<hbm>>
      %dma_wait3A_135 = arith.constant 0 : i32
      %dma_wait3A_136 = tpu.memref_slice %arg4[%add3A_90, %dma_wait3A_135] : memref<32768x1024xf32, #tpu.memory_space<hbm>> -> memref<64x1024xf32, #tpu.memory_space<hbm>>
      tpu.wait_dma2 semaphore(%run_scoped3A : memref<!tpu.dma_semaphore, #tpu.memory_space<semaphore_mem>>) src(%arg6 : memref<64x1024xf32, #tpu.memory_space<vmem>>) dst(%dma_wait3A_136 : memref<64x1024xf32, #tpu.memory_space<hbm>>)
      tpu.yield
    }) : () -> ()
    %add3A_97 = arith.constant 768 : i32
    %add3A_98 = arith.addi %mul3A_2, %add3A_97 : i32
    "tpu.region"() ({
      %run_scoped3A = tpu.sem_alloc : memref<!tpu.dma_semaphore, #tpu.memory_space<semaphore_mem>>
      %dma_start3A_129 = tpu.memref_slice %arg3[%add3A_98] : memref<32768xi32, #tpu.memory_space<hbm>> -> memref<64xi32, #tpu.memory_space<hbm>>
      %dma_start3A_130 = tpu.memref_slice %arg3[%add3A_98] : memref<32768xi32, #tpu.memory_space<hbm>> -> memref<64xi32, #tpu.memory_space<hbm>>
      tpu.enqueue_dma source(%dma_start3A_130 : memref<64xi32, #tpu.memory_space<hbm>>) target(%arg5 : memref<64xi32, #tpu.memory_space<vmem>>) target_semaphore(%run_scoped3A : memref<!tpu.dma_semaphore, #tpu.memory_space<semaphore_mem>>)
      %dma_wait3A_131 = tpu.memref_slice %arg3[%add3A_98] : memref<32768xi32, #tpu.memory_space<hbm>> -> memref<64xi32, #tpu.memory_space<hbm>>
      %dma_wait3A_132 = tpu.memref_slice %arg3[%add3A_98] : memref<32768xi32, #tpu.memory_space<hbm>> -> memref<64xi32, #tpu.memory_space<hbm>>
      tpu.wait_dma2 semaphore(%run_scoped3A : memref<!tpu.dma_semaphore, #tpu.memory_space<semaphore_mem>>) src(%dma_wait3A_132 : memref<64xi32, #tpu.memory_space<hbm>>) dst(%arg5 : memref<64xi32, #tpu.memory_space<vmem>>)
      tpu.yield
    }) : () -> ()
    %dma_start3A_99 = arith.constant 0 : i32
    %dma_start3A_100 = arith.constant 0 : i32
    %dma_start3A_101 = tpu.memref_slice %arg2[%dma_start3A_99, %dma_start3A_100] : memref<6400x1024xf32, #tpu.memory_space<hbm>> -> memref<6400x1024xf32, #tpu.memory_space<hbm>>
    tpu.enqueue_indirect_dma source(%dma_start3A_101 : memref<6400x1024xf32, #tpu.memory_space<hbm>>) target(%arg6 : memref<64x1024xf32, #tpu.memory_space<vmem>>) offsets(%arg5 : memref<64xi32, #tpu.memory_space<vmem>>) semaphore(%arg7 : memref<!tpu.dma_semaphore, #tpu.memory_space<semaphore_mem>>)
    %dma_wait3A_102 = arith.constant 0 : i32
    %dma_wait3A_103 = arith.constant 0 : i32
    %dma_wait3A_104 = tpu.memref_slice %arg2[%dma_wait3A_102, %dma_wait3A_103] : memref<6400x1024xf32, #tpu.memory_space<hbm>> -> memref<6400x1024xf32, #tpu.memory_space<hbm>>
    tpu.wait_indirect_dma semaphore(%arg7 : memref<!tpu.dma_semaphore, #tpu.memory_space<semaphore_mem>>) src(%dma_wait3A_104 : memref<6400x1024xf32, #tpu.memory_space<hbm>>) dst(%arg6 : memref<64x1024xf32, #tpu.memory_space<vmem>>)
    "tpu.region"() ({
      %run_scoped3A = tpu.sem_alloc : memref<!tpu.dma_semaphore, #tpu.memory_space<semaphore_mem>>
      %dma_start3A_129 = arith.constant 0 : i32
      %dma_start3A_130 = tpu.memref_slice %arg4[%add3A_98, %dma_start3A_129] : memref<32768x1024xf32, #tpu.memory_space<hbm>> -> memref<64x1024xf32, #tpu.memory_space<hbm>>
      %dma_start3A_131 = arith.constant 0 : i32
      %dma_start3A_132 = tpu.memref_slice %arg4[%add3A_98, %dma_start3A_131] : memref<32768x1024xf32, #tpu.memory_space<hbm>> -> memref<64x1024xf32, #tpu.memory_space<hbm>>
      tpu.enqueue_dma source(%arg6 : memref<64x1024xf32, #tpu.memory_space<vmem>>) target(%dma_start3A_132 : memref<64x1024xf32, #tpu.memory_space<hbm>>) target_semaphore(%run_scoped3A : memref<!tpu.dma_semaphore, #tpu.memory_space<semaphore_mem>>)
      %dma_wait3A_133 = arith.constant 0 : i32
      %dma_wait3A_134 = tpu.memref_slice %arg4[%add3A_98, %dma_wait3A_133] : memref<32768x1024xf32, #tpu.memory_space<hbm>> -> memref<64x1024xf32, #tpu.memory_space<hbm>>
      %dma_wait3A_135 = arith.constant 0 : i32
      %dma_wait3A_136 = tpu.memref_slice %arg4[%add3A_98, %dma_wait3A_135] : memref<32768x1024xf32, #tpu.memory_space<hbm>> -> memref<64x1024xf32, #tpu.memory_space<hbm>>
      tpu.wait_dma2 semaphore(%run_scoped3A : memref<!tpu.dma_semaphore, #tpu.memory_space<semaphore_mem>>) src(%arg6 : memref<64x1024xf32, #tpu.memory_space<vmem>>) dst(%dma_wait3A_136 : memref<64x1024xf32, #tpu.memory_space<hbm>>)
      tpu.yield
    }) : () -> ()
    %add3A_105 = arith.constant 832 : i32
    %add3A_106 = arith.addi %mul3A_2, %add3A_105 : i32
    "tpu.region"() ({
      %run_scoped3A = tpu.sem_alloc : memref<!tpu.dma_semaphore, #tpu.memory_space<semaphore_mem>>
      %dma_start3A_129 = tpu.memref_slice %arg3[%add3A_106] : memref<32768xi32, #tpu.memory_space<hbm>> -> memref<64xi32, #tpu.memory_space<hbm>>
      %dma_start3A_130 = tpu.memref_slice %arg3[%add3A_106] : memref<32768xi32, #tpu.memory_space<hbm>> -> memref<64xi32, #tpu.memory_space<hbm>>
      tpu.enqueue_dma source(%dma_start3A_130 : memref<64xi32, #tpu.memory_space<hbm>>) target(%arg5 : memref<64xi32, #tpu.memory_space<vmem>>) target_semaphore(%run_scoped3A : memref<!tpu.dma_semaphore, #tpu.memory_space<semaphore_mem>>)
      %dma_wait3A_131 = tpu.memref_slice %arg3[%add3A_106] : memref<32768xi32, #tpu.memory_space<hbm>> -> memref<64xi32, #tpu.memory_space<hbm>>
      %dma_wait3A_132 = tpu.memref_slice %arg3[%add3A_106] : memref<32768xi32, #tpu.memory_space<hbm>> -> memref<64xi32, #tpu.memory_space<hbm>>
      tpu.wait_dma2 semaphore(%run_scoped3A : memref<!tpu.dma_semaphore, #tpu.memory_space<semaphore_mem>>) src(%dma_wait3A_132 : memref<64xi32, #tpu.memory_space<hbm>>) dst(%arg5 : memref<64xi32, #tpu.memory_space<vmem>>)
      tpu.yield
    }) : () -> ()
    %dma_start3A_107 = arith.constant 0 : i32
    %dma_start3A_108 = arith.constant 0 : i32
    %dma_start3A_109 = tpu.memref_slice %arg2[%dma_start3A_107, %dma_start3A_108] : memref<6400x1024xf32, #tpu.memory_space<hbm>> -> memref<6400x1024xf32, #tpu.memory_space<hbm>>
    tpu.enqueue_indirect_dma source(%dma_start3A_109 : memref<6400x1024xf32, #tpu.memory_space<hbm>>) target(%arg6 : memref<64x1024xf32, #tpu.memory_space<vmem>>) offsets(%arg5 : memref<64xi32, #tpu.memory_space<vmem>>) semaphore(%arg7 : memref<!tpu.dma_semaphore, #tpu.memory_space<semaphore_mem>>)
    %dma_wait3A_110 = arith.constant 0 : i32
    %dma_wait3A_111 = arith.constant 0 : i32
    %dma_wait3A_112 = tpu.memref_slice %arg2[%dma_wait3A_110, %dma_wait3A_111] : memref<6400x1024xf32, #tpu.memory_space<hbm>> -> memref<6400x1024xf32, #tpu.memory_space<hbm>>
    tpu.wait_indirect_dma semaphore(%arg7 : memref<!tpu.dma_semaphore, #tpu.memory_space<semaphore_mem>>) src(%dma_wait3A_112 : memref<6400x1024xf32, #tpu.memory_space<hbm>>) dst(%arg6 : memref<64x1024xf32, #tpu.memory_space<vmem>>)
    "tpu.region"() ({
      %run_scoped3A = tpu.sem_alloc : memref<!tpu.dma_semaphore, #tpu.memory_space<semaphore_mem>>
      %dma_start3A_129 = arith.constant 0 : i32
      %dma_start3A_130 = tpu.memref_slice %arg4[%add3A_106, %dma_start3A_129] : memref<32768x1024xf32, #tpu.memory_space<hbm>> -> memref<64x1024xf32, #tpu.memory_space<hbm>>
      %dma_start3A_131 = arith.constant 0 : i32
      %dma_start3A_132 = tpu.memref_slice %arg4[%add3A_106, %dma_start3A_131] : memref<32768x1024xf32, #tpu.memory_space<hbm>> -> memref<64x1024xf32, #tpu.memory_space<hbm>>
      tpu.enqueue_dma source(%arg6 : memref<64x1024xf32, #tpu.memory_space<vmem>>) target(%dma_start3A_132 : memref<64x1024xf32, #tpu.memory_space<hbm>>) target_semaphore(%run_scoped3A : memref<!tpu.dma_semaphore, #tpu.memory_space<semaphore_mem>>)
      %dma_wait3A_133 = arith.constant 0 : i32
      %dma_wait3A_134 = tpu.memref_slice %arg4[%add3A_106, %dma_wait3A_133] : memref<32768x1024xf32, #tpu.memory_space<hbm>> -> memref<64x1024xf32, #tpu.memory_space<hbm>>
      %dma_wait3A_135 = arith.constant 0 : i32
      %dma_wait3A_136 = tpu.memref_slice %arg4[%add3A_106, %dma_wait3A_135] : memref<32768x1024xf32, #tpu.memory_space<hbm>> -> memref<64x1024xf32, #tpu.memory_space<hbm>>
      tpu.wait_dma2 semaphore(%run_scoped3A : memref<!tpu.dma_semaphore, #tpu.memory_space<semaphore_mem>>) src(%arg6 : memref<64x1024xf32, #tpu.memory_space<vmem>>) dst(%dma_wait3A_136 : memref<64x1024xf32, #tpu.memory_space<hbm>>)
      tpu.yield
    }) : () -> ()
    %add3A_113 = arith.constant 896 : i32
    %add3A_114 = arith.addi %mul3A_2, %add3A_113 : i32
    "tpu.region"() ({
      %run_scoped3A = tpu.sem_alloc : memref<!tpu.dma_semaphore, #tpu.memory_space<semaphore_mem>>
      %dma_start3A_129 = tpu.memref_slice %arg3[%add3A_114] : memref<32768xi32, #tpu.memory_space<hbm>> -> memref<64xi32, #tpu.memory_space<hbm>>
      %dma_start3A_130 = tpu.memref_slice %arg3[%add3A_114] : memref<32768xi32, #tpu.memory_space<hbm>> -> memref<64xi32, #tpu.memory_space<hbm>>
      tpu.enqueue_dma source(%dma_start3A_130 : memref<64xi32, #tpu.memory_space<hbm>>) target(%arg5 : memref<64xi32, #tpu.memory_space<vmem>>) target_semaphore(%run_scoped3A : memref<!tpu.dma_semaphore, #tpu.memory_space<semaphore_mem>>)
      %dma_wait3A_131 = tpu.memref_slice %arg3[%add3A_114] : memref<32768xi32, #tpu.memory_space<hbm>> -> memref<64xi32, #tpu.memory_space<hbm>>
      %dma_wait3A_132 = tpu.memref_slice %arg3[%add3A_114] : memref<32768xi32, #tpu.memory_space<hbm>> -> memref<64xi32, #tpu.memory_space<hbm>>
      tpu.wait_dma2 semaphore(%run_scoped3A : memref<!tpu.dma_semaphore, #tpu.memory_space<semaphore_mem>>) src(%dma_wait3A_132 : memref<64xi32, #tpu.memory_space<hbm>>) dst(%arg5 : memref<64xi32, #tpu.memory_space<vmem>>)
      tpu.yield
    }) : () -> ()
    %dma_start3A_115 = arith.constant 0 : i32
    %dma_start3A_116 = arith.constant 0 : i32
    %dma_start3A_117 = tpu.memref_slice %arg2[%dma_start3A_115, %dma_start3A_116] : memref<6400x1024xf32, #tpu.memory_space<hbm>> -> memref<6400x1024xf32, #tpu.memory_space<hbm>>
    tpu.enqueue_indirect_dma source(%dma_start3A_117 : memref<6400x1024xf32, #tpu.memory_space<hbm>>) target(%arg6 : memref<64x1024xf32, #tpu.memory_space<vmem>>) offsets(%arg5 : memref<64xi32, #tpu.memory_space<vmem>>) semaphore(%arg7 : memref<!tpu.dma_semaphore, #tpu.memory_space<semaphore_mem>>)
    %dma_wait3A_118 = arith.constant 0 : i32
    %dma_wait3A_119 = arith.constant 0 : i32
    %dma_wait3A_120 = tpu.memref_slice %arg2[%dma_wait3A_118, %dma_wait3A_119] : memref<6400x1024xf32, #tpu.memory_space<hbm>> -> memref<6400x1024xf32, #tpu.memory_space<hbm>>
    tpu.wait_indirect_dma semaphore(%arg7 : memref<!tpu.dma_semaphore, #tpu.memory_space<semaphore_mem>>) src(%dma_wait3A_120 : memref<6400x1024xf32, #tpu.memory_space<hbm>>) dst(%arg6 : memref<64x1024xf32, #tpu.memory_space<vmem>>)
    "tpu.region"() ({
      %run_scoped3A = tpu.sem_alloc : memref<!tpu.dma_semaphore, #tpu.memory_space<semaphore_mem>>
      %dma_start3A_129 = arith.constant 0 : i32
      %dma_start3A_130 = tpu.memref_slice %arg4[%add3A_114, %dma_start3A_129] : memref<32768x1024xf32, #tpu.memory_space<hbm>> -> memref<64x1024xf32, #tpu.memory_space<hbm>>
      %dma_start3A_131 = arith.constant 0 : i32
      %dma_start3A_132 = tpu.memref_slice %arg4[%add3A_114, %dma_start3A_131] : memref<32768x1024xf32, #tpu.memory_space<hbm>> -> memref<64x1024xf32, #tpu.memory_space<hbm>>
      tpu.enqueue_dma source(%arg6 : memref<64x1024xf32, #tpu.memory_space<vmem>>) target(%dma_start3A_132 : memref<64x1024xf32, #tpu.memory_space<hbm>>) target_semaphore(%run_scoped3A : memref<!tpu.dma_semaphore, #tpu.memory_space<semaphore_mem>>)
      %dma_wait3A_133 = arith.constant 0 : i32
      %dma_wait3A_134 = tpu.memref_slice %arg4[%add3A_114, %dma_wait3A_133] : memref<32768x1024xf32, #tpu.memory_space<hbm>> -> memref<64x1024xf32, #tpu.memory_space<hbm>>
      %dma_wait3A_135 = arith.constant 0 : i32
      %dma_wait3A_136 = tpu.memref_slice %arg4[%add3A_114, %dma_wait3A_135] : memref<32768x1024xf32, #tpu.memory_space<hbm>> -> memref<64x1024xf32, #tpu.memory_space<hbm>>
      tpu.wait_dma2 semaphore(%run_scoped3A : memref<!tpu.dma_semaphore, #tpu.memory_space<semaphore_mem>>) src(%arg6 : memref<64x1024xf32, #tpu.memory_space<vmem>>) dst(%dma_wait3A_136 : memref<64x1024xf32, #tpu.memory_space<hbm>>)
      tpu.yield
    }) : () -> ()
    %add3A_121 = arith.constant 960 : i32
    %add3A_122 = arith.addi %mul3A_2, %add3A_121 : i32
    "tpu.region"() ({
      %run_scoped3A = tpu.sem_alloc : memref<!tpu.dma_semaphore, #tpu.memory_space<semaphore_mem>>
      %dma_start3A_129 = tpu.memref_slice %arg3[%add3A_122] : memref<32768xi32, #tpu.memory_space<hbm>> -> memref<64xi32, #tpu.memory_space<hbm>>
      %dma_start3A_130 = tpu.memref_slice %arg3[%add3A_122] : memref<32768xi32, #tpu.memory_space<hbm>> -> memref<64xi32, #tpu.memory_space<hbm>>
      tpu.enqueue_dma source(%dma_start3A_130 : memref<64xi32, #tpu.memory_space<hbm>>) target(%arg5 : memref<64xi32, #tpu.memory_space<vmem>>) target_semaphore(%run_scoped3A : memref<!tpu.dma_semaphore, #tpu.memory_space<semaphore_mem>>)
      %dma_wait3A_131 = tpu.memref_slice %arg3[%add3A_122] : memref<32768xi32, #tpu.memory_space<hbm>> -> memref<64xi32, #tpu.memory_space<hbm>>
      %dma_wait3A_132 = tpu.memref_slice %arg3[%add3A_122] : memref<32768xi32, #tpu.memory_space<hbm>> -> memref<64xi32, #tpu.memory_space<hbm>>
      tpu.wait_dma2 semaphore(%run_scoped3A : memref<!tpu.dma_semaphore, #tpu.memory_space<semaphore_mem>>) src(%dma_wait3A_132 : memref<64xi32, #tpu.memory_space<hbm>>) dst(%arg5 : memref<64xi32, #tpu.memory_space<vmem>>)
      tpu.yield
    }) : () -> ()
    %dma_start3A_123 = arith.constant 0 : i32
    %dma_start3A_124 = arith.constant 0 : i32
    %dma_start3A_125 = tpu.memref_slice %arg2[%dma_start3A_123, %dma_start3A_124] : memref<6400x1024xf32, #tpu.memory_space<hbm>> -> memref<6400x1024xf32, #tpu.memory_space<hbm>>
    tpu.enqueue_indirect_dma source(%dma_start3A_125 : memref<6400x1024xf32, #tpu.memory_space<hbm>>) target(%arg6 : memref<64x1024xf32, #tpu.memory_space<vmem>>) offsets(%arg5 : memref<64xi32, #tpu.memory_space<vmem>>) semaphore(%arg7 : memref<!tpu.dma_semaphore, #tpu.memory_space<semaphore_mem>>)
    %dma_wait3A_126 = arith.constant 0 : i32
    %dma_wait3A_127 = arith.constant 0 : i32
    %dma_wait3A_128 = tpu.memref_slice %arg2[%dma_wait3A_126, %dma_wait3A_127] : memref<6400x1024xf32, #tpu.memory_space<hbm>> -> memref<6400x1024xf32, #tpu.memory_space<hbm>>
    tpu.wait_indirect_dma semaphore(%arg7 : memref<!tpu.dma_semaphore, #tpu.memory_space<semaphore_mem>>) src(%dma_wait3A_128 : memref<6400x1024xf32, #tpu.memory_space<hbm>>) dst(%arg6 : memref<64x1024xf32, #tpu.memory_space<vmem>>)
    "tpu.region"() ({
      %run_scoped3A = tpu.sem_alloc : memref<!tpu.dma_semaphore, #tpu.memory_space<semaphore_mem>>
      %dma_start3A_129 = arith.constant 0 : i32
      %dma_start3A_130 = tpu.memref_slice %arg4[%add3A_122, %dma_start3A_129] : memref<32768x1024xf32, #tpu.memory_space<hbm>> -> memref<64x1024xf32, #tpu.memory_space<hbm>>
      %dma_start3A_131 = arith.constant 0 : i32
      %dma_start3A_132 = tpu.memref_slice %arg4[%add3A_122, %dma_start3A_131] : memref<32768x1024xf32, #tpu.memory_space<hbm>> -> memref<64x1024xf32, #tpu.memory_space<hbm>>
      tpu.enqueue_dma source(%arg6 : memref<64x1024xf32, #tpu.memory_space<vmem>>) target(%dma_start3A_132 : memref<64x1024xf32, #tpu.memory_space<hbm>>) target_semaphore(%run_scoped3A : memref<!tpu.dma_semaphore, #tpu.memory_space<semaphore_mem>>)
      %dma_wait3A_133 = arith.constant 0 : i32
      %dma_wait3A_134 = tpu.memref_slice %arg4[%add3A_122, %dma_wait3A_133] : memref<32768x1024xf32, #tpu.memory_space<hbm>> -> memref<64x1024xf32, #tpu.memory_space<hbm>>
      %dma_wait3A_135 = arith.constant 0 : i32
      %dma_wait3A_136 = tpu.memref_slice %arg4[%add3A_122, %dma_wait3A_135] : memref<32768x1024xf32, #tpu.memory_space<hbm>> -> memref<64x1024xf32, #tpu.memory_space<hbm>>
      tpu.wait_dma2 semaphore(%run_scoped3A : memref<!tpu.dma_semaphore, #tpu.memory_space<semaphore_mem>>) src(%arg6 : memref<64x1024xf32, #tpu.memory_space<vmem>>) dst(%dma_wait3A_136 : memref<64x1024xf32, #tpu.memory_space<hbm>>)
      tpu.yield
    }) : () -> ()
    return
  }
}

#map = affine_map<(d0, d1) -> (0, 0)>
#map1 = affine_map<(d0, d1) -> (0)>
module attributes {stable_mosaic.version = 14 : i64} {
  func.func @k(%arg0: i32, %arg1: i32, %arg2: memref<51200x128xf32, #tpu.memory_space<hbm>>, %arg3: memref<16384xi32, #tpu.memory_space<hbm>>, %arg4: memref<16384x128xf32, #tpu.memory_space<hbm>>, %arg5: memref<512xi32, #tpu.memory_space<vmem>>, %arg6: memref<512x128xf32, #tpu.memory_space<vmem>>, %arg7: memref<!tpu.dma_semaphore, #tpu.memory_space<semaphore_mem>>) attributes {dimension_semantics = [#tpu.dimension_semantics<core_parallel>, #tpu.dimension_semantics<subcore_parallel>], iteration_bounds = array<i64: 2, 16>, scalar_prefetch = 0 : i64, scratch_operands = 3 : i64, tpu.core_type = #tpu.core_type<sc_vector_subcore>, window_params = [{transform_indices = #map}, {transform_indices = #map1}, {transform_indices = #map}]} {
    %mul3A = arith.constant 2 : i32
    %mul3A_0 = arith.muli %arg1, %mul3A : i32
    %add3A = arith.addi %mul3A_0, %arg0 : i32
    %mul3A_1 = arith.constant 512 : i32
    %mul3A_2 = arith.muli %add3A, %mul3A_1 : i32
    "tpu.region"() ({
      %run_scoped3A = tpu.sem_alloc : memref<!tpu.dma_semaphore, #tpu.memory_space<semaphore_mem>>
      %dma_start3A_7 = tpu.memref_slice %arg3[%mul3A_2] : memref<16384xi32, #tpu.memory_space<hbm>> -> memref<512xi32, #tpu.memory_space<hbm>>
      %dma_start3A_8 = tpu.memref_slice %arg3[%mul3A_2] : memref<16384xi32, #tpu.memory_space<hbm>> -> memref<512xi32, #tpu.memory_space<hbm>>
      tpu.enqueue_dma source(%dma_start3A_8 : memref<512xi32, #tpu.memory_space<hbm>>) target(%arg5 : memref<512xi32, #tpu.memory_space<vmem>>) target_semaphore(%run_scoped3A : memref<!tpu.dma_semaphore, #tpu.memory_space<semaphore_mem>>)
      %dma_wait3A_9 = tpu.memref_slice %arg3[%mul3A_2] : memref<16384xi32, #tpu.memory_space<hbm>> -> memref<512xi32, #tpu.memory_space<hbm>>
      %dma_wait3A_10 = tpu.memref_slice %arg3[%mul3A_2] : memref<16384xi32, #tpu.memory_space<hbm>> -> memref<512xi32, #tpu.memory_space<hbm>>
      tpu.wait_dma2 semaphore(%run_scoped3A : memref<!tpu.dma_semaphore, #tpu.memory_space<semaphore_mem>>) src(%dma_wait3A_10 : memref<512xi32, #tpu.memory_space<hbm>>) dst(%arg5 : memref<512xi32, #tpu.memory_space<vmem>>)
      tpu.yield
    }) : () -> ()
    %dma_start3A = arith.constant 0 : i32
    %dma_start3A_3 = arith.constant 0 : i32
    %dma_start3A_4 = tpu.memref_slice %arg2[%dma_start3A, %dma_start3A_3] : memref<51200x128xf32, #tpu.memory_space<hbm>> -> memref<51200x128xf32, #tpu.memory_space<hbm>>
    tpu.enqueue_indirect_dma source(%dma_start3A_4 : memref<51200x128xf32, #tpu.memory_space<hbm>>) target(%arg6 : memref<512x128xf32, #tpu.memory_space<vmem>>) offsets(%arg5 : memref<512xi32, #tpu.memory_space<vmem>>) semaphore(%arg7 : memref<!tpu.dma_semaphore, #tpu.memory_space<semaphore_mem>>)
    %dma_wait3A = arith.constant 0 : i32
    %dma_wait3A_5 = arith.constant 0 : i32
    %dma_wait3A_6 = tpu.memref_slice %arg2[%dma_wait3A, %dma_wait3A_5] : memref<51200x128xf32, #tpu.memory_space<hbm>> -> memref<51200x128xf32, #tpu.memory_space<hbm>>
    tpu.wait_indirect_dma semaphore(%arg7 : memref<!tpu.dma_semaphore, #tpu.memory_space<semaphore_mem>>) src(%dma_wait3A_6 : memref<51200x128xf32, #tpu.memory_space<hbm>>) dst(%arg6 : memref<512x128xf32, #tpu.memory_space<vmem>>)
    "tpu.region"() ({
      %run_scoped3A = tpu.sem_alloc : memref<!tpu.dma_semaphore, #tpu.memory_space<semaphore_mem>>
      %dma_start3A_7 = arith.constant 0 : i32
      %dma_start3A_8 = tpu.memref_slice %arg4[%mul3A_2, %dma_start3A_7] : memref<16384x128xf32, #tpu.memory_space<hbm>> -> memref<512x128xf32, #tpu.memory_space<hbm>>
      %dma_start3A_9 = arith.constant 0 : i32
      %dma_start3A_10 = tpu.memref_slice %arg4[%mul3A_2, %dma_start3A_9] : memref<16384x128xf32, #tpu.memory_space<hbm>> -> memref<512x128xf32, #tpu.memory_space<hbm>>
      tpu.enqueue_dma source(%arg6 : memref<512x128xf32, #tpu.memory_space<vmem>>) target(%dma_start3A_10 : memref<512x128xf32, #tpu.memory_space<hbm>>) target_semaphore(%run_scoped3A : memref<!tpu.dma_semaphore, #tpu.memory_space<semaphore_mem>>)
      %dma_wait3A_11 = arith.constant 0 : i32
      %dma_wait3A_12 = tpu.memref_slice %arg4[%mul3A_2, %dma_wait3A_11] : memref<16384x128xf32, #tpu.memory_space<hbm>> -> memref<512x128xf32, #tpu.memory_space<hbm>>
      %dma_wait3A_13 = arith.constant 0 : i32
      %dma_wait3A_14 = tpu.memref_slice %arg4[%mul3A_2, %dma_wait3A_13] : memref<16384x128xf32, #tpu.memory_space<hbm>> -> memref<512x128xf32, #tpu.memory_space<hbm>>
      tpu.wait_dma2 semaphore(%run_scoped3A : memref<!tpu.dma_semaphore, #tpu.memory_space<semaphore_mem>>) src(%arg6 : memref<512x128xf32, #tpu.memory_space<vmem>>) dst(%dma_wait3A_14 : memref<512x128xf32, #tpu.memory_space<hbm>>)
      tpu.yield
    }) : () -> ()
    return
  }
}

module attributes {stable_mosaic.version = 14 : i64} {
  func.func @_meanpool_kernel(%arg0: memref<1024x16x64xf32, #tpu.memory_space<vmem>>, %arg1: memref<1024x64xf32, #tpu.memory_space<vmem>>) attributes {dimension_semantics = [], scalar_prefetch = 0 : i64, scratch_operands = 0 : i64, tpu.core_type = #tpu.core_type<tc>} {
    %get3A = arith.constant 0 : index
    %get3A_0 = arith.constant 0 : index
    %get3A_1 = arith.constant 0 : index
    %get3A_2 = vector.load %arg0[%get3A, %get3A_0, %get3A_1] : memref<1024x16x64xf32, #tpu.memory_space<vmem>>, vector<1024x16x64xf32>
    %reduce_sum3A = arith.constant dense<0.000000e+00> : vector<1024x64xf32>
    %reduce_sum3A_3 = vector.multi_reduction <add>, %get3A_2, %reduce_sum3A [1] : vector<1024x16x64xf32> to vector<1024x64xf32>
    %div3A = arith.constant 1.600000e+01 : f32
    %div3A_4 = vector.broadcast %div3A : f32 to vector<1024x64xf32>
    %div3A_5 = arith.divf %reduce_sum3A_3, %div3A_4 : vector<1024x64xf32>
    %swap3A = arith.constant 0 : index
    %swap3A_6 = arith.constant 0 : index
    %swap3A_7 = vector.load %arg1[%swap3A, %swap3A_6] : memref<1024x64xf32, #tpu.memory_space<vmem>>, vector<1024x64xf32>
    tpu.vector_store %arg1[%swap3A, %swap3A_6], %div3A_5 {strides = array<i32>} : memref<1024x64xf32, #tpu.memory_space<vmem>>, vector<1024x64xf32>,
    return
  }
}

module attributes {stable_mosaic.version = 14 : i64} {
  func.func @_simchunk_kernel(%arg0: i32, %arg1: i32, %arg2: memref<2048x64xbf16, #tpu.memory_space<vmem>>, %arg3: memref<64x256xbf16, #tpu.memory_space<vmem>>, %arg4: memref<128x256xf32, #tpu.memory_space<vmem>>) attributes {dimension_semantics = [#tpu.dimension_semantics<arbitrary>, #tpu.dimension_semantics<arbitrary>], iteration_bounds = array<i64: 50, 4>, scalar_prefetch = 0 : i64, scratch_operands = 0 : i64, tpu.core_type = #tpu.core_type<tc>, window_params = [{transform_indices = @transform_0, window_bounds = array<i64: 2048, 64>}, {transform_indices = @transform_1, window_bounds = array<i64: 64, 256>}, {transform_indices = @transform_2, window_bounds = array<i64: 128, 256>}]} {
    %get3A = arith.constant 0 : index
    %get3A_0 = arith.constant 0 : index
    %get3A_1 = vector.load %arg2[%get3A, %get3A_0] : memref<2048x64xbf16, #tpu.memory_space<vmem>>, vector<2048x64xbf16>
    %get3A_2 = arith.constant 0 : index
    %get3A_3 = arith.constant 0 : index
    %get3A_4 = vector.load %arg3[%get3A_2, %get3A_3] : memref<64x256xbf16, #tpu.memory_space<vmem>>, vector<64x256xbf16>
    %dot_general3A = arith.constant dense<0.000000e+00> : vector<2048x256xf32>
    %dot_general3A_5 = tpu.matmul %get3A_1, %get3A_4, %dot_general3A {dimension_numbers = #tpu.dot_dimension_numbers<[1], [0], [0], [1], [0, 0, 1, 1], [], []>, transpose_lhs_hint = false} : vector<2048x64xbf16>, vector<64x256xbf16>, vector<2048x256xf32> -> vector<2048x256xf32>
    %reshape3A = vector.shape_cast %dot_general3A_5 : vector<2048x256xf32> to vector<128x16x256xf32>
    %reduce_max3A = arith.constant dense<0xFF800000> : vector<128x256xf32>
    %reduce_max3A_6 = vector.multi_reduction <maximumf>, %reshape3A, %reduce_max3A [1] : vector<128x16x256xf32> to vector<128x256xf32>
    %mul3A = arith.constant 128 : i32
    %mul3A_7 = arith.muli %arg0, %mul3A : i32
    %iota3A = tpu.iota {dimensions = array<i32: 0>} : vector<128x1xi32>
    %add3A = vector.broadcast %mul3A_7 : i32 to vector<128x1xi32>
    %add3A_8 = arith.addi %add3A, %iota3A : vector<128x1xi32>
    %ge3A = arith.constant 6250 : i32
    %ge3A_9 = vector.broadcast %ge3A : i32 to vector<128x1xi32>
    %ge3A_10 = arith.cmpi sge, %add3A_8, %ge3A_9 : vector<128x1xi32>
    %jit3A = arith.constant -1.000000e+30 : f32
    %broadcast_in_dim3A = vector.shape_cast %ge3A_10 : vector<128x1xi1> to vector<128x1xi1>
    %broadcast_in_dim3A_11 = vector.broadcast %broadcast_in_dim3A : vector<128x1xi1> to vector<128x256xi1>
    %broadcast_in_dim3A_12 = vector.broadcast %jit3A : f32 to vector<128x256xf32>
    %select_n3A = arith.select %broadcast_in_dim3A_11, %broadcast_in_dim3A_12, %reduce_max3A_6 : vector<128x256xi1>, vector<128x256xf32>
    %swap3A = arith.constant 0 : index
    %swap3A_13 = arith.constant 0 : index
    %swap3A_14 = vector.load %arg4[%swap3A, %swap3A_13] : memref<128x256xf32, #tpu.memory_space<vmem>>, vector<128x256xf32>
    tpu.vector_store %arg4[%swap3A, %swap3A_13], %select_n3A {strides = array<i32>} : memref<128x256xf32, #tpu.memory_space<vmem>>, vector<128x256xf32>,
    return
  }
  func.func @transform_0(%arg0: i32, %arg1: i32) -> (i32, i32) {
    %c0_i32 = arith.constant 0 : i32
    %c0_i32_0 = arith.constant 0 : i32
    return %arg0, %c0_i32 : i32, i32
  }
  func.func @transform_1(%arg0: i32, %arg1: i32) -> (i32, i32) {
    %c0_i32 = arith.constant 0 : i32
    %c0_i32_0 = arith.constant 0 : i32
    return %c0_i32, %arg1 : i32, i32
  }
  func.func @transform_2(%arg0: i32, %arg1: i32) -> (i32, i32) {
    %c0_i32 = arith.constant 0 : i32
    return %arg0, %arg1 : i32, i32
  }
}

module attributes {stable_mosaic.version = 14 : i64} {
  func.func @_select_kernel(%arg0: i32, %arg1: memref<6400x256xf32, #tpu.memory_space<vmem>>, %arg2: memref<32x256xi32, #tpu.memory_space<vmem>>) attributes {dimension_semantics = [#tpu.dimension_semantics<arbitrary>], iteration_bounds = array<i64: 4>, scalar_prefetch = 0 : i64, scratch_operands = 0 : i64, tpu.core_type = #tpu.core_type<tc>, window_params = [{transform_indices = @transform_0, window_bounds = array<i64: 6400, 256>}, {transform_indices = @transform_1, window_bounds = array<i64: 32, 256>}]} {
    %get3A = arith.constant 0 : index
    %get3A_0 = arith.constant 0 : index
    %get3A_1 = vector.load %arg1[%get3A, %get3A_0] : memref<6400x256xf32, #tpu.memory_space<vmem>>, vector<6400x256xf32>
    %bitcast_convert_type3A = tpu.bitcast %get3A_1 : vector<6400x256xf32> -> vector<6400x256xi32>
    %lt3A = arith.constant 0 : i32
    %lt3A_2 = vector.broadcast %lt3A : i32 to vector<6400x256xi32>
    %lt3A_3 = arith.cmpi slt, %bitcast_convert_type3A, %lt3A_2 : vector<6400x256xi32>
    %not3A = arith.constant dense<-1> : vector<6400x256xi32>
    %not3A_4 = arith.xori %bitcast_convert_type3A, %not3A : vector<6400x256xi32>
    %xor3A = arith.constant -2147483648 : i32
    %xor3A_5 = vector.broadcast %xor3A : i32 to vector<6400x256xi32>
    %xor3A_6 = arith.xori %not3A_4, %xor3A_5 : vector<6400x256xi32>
    %select_n3A = arith.select %lt3A_3, %xor3A_6, %bitcast_convert_type3A : vector<6400x256xi1>, vector<6400x256xi32>
    %iota3A = tpu.iota {dimensions = array<i32: 0>} : vector<6400x256xi32>
    %and3A = arith.constant -8192 : i32
    %and3A_7 = vector.broadcast %and3A : i32 to vector<6400x256xi32>
    %and3A_8 = arith.andi %select_n3A, %and3A_7 : vector<6400x256xi32>
    %or3A = arith.ori %and3A_8, %iota3A : vector<6400x256xi32>
    %reduce_max3A = arith.constant dense<-2147483648> : vector<256xi32>
    %reduce_max3A_9 = vector.multi_reduction <maxsi>, %or3A, %reduce_max3A [0] : vector<6400x256xi32> to vector<256xi32>
    %broadcast_in_dim3A = vector.shape_cast %reduce_max3A_9 : vector<256xi32> to vector<1x256xi32>
    %and3A_10 = arith.constant 8191 : i32
    %and3A_11 = vector.broadcast %and3A_10 : i32 to vector<1x256xi32>
    %and3A_12 = arith.andi %broadcast_in_dim3A, %and3A_11 : vector<1x256xi32>
    %eq3A = vector.broadcast %broadcast_in_dim3A : vector<1x256xi32> to vector<6400x256xi32>
    %eq3A_13 = arith.cmpi eq, %or3A, %eq3A : vector<6400x256xi32>
    %jit3A = arith.constant -2147483648 : i32
    %broadcast_in_dim3A_14 = vector.broadcast %jit3A : i32 to vector<6400x256xi32>
    %select_n3A_15 = arith.select %eq3A_13, %broadcast_in_dim3A_14, %or3A : vector<6400x256xi1>, vector<6400x256xi32>
    %reduce_max3A_16 = arith.constant dense<-2147483648> : vector<256xi32>
    %reduce_max3A_17 = vector.multi_reduction <maxsi>, %select_n3A_15, %reduce_max3A_16 [0] : vector<6400x256xi32> to vector<256xi32>
    %broadcast_in_dim3A_18 = vector.shape_cast %reduce_max3A_17 : vector<256xi32> to vector<1x256xi32>
    %and3A_19 = arith.constant 8191 : i32
    %and3A_20 = vector.broadcast %and3A_19 : i32 to vector<1x256xi32>
    %and3A_21 = arith.andi %broadcast_in_dim3A_18, %and3A_20 : vector<1x256xi32>
    %eq3A_22 = vector.broadcast %broadcast_in_dim3A_18 : vector<1x256xi32> to vector<6400x256xi32>
    %eq3A_23 = arith.cmpi eq, %select_n3A_15, %eq3A_22 : vector<6400x256xi32>
    %jit3A_24 = arith.constant -2147483648 : i32
    %broadcast_in_dim3A_25 = vector.broadcast %jit3A_24 : i32 to vector<6400x256xi32>
    %select_n3A_26 = arith.select %eq3A_23, %broadcast_in_dim3A_25, %select_n3A_15 : vector<6400x256xi1>, vector<6400x256xi32>
    %reduce_max3A_27 = arith.constant dense<-2147483648> : vector<256xi32>
    %reduce_max3A_28 = vector.multi_reduction <maxsi>, %select_n3A_26, %reduce_max3A_27 [0] : vector<6400x256xi32> to vector<256xi32>
    %broadcast_in_dim3A_29 = vector.shape_cast %reduce_max3A_28 : vector<256xi32> to vector<1x256xi32>
    %and3A_30 = arith.constant 8191 : i32
    %and3A_31 = vector.broadcast %and3A_30 : i32 to vector<1x256xi32>
    %and3A_32 = arith.andi %broadcast_in_dim3A_29, %and3A_31 : vector<1x256xi32>
    %eq3A_33 = vector.broadcast %broadcast_in_dim3A_29 : vector<1x256xi32> to vector<6400x256xi32>
    %eq3A_34 = arith.cmpi eq, %select_n3A_26, %eq3A_33 : vector<6400x256xi32>
    %jit3A_35 = arith.constant -2147483648 : i32
    %broadcast_in_dim3A_36 = vector.broadcast %jit3A_35 : i32 to vector<6400x256xi32>
    %select_n3A_37 = arith.select %eq3A_34, %broadcast_in_dim3A_36, %select_n3A_26 : vector<6400x256xi1>, vector<6400x256xi32>
    %reduce_max3A_38 = arith.constant dense<-2147483648> : vector<256xi32>
    %reduce_max3A_39 = vector.multi_reduction <maxsi>, %select_n3A_37, %reduce_max3A_38 [0] : vector<6400x256xi32> to vector<256xi32>
    %broadcast_in_dim3A_40 = vector.shape_cast %reduce_max3A_39 : vector<256xi32> to vector<1x256xi32>
    %and3A_41 = arith.constant 8191 : i32
    %and3A_42 = vector.broadcast %and3A_41 : i32 to vector<1x256xi32>
    %and3A_43 = arith.andi %broadcast_in_dim3A_40, %and3A_42 : vector<1x256xi32>
    %eq3A_44 = vector.broadcast %broadcast_in_dim3A_40 : vector<1x256xi32> to vector<6400x256xi32>
    %eq3A_45 = arith.cmpi eq, %select_n3A_37, %eq3A_44 : vector<6400x256xi32>
    %jit3A_46 = arith.constant -2147483648 : i32
    %broadcast_in_dim3A_47 = vector.broadcast %jit3A_46 : i32 to vector<6400x256xi32>
    %select_n3A_48 = arith.select %eq3A_45, %broadcast_in_dim3A_47, %select_n3A_37 : vector<6400x256xi1>, vector<6400x256xi32>
    %reduce_max3A_49 = arith.constant dense<-2147483648> : vector<256xi32>
    %reduce_max3A_50 = vector.multi_reduction <maxsi>, %select_n3A_48, %reduce_max3A_49 [0] : vector<6400x256xi32> to vector<256xi32>
    %broadcast_in_dim3A_51 = vector.shape_cast %reduce_max3A_50 : vector<256xi32> to vector<1x256xi32>
    %and3A_52 = arith.constant 8191 : i32
    %and3A_53 = vector.broadcast %and3A_52 : i32 to vector<1x256xi32>
    %and3A_54 = arith.andi %broadcast_in_dim3A_51, %and3A_53 : vector<1x256xi32>
    %eq3A_55 = vector.broadcast %broadcast_in_dim3A_51 : vector<1x256xi32> to vector<6400x256xi32>
    %eq3A_56 = arith.cmpi eq, %select_n3A_48, %eq3A_55 : vector<6400x256xi32>
    %jit3A_57 = arith.constant -2147483648 : i32
    %broadcast_in_dim3A_58 = vector.broadcast %jit3A_57 : i32 to vector<6400x256xi32>
    %select_n3A_59 = arith.select %eq3A_56, %broadcast_in_dim3A_58, %select_n3A_48 : vector<6400x256xi1>, vector<6400x256xi32>
    %reduce_max3A_60 = arith.constant dense<-2147483648> : vector<256xi32>
    %reduce_max3A_61 = vector.multi_reduction <maxsi>, %select_n3A_59, %reduce_max3A_60 [0] : vector<6400x256xi32> to vector<256xi32>
    %broadcast_in_dim3A_62 = vector.shape_cast %reduce_max3A_61 : vector<256xi32> to vector<1x256xi32>
    %and3A_63 = arith.constant 8191 : i32
    %and3A_64 = vector.broadcast %and3A_63 : i32 to vector<1x256xi32>
    %and3A_65 = arith.andi %broadcast_in_dim3A_62, %and3A_64 : vector<1x256xi32>
    %eq3A_66 = vector.broadcast %broadcast_in_dim3A_62 : vector<1x256xi32> to vector<6400x256xi32>
    %eq3A_67 = arith.cmpi eq, %select_n3A_59, %eq3A_66 : vector<6400x256xi32>
    %jit3A_68 = arith.constant -2147483648 : i32
    %broadcast_in_dim3A_69 = vector.broadcast %jit3A_68 : i32 to vector<6400x256xi32>
    %select_n3A_70 = arith.select %eq3A_67, %broadcast_in_dim3A_69, %select_n3A_59 : vector<6400x256xi1>, vector<6400x256xi32>
    %reduce_max3A_71 = arith.constant dense<-2147483648> : vector<256xi32>
    %reduce_max3A_72 = vector.multi_reduction <maxsi>, %select_n3A_70, %reduce_max3A_71 [0] : vector<6400x256xi32> to vector<256xi32>
    %broadcast_in_dim3A_73 = vector.shape_cast %reduce_max3A_72 : vector<256xi32> to vector<1x256xi32>
    %and3A_74 = arith.constant 8191 : i32
    %and3A_75 = vector.broadcast %and3A_74 : i32 to vector<1x256xi32>
    %and3A_76 = arith.andi %broadcast_in_dim3A_73, %and3A_75 : vector<1x256xi32>
    %eq3A_77 = vector.broadcast %broadcast_in_dim3A_73 : vector<1x256xi32> to vector<6400x256xi32>
    %eq3A_78 = arith.cmpi eq, %select_n3A_70, %eq3A_77 : vector<6400x256xi32>
    %jit3A_79 = arith.constant -2147483648 : i32
    %broadcast_in_dim3A_80 = vector.broadcast %jit3A_79 : i32 to vector<6400x256xi32>
    %select_n3A_81 = arith.select %eq3A_78, %broadcast_in_dim3A_80, %select_n3A_70 : vector<6400x256xi1>, vector<6400x256xi32>
    %reduce_max3A_82 = arith.constant dense<-2147483648> : vector<256xi32>
    %reduce_max3A_83 = vector.multi_reduction <maxsi>, %select_n3A_81, %reduce_max3A_82 [0] : vector<6400x256xi32> to vector<256xi32>
    %broadcast_in_dim3A_84 = vector.shape_cast %reduce_max3A_83 : vector<256xi32> to vector<1x256xi32>
    %and3A_85 = arith.constant 8191 : i32
    %and3A_86 = vector.broadcast %and3A_85 : i32 to vector<1x256xi32>
    %and3A_87 = arith.andi %broadcast_in_dim3A_84, %and3A_86 : vector<1x256xi32>
    %eq3A_88 = vector.broadcast %broadcast_in_dim3A_84 : vector<1x256xi32> to vector<6400x256xi32>
    %eq3A_89 = arith.cmpi eq, %select_n3A_81, %eq3A_88 : vector<6400x256xi32>
    %jit3A_90 = arith.constant -2147483648 : i32
    %broadcast_in_dim3A_91 = vector.broadcast %jit3A_90 : i32 to vector<6400x256xi32>
    %select_n3A_92 = arith.select %eq3A_89, %broadcast_in_dim3A_91, %select_n3A_81 : vector<6400x256xi1>, vector<6400x256xi32>
    %reduce_max3A_93 = arith.constant dense<-2147483648> : vector<256xi32>
    %reduce_max3A_94 = vector.multi_reduction <maxsi>, %select_n3A_92, %reduce_max3A_93 [0] : vector<6400x256xi32> to vector<256xi32>
    %broadcast_in_dim3A_95 = vector.shape_cast %reduce_max3A_94 : vector<256xi32> to vector<1x256xi32>
    %and3A_96 = arith.constant 8191 : i32
    %and3A_97 = vector.broadcast %and3A_96 : i32 to vector<1x256xi32>
    %and3A_98 = arith.andi %broadcast_in_dim3A_95, %and3A_97 : vector<1x256xi32>
    %eq3A_99 = vector.broadcast %broadcast_in_dim3A_95 : vector<1x256xi32> to vector<6400x256xi32>
    %eq3A_100 = arith.cmpi eq, %select_n3A_92, %eq3A_99 : vector<6400x256xi32>
    %jit3A_101 = arith.constant -2147483648 : i32
    %broadcast_in_dim3A_102 = vector.broadcast %jit3A_101 : i32 to vector<6400x256xi32>
    %select_n3A_103 = arith.select %eq3A_100, %broadcast_in_dim3A_102, %select_n3A_92 : vector<6400x256xi1>, vector<6400x256xi32>
    %reduce_max3A_104 = arith.constant dense<-2147483648> : vector<256xi32>
    %reduce_max3A_105 = vector.multi_reduction <maxsi>, %select_n3A_103, %reduce_max3A_104 [0] : vector<6400x256xi32> to vector<256xi32>
    %broadcast_in_dim3A_106 = vector.shape_cast %reduce_max3A_105 : vector<256xi32> to vector<1x256xi32>
    %and3A_107 = arith.constant 8191 : i32
    %and3A_108 = vector.broadcast %and3A_107 : i32 to vector<1x256xi32>
    %and3A_109 = arith.andi %broadcast_in_dim3A_106, %and3A_108 : vector<1x256xi32>
    %eq3A_110 = vector.broadcast %broadcast_in_dim3A_106 : vector<1x256xi32> to vector<6400x256xi32>
    %eq3A_111 = arith.cmpi eq, %select_n3A_103, %eq3A_110 : vector<6400x256xi32>
    %jit3A_112 = arith.constant -2147483648 : i32
    %broadcast_in_dim3A_113 = vector.broadcast %jit3A_112 : i32 to vector<6400x256xi32>
    %select_n3A_114 = arith.select %eq3A_111, %broadcast_in_dim3A_113, %select_n3A_103 : vector<6400x256xi1>, vector<6400x256xi32>
    %reduce_max3A_115 = arith.constant dense<-2147483648> : vector<256xi32>
    %reduce_max3A_116 = vector.multi_reduction <maxsi>, %select_n3A_114, %reduce_max3A_115 [0] : vector<6400x256xi32> to vector<256xi32>
    %broadcast_in_dim3A_117 = vector.shape_cast %reduce_max3A_116 : vector<256xi32> to vector<1x256xi32>
    %and3A_118 = arith.constant 8191 : i32
    %and3A_119 = vector.broadcast %and3A_118 : i32 to vector<1x256xi32>
    %and3A_120 = arith.andi %broadcast_in_dim3A_117, %and3A_119 : vector<1x256xi32>
    %eq3A_121 = vector.broadcast %broadcast_in_dim3A_117 : vector<1x256xi32> to vector<6400x256xi32>
    %eq3A_122 = arith.cmpi eq, %select_n3A_114, %eq3A_121 : vector<6400x256xi32>
    %jit3A_123 = arith.constant -2147483648 : i32
    %broadcast_in_dim3A_124 = vector.broadcast %jit3A_123 : i32 to vector<6400x256xi32>
    %select_n3A_125 = arith.select %eq3A_122, %broadcast_in_dim3A_124, %select_n3A_114 : vector<6400x256xi1>, vector<6400x256xi32>
    %reduce_max3A_126 = arith.constant dense<-2147483648> : vector<256xi32>
    %reduce_max3A_127 = vector.multi_reduction <maxsi>, %select_n3A_125, %reduce_max3A_126 [0] : vector<6400x256xi32> to vector<256xi32>
    %broadcast_in_dim3A_128 = vector.shape_cast %reduce_max3A_127 : vector<256xi32> to vector<1x256xi32>
    %and3A_129 = arith.constant 8191 : i32
    %and3A_130 = vector.broadcast %and3A_129 : i32 to vector<1x256xi32>
    %and3A_131 = arith.andi %broadcast_in_dim3A_128, %and3A_130 : vector<1x256xi32>
    %eq3A_132 = vector.broadcast %broadcast_in_dim3A_128 : vector<1x256xi32> to vector<6400x256xi32>
    %eq3A_133 = arith.cmpi eq, %select_n3A_125, %eq3A_132 : vector<6400x256xi32>
    %jit3A_134 = arith.constant -2147483648 : i32
    %broadcast_in_dim3A_135 = vector.broadcast %jit3A_134 : i32 to vector<6400x256xi32>
    %select_n3A_136 = arith.select %eq3A_133, %broadcast_in_dim3A_135, %select_n3A_125 : vector<6400x256xi1>, vector<6400x256xi32>
    %reduce_max3A_137 = arith.constant dense<-2147483648> : vector<256xi32>
    %reduce_max3A_138 = vector.multi_reduction <maxsi>, %select_n3A_136, %reduce_max3A_137 [0] : vector<6400x256xi32> to vector<256xi32>
    %broadcast_in_dim3A_139 = vector.shape_cast %reduce_max3A_138 : vector<256xi32> to vector<1x256xi32>
    %and3A_140 = arith.constant 8191 : i32
    %and3A_141 = vector.broadcast %and3A_140 : i32 to vector<1x256xi32>
    %and3A_142 = arith.andi %broadcast_in_dim3A_139, %and3A_141 : vector<1x256xi32>
    %eq3A_143 = vector.broadcast %broadcast_in_dim3A_139 : vector<1x256xi32> to vector<6400x256xi32>
    %eq3A_144 = arith.cmpi eq, %select_n3A_136, %eq3A_143 : vector<6400x256xi32>
    %jit3A_145 = arith.constant -2147483648 : i32
    %broadcast_in_dim3A_146 = vector.broadcast %jit3A_145 : i32 to vector<6400x256xi32>
    %select_n3A_147 = arith.select %eq3A_144, %broadcast_in_dim3A_146, %select_n3A_136 : vector<6400x256xi1>, vector<6400x256xi32>
    %reduce_max3A_148 = arith.constant dense<-2147483648> : vector<256xi32>
    %reduce_max3A_149 = vector.multi_reduction <maxsi>, %select_n3A_147, %reduce_max3A_148 [0] : vector<6400x256xi32> to vector<256xi32>
    %broadcast_in_dim3A_150 = vector.shape_cast %reduce_max3A_149 : vector<256xi32> to vector<1x256xi32>
    %and3A_151 = arith.constant 8191 : i32
    %and3A_152 = vector.broadcast %and3A_151 : i32 to vector<1x256xi32>
    %and3A_153 = arith.andi %broadcast_in_dim3A_150, %and3A_152 : vector<1x256xi32>
    %eq3A_154 = vector.broadcast %broadcast_in_dim3A_150 : vector<1x256xi32> to vector<6400x256xi32>
    %eq3A_155 = arith.cmpi eq, %select_n3A_147, %eq3A_154 : vector<6400x256xi32>
    %jit3A_156 = arith.constant -2147483648 : i32
    %broadcast_in_dim3A_157 = vector.broadcast %jit3A_156 : i32 to vector<6400x256xi32>
    %select_n3A_158 = arith.select %eq3A_155, %broadcast_in_dim3A_157, %select_n3A_147 : vector<6400x256xi1>, vector<6400x256xi32>
    %reduce_max3A_159 = arith.constant dense<-2147483648> : vector<256xi32>
    %reduce_max3A_160 = vector.multi_reduction <maxsi>, %select_n3A_158, %reduce_max3A_159 [0] : vector<6400x256xi32> to vector<256xi32>
    %broadcast_in_dim3A_161 = vector.shape_cast %reduce_max3A_160 : vector<256xi32> to vector<1x256xi32>
    %and3A_162 = arith.constant 8191 : i32
    %and3A_163 = vector.broadcast %and3A_162 : i32 to vector<1x256xi32>
    %and3A_164 = arith.andi %broadcast_in_dim3A_161, %and3A_163 : vector<1x256xi32>
    %eq3A_165 = vector.broadcast %broadcast_in_dim3A_161 : vector<1x256xi32> to vector<6400x256xi32>
    %eq3A_166 = arith.cmpi eq, %select_n3A_158, %eq3A_165 : vector<6400x256xi32>
    %jit3A_167 = arith.constant -2147483648 : i32
    %broadcast_in_dim3A_168 = vector.broadcast %jit3A_167 : i32 to vector<6400x256xi32>
    %select_n3A_169 = arith.select %eq3A_166, %broadcast_in_dim3A_168, %select_n3A_158 : vector<6400x256xi1>, vector<6400x256xi32>
    %reduce_max3A_170 = arith.constant dense<-2147483648> : vector<256xi32>
    %reduce_max3A_171 = vector.multi_reduction <maxsi>, %select_n3A_169, %reduce_max3A_170 [0] : vector<6400x256xi32> to vector<256xi32>
    %broadcast_in_dim3A_172 = vector.shape_cast %reduce_max3A_171 : vector<256xi32> to vector<1x256xi32>
    %and3A_173 = arith.constant 8191 : i32
    %and3A_174 = vector.broadcast %and3A_173 : i32 to vector<1x256xi32>
    %and3A_175 = arith.andi %broadcast_in_dim3A_172, %and3A_174 : vector<1x256xi32>
    %eq3A_176 = vector.broadcast %broadcast_in_dim3A_172 : vector<1x256xi32> to vector<6400x256xi32>
    %eq3A_177 = arith.cmpi eq, %select_n3A_169, %eq3A_176 : vector<6400x256xi32>
    %jit3A_178 = arith.constant -2147483648 : i32
    %broadcast_in_dim3A_179 = vector.broadcast %jit3A_178 : i32 to vector<6400x256xi32>
    %select_n3A_180 = arith.select %eq3A_177, %broadcast_in_dim3A_179, %select_n3A_169 : vector<6400x256xi1>, vector<6400x256xi32>
    %reduce_max3A_181 = arith.constant dense<-2147483648> : vector<256xi32>
    %reduce_max3A_182 = vector.multi_reduction <maxsi>, %select_n3A_180, %reduce_max3A_181 [0] : vector<6400x256xi32> to vector<256xi32>
    %broadcast_in_dim3A_183 = vector.shape_cast %reduce_max3A_182 : vector<256xi32> to vector<1x256xi32>
    %and3A_184 = arith.constant 8191 : i32
    %and3A_185 = vector.broadcast %and3A_184 : i32 to vector<1x256xi32>
    %and3A_186 = arith.andi %broadcast_in_dim3A_183, %and3A_185 : vector<1x256xi32>
    %eq3A_187 = vector.broadcast %broadcast_in_dim3A_183 : vector<1x256xi32> to vector<6400x256xi32>
    %eq3A_188 = arith.cmpi eq, %select_n3A_180, %eq3A_187 : vector<6400x256xi32>
    %jit3A_189 = arith.constant -2147483648 : i32
    %broadcast_in_dim3A_190 = vector.broadcast %jit3A_189 : i32 to vector<6400x256xi32>
    %select_n3A_191 = arith.select %eq3A_188, %broadcast_in_dim3A_190, %select_n3A_180 : vector<6400x256xi1>, vector<6400x256xi32>
    %reduce_max3A_192 = arith.constant dense<-2147483648> : vector<256xi32>
    %reduce_max3A_193 = vector.multi_reduction <maxsi>, %select_n3A_191, %reduce_max3A_192 [0] : vector<6400x256xi32> to vector<256xi32>
    %broadcast_in_dim3A_194 = vector.shape_cast %reduce_max3A_193 : vector<256xi32> to vector<1x256xi32>
    %and3A_195 = arith.constant 8191 : i32
    %and3A_196 = vector.broadcast %and3A_195 : i32 to vector<1x256xi32>
    %and3A_197 = arith.andi %broadcast_in_dim3A_194, %and3A_196 : vector<1x256xi32>
    %eq3A_198 = vector.broadcast %broadcast_in_dim3A_194 : vector<1x256xi32> to vector<6400x256xi32>
    %eq3A_199 = arith.cmpi eq, %select_n3A_191, %eq3A_198 : vector<6400x256xi32>
    %jit3A_200 = arith.constant -2147483648 : i32
    %broadcast_in_dim3A_201 = vector.broadcast %jit3A_200 : i32 to vector<6400x256xi32>
    %select_n3A_202 = arith.select %eq3A_199, %broadcast_in_dim3A_201, %select_n3A_191 : vector<6400x256xi1>, vector<6400x256xi32>
    %reduce_max3A_203 = arith.constant dense<-2147483648> : vector<256xi32>
    %reduce_max3A_204 = vector.multi_reduction <maxsi>, %select_n3A_202, %reduce_max3A_203 [0] : vector<6400x256xi32> to vector<256xi32>
    %broadcast_in_dim3A_205 = vector.shape_cast %reduce_max3A_204 : vector<256xi32> to vector<1x256xi32>
    %and3A_206 = arith.constant 8191 : i32
    %and3A_207 = vector.broadcast %and3A_206 : i32 to vector<1x256xi32>
    %and3A_208 = arith.andi %broadcast_in_dim3A_205, %and3A_207 : vector<1x256xi32>
    %eq3A_209 = vector.broadcast %broadcast_in_dim3A_205 : vector<1x256xi32> to vector<6400x256xi32>
    %eq3A_210 = arith.cmpi eq, %select_n3A_202, %eq3A_209 : vector<6400x256xi32>
    %jit3A_211 = arith.constant -2147483648 : i32
    %broadcast_in_dim3A_212 = vector.broadcast %jit3A_211 : i32 to vector<6400x256xi32>
    %select_n3A_213 = arith.select %eq3A_210, %broadcast_in_dim3A_212, %select_n3A_202 : vector<6400x256xi1>, vector<6400x256xi32>
    %reduce_max3A_214 = arith.constant dense<-2147483648> : vector<256xi32>
    %reduce_max3A_215 = vector.multi_reduction <maxsi>, %select_n3A_213, %reduce_max3A_214 [0] : vector<6400x256xi32> to vector<256xi32>
    %broadcast_in_dim3A_216 = vector.shape_cast %reduce_max3A_215 : vector<256xi32> to vector<1x256xi32>
    %and3A_217 = arith.constant 8191 : i32
    %and3A_218 = vector.broadcast %and3A_217 : i32 to vector<1x256xi32>
    %and3A_219 = arith.andi %broadcast_in_dim3A_216, %and3A_218 : vector<1x256xi32>
    %eq3A_220 = vector.broadcast %broadcast_in_dim3A_216 : vector<1x256xi32> to vector<6400x256xi32>
    %eq3A_221 = arith.cmpi eq, %select_n3A_213, %eq3A_220 : vector<6400x256xi32>
    %jit3A_222 = arith.constant -2147483648 : i32
    %broadcast_in_dim3A_223 = vector.broadcast %jit3A_222 : i32 to vector<6400x256xi32>
    %select_n3A_224 = arith.select %eq3A_221, %broadcast_in_dim3A_223, %select_n3A_213 : vector<6400x256xi1>, vector<6400x256xi32>
    %reduce_max3A_225 = arith.constant dense<-2147483648> : vector<256xi32>
    %reduce_max3A_226 = vector.multi_reduction <maxsi>, %select_n3A_224, %reduce_max3A_225 [0] : vector<6400x256xi32> to vector<256xi32>
    %broadcast_in_dim3A_227 = vector.shape_cast %reduce_max3A_226 : vector<256xi32> to vector<1x256xi32>
    %and3A_228 = arith.constant 8191 : i32
    %and3A_229 = vector.broadcast %and3A_228 : i32 to vector<1x256xi32>
    %and3A_230 = arith.andi %broadcast_in_dim3A_227, %and3A_229 : vector<1x256xi32>
    %eq3A_231 = vector.broadcast %broadcast_in_dim3A_227 : vector<1x256xi32> to vector<6400x256xi32>
    %eq3A_232 = arith.cmpi eq, %select_n3A_224, %eq3A_231 : vector<6400x256xi32>
    %jit3A_233 = arith.constant -2147483648 : i32
    %broadcast_in_dim3A_234 = vector.broadcast %jit3A_233 : i32 to vector<6400x256xi32>
    %select_n3A_235 = arith.select %eq3A_232, %broadcast_in_dim3A_234, %select_n3A_224 : vector<6400x256xi1>, vector<6400x256xi32>
    %reduce_max3A_236 = arith.constant dense<-2147483648> : vector<256xi32>
    %reduce_max3A_237 = vector.multi_reduction <maxsi>, %select_n3A_235, %reduce_max3A_236 [0] : vector<6400x256xi32> to vector<256xi32>
    %broadcast_in_dim3A_238 = vector.shape_cast %reduce_max3A_237 : vector<256xi32> to vector<1x256xi32>
    %and3A_239 = arith.constant 8191 : i32
    %and3A_240 = vector.broadcast %and3A_239 : i32 to vector<1x256xi32>
    %and3A_241 = arith.andi %broadcast_in_dim3A_238, %and3A_240 : vector<1x256xi32>
    %eq3A_242 = vector.broadcast %broadcast_in_dim3A_238 : vector<1x256xi32> to vector<6400x256xi32>
    %eq3A_243 = arith.cmpi eq, %select_n3A_235, %eq3A_242 : vector<6400x256xi32>
    %jit3A_244 = arith.constant -2147483648 : i32
    %broadcast_in_dim3A_245 = vector.broadcast %jit3A_244 : i32 to vector<6400x256xi32>
    %select_n3A_246 = arith.select %eq3A_243, %broadcast_in_dim3A_245, %select_n3A_235 : vector<6400x256xi1>, vector<6400x256xi32>
    %reduce_max3A_247 = arith.constant dense<-2147483648> : vector<256xi32>
    %reduce_max3A_248 = vector.multi_reduction <maxsi>, %select_n3A_246, %reduce_max3A_247 [0] : vector<6400x256xi32> to vector<256xi32>
    %broadcast_in_dim3A_249 = vector.shape_cast %reduce_max3A_248 : vector<256xi32> to vector<1x256xi32>
    %and3A_250 = arith.constant 8191 : i32
    %and3A_251 = vector.broadcast %and3A_250 : i32 to vector<1x256xi32>
    %and3A_252 = arith.andi %broadcast_in_dim3A_249, %and3A_251 : vector<1x256xi32>
    %eq3A_253 = vector.broadcast %broadcast_in_dim3A_249 : vector<1x256xi32> to vector<6400x256xi32>
    %eq3A_254 = arith.cmpi eq, %select_n3A_246, %eq3A_253 : vector<6400x256xi32>
    %jit3A_255 = arith.constant -2147483648 : i32
    %broadcast_in_dim3A_256 = vector.broadcast %jit3A_255 : i32 to vector<6400x256xi32>
    %select_n3A_257 = arith.select %eq3A_254, %broadcast_in_dim3A_256, %select_n3A_246 : vector<6400x256xi1>, vector<6400x256xi32>
    %reduce_max3A_258 = arith.constant dense<-2147483648> : vector<256xi32>
    %reduce_max3A_259 = vector.multi_reduction <maxsi>, %select_n3A_257, %reduce_max3A_258 [0] : vector<6400x256xi32> to vector<256xi32>
    %broadcast_in_dim3A_260 = vector.shape_cast %reduce_max3A_259 : vector<256xi32> to vector<1x256xi32>
    %and3A_261 = arith.constant 8191 : i32
    %and3A_262 = vector.broadcast %and3A_261 : i32 to vector<1x256xi32>
    %and3A_263 = arith.andi %broadcast_in_dim3A_260, %and3A_262 : vector<1x256xi32>
    %eq3A_264 = vector.broadcast %broadcast_in_dim3A_260 : vector<1x256xi32> to vector<6400x256xi32>
    %eq3A_265 = arith.cmpi eq, %select_n3A_257, %eq3A_264 : vector<6400x256xi32>
    %jit3A_266 = arith.constant -2147483648 : i32
    %broadcast_in_dim3A_267 = vector.broadcast %jit3A_266 : i32 to vector<6400x256xi32>
    %select_n3A_268 = arith.select %eq3A_265, %broadcast_in_dim3A_267, %select_n3A_257 : vector<6400x256xi1>, vector<6400x256xi32>
    %reduce_max3A_269 = arith.constant dense<-2147483648> : vector<256xi32>
    %reduce_max3A_270 = vector.multi_reduction <maxsi>, %select_n3A_268, %reduce_max3A_269 [0] : vector<6400x256xi32> to vector<256xi32>
    %broadcast_in_dim3A_271 = vector.shape_cast %reduce_max3A_270 : vector<256xi32> to vector<1x256xi32>
    %and3A_272 = arith.constant 8191 : i32
    %and3A_273 = vector.broadcast %and3A_272 : i32 to vector<1x256xi32>
    %and3A_274 = arith.andi %broadcast_in_dim3A_271, %and3A_273 : vector<1x256xi32>
    %eq3A_275 = vector.broadcast %broadcast_in_dim3A_271 : vector<1x256xi32> to vector<6400x256xi32>
    %eq3A_276 = arith.cmpi eq, %select_n3A_268, %eq3A_275 : vector<6400x256xi32>
    %jit3A_277 = arith.constant -2147483648 : i32
    %broadcast_in_dim3A_278 = vector.broadcast %jit3A_277 : i32 to vector<6400x256xi32>
    %select_n3A_279 = arith.select %eq3A_276, %broadcast_in_dim3A_278, %select_n3A_268 : vector<6400x256xi1>, vector<6400x256xi32>
    %reduce_max3A_280 = arith.constant dense<-2147483648> : vector<256xi32>
    %reduce_max3A_281 = vector.multi_reduction <maxsi>, %select_n3A_279, %reduce_max3A_280 [0] : vector<6400x256xi32> to vector<256xi32>
    %broadcast_in_dim3A_282 = vector.shape_cast %reduce_max3A_281 : vector<256xi32> to vector<1x256xi32>
    %and3A_283 = arith.constant 8191 : i32
    %and3A_284 = vector.broadcast %and3A_283 : i32 to vector<1x256xi32>
    %and3A_285 = arith.andi %broadcast_in_dim3A_282, %and3A_284 : vector<1x256xi32>
    %eq3A_286 = vector.broadcast %broadcast_in_dim3A_282 : vector<1x256xi32> to vector<6400x256xi32>
    %eq3A_287 = arith.cmpi eq, %select_n3A_279, %eq3A_286 : vector<6400x256xi32>
    %jit3A_288 = arith.constant -2147483648 : i32
    %broadcast_in_dim3A_289 = vector.broadcast %jit3A_288 : i32 to vector<6400x256xi32>
    %select_n3A_290 = arith.select %eq3A_287, %broadcast_in_dim3A_289, %select_n3A_279 : vector<6400x256xi1>, vector<6400x256xi32>
    %reduce_max3A_291 = arith.constant dense<-2147483648> : vector<256xi32>
    %reduce_max3A_292 = vector.multi_reduction <maxsi>, %select_n3A_290, %reduce_max3A_291 [0] : vector<6400x256xi32> to vector<256xi32>
    %broadcast_in_dim3A_293 = vector.shape_cast %reduce_max3A_292 : vector<256xi32> to vector<1x256xi32>
    %and3A_294 = arith.constant 8191 : i32
    %and3A_295 = vector.broadcast %and3A_294 : i32 to vector<1x256xi32>
    %and3A_296 = arith.andi %broadcast_in_dim3A_293, %and3A_295 : vector<1x256xi32>
    %eq3A_297 = vector.broadcast %broadcast_in_dim3A_293 : vector<1x256xi32> to vector<6400x256xi32>
    %eq3A_298 = arith.cmpi eq, %select_n3A_290, %eq3A_297 : vector<6400x256xi32>
    %jit3A_299 = arith.constant -2147483648 : i32
    %broadcast_in_dim3A_300 = vector.broadcast %jit3A_299 : i32 to vector<6400x256xi32>
    %select_n3A_301 = arith.select %eq3A_298, %broadcast_in_dim3A_300, %select_n3A_290 : vector<6400x256xi1>, vector<6400x256xi32>
    %reduce_max3A_302 = arith.constant dense<-2147483648> : vector<256xi32>
    %reduce_max3A_303 = vector.multi_reduction <maxsi>, %select_n3A_301, %reduce_max3A_302 [0] : vector<6400x256xi32> to vector<256xi32>
    %broadcast_in_dim3A_304 = vector.shape_cast %reduce_max3A_303 : vector<256xi32> to vector<1x256xi32>
    %and3A_305 = arith.constant 8191 : i32
    %and3A_306 = vector.broadcast %and3A_305 : i32 to vector<1x256xi32>
    %and3A_307 = arith.andi %broadcast_in_dim3A_304, %and3A_306 : vector<1x256xi32>
    %eq3A_308 = vector.broadcast %broadcast_in_dim3A_304 : vector<1x256xi32> to vector<6400x256xi32>
    %eq3A_309 = arith.cmpi eq, %select_n3A_301, %eq3A_308 : vector<6400x256xi32>
    %jit3A_310 = arith.constant -2147483648 : i32
    %broadcast_in_dim3A_311 = vector.broadcast %jit3A_310 : i32 to vector<6400x256xi32>
    %select_n3A_312 = arith.select %eq3A_309, %broadcast_in_dim3A_311, %select_n3A_301 : vector<6400x256xi1>, vector<6400x256xi32>
    %reduce_max3A_313 = arith.constant dense<-2147483648> : vector<256xi32>
    %reduce_max3A_314 = vector.multi_reduction <maxsi>, %select_n3A_312, %reduce_max3A_313 [0] : vector<6400x256xi32> to vector<256xi32>
    %broadcast_in_dim3A_315 = vector.shape_cast %reduce_max3A_314 : vector<256xi32> to vector<1x256xi32>
    %and3A_316 = arith.constant 8191 : i32
    %and3A_317 = vector.broadcast %and3A_316 : i32 to vector<1x256xi32>
    %and3A_318 = arith.andi %broadcast_in_dim3A_315, %and3A_317 : vector<1x256xi32>
    %eq3A_319 = vector.broadcast %broadcast_in_dim3A_315 : vector<1x256xi32> to vector<6400x256xi32>
    %eq3A_320 = arith.cmpi eq, %select_n3A_312, %eq3A_319 : vector<6400x256xi32>
    %jit3A_321 = arith.constant -2147483648 : i32
    %broadcast_in_dim3A_322 = vector.broadcast %jit3A_321 : i32 to vector<6400x256xi32>
    %select_n3A_323 = arith.select %eq3A_320, %broadcast_in_dim3A_322, %select_n3A_312 : vector<6400x256xi1>, vector<6400x256xi32>
    %reduce_max3A_324 = arith.constant dense<-2147483648> : vector<256xi32>
    %reduce_max3A_325 = vector.multi_reduction <maxsi>, %select_n3A_323, %reduce_max3A_324 [0] : vector<6400x256xi32> to vector<256xi32>
    %broadcast_in_dim3A_326 = vector.shape_cast %reduce_max3A_325 : vector<256xi32> to vector<1x256xi32>
    %and3A_327 = arith.constant 8191 : i32
    %and3A_328 = vector.broadcast %and3A_327 : i32 to vector<1x256xi32>
    %and3A_329 = arith.andi %broadcast_in_dim3A_326, %and3A_328 : vector<1x256xi32>
    %eq3A_330 = vector.broadcast %broadcast_in_dim3A_326 : vector<1x256xi32> to vector<6400x256xi32>
    %eq3A_331 = arith.cmpi eq, %select_n3A_323, %eq3A_330 : vector<6400x256xi32>
    %jit3A_332 = arith.constant -2147483648 : i32
    %broadcast_in_dim3A_333 = vector.broadcast %jit3A_332 : i32 to vector<6400x256xi32>
    %select_n3A_334 = arith.select %eq3A_331, %broadcast_in_dim3A_333, %select_n3A_323 : vector<6400x256xi1>, vector<6400x256xi32>
    %reduce_max3A_335 = arith.constant dense<-2147483648> : vector<256xi32>
    %reduce_max3A_336 = vector.multi_reduction <maxsi>, %select_n3A_334, %reduce_max3A_335 [0] : vector<6400x256xi32> to vector<256xi32>
    %broadcast_in_dim3A_337 = vector.shape_cast %reduce_max3A_336 : vector<256xi32> to vector<1x256xi32>
    %and3A_338 = arith.constant 8191 : i32
    %and3A_339 = vector.broadcast %and3A_338 : i32 to vector<1x256xi32>
    %and3A_340 = arith.andi %broadcast_in_dim3A_337, %and3A_339 : vector<1x256xi32>
    %eq3A_341 = vector.broadcast %broadcast_in_dim3A_337 : vector<1x256xi32> to vector<6400x256xi32>
    %eq3A_342 = arith.cmpi eq, %select_n3A_334, %eq3A_341 : vector<6400x256xi32>
    %jit3A_343 = arith.constant -2147483648 : i32
    %broadcast_in_dim3A_344 = vector.broadcast %jit3A_343 : i32 to vector<6400x256xi32>
    %select_n3A_345 = arith.select %eq3A_342, %broadcast_in_dim3A_344, %select_n3A_334 : vector<6400x256xi1>, vector<6400x256xi32>
    %reduce_max3A_346 = arith.constant dense<-2147483648> : vector<256xi32>
    %reduce_max3A_347 = vector.multi_reduction <maxsi>, %select_n3A_345, %reduce_max3A_346 [0] : vector<6400x256xi32> to vector<256xi32>
    %broadcast_in_dim3A_348 = vector.shape_cast %reduce_max3A_347 : vector<256xi32> to vector<1x256xi32>
    %and3A_349 = arith.constant 8191 : i32
    %and3A_350 = vector.broadcast %and3A_349 : i32 to vector<1x256xi32>
    %and3A_351 = arith.andi %broadcast_in_dim3A_348, %and3A_350 : vector<1x256xi32>
    %concatenate3A = tpu.concatenate %and3A_12, %and3A_21, %and3A_32, %and3A_43, %and3A_54, %and3A_65, %and3A_76, %and3A_87, %and3A_98, %and3A_109, %and3A_120, %and3A_131, %and3A_142, %and3A_153, %and3A_164, %and3A_175, %and3A_186, %and3A_197, %and3A_208, %and3A_219, %and3A_230, %and3A_241, %and3A_252, %and3A_263, %and3A_274, %and3A_285, %and3A_296, %and3A_307, %and3A_318, %and3A_329, %and3A_340, %and3A_351 in 0 : vector<1x256xi32>, vector<1x256xi32>, vector<1x256xi32>, vector<1x256xi32>, vector<1x256xi32>, vector<1x256xi32>, vector<1x256xi32>, vector<1x256xi32>, vector<1x256xi32>, vector<1x256xi32>, vector<1x256xi32>, vector<1x256xi32>, vector<1x256xi32>, vector<1x256xi32>, vector<1x256xi32>, vector<1x256xi32>, vector<1x256xi32>, vector<1x256xi32>, vector<1x256xi32>, vector<1x256xi32>, vector<1x256xi32>, vector<1x256xi32>, vector<1x256xi32>, vector<1x256xi32>, vector<1x256xi32>, vector<1x256xi32>, vector<1x256xi32>, vector<1x256xi32>, vector<1x256xi32>, vector<1x256xi32>, vector<1x256xi32>, vector<1x256xi32> -> vector<32x256xi32>
    %swap3A = arith.constant 0 : index
    %swap3A_352 = arith.constant 0 : index
    %swap3A_353 = vector.load %arg2[%swap3A, %swap3A_352] : memref<32x256xi32, #tpu.memory_space<vmem>>, vector<32x256xi32>
    tpu.vector_store %arg2[%swap3A, %swap3A_352], %concatenate3A {strides = array<i32>} : memref<32x256xi32, #tpu.memory_space<vmem>>, vector<32x256xi32>,
    return
  }
  func.func @transform_0(%arg0: i32) -> (i32, i32) {
    %c0_i32 = arith.constant 0 : i32
    %c0_i32_0 = arith.constant 0 : i32
    return %c0_i32, %arg0 : i32, i32
  }
  func.func @transform_1(%arg0: i32) -> (i32, i32) {
    %c0_i32 = arith.constant 0 : i32
    %c0_i32_0 = arith.constant 0 : i32
    return %c0_i32, %arg0 : i32, i32
  }
}

module attributes {stable_mosaic.version = 14 : i64} {
  func.func @_candsims_kernel(%arg0: i32, %arg1: i32, %arg2: memref<64x128x64xf32, #tpu.memory_space<vmem>>, %arg3: memref<64x64xf32, #tpu.memory_space<vmem>>, %arg4: memref<64x128xf32, #tpu.memory_space<vmem>>) attributes {dimension_semantics = [#tpu.dimension_semantics<arbitrary>, #tpu.dimension_semantics<arbitrary>], iteration_bounds = array<i64: 16, 4>, scalar_prefetch = 0 : i64, scratch_operands = 0 : i64, tpu.core_type = #tpu.core_type<tc>, window_params = [{transform_indices = @transform_0, window_bounds = array<i64: 64, 128, 64>}, {transform_indices = @transform_1, window_bounds = array<i64: 64, 64>}, {transform_indices = @transform_2, window_bounds = array<i64: 64, 128>}]} {
    %get3A = arith.constant 0 : index
    %get3A_0 = arith.constant 0 : index
    %get3A_1 = arith.constant 0 : index
    %get3A_2 = vector.load %arg2[%get3A, %get3A_0, %get3A_1] : memref<64x128x64xf32, #tpu.memory_space<vmem>>, vector<64x128x64xf32>
    %convert_element_type3A = arith.truncf %get3A_2 : vector<64x128x64xf32> to vector<64x128x64xbf16>
    %convert_element_type3A_3 = arith.extf %convert_element_type3A : vector<64x128x64xbf16> to vector<64x128x64xf32>
    %get3A_4 = arith.constant 0 : index
    %get3A_5 = arith.constant 0 : index
    %get3A_6 = vector.load %arg3[%get3A_4, %get3A_5] : memref<64x64xf32, #tpu.memory_space<vmem>>, vector<64x64xf32>
    %convert_element_type3A_7 = arith.truncf %get3A_6 : vector<64x64xf32> to vector<64x64xbf16>
    %convert_element_type3A_8 = arith.extf %convert_element_type3A_7 : vector<64x64xbf16> to vector<64x64xf32>
    %broadcast_in_dim3A = vector.shape_cast %convert_element_type3A_8 : vector<64x64xf32> to vector<64x1x64xf32>
    %mul3A = vector.broadcast %broadcast_in_dim3A : vector<64x1x64xf32> to vector<64x128x64xf32>
    %mul3A_9 = arith.mulf %convert_element_type3A_3, %mul3A : vector<64x128x64xf32>
    %reduce_sum3A = arith.constant dense<0.000000e+00> : vector<64x128xf32>
    %reduce_sum3A_10 = vector.multi_reduction <add>, %mul3A_9, %reduce_sum3A [2] : vector<64x128x64xf32> to vector<64x128xf32>
    %swap3A = arith.constant 0 : index
    %swap3A_11 = arith.constant 0 : index
    %swap3A_12 = vector.load %arg4[%swap3A, %swap3A_11] : memref<64x128xf32, #tpu.memory_space<vmem>>, vector<64x128xf32>
    tpu.vector_store %arg4[%swap3A, %swap3A_11], %reduce_sum3A_10 {strides = array<i32>} : memref<64x128xf32, #tpu.memory_space<vmem>>, vector<64x128xf32>,
    return
  }
  func.func @transform_0(%arg0: i32, %arg1: i32) -> (i32, i32, i32) {
    %c0_i32 = arith.constant 0 : i32
    %c0_i32_0 = arith.constant 0 : i32
    return %arg0, %arg1, %c0_i32 : i32, i32, i32
  }
  func.func @transform_1(%arg0: i32, %arg1: i32) -> (i32, i32) {
    %c0_i32 = arith.constant 0 : i32
    %c0_i32_0 = arith.constant 0 : i32
    return %arg0, %c0_i32 : i32, i32
  }
  func.func @transform_2(%arg0: i32, %arg1: i32) -> (i32, i32) {
    %c0_i32 = arith.constant 0 : i32
    return %arg0, %arg1 : i32, i32
  }
}

module attributes {stable_mosaic.version = 14 : i64} {
  func.func @_refine_kernel(%arg0: i32, %arg1: memref<64x512xf32, #tpu.memory_space<vmem>>, %arg2: memref<64x512xi32, #tpu.memory_space<vmem>>, %arg3: memref<64x16xi32, #tpu.memory_space<vmem>>) attributes {dimension_semantics = [#tpu.dimension_semantics<arbitrary>], iteration_bounds = array<i64: 16>, scalar_prefetch = 0 : i64, scratch_operands = 0 : i64, tpu.core_type = #tpu.core_type<tc>, window_params = [{transform_indices = @transform_0, window_bounds = array<i64: 64, 512>}, {transform_indices = @transform_1, window_bounds = array<i64: 64, 512>}, {transform_indices = @transform_2, window_bounds = array<i64: 64, 16>}]} {
    %get3A = arith.constant 0 : index
    %get3A_0 = arith.constant 0 : index
    %get3A_1 = vector.load %arg1[%get3A, %get3A_0] : memref<64x512xf32, #tpu.memory_space<vmem>>, vector<64x512xf32>
    %get3A_2 = arith.constant 0 : index
    %get3A_3 = arith.constant 0 : index
    %get3A_4 = vector.load %arg2[%get3A_2, %get3A_3] : memref<64x512xi32, #tpu.memory_space<vmem>>, vector<64x512xi32>
    %reduce_max3A = arith.constant dense<0xFF800000> : vector<64xf32>
    %reduce_max3A_5 = vector.multi_reduction <maximumf>, %get3A_1, %reduce_max3A [1] : vector<64x512xf32> to vector<64xf32>
    %broadcast_in_dim3A = vector.shape_cast %reduce_max3A_5 : vector<64xf32> to vector<64x1xf32>
    %eq3A = vector.broadcast %broadcast_in_dim3A : vector<64x1xf32> to vector<64x512xf32>
    %eq3A_6 = arith.cmpf oeq, %get3A_1, %eq3A : vector<64x512xf32>
    %jit3A = arith.constant 1073741824 : i32
    %broadcast_in_dim3A_7 = vector.broadcast %jit3A : i32 to vector<64x512xi32>
    %select_n3A = arith.select %eq3A_6, %get3A_4, %broadcast_in_dim3A_7 : vector<64x512xi1>, vector<64x512xi32>
    %reduce_min3A = arith.constant dense<2147483647> : vector<64xi32>
    %reduce_min3A_8 = vector.multi_reduction <minsi>, %select_n3A, %reduce_min3A [1] : vector<64x512xi32> to vector<64xi32>
    %broadcast_in_dim3A_9 = vector.shape_cast %reduce_min3A_8 : vector<64xi32> to vector<64x1xi32>
    %jit3A_10 = arith.constant -1.000000e+30 : f32
    %broadcast_in_dim3A_11 = vector.broadcast %jit3A_10 : f32 to vector<64x512xf32>
    %select_n3A_12 = arith.select %eq3A_6, %broadcast_in_dim3A_11, %get3A_1 : vector<64x512xi1>, vector<64x512xf32>
    %reduce_max3A_13 = arith.constant dense<0xFF800000> : vector<64xf32>
    %reduce_max3A_14 = vector.multi_reduction <maximumf>, %select_n3A_12, %reduce_max3A_13 [1] : vector<64x512xf32> to vector<64xf32>
    %broadcast_in_dim3A_15 = vector.shape_cast %reduce_max3A_14 : vector<64xf32> to vector<64x1xf32>
    %eq3A_16 = vector.broadcast %broadcast_in_dim3A_15 : vector<64x1xf32> to vector<64x512xf32>
    %eq3A_17 = arith.cmpf oeq, %select_n3A_12, %eq3A_16 : vector<64x512xf32>
    %jit3A_18 = arith.constant 1073741824 : i32
    %broadcast_in_dim3A_19 = vector.broadcast %jit3A_18 : i32 to vector<64x512xi32>
    %select_n3A_20 = arith.select %eq3A_17, %get3A_4, %broadcast_in_dim3A_19 : vector<64x512xi1>, vector<64x512xi32>
    %reduce_min3A_21 = arith.constant dense<2147483647> : vector<64xi32>
    %reduce_min3A_22 = vector.multi_reduction <minsi>, %select_n3A_20, %reduce_min3A_21 [1] : vector<64x512xi32> to vector<64xi32>
    %broadcast_in_dim3A_23 = vector.shape_cast %reduce_min3A_22 : vector<64xi32> to vector<64x1xi32>
    %jit3A_24 = arith.constant -1.000000e+30 : f32
    %broadcast_in_dim3A_25 = vector.broadcast %jit3A_24 : f32 to vector<64x512xf32>
    %select_n3A_26 = arith.select %eq3A_17, %broadcast_in_dim3A_25, %select_n3A_12 : vector<64x512xi1>, vector<64x512xf32>
    %reduce_max3A_27 = arith.constant dense<0xFF800000> : vector<64xf32>
    %reduce_max3A_28 = vector.multi_reduction <maximumf>, %select_n3A_26, %reduce_max3A_27 [1] : vector<64x512xf32> to vector<64xf32>
    %broadcast_in_dim3A_29 = vector.shape_cast %reduce_max3A_28 : vector<64xf32> to vector<64x1xf32>
    %eq3A_30 = vector.broadcast %broadcast_in_dim3A_29 : vector<64x1xf32> to vector<64x512xf32>
    %eq3A_31 = arith.cmpf oeq, %select_n3A_26, %eq3A_30 : vector<64x512xf32>
    %jit3A_32 = arith.constant 1073741824 : i32
    %broadcast_in_dim3A_33 = vector.broadcast %jit3A_32 : i32 to vector<64x512xi32>
    %select_n3A_34 = arith.select %eq3A_31, %get3A_4, %broadcast_in_dim3A_33 : vector<64x512xi1>, vector<64x512xi32>
    %reduce_min3A_35 = arith.constant dense<2147483647> : vector<64xi32>
    %reduce_min3A_36 = vector.multi_reduction <minsi>, %select_n3A_34, %reduce_min3A_35 [1] : vector<64x512xi32> to vector<64xi32>
    %broadcast_in_dim3A_37 = vector.shape_cast %reduce_min3A_36 : vector<64xi32> to vector<64x1xi32>
    %jit3A_38 = arith.constant -1.000000e+30 : f32
    %broadcast_in_dim3A_39 = vector.broadcast %jit3A_38 : f32 to vector<64x512xf32>
    %select_n3A_40 = arith.select %eq3A_31, %broadcast_in_dim3A_39, %select_n3A_26 : vector<64x512xi1>, vector<64x512xf32>
    %reduce_max3A_41 = arith.constant dense<0xFF800000> : vector<64xf32>
    %reduce_max3A_42 = vector.multi_reduction <maximumf>, %select_n3A_40, %reduce_max3A_41 [1] : vector<64x512xf32> to vector<64xf32>
    %broadcast_in_dim3A_43 = vector.shape_cast %reduce_max3A_42 : vector<64xf32> to vector<64x1xf32>
    %eq3A_44 = vector.broadcast %broadcast_in_dim3A_43 : vector<64x1xf32> to vector<64x512xf32>
    %eq3A_45 = arith.cmpf oeq, %select_n3A_40, %eq3A_44 : vector<64x512xf32>
    %jit3A_46 = arith.constant 1073741824 : i32
    %broadcast_in_dim3A_47 = vector.broadcast %jit3A_46 : i32 to vector<64x512xi32>
    %select_n3A_48 = arith.select %eq3A_45, %get3A_4, %broadcast_in_dim3A_47 : vector<64x512xi1>, vector<64x512xi32>
    %reduce_min3A_49 = arith.constant dense<2147483647> : vector<64xi32>
    %reduce_min3A_50 = vector.multi_reduction <minsi>, %select_n3A_48, %reduce_min3A_49 [1] : vector<64x512xi32> to vector<64xi32>
    %broadcast_in_dim3A_51 = vector.shape_cast %reduce_min3A_50 : vector<64xi32> to vector<64x1xi32>
    %jit3A_52 = arith.constant -1.000000e+30 : f32
    %broadcast_in_dim3A_53 = vector.broadcast %jit3A_52 : f32 to vector<64x512xf32>
    %select_n3A_54 = arith.select %eq3A_45, %broadcast_in_dim3A_53, %select_n3A_40 : vector<64x512xi1>, vector<64x512xf32>
    %reduce_max3A_55 = arith.constant dense<0xFF800000> : vector<64xf32>
    %reduce_max3A_56 = vector.multi_reduction <maximumf>, %select_n3A_54, %reduce_max3A_55 [1] : vector<64x512xf32> to vector<64xf32>
    %broadcast_in_dim3A_57 = vector.shape_cast %reduce_max3A_56 : vector<64xf32> to vector<64x1xf32>
    %eq3A_58 = vector.broadcast %broadcast_in_dim3A_57 : vector<64x1xf32> to vector<64x512xf32>
    %eq3A_59 = arith.cmpf oeq, %select_n3A_54, %eq3A_58 : vector<64x512xf32>
    %jit3A_60 = arith.constant 1073741824 : i32
    %broadcast_in_dim3A_61 = vector.broadcast %jit3A_60 : i32 to vector<64x512xi32>
    %select_n3A_62 = arith.select %eq3A_59, %get3A_4, %broadcast_in_dim3A_61 : vector<64x512xi1>, vector<64x512xi32>
    %reduce_min3A_63 = arith.constant dense<2147483647> : vector<64xi32>
    %reduce_min3A_64 = vector.multi_reduction <minsi>, %select_n3A_62, %reduce_min3A_63 [1] : vector<64x512xi32> to vector<64xi32>
    %broadcast_in_dim3A_65 = vector.shape_cast %reduce_min3A_64 : vector<64xi32> to vector<64x1xi32>
    %jit3A_66 = arith.constant -1.000000e+30 : f32
    %broadcast_in_dim3A_67 = vector.broadcast %jit3A_66 : f32 to vector<64x512xf32>
    %select_n3A_68 = arith.select %eq3A_59, %broadcast_in_dim3A_67, %select_n3A_54 : vector<64x512xi1>, vector<64x512xf32>
    %reduce_max3A_69 = arith.constant dense<0xFF800000> : vector<64xf32>
    %reduce_max3A_70 = vector.multi_reduction <maximumf>, %select_n3A_68, %reduce_max3A_69 [1] : vector<64x512xf32> to vector<64xf32>
    %broadcast_in_dim3A_71 = vector.shape_cast %reduce_max3A_70 : vector<64xf32> to vector<64x1xf32>
    %eq3A_72 = vector.broadcast %broadcast_in_dim3A_71 : vector<64x1xf32> to vector<64x512xf32>
    %eq3A_73 = arith.cmpf oeq, %select_n3A_68, %eq3A_72 : vector<64x512xf32>
    %jit3A_74 = arith.constant 1073741824 : i32
    %broadcast_in_dim3A_75 = vector.broadcast %jit3A_74 : i32 to vector<64x512xi32>
    %select_n3A_76 = arith.select %eq3A_73, %get3A_4, %broadcast_in_dim3A_75 : vector<64x512xi1>, vector<64x512xi32>
    %reduce_min3A_77 = arith.constant dense<2147483647> : vector<64xi32>
    %reduce_min3A_78 = vector.multi_reduction <minsi>, %select_n3A_76, %reduce_min3A_77 [1] : vector<64x512xi32> to vector<64xi32>
    %broadcast_in_dim3A_79 = vector.shape_cast %reduce_min3A_78 : vector<64xi32> to vector<64x1xi32>
    %jit3A_80 = arith.constant -1.000000e+30 : f32
    %broadcast_in_dim3A_81 = vector.broadcast %jit3A_80 : f32 to vector<64x512xf32>
    %select_n3A_82 = arith.select %eq3A_73, %broadcast_in_dim3A_81, %select_n3A_68 : vector<64x512xi1>, vector<64x512xf32>
    %reduce_max3A_83 = arith.constant dense<0xFF800000> : vector<64xf32>
    %reduce_max3A_84 = vector.multi_reduction <maximumf>, %select_n3A_82, %reduce_max3A_83 [1] : vector<64x512xf32> to vector<64xf32>
    %broadcast_in_dim3A_85 = vector.shape_cast %reduce_max3A_84 : vector<64xf32> to vector<64x1xf32>
    %eq3A_86 = vector.broadcast %broadcast_in_dim3A_85 : vector<64x1xf32> to vector<64x512xf32>
    %eq3A_87 = arith.cmpf oeq, %select_n3A_82, %eq3A_86 : vector<64x512xf32>
    %jit3A_88 = arith.constant 1073741824 : i32
    %broadcast_in_dim3A_89 = vector.broadcast %jit3A_88 : i32 to vector<64x512xi32>
    %select_n3A_90 = arith.select %eq3A_87, %get3A_4, %broadcast_in_dim3A_89 : vector<64x512xi1>, vector<64x512xi32>
    %reduce_min3A_91 = arith.constant dense<2147483647> : vector<64xi32>
    %reduce_min3A_92 = vector.multi_reduction <minsi>, %select_n3A_90, %reduce_min3A_91 [1] : vector<64x512xi32> to vector<64xi32>
    %broadcast_in_dim3A_93 = vector.shape_cast %reduce_min3A_92 : vector<64xi32> to vector<64x1xi32>
    %jit3A_94 = arith.constant -1.000000e+30 : f32
    %broadcast_in_dim3A_95 = vector.broadcast %jit3A_94 : f32 to vector<64x512xf32>
    %select_n3A_96 = arith.select %eq3A_87, %broadcast_in_dim3A_95, %select_n3A_82 : vector<64x512xi1>, vector<64x512xf32>
    %reduce_max3A_97 = arith.constant dense<0xFF800000> : vector<64xf32>
    %reduce_max3A_98 = vector.multi_reduction <maximumf>, %select_n3A_96, %reduce_max3A_97 [1] : vector<64x512xf32> to vector<64xf32>
    %broadcast_in_dim3A_99 = vector.shape_cast %reduce_max3A_98 : vector<64xf32> to vector<64x1xf32>
    %eq3A_100 = vector.broadcast %broadcast_in_dim3A_99 : vector<64x1xf32> to vector<64x512xf32>
    %eq3A_101 = arith.cmpf oeq, %select_n3A_96, %eq3A_100 : vector<64x512xf32>
    %jit3A_102 = arith.constant 1073741824 : i32
    %broadcast_in_dim3A_103 = vector.broadcast %jit3A_102 : i32 to vector<64x512xi32>
    %select_n3A_104 = arith.select %eq3A_101, %get3A_4, %broadcast_in_dim3A_103 : vector<64x512xi1>, vector<64x512xi32>
    %reduce_min3A_105 = arith.constant dense<2147483647> : vector<64xi32>
    %reduce_min3A_106 = vector.multi_reduction <minsi>, %select_n3A_104, %reduce_min3A_105 [1] : vector<64x512xi32> to vector<64xi32>
    %broadcast_in_dim3A_107 = vector.shape_cast %reduce_min3A_106 : vector<64xi32> to vector<64x1xi32>
    %jit3A_108 = arith.constant -1.000000e+30 : f32
    %broadcast_in_dim3A_109 = vector.broadcast %jit3A_108 : f32 to vector<64x512xf32>
    %select_n3A_110 = arith.select %eq3A_101, %broadcast_in_dim3A_109, %select_n3A_96 : vector<64x512xi1>, vector<64x512xf32>
    %reduce_max3A_111 = arith.constant dense<0xFF800000> : vector<64xf32>
    %reduce_max3A_112 = vector.multi_reduction <maximumf>, %select_n3A_110, %reduce_max3A_111 [1] : vector<64x512xf32> to vector<64xf32>
    %broadcast_in_dim3A_113 = vector.shape_cast %reduce_max3A_112 : vector<64xf32> to vector<64x1xf32>
    %eq3A_114 = vector.broadcast %broadcast_in_dim3A_113 : vector<64x1xf32> to vector<64x512xf32>
    %eq3A_115 = arith.cmpf oeq, %select_n3A_110, %eq3A_114 : vector<64x512xf32>
    %jit3A_116 = arith.constant 1073741824 : i32
    %broadcast_in_dim3A_117 = vector.broadcast %jit3A_116 : i32 to vector<64x512xi32>
    %select_n3A_118 = arith.select %eq3A_115, %get3A_4, %broadcast_in_dim3A_117 : vector<64x512xi1>, vector<64x512xi32>
    %reduce_min3A_119 = arith.constant dense<2147483647> : vector<64xi32>
    %reduce_min3A_120 = vector.multi_reduction <minsi>, %select_n3A_118, %reduce_min3A_119 [1] : vector<64x512xi32> to vector<64xi32>
    %broadcast_in_dim3A_121 = vector.shape_cast %reduce_min3A_120 : vector<64xi32> to vector<64x1xi32>
    %jit3A_122 = arith.constant -1.000000e+30 : f32
    %broadcast_in_dim3A_123 = vector.broadcast %jit3A_122 : f32 to vector<64x512xf32>
    %select_n3A_124 = arith.select %eq3A_115, %broadcast_in_dim3A_123, %select_n3A_110 : vector<64x512xi1>, vector<64x512xf32>
    %reduce_max3A_125 = arith.constant dense<0xFF800000> : vector<64xf32>
    %reduce_max3A_126 = vector.multi_reduction <maximumf>, %select_n3A_124, %reduce_max3A_125 [1] : vector<64x512xf32> to vector<64xf32>
    %broadcast_in_dim3A_127 = vector.shape_cast %reduce_max3A_126 : vector<64xf32> to vector<64x1xf32>
    %eq3A_128 = vector.broadcast %broadcast_in_dim3A_127 : vector<64x1xf32> to vector<64x512xf32>
    %eq3A_129 = arith.cmpf oeq, %select_n3A_124, %eq3A_128 : vector<64x512xf32>
    %jit3A_130 = arith.constant 1073741824 : i32
    %broadcast_in_dim3A_131 = vector.broadcast %jit3A_130 : i32 to vector<64x512xi32>
    %select_n3A_132 = arith.select %eq3A_129, %get3A_4, %broadcast_in_dim3A_131 : vector<64x512xi1>, vector<64x512xi32>
    %reduce_min3A_133 = arith.constant dense<2147483647> : vector<64xi32>
    %reduce_min3A_134 = vector.multi_reduction <minsi>, %select_n3A_132, %reduce_min3A_133 [1] : vector<64x512xi32> to vector<64xi32>
    %broadcast_in_dim3A_135 = vector.shape_cast %reduce_min3A_134 : vector<64xi32> to vector<64x1xi32>
    %jit3A_136 = arith.constant -1.000000e+30 : f32
    %broadcast_in_dim3A_137 = vector.broadcast %jit3A_136 : f32 to vector<64x512xf32>
    %select_n3A_138 = arith.select %eq3A_129, %broadcast_in_dim3A_137, %select_n3A_124 : vector<64x512xi1>, vector<64x512xf32>
    %reduce_max3A_139 = arith.constant dense<0xFF800000> : vector<64xf32>
    %reduce_max3A_140 = vector.multi_reduction <maximumf>, %select_n3A_138, %reduce_max3A_139 [1] : vector<64x512xf32> to vector<64xf32>
    %broadcast_in_dim3A_141 = vector.shape_cast %reduce_max3A_140 : vector<64xf32> to vector<64x1xf32>
    %eq3A_142 = vector.broadcast %broadcast_in_dim3A_141 : vector<64x1xf32> to vector<64x512xf32>
    %eq3A_143 = arith.cmpf oeq, %select_n3A_138, %eq3A_142 : vector<64x512xf32>
    %jit3A_144 = arith.constant 1073741824 : i32
    %broadcast_in_dim3A_145 = vector.broadcast %jit3A_144 : i32 to vector<64x512xi32>
    %select_n3A_146 = arith.select %eq3A_143, %get3A_4, %broadcast_in_dim3A_145 : vector<64x512xi1>, vector<64x512xi32>
    %reduce_min3A_147 = arith.constant dense<2147483647> : vector<64xi32>
    %reduce_min3A_148 = vector.multi_reduction <minsi>, %select_n3A_146, %reduce_min3A_147 [1] : vector<64x512xi32> to vector<64xi32>
    %broadcast_in_dim3A_149 = vector.shape_cast %reduce_min3A_148 : vector<64xi32> to vector<64x1xi32>
    %jit3A_150 = arith.constant -1.000000e+30 : f32
    %broadcast_in_dim3A_151 = vector.broadcast %jit3A_150 : f32 to vector<64x512xf32>
    %select_n3A_152 = arith.select %eq3A_143, %broadcast_in_dim3A_151, %select_n3A_138 : vector<64x512xi1>, vector<64x512xf32>
    %reduce_max3A_153 = arith.constant dense<0xFF800000> : vector<64xf32>
    %reduce_max3A_154 = vector.multi_reduction <maximumf>, %select_n3A_152, %reduce_max3A_153 [1] : vector<64x512xf32> to vector<64xf32>
    %broadcast_in_dim3A_155 = vector.shape_cast %reduce_max3A_154 : vector<64xf32> to vector<64x1xf32>
    %eq3A_156 = vector.broadcast %broadcast_in_dim3A_155 : vector<64x1xf32> to vector<64x512xf32>
    %eq3A_157 = arith.cmpf oeq, %select_n3A_152, %eq3A_156 : vector<64x512xf32>
    %jit3A_158 = arith.constant 1073741824 : i32
    %broadcast_in_dim3A_159 = vector.broadcast %jit3A_158 : i32 to vector<64x512xi32>
    %select_n3A_160 = arith.select %eq3A_157, %get3A_4, %broadcast_in_dim3A_159 : vector<64x512xi1>, vector<64x512xi32>
    %reduce_min3A_161 = arith.constant dense<2147483647> : vector<64xi32>
    %reduce_min3A_162 = vector.multi_reduction <minsi>, %select_n3A_160, %reduce_min3A_161 [1] : vector<64x512xi32> to vector<64xi32>
    %broadcast_in_dim3A_163 = vector.shape_cast %reduce_min3A_162 : vector<64xi32> to vector<64x1xi32>
    %jit3A_164 = arith.constant -1.000000e+30 : f32
    %broadcast_in_dim3A_165 = vector.broadcast %jit3A_164 : f32 to vector<64x512xf32>
    %select_n3A_166 = arith.select %eq3A_157, %broadcast_in_dim3A_165, %select_n3A_152 : vector<64x512xi1>, vector<64x512xf32>
    %reduce_max3A_167 = arith.constant dense<0xFF800000> : vector<64xf32>
    %reduce_max3A_168 = vector.multi_reduction <maximumf>, %select_n3A_166, %reduce_max3A_167 [1] : vector<64x512xf32> to vector<64xf32>
    %broadcast_in_dim3A_169 = vector.shape_cast %reduce_max3A_168 : vector<64xf32> to vector<64x1xf32>
    %eq3A_170 = vector.broadcast %broadcast_in_dim3A_169 : vector<64x1xf32> to vector<64x512xf32>
    %eq3A_171 = arith.cmpf oeq, %select_n3A_166, %eq3A_170 : vector<64x512xf32>
    %jit3A_172 = arith.constant 1073741824 : i32
    %broadcast_in_dim3A_173 = vector.broadcast %jit3A_172 : i32 to vector<64x512xi32>
    %select_n3A_174 = arith.select %eq3A_171, %get3A_4, %broadcast_in_dim3A_173 : vector<64x512xi1>, vector<64x512xi32>
    %reduce_min3A_175 = arith.constant dense<2147483647> : vector<64xi32>
    %reduce_min3A_176 = vector.multi_reduction <minsi>, %select_n3A_174, %reduce_min3A_175 [1] : vector<64x512xi32> to vector<64xi32>
    %broadcast_in_dim3A_177 = vector.shape_cast %reduce_min3A_176 : vector<64xi32> to vector<64x1xi32>
    %jit3A_178 = arith.constant -1.000000e+30 : f32
    %broadcast_in_dim3A_179 = vector.broadcast %jit3A_178 : f32 to vector<64x512xf32>
    %select_n3A_180 = arith.select %eq3A_171, %broadcast_in_dim3A_179, %select_n3A_166 : vector<64x512xi1>, vector<64x512xf32>
    %reduce_max3A_181 = arith.constant dense<0xFF800000> : vector<64xf32>
    %reduce_max3A_182 = vector.multi_reduction <maximumf>, %select_n3A_180, %reduce_max3A_181 [1] : vector<64x512xf32> to vector<64xf32>
    %broadcast_in_dim3A_183 = vector.shape_cast %reduce_max3A_182 : vector<64xf32> to vector<64x1xf32>
    %eq3A_184 = vector.broadcast %broadcast_in_dim3A_183 : vector<64x1xf32> to vector<64x512xf32>
    %eq3A_185 = arith.cmpf oeq, %select_n3A_180, %eq3A_184 : vector<64x512xf32>
    %jit3A_186 = arith.constant 1073741824 : i32
    %broadcast_in_dim3A_187 = vector.broadcast %jit3A_186 : i32 to vector<64x512xi32>
    %select_n3A_188 = arith.select %eq3A_185, %get3A_4, %broadcast_in_dim3A_187 : vector<64x512xi1>, vector<64x512xi32>
    %reduce_min3A_189 = arith.constant dense<2147483647> : vector<64xi32>
    %reduce_min3A_190 = vector.multi_reduction <minsi>, %select_n3A_188, %reduce_min3A_189 [1] : vector<64x512xi32> to vector<64xi32>
    %broadcast_in_dim3A_191 = vector.shape_cast %reduce_min3A_190 : vector<64xi32> to vector<64x1xi32>
    %jit3A_192 = arith.constant -1.000000e+30 : f32
    %broadcast_in_dim3A_193 = vector.broadcast %jit3A_192 : f32 to vector<64x512xf32>
    %select_n3A_194 = arith.select %eq3A_185, %broadcast_in_dim3A_193, %select_n3A_180 : vector<64x512xi1>, vector<64x512xf32>
    %reduce_max3A_195 = arith.constant dense<0xFF800000> : vector<64xf32>
    %reduce_max3A_196 = vector.multi_reduction <maximumf>, %select_n3A_194, %reduce_max3A_195 [1] : vector<64x512xf32> to vector<64xf32>
    %broadcast_in_dim3A_197 = vector.shape_cast %reduce_max3A_196 : vector<64xf32> to vector<64x1xf32>
    %eq3A_198 = vector.broadcast %broadcast_in_dim3A_197 : vector<64x1xf32> to vector<64x512xf32>
    %eq3A_199 = arith.cmpf oeq, %select_n3A_194, %eq3A_198 : vector<64x512xf32>
    %jit3A_200 = arith.constant 1073741824 : i32
    %broadcast_in_dim3A_201 = vector.broadcast %jit3A_200 : i32 to vector<64x512xi32>
    %select_n3A_202 = arith.select %eq3A_199, %get3A_4, %broadcast_in_dim3A_201 : vector<64x512xi1>, vector<64x512xi32>
    %reduce_min3A_203 = arith.constant dense<2147483647> : vector<64xi32>
    %reduce_min3A_204 = vector.multi_reduction <minsi>, %select_n3A_202, %reduce_min3A_203 [1] : vector<64x512xi32> to vector<64xi32>
    %broadcast_in_dim3A_205 = vector.shape_cast %reduce_min3A_204 : vector<64xi32> to vector<64x1xi32>
    %jit3A_206 = arith.constant -1.000000e+30 : f32
    %broadcast_in_dim3A_207 = vector.broadcast %jit3A_206 : f32 to vector<64x512xf32>
    %select_n3A_208 = arith.select %eq3A_199, %broadcast_in_dim3A_207, %select_n3A_194 : vector<64x512xi1>, vector<64x512xf32>
    %reduce_max3A_209 = arith.constant dense<0xFF800000> : vector<64xf32>
    %reduce_max3A_210 = vector.multi_reduction <maximumf>, %select_n3A_208, %reduce_max3A_209 [1] : vector<64x512xf32> to vector<64xf32>
    %broadcast_in_dim3A_211 = vector.shape_cast %reduce_max3A_210 : vector<64xf32> to vector<64x1xf32>
    %eq3A_212 = vector.broadcast %broadcast_in_dim3A_211 : vector<64x1xf32> to vector<64x512xf32>
    %eq3A_213 = arith.cmpf oeq, %select_n3A_208, %eq3A_212 : vector<64x512xf32>
    %jit3A_214 = arith.constant 1073741824 : i32
    %broadcast_in_dim3A_215 = vector.broadcast %jit3A_214 : i32 to vector<64x512xi32>
    %select_n3A_216 = arith.select %eq3A_213, %get3A_4, %broadcast_in_dim3A_215 : vector<64x512xi1>, vector<64x512xi32>
    %reduce_min3A_217 = arith.constant dense<2147483647> : vector<64xi32>
    %reduce_min3A_218 = vector.multi_reduction <minsi>, %select_n3A_216, %reduce_min3A_217 [1] : vector<64x512xi32> to vector<64xi32>
    %broadcast_in_dim3A_219 = vector.shape_cast %reduce_min3A_218 : vector<64xi32> to vector<64x1xi32>
    %concatenate3A = tpu.concatenate %broadcast_in_dim3A_9, %broadcast_in_dim3A_23, %broadcast_in_dim3A_37, %broadcast_in_dim3A_51, %broadcast_in_dim3A_65, %broadcast_in_dim3A_79, %broadcast_in_dim3A_93, %broadcast_in_dim3A_107, %broadcast_in_dim3A_121, %broadcast_in_dim3A_135, %broadcast_in_dim3A_149, %broadcast_in_dim3A_163, %broadcast_in_dim3A_177, %broadcast_in_dim3A_191, %broadcast_in_dim3A_205, %broadcast_in_dim3A_219 in 1 : vector<64x1xi32>, vector<64x1xi32>, vector<64x1xi32>, vector<64x1xi32>, vector<64x1xi32>, vector<64x1xi32>, vector<64x1xi32>, vector<64x1xi32>, vector<64x1xi32>, vector<64x1xi32>, vector<64x1xi32>, vector<64x1xi32>, vector<64x1xi32>, vector<64x1xi32>, vector<64x1xi32>, vector<64x1xi32> -> vector<64x16xi32>
    %swap3A = arith.constant 0 : index
    %swap3A_220 = arith.constant 0 : index
    %swap3A_221 = vector.load %arg3[%swap3A, %swap3A_220] : memref<64x16xi32, #tpu.memory_space<vmem>>, vector<64x16xi32>
    tpu.vector_store %arg3[%swap3A, %swap3A_220], %concatenate3A {strides = array<i32>} : memref<64x16xi32, #tpu.memory_space<vmem>>, vector<64x16xi32>,
    return
  }
  func.func @transform_0(%arg0: i32) -> (i32, i32) {
    %c0_i32 = arith.constant 0 : i32
    %c0_i32_0 = arith.constant 0 : i32
    return %arg0, %c0_i32 : i32, i32
  }
  func.func @transform_1(%arg0: i32) -> (i32, i32) {
    %c0_i32 = arith.constant 0 : i32
    %c0_i32_0 = arith.constant 0 : i32
    return %arg0, %c0_i32 : i32, i32
  }
  func.func @transform_2(%arg0: i32) -> (i32, i32) {
    %c0_i32 = arith.constant 0 : i32
    %c0_i32_0 = arith.constant 0 : i32
    return %arg0, %c0_i32 : i32, i32
  }
}

module attributes {stable_mosaic.version = 14 : i64} {
  func.func @_mlp_kernel(%arg0: i32, %arg1: memref<2048x128xf32, #tpu.memory_space<vmem>>, %arg2: memref<2048x1xf32, #tpu.memory_space<vmem>>, %arg3: memref<128x16x64xf32, #tpu.memory_space<vmem>>, %arg4: memref<64x128xf32, #tpu.memory_space<vmem>>, %arg5: memref<1x128xf32, #tpu.memory_space<vmem>>, %arg6: memref<128x64xf32, #tpu.memory_space<vmem>>, %arg7: memref<1x64xf32, #tpu.memory_space<vmem>>, %arg8: memref<128x16x64xf32, #tpu.memory_space<vmem>>) attributes {dimension_semantics = [#tpu.dimension_semantics<arbitrary>], iteration_bounds = array<i64: 8>, scalar_prefetch = 0 : i64, scratch_operands = 0 : i64, tpu.core_type = #tpu.core_type<tc>, window_params = [{transform_indices = @transform_0, window_bounds = array<i64: 2048, 128>}, {transform_indices = @transform_1, window_bounds = array<i64: 2048, 1>}, {transform_indices = @transform_2, window_bounds = array<i64: 128, 16, 64>}, {pipeline_mode = #tpu.pipeline_mode<synchronous>, transform_indices = @transform_3, window_bounds = array<i64: 64, 128>}, {pipeline_mode = #tpu.pipeline_mode<synchronous>, transform_indices = @transform_4, window_bounds = array<i64: 1, 128>}, {pipeline_mode = #tpu.pipeline_mode<synchronous>, transform_indices = @transform_5, window_bounds = array<i64: 128, 64>}, {pipeline_mode = #tpu.pipeline_mode<synchronous>, transform_indices = @transform_6, window_bounds = array<i64: 1, 64>}, {transform_indices = @transform_7, window_bounds = array<i64: 128, 16, 64>}]} {
    %get3A = arith.constant 0 : index
    %get3A_0 = arith.constant 0 : index
    %get3A_1 = vector.load %arg1[%get3A, %get3A_0] : memref<2048x128xf32, #tpu.memory_space<vmem>>, vector<2048x128xf32>
    %get3A_2 = arith.constant 0 : index
    %get3A_3 = arith.constant 0 : index
    %get3A_4 = vector.load %arg2[%get3A_2, %get3A_3] : memref<2048x1xf32, #tpu.memory_space<vmem>>, vector<2048x1xf32>
    %gt3A = arith.constant 5.000000e-01 : f32
    %gt3A_5 = vector.broadcast %gt3A : f32 to vector<2048x1xf32>
    %gt3A_6 = arith.cmpf ogt, %get3A_4, %gt3A_5 : vector<2048x1xf32>
    %slice3A = vector.extract_strided_slice %get3A_1 {offsets = [0, 64], sizes = [2048, 64], strides = [1, 1]} : vector<2048x128xf32> to vector<2048x64xf32>
    %slice3A_7 = vector.extract_strided_slice %get3A_1 {offsets = [0, 0], sizes = [2048, 64], strides = [1, 1]} : vector<2048x128xf32> to vector<2048x64xf32>
    %broadcast_in_dim3A = vector.shape_cast %gt3A_6 : vector<2048x1xi1> to vector<2048x1xi1>
    %broadcast_in_dim3A_8 = vector.broadcast %broadcast_in_dim3A : vector<2048x1xi1> to vector<2048x64xi1>
    %select_n3A = arith.select %broadcast_in_dim3A_8, %slice3A, %slice3A_7 : vector<2048x64xi1>, vector<2048x64xf32>
    %get3A_9 = arith.constant 0 : index
    %get3A_10 = arith.constant 0 : index
    %get3A_11 = vector.load %arg4[%get3A_9, %get3A_10] : memref<64x128xf32, #tpu.memory_space<vmem>>, vector<64x128xf32>
    %dot_general3A = arith.constant dense<0.000000e+00> : vector<2048x128xf32>
    %dot_general3A_12 = tpu.matmul %select_n3A, %get3A_11, %dot_general3A {dimension_numbers = #tpu.dot_dimension_numbers<[1], [0], [0], [1], [0, 0, 1, 1], [], []>, transpose_lhs_hint = false} : vector<2048x64xf32>, vector<64x128xf32>, vector<2048x128xf32> -> vector<2048x128xf32>
    %get3A_13 = arith.constant 0 : index
    %get3A_14 = arith.constant 0 : index
    %get3A_15 = vector.load %arg5[%get3A_13, %get3A_14] : memref<1x128xf32, #tpu.memory_space<vmem>>, vector<1x128xf32>
    %add3A = vector.broadcast %get3A_15 : vector<1x128xf32> to vector<2048x128xf32>
    %add3A_16 = arith.addf %dot_general3A_12, %add3A : vector<2048x128xf32>
    %integer_pow3A = arith.mulf %add3A_16, %add3A_16 : vector<2048x128xf32>
    %integer_pow3A_17 = arith.mulf %add3A_16, %integer_pow3A : vector<2048x128xf32>
    %mul3A = arith.constant 4.471500e-02 : f32
    %mul3A_18 = vector.broadcast %mul3A : f32 to vector<2048x128xf32>
    %mul3A_19 = arith.mulf %mul3A_18, %integer_pow3A_17 : vector<2048x128xf32>
    %add3A_20 = arith.addf %add3A_16, %mul3A_19 : vector<2048x128xf32>
    %mul3A_21 = arith.constant 0.797884583 : f32
    %mul3A_22 = vector.broadcast %mul3A_21 : f32 to vector<2048x128xf32>
    %mul3A_23 = arith.mulf %mul3A_22, %add3A_20 : vector<2048x128xf32>
    %tanh3A = math.tanh %mul3A_23 : vector<2048x128xf32>
    %add3A_24 = arith.constant 1.000000e+00 : f32
    %add3A_25 = vector.broadcast %add3A_24 : f32 to vector<2048x128xf32>
    %add3A_26 = arith.addf %add3A_25, %tanh3A : vector<2048x128xf32>
    %mul3A_27 = arith.constant 5.000000e-01 : f32
    %mul3A_28 = vector.broadcast %mul3A_27 : f32 to vector<2048x128xf32>
    %mul3A_29 = arith.mulf %mul3A_28, %add3A_26 : vector<2048x128xf32>
    %mul3A_30 = arith.mulf %add3A_16, %mul3A_29 : vector<2048x128xf32>
    %get3A_31 = arith.constant 0 : index
    %get3A_32 = arith.constant 0 : index
    %get3A_33 = vector.load %arg6[%get3A_31, %get3A_32] : memref<128x64xf32, #tpu.memory_space<vmem>>, vector<128x64xf32>
    %dot_general3A_34 = arith.constant dense<0.000000e+00> : vector<2048x64xf32>
    %dot_general3A_35 = tpu.matmul %mul3A_30, %get3A_33, %dot_general3A_34 {dimension_numbers = #tpu.dot_dimension_numbers<[1], [0], [0], [1], [0, 0, 1, 1], [], []>, transpose_lhs_hint = false} : vector<2048x128xf32>, vector<128x64xf32>, vector<2048x64xf32> -> vector<2048x64xf32>
    %get3A_36 = arith.constant 0 : index
    %get3A_37 = arith.constant 0 : index
    %get3A_38 = vector.load %arg7[%get3A_36, %get3A_37] : memref<1x64xf32, #tpu.memory_space<vmem>>, vector<1x64xf32>
    %add3A_39 = vector.broadcast %get3A_38 : vector<1x64xf32> to vector<2048x64xf32>
    %add3A_40 = arith.addf %dot_general3A_35, %add3A_39 : vector<2048x64xf32>
    %reshape3A = vector.shape_cast %add3A_40 : vector<2048x64xf32> to vector<128x16x64xf32>
    %reduce_sum3A = arith.constant dense<0.000000e+00> : vector<128x64xf32>
    %reduce_sum3A_41 = vector.multi_reduction <add>, %reshape3A, %reduce_sum3A [1] : vector<128x16x64xf32> to vector<128x64xf32>
    %div3A = arith.constant 1.600000e+01 : f32
    %div3A_42 = vector.broadcast %div3A : f32 to vector<128x64xf32>
    %div3A_43 = arith.divf %reduce_sum3A_41, %div3A_42 : vector<128x64xf32>
    %get3A_44 = arith.constant 0 : index
    %get3A_45 = arith.constant 0 : index
    %get3A_46 = arith.constant 0 : index
    %get3A_47 = vector.load %arg3[%get3A_44, %get3A_45, %get3A_46] : memref<128x16x64xf32, #tpu.memory_space<vmem>>, vector<128x16x64xf32>
    %broadcast_in_dim3A_48 = vector.shape_cast %div3A_43 : vector<128x64xf32> to vector<128x1x64xf32>
    %add3A_49 = vector.broadcast %broadcast_in_dim3A_48 : vector<128x1x64xf32> to vector<128x16x64xf32>
    %add3A_50 = arith.addf %get3A_47, %add3A_49 : vector<128x16x64xf32>
    %swap3A = arith.constant 0 : index
    %swap3A_51 = arith.constant 0 : index
    %swap3A_52 = arith.constant 0 : index
    %swap3A_53 = vector.load %arg8[%swap3A, %swap3A_51, %swap3A_52] : memref<128x16x64xf32, #tpu.memory_space<vmem>>, vector<128x16x64xf32>
    tpu.vector_store %arg8[%swap3A, %swap3A_51, %swap3A_52], %add3A_50 {strides = array<i32>} : memref<128x16x64xf32, #tpu.memory_space<vmem>>, vector<128x16x64xf32>,
    return
  }
  func.func @transform_0(%arg0: i32) -> (i32, i32) {
    %c0_i32 = arith.constant 0 : i32
    %c0_i32_0 = arith.constant 0 : i32
    return %arg0, %c0_i32 : i32, i32
  }
  func.func @transform_1(%arg0: i32) -> (i32, i32) {
    %c0_i32 = arith.constant 0 : i32
    %c0_i32_0 = arith.constant 0 : i32
    return %arg0, %c0_i32 : i32, i32
  }
  func.func @transform_2(%arg0: i32) -> (i32, i32, i32) {
    %c0_i32 = arith.constant 0 : i32
    %c0_i32_0 = arith.constant 0 : i32
    %c0_i32_1 = arith.constant 0 : i32
    return %arg0, %c0_i32, %c0_i32_0 : i32, i32, i32
  }
  func.func @transform_3(%arg0: i32) -> (i32, i32) {
    %c0_i32 = arith.constant 0 : i32
    %c0_i32_0 = arith.constant 0 : i32
    %c0_i32_1 = arith.constant 0 : i32
    return %c0_i32, %c0_i32_0 : i32, i32
  }
  func.func @transform_4(%arg0: i32) -> (i32, i32) {
    %c0_i32 = arith.constant 0 : i32
    %c0_i32_0 = arith.constant 0 : i32
    %c0_i32_1 = arith.constant 0 : i32
    return %c0_i32, %c0_i32_0 : i32, i32
  }
  func.func @transform_5(%arg0: i32) -> (i32, i32) {
    %c0_i32 = arith.constant 0 : i32
    %c0_i32_0 = arith.constant 0 : i32
    %c0_i32_1 = arith.constant 0 : i32
    return %c0_i32, %c0_i32_0 : i32, i32
  }
  func.func @transform_6(%arg0: i32) -> (i32, i32) {
    %c0_i32 = arith.constant 0 : i32
    %c0_i32_0 = arith.constant 0 : i32
    %c0_i32_1 = arith.constant 0 : i32
    return %c0_i32, %c0_i32_0 : i32, i32
  }
  func.func @transform_7(%arg0: i32) -> (i32, i32, i32) {
    %c0_i32 = arith.constant 0 : i32
    %c0_i32_0 = arith.constant 0 : i32
    %c0_i32_1 = arith.constant 0 : i32
    return %arg0, %c0_i32, %c0_i32_0 : i32, i32, i32
  }
}

</mosaic_0001>

<sc_bundles>
// kernel: kernel.10.cloned.1.call-start
scs
__scs_entry_jumppad:
0x0: {  	(pc) =	sbr.rel $0x88, $3  }
0x1: {  	(tag) =	ssettag $0x0;
	lr =	simm.s32 $0x1  }
0x2: {  	[smem:$0x3F9B] =	sst lr;
	_ =	strace $0xD0000000  }
0x3: {  	_ = 	snop  }
0x4: {  	_ = 	snop  }
0x5: {  	_ = 	snop  }
0x6: {  	_ = 	snop  }
0x7: {  	_ = 	snop  }
__scs_overlays_trampoline_lowered:
0x8: {  	[smem:$0x3FAA] =	sst s0  }
0x9: {  	[smem:$0x3FAB] =	sst s1  }
0xa: {  	[smem:$0x3FAC] =	sst s2  }
0xb: {  	[smem:$0x3FAD] =	sst s3  }
0xc: {  	[smem:$0x3FAE] =	sst s4  }
0xd: {  	[smem:$0x3FAF] =	sst s5  }
0xe: {  	[smem:$0x3FB0] =	sst s6  }
0xf: {  	[smem:$0x3FB1] =	sst s7  }
0x10: {  	[smem:$0x3FB2] =	sst s8  }
0x11: {  	[smem:$0x3FB3] =	sst s9;
	s0 =	simm.s32 @!p0 $0x0  }
0x12: {  	s1 =	sld [smem:$0x3F99];
	s0 =	simm.s32 @p0 $0x1  }
0x13: {  	[smem:$0x3FB4] =	sst s0;
	s0 =	simm.s32 @!p1 $0x0  }
0x14: {  	s2 =	sld [smem:$0x3F98];
	s0 =	simm.s32 @p1 $0x1  }
0x15: {  	[smem:$0x3FB5] =	sst s0;
	s0 =	simm.s32 @!p2 $0x0  }
0x16: {  	s3 =	sld [smem:$0x3FDB];
	s0 =	simm.s32 @p2 $0x1  }
0x17: {  	s4 =	simm.s32 $0x1BF5;
	[smem:$0x3FB7] =	sst s0  }
0x18: {  	s0 =	sld [smem:$0x3F9A];
	_ =	swait.ge [sflag:s4], $0x0  }
0x19: {  	s7 =	sld [smem:$0x3F9B]  }
0x1a: {  	s8 =	sadd.s32 $0xFFFFE003, lr  }
0x1b: {  	s9 =	sadd.s32 $0xFFFFFEF7, lr;
	s5 =	simm.s32 $0xFFFFFFFF;
	p2 =	slt.u32 s8, $0xFFFFF086  }
0x1c: {  	p1 =	slt.u32 s9, $0xF7A;
	s5 =	simm.s32 @!p2 $0x0  }
0x1d: {  	s5 =	simm.s32 @p1 $0x1;
	p0 =	seq.s32 s7, s2  }
0x1e: {  	s7 =	smul.u32 @!p0 $0xF7A, s2;
	p2 =	seq.s32 @!p0 s5, $0x0  }
0x1f: {  	s9 =	smul.u32 $0xF7A, s1;
	s8 =	simm.s32 @!p0 $0x1BF5;
	p2 =	por !p2, p0  }
0x20: {  	[sflag:s8] =	ssyncset.s32 @!p0 $0xFFFFF086;
	s6 =	sadd.s32 @!p0 s3, s7;
	s7 =	simm.s32 @!p0 $0x108  }
0x21: {  	s3 =	sadd.s32 s3, s9;
	s6 =	sadd.s32 @!p0 $0x88, s6;
	s7 =	simm.s32 @p2 $0x1082  }
0x22: {  	[simem:s7], [sflag:s8] =	dma.local @!p0 [hbm:s6], $0xF7A  }
0x23: {  	s9 =	sor.u32 $0xD0000000, s2;
	s6 =	simm.s32 $0x108;
	_ =	swait.ge @!p0 [sflag:s8], $0x0  }
0x24: {  	s3 =	sadd.s32 $0x88, s3;
	s6 =	simm.s32 @!p1 $0x1082;
	[sflag:s4] =	ssyncset.s32 $0xFFFFF086  }
0x25: {  	[simem:s6], [sflag:s4] =	dma.local [hbm:s3], $0xF7A  }
0x26: {  	[smem:$0x3F9B] =	sst s1;
	(tag) =	ssettag s2;
	_ =	strace s9  }
0x27: {  	s1 =	sld [smem:$0x3FAB]  }
0x28: {  	s2 =	sld [smem:$0x3FAC]  }
0x29: {  	s4 =	sld [smem:$0x3FAE]  }
0x2a: {  	p0 =	seq.s32 s5, $0x0;
	s5 =	sld [smem:$0x3FAF]  }
0x2b: {  	s6 =	sld [smem:$0x3FB0]  }
0x2c: {  	s7 =	sld [smem:$0x3FB1]  }
0x2d: {  	s3 =	simm.s32 $0x108;
	s8 =	sld [smem:$0x3FB2]  }
0x2e: {  	s3 =	simm.s32 @!p0 $0x1082;
	s9 =	sld [smem:$0x3FB3]  }
0x2f: {  	lr =	sadd.s32 s0, s3;
	s0 =	sld [smem:$0x3FAA]  }
0x30: {  	s3 =	sld [smem:$0x3FAD]  }
0x31: {  	[smem:$0x3FB6] =	sst s10  }
0x32: {  	s10 =	sld [smem:$0x3FB4];
	_ =	sdelay $0x3  }
0x33: {  	p0 =	seq.s32 s10, $0x1;
	s10 =	sld [smem:$0x3FB6];
	_ =	sdelay $0x3  }
0x34: {  	[smem:$0x3FB6] =	sst s10  }
0x35: {  	s10 =	sld [smem:$0x3FB5];
	_ =	sdelay $0x3  }
0x36: {  	p1 =	seq.s32 s10, $0x1;
	s10 =	sld [smem:$0x3FB6];
	_ =	sdelay $0x3  }
0x37: {  	[smem:$0x3FB6] =	sst s10  }
0x38: {  	s10 =	sld [smem:$0x3FB7]  }
0x39: {  	_ = 	snop;
	(pc) =	sbr.ind lr, $3  }
0x3a: {  	_ = 	snop  }
0x3b: {  	_ = 	snop  }
0x3c: {  	p2 =	seq.s32 s10, $0x1;
	s10 =	sld [smem:$0x3FB6]  }
0x3d: {  	_ =	shalt  }
0x3e: {  	_ =	shalt  }
0x3f: {  	_ =	shalt  }
0x40: {  	_ =	shalt  }
0x41: {  	_ =	shalt  }
0x42: {  	_ =	shalt  }
0x43: {  	_ =	shalt  }
0x44: {  	_ =	shalt  }
0x45: {  	_ =	shalt  }
0x46: {  	_ =	shalt  }
0x47: {  	_ =	shalt  }
0x48: {  	_ =	shalt  }
0x49: {  	_ =	shalt  }
0x4a: {  	_ =	shalt  }
0x4b: {  	_ =	shalt  }
0x4c: {  	_ =	shalt  }
0x4d: {  	_ =	shalt  }
0x4e: {  	_ =	shalt  }
0x4f: {  	_ =	shalt  }
0x50: {  	_ =	shalt  }
0x51: {  	_ =	shalt  }
0x52: {  	_ =	shalt  }
0x53: {  	_ =	shalt  }
0x54: {  	_ =	shalt  }
0x55: {  	_ =	shalt  }
0x56: {  	_ =	shalt  }
0x57: {  	_ =	shalt  }
0x58: {  	_ =	shalt  }
0x59: {  	_ =	shalt  }
0x5a: {  	_ =	shalt  }
0x5b: {  	_ =	shalt  }
0x5c: {  	_ =	shalt  }
0x5d: {  	_ =	shalt  }
0x5e: {  	_ =	shalt  }
0x5f: {  	_ =	shalt  }
0x60: {  	_ =	shalt  }
0x61: {  	_ =	shalt  }
0x62: {  	_ =	shalt  }
0x63: {  	_ =	shalt  }
0x64: {  	_ =	shalt  }
0x65: {  	_ =	shalt  }
0x66: {  	_ =	shalt  }
0x67: {  	_ =	shalt  }
0x68: {  	_ =	shalt  }
0x69: {  	_ =	shalt  }
0x6a: {  	_ =	shalt  }
0x6b: {  	_ =	shalt  }
0x6c: {  	_ =	shalt  }
0x6d: {  	_ =	shalt  }
0x6e: {  	_ =	shalt  }
0x6f: {  	_ =	shalt  }
0x70: {  	_ =	shalt  }
0x71: {  	_ =	shalt  }
0x72: {  	_ =	shalt  }
0x73: {  	_ =	shalt  }
0x74: {  	_ =	shalt  }
0x75: {  	_ =	shalt  }
0x76: {  	_ =	shalt  }
0x77: {  	_ =	shalt  }
0x78: {  	_ =	shalt  }
0x79: {  	_ =	shalt  }
0x7a: {  	_ =	shalt  }
0x7b: {  	_ =	shalt  }
0x7c: {  	_ =	shalt  }
0x7d: {  	_ =	shalt  }
0x7e: {  	_ =	shalt  }
0x7f: {  	_ =	shalt  }
0x80: {  	_ =	shalt  }
0x81: {  	_ =	shalt  }
0x82: {  	_ =	shalt  }
0x83: {  	_ =	shalt  }
0x84: {  	_ =	shalt  }
0x85: {  	_ =	shalt  }
0x86: {  	_ =	shalt  }
0x87: {  	_ =	shalt  }
.Lfunc_end0:
.L_simem_size_0:
called_computation_lowered:
.L_overlay_start_0:
0x88: {  	s2 =	sld [smem:$0x3FD9]  }
0x89: {  	s3 =	sld [smem:$0x3FFE];
	_ =	sdelay $0x1  }
0x8a: {  	s1 =	srdreg.scid  }
0x8b: {  	s0 =	sand.u32 $0x1, s1  }
0x8c: {  	s16 =	sshll.u32 s0, $0xA;
	s2 =	sadd.s32 s3, s2  }
0x8d: {  	s2 =	sadd.s32 s2, s16  }
0x8e: {  	[smem:$0x3FC2] =	sst s2  }
0x8f: {  	_ = 	snop  }
0x90: {  	(tm) =	ssettm $0x1  }
0x91: {  	s17 =	sld [smem:$0x3FFB];
	_ =	sdelay $0x3  }
0x92: {  	_ =	strace s17  }
0x93: {  	s2 =	sld [smem:$0x3FFC];
	_ =	sdelay $0x3  }
0x94: {  	_ =	strace s2  }
0x95: {  	s2 =	sld [smem:$0x3FFD];
	_ =	sdelay $0x3  }
0x96: {  	_ =	strace s2  }
0x97: {  	_ =	strace $0x8FFFFFFF  }
0x98: {  	s18 =	sld [smem:$0x3FDB];
	_ =	sdelay $0x1  }
0x99: {  	s19 =	simm.s32 $_scs_section_size  }
0x9a: {  	s4 =	simm.s32 $_size__tile_overlayer_lowered;
	s5 =	simm.s32 $_tile_overlayer_lowered  }
0x9b: {  	s22 =	simm.s32 $0x1BFF;
	s21 =	sshll.u32 s5, $0x1;
	s2 =	sadd.s32 s19, s18  }
0x9c: {  	s6 =	simm.s32 $0x0;
	s20 =	sshll.u32 s4, $0x1;
	s4 =	sadd.s32 s21, s2  }
0x9d: {  	[timem:s6], [sflag:s22] =	dma.local [hbm:s4], s20  }
0x9e: {  	_ =	swait.ge [sflag:s22], s20  }
0x9f: {  	s3 =	ssub.s32 $0x0, s20;
	[sflag:s22] =	ssyncset.done $0x0  }
0xa0: {  	[sflag:s22] =	ssyncadd.s32 s3;
	_ =	sdelay $0x1  }
0xa1: {  	s23 =	simm.s32 $0x1B8B  }
0xa2: {  	_ =	swait.ge [sflag:s23], $0x1  }
0xa3: {  	[sflag:s23] =	ssyncset.done $0x0  }
0xa4: {  	s25 =	simm.s32 $0x1B8E;
	s24 =	sld [smem:$0x3FFE];
	[sflag:s23] =	ssyncadd.s32 $0xFFFFFFFF  }
0xa5: {  	s26 =	simm.s32 $execute0_lowered;
	[smem:$0x3FD2] =	sst s25  }
0xa6: {  	s4 =	sshll.u32 s26, $0x1;
	_ =	strace $0x80000046;
	[dreg:$0x1] =	wrdreg $0xFFFFFFFF  }
0xa7: {  	s28 =	simm.s32 $_size_execute0_lowered;
	s2 =	sadd.s32 s2, s4;
	[dreg:$0x0] =	wrdreg $0x0  }
0xa8: {  	s4 =	sshll.u32 s28, $0x1;
	[dreg:$0x2] =	wrdreg s2  }
0xa9: {  	[dreg:$0x3] =	wrdreg s4  }
0xaa: {  	[dreg:$0x4] =	wrdreg $0xC0  }
0xab: {  	_ =	task [dreg:s6], $0x5FFFF  }
0xac: {  	[dreg:$0x1] =	wrdreg $0xFFFFFFFF  }
0xad: {  	[dreg:$0x0] =	wrdreg $0x60  }
0xae: {  	[dreg:$0x2] =	wrdreg s24  }
0xaf: {  	[dreg:$0x3] =	wrdreg $0x9  }
0xb0: {  	_ =	task.clear_ibuf [dreg:s6], $0x4FFFF;
	_ =	strace $0x90000046  }
0xb1: {  	s29 =	simm.s32 $0x9;
	_ =	strace $0x80000048  }
0xb2: {  	_ =	swait.ge [sflag:s29], $0x1  }
0xb3: {  	[sflag:s29] =	ssyncadd.s32 $0xFFFFFFFF  }
0xb4: {  	_ =	strace $0x90000048  }
0xb5: {  	_ =	sfence  }
0xb6: {  	s30 =	sld [smem:$0x0];
	_ =	sdelay $0x2  }
0xb7: {  	s31 =	sshll.u32 s1, $0xD;
	s1 =	sshrl.u32 s1, $0x2  }
0xb8: {  	s3 =	sand.u32 $0x4000, s31;
	s1 =	sadd.s32 s1, s30  }
0xb9: {  	s0 =	sor.u32 s3, s0;
	s1 =	sshll.u32 s1, $0x11  }
0xba: {  	s0 =	sor.u32 s1, s0  }
0xbb: {  	s0 =	sadd.s32 $0x8F2B, s0  }
0xbc: {  	[sflag:s0] =	ssyncadd.remote.s32 $0x1  }
0xbd: {  	_ =	sfence.sel $0xFFFF  }
0xbe: {  	[dreg:$0x0] =	wrdreg $0xFFFFFFFF;
	(pc) =	sbr.abs _section_cstart, $3  }
0xbf: {  	[dreg:$0x1] =	wrdreg $0xFFFFFFFF  }
0xc0: {  	_ =	task.clear_ibuf [dreg:s6], $0x2FFFF;
	_ =	strace $0x9FFFFFFF  }
0xc1: {  	(tm) =	ssettm $0x7FFFFFFF  }
tec
execute0_lowered:
.L_overlay_start_1:
0x0: {  	(tag) =	ssettag $0x1  }
0x1: {  	s0 =	rddreg [dreg:$0x0];
	s1 =	srdreg.scid  }
0x2: {  	s2 =	simm.s32 $0x0;
	s3 =	stileid.u32;
	s29 =	simm.s32 $0x80  }
0x3: {  	s4 =	sand.u32 $0x1, s1;
	[smem:$0x7FF] =	sst s2;
	s12 =	sshll.u32 s3, $0xB  }
0x4: {  	s6 =	sadd.s32 $0x10E000, s0;
	s1 =	sadd.s32 $0x318A00, s0;
	s13 =	sshll.u32 s4, $0xA  }
0x5: {  	_ =	strace $0x80000047;
	s4 =	ssub.s32 $0x2, s4;
	s7 =	sor.u32 s13, s12  }
0x6: {  	s3 =	sshrl.u32 s7, $0x3;
	s5 =	sshll.u32 s7, $0x7;
	s8 =	sor.u32 $0x40, s7  }
0x7: {  	s19 =	sor.u32 $0x80, s7;
	s21 =	sor.u32 $0xC0, s7;
	s26 =	sor.u32 $0x100, s7  }
0x8: {  	s9 =	sor.u32 $0x140, s7;
	s13 =	sor.u32 $0x180, s7;
	s3 =	sadd.s32 s6, s3  }
0x9: {  	s14 =	sadd.s32 s1, s5;
	s15 =	sshrl.u32 s8, $0x3;
	s17 =	sshll.u32 s8, $0x7  }
0xa: {  	s20 =	sshrl.u32 s19, $0x3;
	s5 =	sshll.u32 s19, $0x7;
	s23 =	sshrl.u32 s21, $0x3  }
0xb: {  	s25 =	sshll.u32 s21, $0x7;
	s28 =	sshrl.u32 s26, $0x3;
	[dreg:$0x2] =	wrdreg s3  }
0xc: {  	s8 =	sshll.u32 s26, $0x7;
	[dreg:$0x3] =	wrdreg s14;
	s16 =	sadd.s32 s6, s15  }
0xd: {  	s31 =	sshrl.u32 s9, $0x3;
	s18 =	sadd.s32 s1, s17;
	[dreg:$0x4] =	wrdreg s16  }
0xe: {  	s11 =	sshll.u32 s9, $0x7;
	s3 =	sadd.s32 s6, s20;
	[dreg:$0x5] =	wrdreg s18  }
0xf: {  	s21 =	sor.u32 $0x200, s7;
	s22 =	sadd.s32 s1, s5;
	[dreg:$0x6] =	wrdreg s3  }
0x10: {  	s24 =	sadd.s32 s6, s23;
	s5 =	sadd.s32 s1, s25;
	[dreg:$0x7] =	wrdreg s22  }
0x11: {  	s30 =	sadd.s32 s1, s8;
	s10 =	sadd.s32 s6, s31;
	[dreg:$0x8] =	wrdreg s24  }
0x12: {  	s12 =	sadd.s32 s1, s11;
	s14 =	sshrl.u32 s13, $0x3;
	[dreg:$0x9] =	wrdreg s5  }
0x13: {  	s8 =	sshll.u32 s13, $0x7;
	s15 =	sor.u32 $0x1C0, s7;
	[dreg:$0xb] =	wrdreg s30  }
0x14: {  	s23 =	sshrl.u32 s21, $0x3;
	s31 =	sor.u32 $0x280, s7;
	[dreg:$0xc] =	wrdreg s10  }
0x15: {  	s3 =	sadd.s32 $0x2000, s0;
	s5 =	sadd.s32 s6, s28;
	[dreg:$0xd] =	wrdreg s12  }
0x16: {  	s16 =	sadd.s32 s1, s8;
	s17 =	sshrl.u32 s15, $0x3;
	s19 =	sshll.u32 s15, $0x7  }
0x17: {  	s22 =	sshrl.u32 s4, $0x1;
	s8 =	sshll.u32 s21, $0x7;
	s10 =	sor.u32 $0x240, s7  }
0x18: {  	s11 =	sshll.u32 s31, $0x7;
	s12 =	sor.u32 $0x2C0, s7;
	[dreg:$0xa] =	wrdreg s5  }
0x19: {  	s5 =	sadd.s32 s6, s14;
	[dreg:$0xf] =	wrdreg s16;
	s18 =	sadd.s32 s6, s17  }
0x1a: {  	s20 =	sadd.s32 s1, s19;
	s24 =	sadd.s32 s1, s8;
	s25 =	sshrl.u32 s10, $0x3  }
0x1b: {  	s28 =	sshll.u32 s10, $0x7;
	s9 =	ssub.s32 s4, s22;
	[dreg:$0xe] =	wrdreg s5  }
0x1c: {  	s10 =	sshrl.u32 s31, $0x3;
	s13 =	sadd.s32 s1, s11;
	[dreg:$0x10] =	wrdreg s18  }
0x1d: {  	s14 =	sshrl.u32 s12, $0x3;
	s16 =	sshll.u32 s12, $0x7;
	[dreg:$0x11] =	wrdreg s20  }
0x1e: {  	s17 =	sor.u32 $0x300, s7;
	s19 =	sor.u32 $0x340, s7;
	[dreg:$0x13] =	wrdreg s24  }
0x1f: {  	s5 =	sadd.s32 s6, s23;
	s26 =	sadd.s32 s6, s25;
	[dreg:$0x17] =	wrdreg s13  }
0x20: {  	s30 =	sadd.s32 s1, s28;
	s4 =	sadd.s32 s6, s10;
	[dreg:$0x12] =	wrdreg s5  }
0x21: {  	s15 =	sadd.s32 s6, s14;
	s18 =	sshrl.u32 s17, $0x3;
	[dreg:$0x14] =	wrdreg s26  }
0x22: {  	s8 =	sshll.u32 s17, $0x7;
	s21 =	sshrl.u32 s19, $0x3;
	[dreg:$0x15] =	wrdreg s30  }
0x23: {  	s23 =	sshll.u32 s19, $0x7;
	s24 =	sor.u32 $0x380, s7;
	[dreg:$0x16] =	wrdreg s4  }
0x24: {  	s7 =	sor.u32 $0x3C0, s7;
	[dreg:$0x18] =	wrdreg s15;
	s5 =	sadd.s32 s1, s16  }
0x25: {  	s17 =	simm.s32 $0x1;
	s20 =	sadd.s32 s1, s8;
	[dreg:$0x19] =	wrdreg s5  }
0x26: {  	s4 =	sadd.s32 $0x2100, s0;
	s22 =	sadd.s32 s6, s21;
	[dreg:$0x1b] =	wrdreg s20  }
0x27: {  	s8 =	sadd.s32 s1, s23;
	s25 =	sshrl.u32 s24, $0x3;
	[dreg:$0x1c] =	wrdreg s22  }
0x28: {  	s10 =	sshll.u32 s24, $0x7;
	s5 =	sadd.s32 s6, s18;
	[dreg:$0x1d] =	wrdreg s8  }
0x29: {  	s28 =	sshrl.u32 s7, $0x3;
	s8 =	sadd.s32 s6, s25;
	[dreg:$0x1a] =	wrdreg s5  }
0x2a: {  	s7 =	sshll.u32 s7, $0x7;
	s26 =	sadd.s32 s1, s10;
	[dreg:$0x1e] =	wrdreg s8  }
0x2b: {  	v2 =	vlaneseq.u32;
	s30 =	sadd.s32 s6, s28;
	s6 =	sadd.s32 $0x2300, s0;
	[dreg:$0x1f] =	wrdreg s26  }
0x2c: {  	vm0 =	vmmov $0xffff;
	v1 =	vshrl.u32 v2, $0x3;
	s31 =	sadd.s32 s1, s7;
	s18 =	smax.u32 s9, $0x1;
	[smem:$0x7FC] =	sst s30  }
0x2d: {  	v0 =	vand.u32 $0x7, v2;
	v2 =	vor.u32 $0x8, v2;
	v1 =	vmul.u32 $0x8, v1;
	s5 =	sadd.s32 $0x2200, s0;
	[smem:$0x7FD] =	sst s31;
	s8 =	simm.s32 $0x2  }
.LBB2_1:
0x2e: {  	[smem:$0x7FB] =	sst s18  }
0x2f: {  	s15 =	rddreg [dreg:$0x2]  }
0x30: {  	[tilespmem:s2], [sflag:$0x2] =	stream.linear.gather [hbm4b:s15+s2], $0x40, $0x38;
	[tilespmem:$0x10080] =	vst v63  }
0x31: {  	_ =	swait.ge [sflag:s8], $0x40  }
0x32: {  	[sflag:s8] =	ssyncset.done $0x0  }
0x33: {  	[sflag:s8] =	ssyncadd.s32 $0xFFFFFFC0  }
0x34: {  	v3 =	vld [tilespmem:$0x0];
	_ =	sdelay $0x4  }
0x35: {  	v4 =	vshll.u32 v3, $0x3  }
0x36: {  	v3 =	vand.u32 $0x7, v3;
	v4 =	vand.u32 $0xFFFFFFC0, v4  }
0x37: {  	v3 =	vor.u32 v3, v4  }
0x38: {  	v4 =	vperm.xlane v3, v0;
	_ =	sdelay $0x1  }
0x39: {  	v4 =	vadd.s32 v1, v4;
	_ =	sdelay $0x4  }
0x3a: {  	[tilespmem:s29], [sflag:$0x1] =	stream.indirect_vreg.gather [hbm4b:s3+s2], $0x80, v4, vm0, $0xb8;
	[tilespmem:$0x10080] =	vst v63  }
0x3b: {  	s0 =	simm.s32 $0x880;
	v3 =	vperm.xlane v3, v2  }
0x3c: {  	[tilespmem:s0], [sflag:$0x1] =	stream.indirect_vreg.gather [hbm4b:s4+s2], $0x80, v4, vm0, $0xb8;
	[tilespmem:$0x10080] =	vst v63  }
0x3d: {  	s16 =	simm.s32 $0x1080;
	v3 =	vadd.s32 v1, v3  }
0x3e: {  	[tilespmem:s16], [sflag:$0x1] =	stream.indirect_vreg.gather [hbm4b:s5+s2], $0x80, v4, vm0, $0xb8;
	[tilespmem:$0x10080] =	vst v63  }
0x3f: {  	s18 =	simm.s32 $0x1880  }
0x40: {  	[tilespmem:s18], [sflag:$0x1] =	stream.indirect_vreg.gather [hbm4b:s6+s2], $0x80, v4, vm0, $0xb8;
	[tilespmem:$0x10080] =	vst v63  }
0x41: {  	s19 =	simm.s32 $0x2080  }
0x42: {  	[tilespmem:s19], [sflag:$0x1] =	stream.indirect_vreg.gather [hbm4b:s3+s2], $0x80, v3, vm0, $0xb8;
	[tilespmem:$0x10080] =	vst v63  }
0x43: {  	s20 =	simm.s32 $0x2880  }
0x44: {  	[tilespmem:s20], [sflag:$0x1] =	stream.indirect_vreg.gather [hbm4b:s4+s2], $0x80, v3, vm0, $0xb8;
	[tilespmem:$0x10080] =	vst v63  }
0x45: {  	s21 =	simm.s32 $0x3080  }
0x46: {  	[tilespmem:s21], [sflag:$0x1] =	stream.indirect_vreg.gather [hbm4b:s5+s2], $0x80, v3, vm0, $0xb8;
	[tilespmem:$0x10080] =	vst v63  }
0x47: {  	s22 =	simm.s32 $0x3880  }
0x48: {  	[tilespmem:s22], [sflag:$0x1] =	stream.indirect_vreg.gather [hbm4b:s6+s2], $0x80, v3, vm0, $0xb8;
	[tilespmem:$0x10080] =	vst v63  }
0x49: {  	v3 =	vld [tilespmem:$0x10];
	_ =	sdelay $0x4  }
0x4a: {  	v57 =	vshll.u32 v3, $0x3  }
0x4b: {  	v3 =	vand.u32 $0x7, v3;
	v4 =	vand.u32 $0xFFFFFFC0, v57  }
0x4c: {  	v3 =	vor.u32 v3, v4  }
0x4d: {  	v4 =	vperm.xlane v3, v0;
	_ =	sdelay $0x1  }
0x4e: {  	v4 =	vadd.s32 v1, v4;
	_ =	sdelay $0x3  }
0x4f: {  	s23 =	simm.s32 $0x4080  }
0x50: {  	[tilespmem:s23], [sflag:$0x1] =	stream.indirect_vreg.gather [hbm4b:s3+s2], $0x80, v4, vm0, $0xb8;
	[tilespmem:$0x10080] =	vst v63  }
0x51: {  	s24 =	simm.s32 $0x4880;
	v3 =	vperm.xlane v3, v2  }
0x52: {  	[tilespmem:s24], [sflag:$0x1] =	stream.indirect_vreg.gather [hbm4b:s4+s2], $0x80, v4, vm0, $0xb8;
	[tilespmem:$0x10080] =	vst v63  }
0x53: {  	s25 =	simm.s32 $0x5080;
	v3 =	vadd.s32 v1, v3  }
0x54: {  	[tilespmem:s25], [sflag:$0x1] =	stream.indirect_vreg.gather [hbm4b:s5+s2], $0x80, v4, vm0, $0xb8;
	[tilespmem:$0x10080] =	vst v63  }
0x55: {  	s26 =	simm.s32 $0x5880  }
0x56: {  	[tilespmem:s26], [sflag:$0x1] =	stream.indirect_vreg.gather [hbm4b:s6+s2], $0x80, v4, vm0, $0xb8;
	[tilespmem:$0x10080] =	vst v63  }
0x57: {  	s28 =	simm.s32 $0x6080  }
0x58: {  	[tilespmem:s28], [sflag:$0x1] =	stream.indirect_vreg.gather [hbm4b:s3+s2], $0x80, v3, vm0, $0xb8;
	[tilespmem:$0x10080] =	vst v63  }
0x59: {  	s30 =	simm.s32 $0x6880  }
0x5a: {  	[tilespmem:s30], [sflag:$0x1] =	stream.indirect_vreg.gather [hbm4b:s4+s2], $0x80, v3, vm0, $0xb8;
	[tilespmem:$0x10080] =	vst v63  }
0x5b: {  	s31 =	simm.s32 $0x7080  }
0x5c: {  	[tilespmem:s31], [sflag:$0x1] =	stream.indirect_vreg.gather [hbm4b:s5+s2], $0x80, v3, vm0, $0xb8;
	[tilespmem:$0x10080] =	vst v63  }
0x5d: {  	s15 =	simm.s32 $0x7880  }
0x5e: {  	[tilespmem:s15], [sflag:$0x1] =	stream.indirect_vreg.gather [hbm4b:s6+s2], $0x80, v3, vm0, $0xb8;
	[tilespmem:$0x10080] =	vst v63  }
0x5f: {  	v3 =	vld [tilespmem:$0x20];
	_ =	sdelay $0x4  }
0x60: {  	v58 =	vshll.u32 v3, $0x3  }
0x61: {  	v3 =	vand.u32 $0x7, v3;
	v4 =	vand.u32 $0xFFFFFFC0, v58  }
0x62: {  	v3 =	vor.u32 v3, v4  }
0x63: {  	v4 =	vperm.xlane v3, v0;
	_ =	sdelay $0x1  }
0x64: {  	v4 =	vadd.s32 v1, v4;
	_ =	sdelay $0x3  }
0x65: {  	s16 =	simm.s32 $0x8080  }
0x66: {  	[tilespmem:s16], [sflag:$0x1] =	stream.indirect_vreg.gather [hbm4b:s3+s2], $0x80, v4, vm0, $0xb8;
	[tilespmem:$0x10080] =	vst v63  }
0x67: {  	s18 =	simm.s32 $0x8880;
	v3 =	vperm.xlane v3, v2  }
0x68: {  	[tilespmem:s18], [sflag:$0x1] =	stream.indirect_vreg.gather [hbm4b:s4+s2], $0x80, v4, vm0, $0xb8;
	[tilespmem:$0x10080] =	vst v63  }
0x69: {  	s19 =	simm.s32 $0x9080;
	v3 =	vadd.s32 v1, v3  }
0x6a: {  	[tilespmem:s19], [sflag:$0x1] =	stream.indirect_vreg.gather [hbm4b:s5+s2], $0x80, v4, vm0, $0xb8;
	[tilespmem:$0x10080] =	vst v63  }
0x6b: {  	s20 =	simm.s32 $0x9880  }
0x6c: {  	[tilespmem:s20], [sflag:$0x1] =	stream.indirect_vreg.gather [hbm4b:s6+s2], $0x80, v4, vm0, $0xb8;
	[tilespmem:$0x10080] =	vst v63  }
0x6d: {  	s21 =	simm.s32 $0xA080  }
0x6e: {  	[tilespmem:s21], [sflag:$0x1] =	stream.indirect_vreg.gather [hbm4b:s3+s2], $0x80, v3, vm0, $0xb8;
	[tilespmem:$0x10080] =	vst v63  }
0x6f: {  	s22 =	simm.s32 $0xA880  }
0x70: {  	[tilespmem:s22], [sflag:$0x1] =	stream.indirect_vreg.gather [hbm4b:s4+s2], $0x80, v3, vm0, $0xb8;
	[tilespmem:$0x10080] =	vst v63  }
0x71: {  	s23 =	simm.s32 $0xB080  }
0x72: {  	[tilespmem:s23], [sflag:$0x1] =	stream.indirect_vreg.gather [hbm4b:s5+s2], $0x80, v3, vm0, $0xb8;
	[tilespmem:$0x10080] =	vst v63  }
0x73: {  	s24 =	simm.s32 $0xB880  }
0x74: {  	[tilespmem:s24], [sflag:$0x1] =	stream.indirect_vreg.gather [hbm4b:s6+s2], $0x80, v3, vm0, $0xb8;
	[tilespmem:$0x10080] =	vst v63  }
0x75: {  	v3 =	vld [tilespmem:$0x30];
	_ =	sdelay $0x4  }
0x76: {  	v59 =	vshll.u32 v3, $0x3  }
0x77: {  	v3 =	vand.u32 $0x7, v3;
	v4 =	vand.u32 $0xFFFFFFC0, v59  }
0x78: {  	v3 =	vor.u32 v3, v4  }
0x79: {  	v4 =	vperm.xlane v3, v0;
	_ =	sdelay $0x1  }
0x7a: {  	v4 =	vadd.s32 v1, v4;
	_ =	sdelay $0x3  }
0x7b: {  	s25 =	simm.s32 $0xC080  }
0x7c: {  	[tilespmem:s25], [sflag:$0x1] =	stream.indirect_vreg.gather [hbm4b:s3+s2], $0x80, v4, vm0, $0xb8;
	[tilespmem:$0x10080] =	vst v63  }
0x7d: {  	s28 =	simm.s32 $0xC880;
	v3 =	vperm.xlane v3, v2  }
0x7e: {  	[tilespmem:s28], [sflag:$0x1] =	stream.indirect_vreg.gather [hbm4b:s4+s2], $0x80, v4, vm0, $0xb8;
	[tilespmem:$0x10080] =	vst v63  }
0x7f: {  	s30 =	simm.s32 $0xD080;
	v3 =	vadd.s32 v1, v3  }
0x80: {  	[tilespmem:s30], [sflag:$0x1] =	stream.indirect_vreg.gather [hbm4b:s5+s2], $0x80, v4, vm0, $0xb8;
	[tilespmem:$0x10080] =	vst v63  }
0x81: {  	s31 =	simm.s32 $0xD880  }
0x82: {  	[tilespmem:s31], [sflag:$0x1] =	stream.indirect_vreg.gather [hbm4b:s6+s2], $0x80, v4, vm0, $0xb8;
	[tilespmem:$0x10080] =	vst v63  }
0x83: {  	s0 =	simm.s32 $0xE080  }
0x84: {  	[tilespmem:s0], [sflag:$0x1] =	stream.indirect_vreg.gather [hbm4b:s3+s2], $0x80, v3, vm0, $0xb8;
	[tilespmem:$0x10080] =	vst v63  }
0x85: {  	s15 =	simm.s32 $0xE880  }
0x86: {  	[tilespmem:s15], [sflag:$0x1] =	stream.indirect_vreg.gather [hbm4b:s4+s2], $0x80, v3, vm0, $0xb8;
	[tilespmem:$0x10080] =	vst v63  }
0x87: {  	s16 =	simm.s32 $0xF080  }
0x88: {  	[tilespmem:s16], [sflag:$0x1] =	stream.indirect_vreg.gather [hbm4b:s5+s2], $0x80, v3, vm0, $0xb8;
	[tilespmem:$0x10080] =	vst v63  }
0x89: {  	s19 =	simm.s32 $0xF880  }
0x8a: {  	[tilespmem:s19], [sflag:$0x1] =	stream.indirect_vreg.gather [hbm4b:s6+s2], $0x80, v3, vm0, $0xb8;
	[tilespmem:$0x10080] =	vst v63  }
0x8b: {  	_ =	swait.ge [sflag:s17], $0x10000  }
0x8c: {  	[sflag:s17] =	ssyncset.done $0x0  }
0x8d: {  	s20 =	rddreg [dreg:$0x3];
	[sflag:s17] =	ssyncadd.s32 $0xFFFF0000  }
0x8e: {  	[hbm4b:s20+s2] =	stream.linear.scatter [tilespmem:s29], [sflag:$0x2], $0x10000, $0x38;
	[tilespmem:$0x10080] =	vst v63  }
0x8f: {  	_ =	swait.ge [sflag:s8], $0x10000  }
0x90: {  	[sflag:s8] =	ssyncset.done $0x0  }
0x91: {  	s25 =	rddreg [dreg:$0x4];
	[sflag:s8] =	ssyncadd.s32 $0xFFFF0000  }
0x92: {  	[tilespmem:s2], [sflag:$0x2] =	stream.linear.gather [hbm4b:s25+s2], $0x40, $0x38;
	[tilespmem:$0x10080] =	vst v63  }
0x93: {  	_ =	swait.ge [sflag:s8], $0x40  }
0x94: {  	[sflag:s8] =	ssyncset.done $0x0  }
0x95: {  	[sflag:s8] =	ssyncadd.s32 $0xFFFFFFC0  }
0x96: {  	v3 =	vld [tilespmem:$0x0];
	_ =	sdelay $0x4  }
0x97: {  	v60 =	vshll.u32 v3, $0x3  }
0x98: {  	v3 =	vand.u32 $0x7, v3;
	v4 =	vand.u32 $0xFFFFFFC0, v60  }
0x99: {  	v3 =	vor.u32 v3, v4  }
0x9a: {  	v4 =	vperm.xlane v3, v0;
	_ =	sdelay $0x1  }
0x9b: {  	v4 =	vadd.s32 v1, v4;
	_ =	sdelay $0x4  }
0x9c: {  	[tilespmem:s29], [sflag:$0x1] =	stream.indirect_vreg.gather [hbm4b:s3+s2], $0x80, v4, vm0, $0xb8;
	[tilespmem:$0x10080] =	vst v63  }
0x9d: {  	s12 =	simm.s32 $0x880;
	v3 =	vperm.xlane v3, v2  }
0x9e: {  	[tilespmem:s12], [sflag:$0x1] =	stream.indirect_vreg.gather [hbm4b:s4+s2], $0x80, v4, vm0, $0xb8;
	[tilespmem:$0x10080] =	vst v63  }
0x9f: {  	s1 =	simm.s32 $0x1080;
	v3 =	vadd.s32 v1, v3  }
0xa0: {  	[tilespmem:s1], [sflag:$0x1] =	stream.indirect_vreg.gather [hbm4b:s5+s2], $0x80, v4, vm0, $0xb8;
	[tilespmem:$0x10080] =	vst v63  }
0xa1: {  	s7 =	simm.s32 $0x1880  }
0xa2: {  	[tilespmem:s7], [sflag:$0x1] =	stream.indirect_vreg.gather [hbm4b:s6+s2], $0x80, v4, vm0, $0xb8;
	[tilespmem:$0x10080] =	vst v63  }
0xa3: {  	s9 =	simm.s32 $0x2080  }
0xa4: {  	[tilespmem:s9], [sflag:$0x1] =	stream.indirect_vreg.gather [hbm4b:s3+s2], $0x80, v3, vm0, $0xb8;
	[tilespmem:$0x10080] =	vst v63  }
0xa5: {  	s10 =	simm.s32 $0x2880  }
0xa6: {  	[tilespmem:s10], [sflag:$0x1] =	stream.indirect_vreg.gather [hbm4b:s4+s2], $0x80, v3, vm0, $0xb8;
	[tilespmem:$0x10080] =	vst v63  }
0xa7: {  	s11 =	simm.s32 $0x3080  }
0xa8: {  	[tilespmem:s11], [sflag:$0x1] =	stream.indirect_vreg.gather [hbm4b:s5+s2], $0x80, v3, vm0, $0xb8;
	[tilespmem:$0x10080] =	vst v63  }
0xa9: {  	s13 =	simm.s32 $0x3880  }
0xaa: {  	[tilespmem:s13], [sflag:$0x1] =	stream.indirect_vreg.gather [hbm4b:s6+s2], $0x80, v3, vm0, $0xb8;
	[tilespmem:$0x10080] =	vst v63  }
0xab: {  	v3 =	vld [tilespmem:$0x10];
	_ =	sdelay $0x4  }
0xac: {  	v61 =	vshll.u32 v3, $0x3  }
0xad: {  	v3 =	vand.u32 $0x7, v3;
	v4 =	vand.u32 $0xFFFFFFC0, v61  }
0xae: {  	v3 =	vor.u32 v3, v4  }
0xaf: {  	v4 =	vperm.xlane v3, v0;
	_ =	sdelay $0x1  }
0xb0: {  	v4 =	vadd.s32 v1, v4;
	_ =	sdelay $0x3  }
0xb1: {  	s14 =	simm.s32 $0x4080  }
0xb2: {  	[tilespmem:s14], [sflag:$0x1] =	stream.indirect_vreg.gather [hbm4b:s3+s2], $0x80, v4, vm0, $0xb8;
	[tilespmem:$0x10080] =	vst v63  }
0xb3: {  	s15 =	simm.s32 $0x4880;
	v3 =	vperm.xlane v3, v2  }
0xb4: {  	[tilespmem:s15], [sflag:$0x1] =	stream.indirect_vreg.gather [hbm4b:s4+s2], $0x80, v4, vm0, $0xb8;
	[tilespmem:$0x10080] =	vst v63  }
0xb5: {  	s16 =	simm.s32 $0x5080;
	v3 =	vadd.s32 v1, v3  }
0xb6: {  	[tilespmem:s16], [sflag:$0x1] =	stream.indirect_vreg.gather [hbm4b:s5+s2], $0x80, v4, vm0, $0xb8;
	[tilespmem:$0x10080] =	vst v63  }
0xb7: {  	s19 =	simm.s32 $0x5880  }
0xb8: {  	[tilespmem:s19], [sflag:$0x1] =	stream.indirect_vreg.gather [hbm4b:s6+s2], $0x80, v4, vm0, $0xb8;
	[tilespmem:$0x10080] =	vst v63  }
0xb9: {  	s20 =	simm.s32 $0x6080  }
0xba: {  	[tilespmem:s20], [sflag:$0x1] =	stream.indirect_vreg.gather [hbm4b:s3+s2], $0x80, v3, vm0, $0xb8;
	[tilespmem:$0x10080] =	vst v63  }
0xbb: {  	s0 =	simm.s32 $0x6880  }
0xbc: {  	[tilespmem:s0], [sflag:$0x1] =	stream.indirect_vreg.gather [hbm4b:s4+s2], $0x80, v3, vm0, $0xb8;
	[tilespmem:$0x10080] =	vst v63  }
0xbd: {  	s1 =	simm.s32 $0x7080  }
0xbe: {  	[tilespmem:s1], [sflag:$0x1] =	stream.indirect_vreg.gather [hbm4b:s5+s2], $0x80, v3, vm0, $0xb8;
	[tilespmem:$0x10080] =	vst v63  }
0xbf: {  	s12 =	simm.s32 $0x7880  }
0xc0: {  	[tilespmem:s12], [sflag:$0x1] =	stream.indirect_vreg.gather [hbm4b:s6+s2], $0x80, v3, vm0, $0xb8;
	[tilespmem:$0x10080] =	vst v63  }
0xc1: {  	v3 =	vld [tilespmem:$0x20];
	_ =	sdelay $0x4  }
0xc2: {  	v62 =	vshll.u32 v3, $0x3  }
0xc3: {  	v3 =	vand.u32 $0x7, v3;
	v4 =	vand.u32 $0xFFFFFFC0, v62  }
0xc4: {  	v3 =	vor.u32 v3, v4  }
0xc5: {  	v4 =	vperm.xlane v3, v0;
	_ =	sdelay $0x1  }
0xc6: {  	v4 =	vadd.s32 v1, v4;
	_ =	sdelay $0x3  }
0xc7: {  	s13 =	simm.s32 $0x8080  }
0xc8: {  	[tilespmem:s13], [sflag:$0x1] =	stream.indirect_vreg.gather [hbm4b:s3+s2], $0x80, v4, vm0, $0xb8;
	[tilespmem:$0x10080] =	vst v63  }
0xc9: {  	s14 =	simm.s32 $0x8880;
	v3 =	vperm.xlane v3, v2  }
0xca: {  	[tilespmem:s14], [sflag:$0x1] =	stream.indirect_vreg.gather [hbm4b:s4+s2], $0x80, v4, vm0, $0xb8;
	[tilespmem:$0x10080] =	vst v63  }
0xcb: {  	s7 =	simm.s32 $0x9080;
	v3 =	vadd.s32 v1, v3  }
0xcc: {  	[tilespmem:s7], [sflag:$0x1] =	stream.indirect_vreg.gather [hbm4b:s5+s2], $0x80, v4, vm0, $0xb8;
	[tilespmem:$0x10080] =	vst v63  }
0xcd: {  	s9 =	simm.s32 $0x9880  }
0xce: {  	[tilespmem:s9], [sflag:$0x1] =	stream.indirect_vreg.gather [hbm4b:s6+s2], $0x80, v4, vm0, $0xb8;
	[tilespmem:$0x10080] =	vst v63  }
0xcf: {  	s10 =	simm.s32 $0xA080  }
0xd0: {  	[tilespmem:s10], [sflag:$0x1] =	stream.indirect_vreg.gather [hbm4b:s3+s2], $0x80, v3, vm0, $0xb8;
	[tilespmem:$0x10080] =	vst v63  }
0xd1: {  	s11 =	simm.s32 $0xA880  }
0xd2: {  	[tilespmem:s11], [sflag:$0x1] =	stream.indirect_vreg.gather [hbm4b:s4+s2], $0x80, v3, vm0, $0xb8;
	[tilespmem:$0x10080] =	vst v63  }
0xd3: {  	s26 =	simm.s32 $0xB080  }
0xd4: {  	[tilespmem:s26], [sflag:$0x1] =	stream.indirect_vreg.gather [hbm4b:s5+s2], $0x80, v3, vm0, $0xb8;
	[tilespmem:$0x10080] =	vst v63  }
0xd5: {  	s23 =	simm.s32 $0xB880  }
0xd6: {  	[tilespmem:s23], [sflag:$0x1] =	stream.indirect_vreg.gather [hbm4b:s6+s2], $0x80, v3, vm0, $0xb8;
	[tilespmem:$0x10080] =	vst v63  }
0xd7: {  	v3 =	vld [tilespmem:$0x30];
	_ =	sdelay $0x4  }
0xd8: {  	v63 =	vshll.u32 v3, $0x3  }
0xd9: {  	v3 =	vand.u32 $0x7, v3;
	v4 =	vand.u32 $0xFFFFFFC0, v63  }
0xda: {  	v3 =	vor.u32 v3, v4  }
0xdb: {  	v4 =	vperm.xlane v3, v0;
	_ =	sdelay $0x1  }
0xdc: {  	v4 =	vadd.s32 v1, v4;
	_ =	sdelay $0x3  }
0xdd: {  	s24 =	simm.s32 $0xC080  }
0xde: {  	[tilespmem:s24], [sflag:$0x1] =	stream.indirect_vreg.gather [hbm4b:s3+s2], $0x80, v4, vm0, $0xb8;
	[tilespmem:$0x10080] =	vst v63  }
0xdf: {  	s21 =	simm.s32 $0xC880;
	v3 =	vperm.xlane v3, v2  }
0xe0: {  	[tilespmem:s21], [sflag:$0x1] =	stream.indirect_vreg.gather [hbm4b:s4+s2], $0x80, v4, vm0, $0xb8;
	[tilespmem:$0x10080] =	vst v63  }
0xe1: {  	s26 =	simm.s32 $0xD080;
	v3 =	vadd.s32 v1, v3  }
0xe2: {  	[tilespmem:s26], [sflag:$0x1] =	stream.indirect_vreg.gather [hbm4b:s5+s2], $0x80, v4, vm0, $0xb8;
	[tilespmem:$0x10080] =	vst v63  }
0xe3: {  	s30 =	simm.s32 $0xD880  }
0xe4: {  	[tilespmem:s30], [sflag:$0x1] =	stream.indirect_vreg.gather [hbm4b:s6+s2], $0x80, v4, vm0, $0xb8;
	[tilespmem:$0x10080] =	vst v63  }
0xe5: {  	s21 =	simm.s32 $0xE080  }
0xe6: {  	[tilespmem:s21], [sflag:$0x1] =	stream.indirect_vreg.gather [hbm4b:s3+s2], $0x80, v3, vm0, $0xb8;
	[tilespmem:$0x10080] =	vst v63  }
0xe7: {  	s24 =	simm.s32 $0xE880  }
0xe8: {  	[tilespmem:s24], [sflag:$0x1] =	stream.indirect_vreg.gather [hbm4b:s4+s2], $0x80, v3, vm0, $0xb8;
	[tilespmem:$0x10080] =	vst v63  }
0xe9: {  	s21 =	simm.s32 $0xF080  }
0xea: {  	[tilespmem:s21], [sflag:$0x1] =	stream.indirect_vreg.gather [hbm4b:s5+s2], $0x80, v3, vm0, $0xb8;
	[tilespmem:$0x10080] =	vst v63  }
0xeb: {  	s22 =	simm.s32 $0xF880  }
0xec: {  	[tilespmem:s22], [sflag:$0x1] =	stream.indirect_vreg.gather [hbm4b:s6+s2], $0x80, v3, vm0, $0xb8;
	[tilespmem:$0x10080] =	vst v63  }
0xed: {  	_ =	swait.ge [sflag:s17], $0x10000  }
0xee: {  	[sflag:s17] =	ssyncset.done $0x0  }
0xef: {  	s18 =	rddreg [dreg:$0x5];
	[sflag:s17] =	ssyncadd.s32 $0xFFFF0000  }
0xf0: {  	[hbm4b:s18+s2] =	stream.linear.scatter [tilespmem:s29], [sflag:$0x2], $0x10000, $0x38;
	[tilespmem:$0x10080] =	vst v63  }
0xf1: {  	_ =	swait.ge [sflag:s8], $0x10000  }
0xf2: {  	[sflag:s8] =	ssyncset.done $0x0  }
0xf3: {  	s18 =	rddreg [dreg:$0x6];
	[sflag:s8] =	ssyncadd.s32 $0xFFFF0000  }
0xf4: {  	[tilespmem:s2], [sflag:$0x2] =	stream.linear.gather [hbm4b:s18+s2], $0x40, $0x38;
	[tilespmem:$0x10080] =	vst v63  }
0xf5: {  	_ =	swait.ge [sflag:s8], $0x40  }
0xf6: {  	[sflag:s8] =	ssyncset.done $0x0  }
0xf7: {  	[sflag:s8] =	ssyncadd.s32 $0xFFFFFFC0  }
0xf8: {  	v3 =	vld [tilespmem:$0x0];
	_ =	sdelay $0x4  }
0xf9: {  	v8 =	vshll.u32 v3, $0x3  }
0xfa: {  	v3 =	vand.u32 $0x7, v3;
	v4 =	vand.u32 $0xFFFFFFC0, v8  }
0xfb: {  	v3 =	vor.u32 v3, v4  }
0xfc: {  	v4 =	vperm.xlane v3, v0;
	_ =	sdelay $0x1  }
0xfd: {  	v4 =	vadd.s32 v1, v4;
	_ =	sdelay $0x4  }
0xfe: {  	[tilespmem:s29], [sflag:$0x1] =	stream.indirect_vreg.gather [hbm4b:s3+s2], $0x80, v4, vm0, $0xb8;
	[tilespmem:$0x10080] =	vst v63  }
0xff: {  	s18 =	simm.s32 $0x880;
	v3 =	vperm.xlane v3, v2  }
0x100: {  	[tilespmem:s18], [sflag:$0x1] =	stream.indirect_vreg.gather [hbm4b:s4+s2], $0x80, v4, vm0, $0xb8;
	[tilespmem:$0x10080] =	vst v63  }
0x101: {  	s28 =	simm.s32 $0x1080;
	v3 =	vadd.s32 v1, v3  }
0x102: {  	[tilespmem:s28], [sflag:$0x1] =	stream.indirect_vreg.gather [hbm4b:s5+s2], $0x80, v4, vm0, $0xb8;
	[tilespmem:$0x10080] =	vst v63  }
0x103: {  	s28 =	simm.s32 $0x1880  }
0x104: {  	[tilespmem:s28], [sflag:$0x1] =	stream.indirect_vreg.gather [hbm4b:s6+s2], $0x80, v4, vm0, $0xb8;
	[tilespmem:$0x10080] =	vst v63  }
0x105: {  	s28 =	simm.s32 $0x2080  }
0x106: {  	[tilespmem:s28], [sflag:$0x1] =	stream.indirect_vreg.gather [hbm4b:s3+s2], $0x80, v3, vm0, $0xb8;
	[tilespmem:$0x10080] =	vst v63  }
0x107: {  	s28 =	simm.s32 $0x2880  }
0x108: {  	[tilespmem:s28], [sflag:$0x1] =	stream.indirect_vreg.gather [hbm4b:s4+s2], $0x80, v3, vm0, $0xb8;
	[tilespmem:$0x10080] =	vst v63  }
0x109: {  	s28 =	simm.s32 $0x3080  }
0x10a: {  	[tilespmem:s28], [sflag:$0x1] =	stream.indirect_vreg.gather [hbm4b:s5+s2], $0x80, v3, vm0, $0xb8;
	[tilespmem:$0x10080] =	vst v63  }
0x10b: {  	s28 =	simm.s32 $0x3880  }
0x10c: {  	[tilespmem:s28], [sflag:$0x1] =	stream.indirect_vreg.gather [hbm4b:s6+s2], $0x80, v3, vm0, $0xb8;
	[tilespmem:$0x10080] =	vst v63  }
0x10d: {  	v3 =	vld [tilespmem:$0x10];
	_ =	sdelay $0x4  }
0x10e: {  	v9 =	vshll.u32 v3, $0x3  }
0x10f: {  	v3 =	vand.u32 $0x7, v3;
	v4 =	vand.u32 $0xFFFFFFC0, v9  }
0x110: {  	v3 =	vor.u32 v3, v4  }
0x111: {  	v4 =	vperm.xlane v3, v0;
	_ =	sdelay $0x1  }
0x112: {  	v4 =	vadd.s32 v1, v4;
	_ =	sdelay $0x3  }
0x113: {  	s28 =	simm.s32 $0x4080  }
0x114: {  	[tilespmem:s28], [sflag:$0x1] =	stream.indirect_vreg.gather [hbm4b:s3+s2], $0x80, v4, vm0, $0xb8;
	[tilespmem:$0x10080] =	vst v63  }
0x115: {  	v3 =	vperm.xlane v3, v2  }
0x116: {  	[tilespmem:s15], [sflag:$0x1] =	stream.indirect_vreg.gather [hbm4b:s4+s2], $0x80, v4, vm0, $0xb8;
	[tilespmem:$0x10080] =	vst v63  }
0x117: {  	v3 =	vadd.s32 v1, v3  }
0x118: {  	[tilespmem:s16], [sflag:$0x1] =	stream.indirect_vreg.gather [hbm4b:s5+s2], $0x80, v4, vm0, $0xb8;
	[tilespmem:$0x10080] =	vst v63  }
0x119: {  	_ = 	snop  }
0x11a: {  	[tilespmem:s19], [sflag:$0x1] =	stream.indirect_vreg.gather [hbm4b:s6+s2], $0x80, v4, vm0, $0xb8;
	[tilespmem:$0x10080] =	vst v63  }
0x11b: {  	_ = 	snop  }
0x11c: {  	[tilespmem:s20], [sflag:$0x1] =	stream.indirect_vreg.gather [hbm4b:s3+s2], $0x80, v3, vm0, $0xb8;
	[tilespmem:$0x10080] =	vst v63  }
0x11d: {  	_ = 	snop  }
0x11e: {  	[tilespmem:s0], [sflag:$0x1] =	stream.indirect_vreg.gather [hbm4b:s4+s2], $0x80, v3, vm0, $0xb8;
	[tilespmem:$0x10080] =	vst v63  }
0x11f: {  	_ = 	snop  }
0x120: {  	[tilespmem:s1], [sflag:$0x1] =	stream.indirect_vreg.gather [hbm4b:s5+s2], $0x80, v3, vm0, $0xb8;
	[tilespmem:$0x10080] =	vst v63  }
0x121: {  	_ = 	snop  }
0x122: {  	[tilespmem:s12], [sflag:$0x1] =	stream.indirect_vreg.gather [hbm4b:s6+s2], $0x80, v3, vm0, $0xb8;
	[tilespmem:$0x10080] =	vst v63  }
0x123: {  	v3 =	vld [tilespmem:$0x20];
	_ =	sdelay $0x4  }
0x124: {  	v10 =	vshll.u32 v3, $0x3  }
0x125: {  	v3 =	vand.u32 $0x7, v3;
	v4 =	vand.u32 $0xFFFFFFC0, v10  }
0x126: {  	v3 =	vor.u32 v3, v4  }
0x127: {  	v4 =	vperm.xlane v3, v0;
	_ =	sdelay $0x1  }
0x128: {  	v4 =	vadd.s32 v1, v4;
	_ =	sdelay $0x4  }
0x129: {  	[tilespmem:s13], [sflag:$0x1] =	stream.indirect_vreg.gather [hbm4b:s3+s2], $0x80, v4, vm0, $0xb8;
	[tilespmem:$0x10080] =	vst v63  }
0x12a: {  	v3 =	vperm.xlane v3, v2  }
0x12b: {  	[tilespmem:s14], [sflag:$0x1] =	stream.indirect_vreg.gather [hbm4b:s4+s2], $0x80, v4, vm0, $0xb8;
	[tilespmem:$0x10080] =	vst v63  }
0x12c: {  	v3 =	vadd.s32 v1, v3  }
0x12d: {  	[tilespmem:s7], [sflag:$0x1] =	stream.indirect_vreg.gather [hbm4b:s5+s2], $0x80, v4, vm0, $0xb8;
	[tilespmem:$0x10080] =	vst v63  }
0x12e: {  	_ = 	snop  }
0x12f: {  	[tilespmem:s9], [sflag:$0x1] =	stream.indirect_vreg.gather [hbm4b:s6+s2], $0x80, v4, vm0, $0xb8;
	[tilespmem:$0x10080] =	vst v63  }
0x130: {  	_ = 	snop  }
0x131: {  	[tilespmem:s10], [sflag:$0x1] =	stream.indirect_vreg.gather [hbm4b:s3+s2], $0x80, v3, vm0, $0xb8;
	[tilespmem:$0x10080] =	vst v63  }
0x132: {  	_ = 	snop  }
0x133: {  	[tilespmem:s11], [sflag:$0x1] =	stream.indirect_vreg.gather [hbm4b:s4+s2], $0x80, v3, vm0, $0xb8;
	[tilespmem:$0x10080] =	vst v63  }
0x134: {  	s25 =	simm.s32 $0xB080  }
0x135: {  	[tilespmem:s25], [sflag:$0x1] =	stream.indirect_vreg.gather [hbm4b:s5+s2], $0x80, v3, vm0, $0xb8;
	[tilespmem:$0x10080] =	vst v63  }
0x136: {  	s31 =	simm.s32 $0xB880  }
0x137: {  	[tilespmem:s31], [sflag:$0x1] =	stream.indirect_vreg.gather [hbm4b:s6+s2], $0x80, v3, vm0, $0xb8;
	[tilespmem:$0x10080] =	vst v63  }
0x138: {  	v3 =	vld [tilespmem:$0x30];
	_ =	sdelay $0x4  }
0x139: {  	v11 =	vshll.u32 v3, $0x3  }
0x13a: {  	v3 =	vand.u32 $0x7, v3;
	v4 =	vand.u32 $0xFFFFFFC0, v11  }
0x13b: {  	v3 =	vor.u32 v3, v4  }
0x13c: {  	v4 =	vperm.xlane v3, v0;
	_ =	sdelay $0x1  }
0x13d: {  	v4 =	vadd.s32 v1, v4;
	_ =	sdelay $0x3  }
0x13e: {  	s18 =	simm.s32 $0xC080  }
0x13f: {  	[tilespmem:s18], [sflag:$0x1] =	stream.indirect_vreg.gather [hbm4b:s3+s2], $0x80, v4, vm0, $0xb8;
	[tilespmem:$0x10080] =	vst v63  }
0x140: {  	v3 =	vperm.xlane v3, v2;
	s18 =	simm.s32 $0xC880  }
0x141: {  	[tilespmem:s18], [sflag:$0x1] =	stream.indirect_vreg.gather [hbm4b:s4+s2], $0x80, v4, vm0, $0xb8;
	[tilespmem:$0x10080] =	vst v63  }
0x142: {  	s23 =	simm.s32 $0xD080;
	v3 =	vadd.s32 v1, v3  }
0x143: {  	[tilespmem:s23], [sflag:$0x1] =	stream.indirect_vreg.gather [hbm4b:s5+s2], $0x80, v4, vm0, $0xb8;
	[tilespmem:$0x10080] =	vst v63  }
0x144: {  	s26 =	simm.s32 $0xD880  }
0x145: {  	[tilespmem:s26], [sflag:$0x1] =	stream.indirect_vreg.gather [hbm4b:s6+s2], $0x80, v4, vm0, $0xb8;
	[tilespmem:$0x10080] =	vst v63  }
0x146: {  	s30 =	simm.s32 $0xE080  }
0x147: {  	[tilespmem:s30], [sflag:$0x1] =	stream.indirect_vreg.gather [hbm4b:s3+s2], $0x80, v3, vm0, $0xb8;
	[tilespmem:$0x10080] =	vst v63  }
0x148: {  	s24 =	simm.s32 $0xE880  }
0x149: {  	[tilespmem:s24], [sflag:$0x1] =	stream.indirect_vreg.gather [hbm4b:s4+s2], $0x80, v3, vm0, $0xb8;
	[tilespmem:$0x10080] =	vst v63  }
0x14a: {  	s21 =	simm.s32 $0xF080  }
0x14b: {  	[tilespmem:s21], [sflag:$0x1] =	stream.indirect_vreg.gather [hbm4b:s5+s2], $0x80, v3, vm0, $0xb8;
	[tilespmem:$0x10080] =	vst v63  }
0x14c: {  	s22 =	simm.s32 $0xF880  }
0x14d: {  	[tilespmem:s22], [sflag:$0x1] =	stream.indirect_vreg.gather [hbm4b:s6+s2], $0x80, v3, vm0, $0xb8;
	[tilespmem:$0x10080] =	vst v63  }
0x14e: {  	_ =	swait.ge [sflag:s17], $0x10000  }
0x14f: {  	[sflag:s17] =	ssyncset.done $0x0  }
0x150: {  	s30 =	rddreg [dreg:$0x7];
	[sflag:s17] =	ssyncadd.s32 $0xFFFF0000  }
0x151: {  	[hbm4b:s30+s2] =	stream.linear.scatter [tilespmem:s29], [sflag:$0x2], $0x10000, $0x38;
	[tilespmem:$0x10080] =	vst v63  }
0x152: {  	_ =	swait.ge [sflag:s8], $0x10000  }
0x153: {  	[sflag:s8] =	ssyncset.done $0x0  }
0x154: {  	s30 =	rddreg [dreg:$0x8];
	[sflag:s8] =	ssyncadd.s32 $0xFFFF0000  }
0x155: {  	[tilespmem:s2], [sflag:$0x2] =	stream.linear.gather [hbm4b:s30+s2], $0x40, $0x38;
	[tilespmem:$0x10080] =	vst v63  }
0x156: {  	_ =	swait.ge [sflag:s8], $0x40  }
0x157: {  	[sflag:s8] =	ssyncset.done $0x0  }
0x158: {  	[sflag:s8] =	ssyncadd.s32 $0xFFFFFFC0  }
0x159: {  	v3 =	vld [tilespmem:$0x0];
	_ =	sdelay $0x4  }
0x15a: {  	v12 =	vshll.u32 v3, $0x3  }
0x15b: {  	v3 =	vand.u32 $0x7, v3;
	v4 =	vand.u32 $0xFFFFFFC0, v12  }
0x15c: {  	v3 =	vor.u32 v3, v4  }
0x15d: {  	v4 =	vperm.xlane v3, v0;
	_ =	sdelay $0x1  }
0x15e: {  	v4 =	vadd.s32 v1, v4;
	_ =	sdelay $0x4  }
0x15f: {  	[tilespmem:s29], [sflag:$0x1] =	stream.indirect_vreg.gather [hbm4b:s3+s2], $0x80, v4, vm0, $0xb8;
	[tilespmem:$0x10080] =	vst v63  }
0x160: {  	s30 =	simm.s32 $0x880;
	v3 =	vperm.xlane v3, v2  }
0x161: {  	[tilespmem:s30], [sflag:$0x1] =	stream.indirect_vreg.gather [hbm4b:s4+s2], $0x80, v4, vm0, $0xb8;
	[tilespmem:$0x10080] =	vst v63  }
0x162: {  	v3 =	vadd.s32 v1, v3;
	s30 =	simm.s32 $0x1080  }
0x163: {  	[tilespmem:s30], [sflag:$0x1] =	stream.indirect_vreg.gather [hbm4b:s5+s2], $0x80, v4, vm0, $0xb8;
	[tilespmem:$0x10080] =	vst v63  }
0x164: {  	s30 =	simm.s32 $0x1880  }
0x165: {  	[tilespmem:s30], [sflag:$0x1] =	stream.indirect_vreg.gather [hbm4b:s6+s2], $0x80, v4, vm0, $0xb8;
	[tilespmem:$0x10080] =	vst v63  }
0x166: {  	s30 =	simm.s32 $0x2080  }
0x167: {  	[tilespmem:s30], [sflag:$0x1] =	stream.indirect_vreg.gather [hbm4b:s3+s2], $0x80, v3, vm0, $0xb8;
	[tilespmem:$0x10080] =	vst v63  }
0x168: {  	s30 =	simm.s32 $0x2880  }
0x169: {  	[tilespmem:s30], [sflag:$0x1] =	stream.indirect_vreg.gather [hbm4b:s4+s2], $0x80, v3, vm0, $0xb8;
	[tilespmem:$0x10080] =	vst v63  }
0x16a: {  	s30 =	simm.s32 $0x3080  }
0x16b: {  	[tilespmem:s30], [sflag:$0x1] =	stream.indirect_vreg.gather [hbm4b:s5+s2], $0x80, v3, vm0, $0xb8;
	[tilespmem:$0x10080] =	vst v63  }
0x16c: {  	s30 =	simm.s32 $0x3880  }
0x16d: {  	[tilespmem:s30], [sflag:$0x1] =	stream.indirect_vreg.gather [hbm4b:s6+s2], $0x80, v3, vm0, $0xb8;
	[tilespmem:$0x10080] =	vst v63  }
0x16e: {  	v3 =	vld [tilespmem:$0x10];
	_ =	sdelay $0x4  }
0x16f: {  	v13 =	vshll.u32 v3, $0x3  }
0x170: {  	v3 =	vand.u32 $0x7, v3;
	v4 =	vand.u32 $0xFFFFFFC0, v13  }
0x171: {  	v3 =	vor.u32 v3, v4  }
0x172: {  	v4 =	vperm.xlane v3, v0;
	_ =	sdelay $0x1  }
0x173: {  	v4 =	vadd.s32 v1, v4;
	_ =	sdelay $0x3  }
0x174: {  	s30 =	simm.s32 $0x4080  }
0x175: {  	[tilespmem:s30], [sflag:$0x1] =	stream.indirect_vreg.gather [hbm4b:s3+s2], $0x80, v4, vm0, $0xb8;
	[tilespmem:$0x10080] =	vst v63  }
0x176: {  	s15 =	simm.s32 $0x4880;
	v3 =	vperm.xlane v3, v2  }
0x177: {  	[tilespmem:s15], [sflag:$0x1] =	stream.indirect_vreg.gather [hbm4b:s4+s2], $0x80, v4, vm0, $0xb8;
	[tilespmem:$0x10080] =	vst v63  }
0x178: {  	s16 =	simm.s32 $0x5080;
	v3 =	vadd.s32 v1, v3  }
0x179: {  	[tilespmem:s16], [sflag:$0x1] =	stream.indirect_vreg.gather [hbm4b:s5+s2], $0x80, v4, vm0, $0xb8;
	[tilespmem:$0x10080] =	vst v63  }
0x17a: {  	s28 =	simm.s32 $0x5880  }
0x17b: {  	[tilespmem:s28], [sflag:$0x1] =	stream.indirect_vreg.gather [hbm4b:s6+s2], $0x80, v4, vm0, $0xb8;
	[tilespmem:$0x10080] =	vst v63  }
0x17c: {  	s20 =	simm.s32 $0x6080  }
0x17d: {  	[tilespmem:s20], [sflag:$0x1] =	stream.indirect_vreg.gather [hbm4b:s3+s2], $0x80, v3, vm0, $0xb8;
	[tilespmem:$0x10080] =	vst v63  }
0x17e: {  	s19 =	simm.s32 $0x6880  }
0x17f: {  	[tilespmem:s19], [sflag:$0x1] =	stream.indirect_vreg.gather [hbm4b:s4+s2], $0x80, v3, vm0, $0xb8;
	[tilespmem:$0x10080] =	vst v63  }
0x180: {  	s1 =	simm.s32 $0x7080  }
0x181: {  	[tilespmem:s1], [sflag:$0x1] =	stream.indirect_vreg.gather [hbm4b:s5+s2], $0x80, v3, vm0, $0xb8;
	[tilespmem:$0x10080] =	vst v63  }
0x182: {  	s0 =	simm.s32 $0x7880  }
0x183: {  	[tilespmem:s0], [sflag:$0x1] =	stream.indirect_vreg.gather [hbm4b:s6+s2], $0x80, v3, vm0, $0xb8;
	[tilespmem:$0x10080] =	vst v63  }
0x184: {  	v3 =	vld [tilespmem:$0x20];
	_ =	sdelay $0x4  }
0x185: {  	v14 =	vshll.u32 v3, $0x3  }
0x186: {  	v3 =	vand.u32 $0x7, v3;
	v4 =	vand.u32 $0xFFFFFFC0, v14  }
0x187: {  	v3 =	vor.u32 v3, v4  }
0x188: {  	v4 =	vperm.xlane v3, v0;
	_ =	sdelay $0x1  }
0x189: {  	v4 =	vadd.s32 v1, v4;
	_ =	sdelay $0x3  }
0x18a: {  	s12 =	simm.s32 $0x8080  }
0x18b: {  	[tilespmem:s12], [sflag:$0x1] =	stream.indirect_vreg.gather [hbm4b:s3+s2], $0x80, v4, vm0, $0xb8;
	[tilespmem:$0x10080] =	vst v63  }
0x18c: {  	s13 =	simm.s32 $0x8880;
	v3 =	vperm.xlane v3, v2  }
0x18d: {  	[tilespmem:s13], [sflag:$0x1] =	stream.indirect_vreg.gather [hbm4b:s4+s2], $0x80, v4, vm0, $0xb8;
	[tilespmem:$0x10080] =	vst v63  }
0x18e: {  	s7 =	simm.s32 $0x9080;
	v3 =	vadd.s32 v1, v3  }
0x18f: {  	[tilespmem:s7], [sflag:$0x1] =	stream.indirect_vreg.gather [hbm4b:s5+s2], $0x80, v4, vm0, $0xb8;
	[tilespmem:$0x10080] =	vst v63  }
0x190: {  	s9 =	simm.s32 $0x9880  }
0x191: {  	[tilespmem:s9], [sflag:$0x1] =	stream.indirect_vreg.gather [hbm4b:s6+s2], $0x80, v4, vm0, $0xb8;
	[tilespmem:$0x10080] =	vst v63  }
0x192: {  	s10 =	simm.s32 $0xA080  }
0x193: {  	[tilespmem:s10], [sflag:$0x1] =	stream.indirect_vreg.gather [hbm4b:s3+s2], $0x80, v3, vm0, $0xb8;
	[tilespmem:$0x10080] =	vst v63  }
0x194: {  	s11 =	simm.s32 $0xA880  }
0x195: {  	[tilespmem:s11], [sflag:$0x1] =	stream.indirect_vreg.gather [hbm4b:s4+s2], $0x80, v3, vm0, $0xb8;
	[tilespmem:$0x10080] =	vst v63  }
0x196: {  	s25 =	simm.s32 $0xB080  }
0x197: {  	[tilespmem:s25], [sflag:$0x1] =	stream.indirect_vreg.gather [hbm4b:s5+s2], $0x80, v3, vm0, $0xb8;
	[tilespmem:$0x10080] =	vst v63  }
0x198: {  	s31 =	simm.s32 $0xB880  }
0x199: {  	[tilespmem:s31], [sflag:$0x1] =	stream.indirect_vreg.gather [hbm4b:s6+s2], $0x80, v3, vm0, $0xb8;
	[tilespmem:$0x10080] =	vst v63  }
0x19a: {  	v3 =	vld [tilespmem:$0x30];
	_ =	sdelay $0x4  }
0x19b: {  	v15 =	vshll.u32 v3, $0x3  }
0x19c: {  	v3 =	vand.u32 $0x7, v3;
	v4 =	vand.u32 $0xFFFFFFC0, v15  }
0x19d: {  	v3 =	vor.u32 v3, v4  }
0x19e: {  	v4 =	vperm.xlane v3, v0;
	_ =	sdelay $0x1  }
0x19f: {  	v4 =	vadd.s32 v1, v4;
	_ =	sdelay $0x3  }
0x1a0: {  	s18 =	simm.s32 $0xC080  }
0x1a1: {  	[tilespmem:s18], [sflag:$0x1] =	stream.indirect_vreg.gather [hbm4b:s3+s2], $0x80, v4, vm0, $0xb8;
	[tilespmem:$0x10080] =	vst v63  }
0x1a2: {  	s25 =	simm.s32 $0xC880;
	v3 =	vperm.xlane v3, v2  }
0x1a3: {  	[tilespmem:s25], [sflag:$0x1] =	stream.indirect_vreg.gather [hbm4b:s4+s2], $0x80, v4, vm0, $0xb8;
	[tilespmem:$0x10080] =	vst v63  }
0x1a4: {  	s14 =	simm.s32 $0xD080;
	v3 =	vadd.s32 v1, v3  }
0x1a5: {  	[tilespmem:s14], [sflag:$0x1] =	stream.indirect_vreg.gather [hbm4b:s5+s2], $0x80, v4, vm0, $0xb8;
	[tilespmem:$0x10080] =	vst v63  }
0x1a6: {  	s23 =	simm.s32 $0xD880  }
0x1a7: {  	[tilespmem:s23], [sflag:$0x1] =	stream.indirect_vreg.gather [hbm4b:s6+s2], $0x80, v4, vm0, $0xb8;
	[tilespmem:$0x10080] =	vst v63  }
0x1a8: {  	s26 =	simm.s32 $0xE080  }
0x1a9: {  	[tilespmem:s26], [sflag:$0x1] =	stream.indirect_vreg.gather [hbm4b:s3+s2], $0x80, v3, vm0, $0xb8;
	[tilespmem:$0x10080] =	vst v63  }
0x1aa: {  	s24 =	simm.s32 $0xE880  }
0x1ab: {  	[tilespmem:s24], [sflag:$0x1] =	stream.indirect_vreg.gather [hbm4b:s4+s2], $0x80, v3, vm0, $0xb8;
	[tilespmem:$0x10080] =	vst v63  }
0x1ac: {  	s21 =	simm.s32 $0xF080  }
0x1ad: {  	[tilespmem:s21], [sflag:$0x1] =	stream.indirect_vreg.gather [hbm4b:s5+s2], $0x80, v3, vm0, $0xb8;
	[tilespmem:$0x10080] =	vst v63  }
0x1ae: {  	s22 =	simm.s32 $0xF880  }
0x1af: {  	[tilespmem:s22], [sflag:$0x1] =	stream.indirect_vreg.gather [hbm4b:s6+s2], $0x80, v3, vm0, $0xb8;
	[tilespmem:$0x10080] =	vst v63  }
0x1b0: {  	_ =	swait.ge [sflag:s17], $0x10000  }
0x1b1: {  	[sflag:s17] =	ssyncset.done $0x0  }
0x1b2: {  	s26 =	rddreg [dreg:$0x9];
	[sflag:s17] =	ssyncadd.s32 $0xFFFF0000  }
0x1b3: {  	[hbm4b:s26+s2] =	stream.linear.scatter [tilespmem:s29], [sflag:$0x2], $0x10000, $0x38;
	[tilespmem:$0x10080] =	vst v63  }
0x1b4: {  	_ =	swait.ge [sflag:s8], $0x10000  }
0x1b5: {  	[sflag:s8] =	ssyncset.done $0x0  }
0x1b6: {  	s24 =	rddreg [dreg:$0xa];
	[sflag:s8] =	ssyncadd.s32 $0xFFFF0000  }
0x1b7: {  	[tilespmem:s2], [sflag:$0x2] =	stream.linear.gather [hbm4b:s24+s2], $0x40, $0x38;
	[tilespmem:$0x10080] =	vst v63  }
0x1b8: {  	_ =	swait.ge [sflag:s8], $0x40  }
0x1b9: {  	[sflag:s8] =	ssyncset.done $0x0  }
0x1ba: {  	[sflag:s8] =	ssyncadd.s32 $0xFFFFFFC0  }
0x1bb: {  	v3 =	vld [tilespmem:$0x0];
	_ =	sdelay $0x4  }
0x1bc: {  	v16 =	vshll.u32 v3, $0x3  }
0x1bd: {  	v3 =	vand.u32 $0x7, v3;
	v4 =	vand.u32 $0xFFFFFFC0, v16  }
0x1be: {  	v3 =	vor.u32 v3, v4  }
0x1bf: {  	v4 =	vperm.xlane v3, v0;
	_ =	sdelay $0x1  }
0x1c0: {  	v4 =	vadd.s32 v1, v4;
	_ =	sdelay $0x4  }
0x1c1: {  	[tilespmem:s29], [sflag:$0x1] =	stream.indirect_vreg.gather [hbm4b:s3+s2], $0x80, v4, vm0, $0xb8;
	[tilespmem:$0x10080] =	vst v63  }
0x1c2: {  	s26 =	simm.s32 $0x880;
	v3 =	vperm.xlane v3, v2  }
0x1c3: {  	[tilespmem:s26], [sflag:$0x1] =	stream.indirect_vreg.gather [hbm4b:s4+s2], $0x80, v4, vm0, $0xb8;
	[tilespmem:$0x10080] =	vst v63  }
0x1c4: {  	s24 =	simm.s32 $0x1080;
	v3 =	vadd.s32 v1, v3  }
0x1c5: {  	[tilespmem:s24], [sflag:$0x1] =	stream.indirect_vreg.gather [hbm4b:s5+s2], $0x80, v4, vm0, $0xb8;
	[tilespmem:$0x10080] =	vst v63  }
0x1c6: {  	s26 =	simm.s32 $0x1880  }
0x1c7: {  	[tilespmem:s26], [sflag:$0x1] =	stream.indirect_vreg.gather [hbm4b:s6+s2], $0x80, v4, vm0, $0xb8;
	[tilespmem:$0x10080] =	vst v63  }
0x1c8: {  	s24 =	simm.s32 $0x2080  }
0x1c9: {  	[tilespmem:s24], [sflag:$0x1] =	stream.indirect_vreg.gather [hbm4b:s3+s2], $0x80, v3, vm0, $0xb8;
	[tilespmem:$0x10080] =	vst v63  }
0x1ca: {  	s26 =	simm.s32 $0x2880  }
0x1cb: {  	[tilespmem:s26], [sflag:$0x1] =	stream.indirect_vreg.gather [hbm4b:s4+s2], $0x80, v3, vm0, $0xb8;
	[tilespmem:$0x10080] =	vst v63  }
0x1cc: {  	s24 =	simm.s32 $0x3080  }
0x1cd: {  	[tilespmem:s24], [sflag:$0x1] =	stream.indirect_vreg.gather [hbm4b:s5+s2], $0x80, v3, vm0, $0xb8;
	[tilespmem:$0x10080] =	vst v63  }
0x1ce: {  	s26 =	simm.s32 $0x3880  }
0x1cf: {  	[tilespmem:s26], [sflag:$0x1] =	stream.indirect_vreg.gather [hbm4b:s6+s2], $0x80, v3, vm0, $0xb8;
	[tilespmem:$0x10080] =	vst v63  }
0x1d0: {  	v3 =	vld [tilespmem:$0x10];
	_ =	sdelay $0x4  }
0x1d1: {  	v17 =	vshll.u32 v3, $0x3  }
0x1d2: {  	v3 =	vand.u32 $0x7, v3;
	v4 =	vand.u32 $0xFFFFFFC0, v17  }
0x1d3: {  	v3 =	vor.u32 v3, v4  }
0x1d4: {  	v4 =	vperm.xlane v3, v0;
	_ =	sdelay $0x1  }
0x1d5: {  	v4 =	vadd.s32 v1, v4;
	_ =	sdelay $0x3  }
0x1d6: {  	s24 =	simm.s32 $0x4080  }
0x1d7: {  	[tilespmem:s24], [sflag:$0x1] =	stream.indirect_vreg.gather [hbm4b:s3+s2], $0x80, v4, vm0, $0xb8;
	[tilespmem:$0x10080] =	vst v63  }
0x1d8: {  	s26 =	simm.s32 $0x4880;
	v3 =	vperm.xlane v3, v2  }
0x1d9: {  	[tilespmem:s26], [sflag:$0x1] =	stream.indirect_vreg.gather [hbm4b:s4+s2], $0x80, v4, vm0, $0xb8;
	[tilespmem:$0x10080] =	vst v63  }
0x1da: {  	s16 =	simm.s32 $0x5080;
	v3 =	vadd.s32 v1, v3  }
0x1db: {  	[tilespmem:s16], [sflag:$0x1] =	stream.indirect_vreg.gather [hbm4b:s5+s2], $0x80, v4, vm0, $0xb8;
	[tilespmem:$0x10080] =	vst v63  }
0x1dc: {  	s30 =	simm.s32 $0x5880  }
0x1dd: {  	[tilespmem:s30], [sflag:$0x1] =	stream.indirect_vreg.gather [hbm4b:s6+s2], $0x80, v4, vm0, $0xb8;
	[tilespmem:$0x10080] =	vst v63  }
0x1de: {  	s28 =	simm.s32 $0x6080  }
0x1df: {  	[tilespmem:s28], [sflag:$0x1] =	stream.indirect_vreg.gather [hbm4b:s3+s2], $0x80, v3, vm0, $0xb8;
	[tilespmem:$0x10080] =	vst v63  }
0x1e0: {  	s19 =	simm.s32 $0x6880  }
0x1e1: {  	[tilespmem:s19], [sflag:$0x1] =	stream.indirect_vreg.gather [hbm4b:s4+s2], $0x80, v3, vm0, $0xb8;
	[tilespmem:$0x10080] =	vst v63  }
0x1e2: {  	s1 =	simm.s32 $0x7080  }
0x1e3: {  	[tilespmem:s1], [sflag:$0x1] =	stream.indirect_vreg.gather [hbm4b:s5+s2], $0x80, v3, vm0, $0xb8;
	[tilespmem:$0x10080] =	vst v63  }
0x1e4: {  	s0 =	simm.s32 $0x7880  }
0x1e5: {  	[tilespmem:s0], [sflag:$0x1] =	stream.indirect_vreg.gather [hbm4b:s6+s2], $0x80, v3, vm0, $0xb8;
	[tilespmem:$0x10080] =	vst v63  }
0x1e6: {  	v3 =	vld [tilespmem:$0x20];
	_ =	sdelay $0x4  }
0x1e7: {  	v18 =	vshll.u32 v3, $0x3  }
0x1e8: {  	v3 =	vand.u32 $0x7, v3;
	v4 =	vand.u32 $0xFFFFFFC0, v18  }
0x1e9: {  	v3 =	vor.u32 v3, v4  }
0x1ea: {  	v4 =	vperm.xlane v3, v0;
	_ =	sdelay $0x1  }
0x1eb: {  	v4 =	vadd.s32 v1, v4;
	_ =	sdelay $0x3  }
0x1ec: {  	s20 =	simm.s32 $0x8080  }
0x1ed: {  	[tilespmem:s20], [sflag:$0x1] =	stream.indirect_vreg.gather [hbm4b:s3+s2], $0x80, v4, vm0, $0xb8;
	[tilespmem:$0x10080] =	vst v63  }
0x1ee: {  	s13 =	simm.s32 $0x8880;
	v3 =	vperm.xlane v3, v2  }
0x1ef: {  	[tilespmem:s13], [sflag:$0x1] =	stream.indirect_vreg.gather [hbm4b:s4+s2], $0x80, v4, vm0, $0xb8;
	[tilespmem:$0x10080] =	vst v63  }
0x1f0: {  	s7 =	simm.s32 $0x9080;
	v3 =	vadd.s32 v1, v3  }
0x1f1: {  	[tilespmem:s7], [sflag:$0x1] =	stream.indirect_vreg.gather [hbm4b:s5+s2], $0x80, v4, vm0, $0xb8;
	[tilespmem:$0x10080] =	vst v63  }
0x1f2: {  	s9 =	simm.s32 $0x9880  }
0x1f3: {  	[tilespmem:s9], [sflag:$0x1] =	stream.indirect_vreg.gather [hbm4b:s6+s2], $0x80, v4, vm0, $0xb8;
	[tilespmem:$0x10080] =	vst v63  }
0x1f4: {  	s10 =	simm.s32 $0xA080  }
0x1f5: {  	[tilespmem:s10], [sflag:$0x1] =	stream.indirect_vreg.gather [hbm4b:s3+s2], $0x80, v3, vm0, $0xb8;
	[tilespmem:$0x10080] =	vst v63  }
0x1f6: {  	s11 =	simm.s32 $0xA880  }
0x1f7: {  	[tilespmem:s11], [sflag:$0x1] =	stream.indirect_vreg.gather [hbm4b:s4+s2], $0x80, v3, vm0, $0xb8;
	[tilespmem:$0x10080] =	vst v63  }
0x1f8: {  	s15 =	simm.s32 $0xB080  }
0x1f9: {  	[tilespmem:s15], [sflag:$0x1] =	stream.indirect_vreg.gather [hbm4b:s5+s2], $0x80, v3, vm0, $0xb8;
	[tilespmem:$0x10080] =	vst v63  }
0x1fa: {  	s31 =	simm.s32 $0xB880  }
0x1fb: {  	[tilespmem:s31], [sflag:$0x1] =	stream.indirect_vreg.gather [hbm4b:s6+s2], $0x80, v3, vm0, $0xb8;
	[tilespmem:$0x10080] =	vst v63  }
0x1fc: {  	v3 =	vld [tilespmem:$0x30];
	_ =	sdelay $0x4  }
0x1fd: {  	v19 =	vshll.u32 v3, $0x3  }
0x1fe: {  	v3 =	vand.u32 $0x7, v3;
	v4 =	vand.u32 $0xFFFFFFC0, v19  }
0x1ff: {  	v3 =	vor.u32 v3, v4  }
0x200: {  	v4 =	vperm.xlane v3, v0;
	_ =	sdelay $0x1  }
0x201: {  	v4 =	vadd.s32 v1, v4;
	_ =	sdelay $0x3  }
0x202: {  	s31 =	simm.s32 $0xC080  }
0x203: {  	[tilespmem:s31], [sflag:$0x1] =	stream.indirect_vreg.gather [hbm4b:s3+s2], $0x80, v4, vm0, $0xb8;
	[tilespmem:$0x10080] =	vst v63  }
0x204: {  	s18 =	simm.s32 $0xC880;
	v3 =	vperm.xlane v3, v2  }
0x205: {  	[tilespmem:s18], [sflag:$0x1] =	stream.indirect_vreg.gather [hbm4b:s4+s2], $0x80, v4, vm0, $0xb8;
	[tilespmem:$0x10080] =	vst v63  }
0x206: {  	s12 =	simm.s32 $0xD080;
	v3 =	vadd.s32 v1, v3  }
0x207: {  	[tilespmem:s12], [sflag:$0x1] =	stream.indirect_vreg.gather [hbm4b:s5+s2], $0x80, v4, vm0, $0xb8;
	[tilespmem:$0x10080] =	vst v63  }
0x208: {  	s14 =	simm.s32 $0xD880  }
0x209: {  	[tilespmem:s14], [sflag:$0x1] =	stream.indirect_vreg.gather [hbm4b:s6+s2], $0x80, v4, vm0, $0xb8;
	[tilespmem:$0x10080] =	vst v63  }
0x20a: {  	s25 =	simm.s32 $0xE080  }
0x20b: {  	[tilespmem:s25], [sflag:$0x1] =	stream.indirect_vreg.gather [hbm4b:s3+s2], $0x80, v3, vm0, $0xb8;
	[tilespmem:$0x10080] =	vst v63  }
0x20c: {  	s23 =	simm.s32 $0xE880  }
0x20d: {  	[tilespmem:s23], [sflag:$0x1] =	stream.indirect_vreg.gather [hbm4b:s4+s2], $0x80, v3, vm0, $0xb8;
	[tilespmem:$0x10080] =	vst v63  }
0x20e: {  	s21 =	simm.s32 $0xF080  }
0x20f: {  	[tilespmem:s21], [sflag:$0x1] =	stream.indirect_vreg.gather [hbm4b:s5+s2], $0x80, v3, vm0, $0xb8;
	[tilespmem:$0x10080] =	vst v63  }
0x210: {  	s22 =	simm.s32 $0xF880  }
0x211: {  	[tilespmem:s22], [sflag:$0x1] =	stream.indirect_vreg.gather [hbm4b:s6+s2], $0x80, v3, vm0, $0xb8;
	[tilespmem:$0x10080] =	vst v63  }
0x212: {  	_ =	swait.ge [sflag:s17], $0x10000  }
0x213: {  	[sflag:s17] =	ssyncset.done $0x0  }
0x214: {  	s23 =	rddreg [dreg:$0xb];
	[sflag:s17] =	ssyncadd.s32 $0xFFFF0000  }
0x215: {  	[hbm4b:s23+s2] =	stream.linear.scatter [tilespmem:s29], [sflag:$0x2], $0x10000, $0x38;
	[tilespmem:$0x10080] =	vst v63  }
0x216: {  	_ =	swait.ge [sflag:s8], $0x10000  }
0x217: {  	[sflag:s8] =	ssyncset.done $0x0  }
0x218: {  	s23 =	rddreg [dreg:$0xc];
	[sflag:s8] =	ssyncadd.s32 $0xFFFF0000  }
0x219: {  	[tilespmem:s2], [sflag:$0x2] =	stream.linear.gather [hbm4b:s23+s2], $0x40, $0x38;
	[tilespmem:$0x10080] =	vst v63  }
0x21a: {  	_ =	swait.ge [sflag:s8], $0x40  }
0x21b: {  	[sflag:s8] =	ssyncset.done $0x0  }
0x21c: {  	[sflag:s8] =	ssyncadd.s32 $0xFFFFFFC0  }
0x21d: {  	v3 =	vld [tilespmem:$0x0];
	_ =	sdelay $0x4  }
0x21e: {  	v20 =	vshll.u32 v3, $0x3  }
0x21f: {  	v3 =	vand.u32 $0x7, v3;
	v4 =	vand.u32 $0xFFFFFFC0, v20  }
0x220: {  	v3 =	vor.u32 v3, v4  }
0x221: {  	v4 =	vperm.xlane v3, v0;
	_ =	sdelay $0x1  }
0x222: {  	v4 =	vadd.s32 v1, v4;
	_ =	sdelay $0x4  }
0x223: {  	[tilespmem:s29], [sflag:$0x1] =	stream.indirect_vreg.gather [hbm4b:s3+s2], $0x80, v4, vm0, $0xb8;
	[tilespmem:$0x10080] =	vst v63  }
0x224: {  	s23 =	simm.s32 $0x880;
	v3 =	vperm.xlane v3, v2  }
0x225: {  	[tilespmem:s23], [sflag:$0x1] =	stream.indirect_vreg.gather [hbm4b:s4+s2], $0x80, v4, vm0, $0xb8;
	[tilespmem:$0x10080] =	vst v63  }
0x226: {  	v3 =	vadd.s32 v1, v3;
	s23 =	simm.s32 $0x1080  }
0x227: {  	[tilespmem:s23], [sflag:$0x1] =	stream.indirect_vreg.gather [hbm4b:s5+s2], $0x80, v4, vm0, $0xb8;
	[tilespmem:$0x10080] =	vst v63  }
0x228: {  	s23 =	simm.s32 $0x1880  }
0x229: {  	[tilespmem:s23], [sflag:$0x1] =	stream.indirect_vreg.gather [hbm4b:s6+s2], $0x80, v4, vm0, $0xb8;
	[tilespmem:$0x10080] =	vst v63  }
0x22a: {  	s23 =	simm.s32 $0x2080  }
0x22b: {  	[tilespmem:s23], [sflag:$0x1] =	stream.indirect_vreg.gather [hbm4b:s3+s2], $0x80, v3, vm0, $0xb8;
	[tilespmem:$0x10080] =	vst v63  }
0x22c: {  	s23 =	simm.s32 $0x2880  }
0x22d: {  	[tilespmem:s23], [sflag:$0x1] =	stream.indirect_vreg.gather [hbm4b:s4+s2], $0x80, v3, vm0, $0xb8;
	[tilespmem:$0x10080] =	vst v63  }
0x22e: {  	s23 =	simm.s32 $0x3080  }
0x22f: {  	[tilespmem:s23], [sflag:$0x1] =	stream.indirect_vreg.gather [hbm4b:s5+s2], $0x80, v3, vm0, $0xb8;
	[tilespmem:$0x10080] =	vst v63  }
0x230: {  	s23 =	simm.s32 $0x3880  }
0x231: {  	[tilespmem:s23], [sflag:$0x1] =	stream.indirect_vreg.gather [hbm4b:s6+s2], $0x80, v3, vm0, $0xb8;
	[tilespmem:$0x10080] =	vst v63  }
0x232: {  	v3 =	vld [tilespmem:$0x10];
	_ =	sdelay $0x4  }
0x233: {  	v21 =	vshll.u32 v3, $0x3  }
0x234: {  	v3 =	vand.u32 $0x7, v3;
	v4 =	vand.u32 $0xFFFFFFC0, v21  }
0x235: {  	v3 =	vor.u32 v3, v4  }
0x236: {  	v4 =	vperm.xlane v3, v0;
	_ =	sdelay $0x1  }
0x237: {  	v4 =	vadd.s32 v1, v4;
	_ =	sdelay $0x3  }
0x238: {  	s23 =	simm.s32 $0x4080  }
0x239: {  	[tilespmem:s23], [sflag:$0x1] =	stream.indirect_vreg.gather [hbm4b:s3+s2], $0x80, v4, vm0, $0xb8;
	[tilespmem:$0x10080] =	vst v63  }
0x23a: {  	s24 =	simm.s32 $0x4880;
	v3 =	vperm.xlane v3, v2  }
0x23b: {  	[tilespmem:s24], [sflag:$0x1] =	stream.indirect_vreg.gather [hbm4b:s4+s2], $0x80, v4, vm0, $0xb8;
	[tilespmem:$0x10080] =	vst v63  }
0x23c: {  	s26 =	simm.s32 $0x5080;
	v3 =	vadd.s32 v1, v3  }
0x23d: {  	[tilespmem:s26], [sflag:$0x1] =	stream.indirect_vreg.gather [hbm4b:s5+s2], $0x80, v4, vm0, $0xb8;
	[tilespmem:$0x10080] =	vst v63  }
0x23e: {  	s24 =	simm.s32 $0x5880  }
0x23f: {  	[tilespmem:s24], [sflag:$0x1] =	stream.indirect_vreg.gather [hbm4b:s6+s2], $0x80, v4, vm0, $0xb8;
	[tilespmem:$0x10080] =	vst v63  }
0x240: {  	s30 =	simm.s32 $0x6080  }
0x241: {  	[tilespmem:s30], [sflag:$0x1] =	stream.indirect_vreg.gather [hbm4b:s3+s2], $0x80, v3, vm0, $0xb8;
	[tilespmem:$0x10080] =	vst v63  }
0x242: {  	s19 =	simm.s32 $0x6880  }
0x243: {  	[tilespmem:s19], [sflag:$0x1] =	stream.indirect_vreg.gather [hbm4b:s4+s2], $0x80, v3, vm0, $0xb8;
	[tilespmem:$0x10080] =	vst v63  }
0x244: {  	s16 =	simm.s32 $0x7080  }
0x245: {  	[tilespmem:s16], [sflag:$0x1] =	stream.indirect_vreg.gather [hbm4b:s5+s2], $0x80, v3, vm0, $0xb8;
	[tilespmem:$0x10080] =	vst v63  }
0x246: {  	s0 =	simm.s32 $0x7880  }
0x247: {  	[tilespmem:s0], [sflag:$0x1] =	stream.indirect_vreg.gather [hbm4b:s6+s2], $0x80, v3, vm0, $0xb8;
	[tilespmem:$0x10080] =	vst v63  }
0x248: {  	v3 =	vld [tilespmem:$0x20];
	_ =	sdelay $0x4  }
0x249: {  	v22 =	vshll.u32 v3, $0x3  }
0x24a: {  	v3 =	vand.u32 $0x7, v3;
	v4 =	vand.u32 $0xFFFFFFC0, v22  }
0x24b: {  	v3 =	vor.u32 v3, v4  }
0x24c: {  	v4 =	vperm.xlane v3, v0;
	_ =	sdelay $0x1  }
0x24d: {  	v4 =	vadd.s32 v1, v4;
	_ =	sdelay $0x3  }
0x24e: {  	s20 =	simm.s32 $0x8080  }
0x24f: {  	[tilespmem:s20], [sflag:$0x1] =	stream.indirect_vreg.gather [hbm4b:s3+s2], $0x80, v4, vm0, $0xb8;
	[tilespmem:$0x10080] =	vst v63  }
0x250: {  	s13 =	simm.s32 $0x8880;
	v3 =	vperm.xlane v3, v2  }
0x251: {  	[tilespmem:s13], [sflag:$0x1] =	stream.indirect_vreg.gather [hbm4b:s4+s2], $0x80, v4, vm0, $0xb8;
	[tilespmem:$0x10080] =	vst v63  }
0x252: {  	s1 =	simm.s32 $0x9080;
	v3 =	vadd.s32 v1, v3  }
0x253: {  	[tilespmem:s1], [sflag:$0x1] =	stream.indirect_vreg.gather [hbm4b:s5+s2], $0x80, v4, vm0, $0xb8;
	[tilespmem:$0x10080] =	vst v63  }
0x254: {  	s7 =	simm.s32 $0x9880  }
0x255: {  	[tilespmem:s7], [sflag:$0x1] =	stream.indirect_vreg.gather [hbm4b:s6+s2], $0x80, v4, vm0, $0xb8;
	[tilespmem:$0x10080] =	vst v63  }
0x256: {  	s9 =	simm.s32 $0xA080  }
0x257: {  	[tilespmem:s9], [sflag:$0x1] =	stream.indirect_vreg.gather [hbm4b:s3+s2], $0x80, v3, vm0, $0xb8;
	[tilespmem:$0x10080] =	vst v63  }
0x258: {  	s10 =	simm.s32 $0xA880  }
0x259: {  	[tilespmem:s10], [sflag:$0x1] =	stream.indirect_vreg.gather [hbm4b:s4+s2], $0x80, v3, vm0, $0xb8;
	[tilespmem:$0x10080] =	vst v63  }
0x25a: {  	s15 =	simm.s32 $0xB080  }
0x25b: {  	[tilespmem:s15], [sflag:$0x1] =	stream.indirect_vreg.gather [hbm4b:s5+s2], $0x80, v3, vm0, $0xb8;
	[tilespmem:$0x10080] =	vst v63  }
0x25c: {  	s28 =	simm.s32 $0xB880  }
0x25d: {  	[tilespmem:s28], [sflag:$0x1] =	stream.indirect_vreg.gather [hbm4b:s6+s2], $0x80, v3, vm0, $0xb8;
	[tilespmem:$0x10080] =	vst v63  }
0x25e: {  	v3 =	vld [tilespmem:$0x30];
	_ =	sdelay $0x4  }
0x25f: {  	v23 =	vshll.u32 v3, $0x3  }
0x260: {  	v3 =	vand.u32 $0x7, v3;
	v4 =	vand.u32 $0xFFFFFFC0, v23  }
0x261: {  	v3 =	vor.u32 v3, v4  }
0x262: {  	v4 =	vperm.xlane v3, v0;
	_ =	sdelay $0x1  }
0x263: {  	v4 =	vadd.s32 v1, v4;
	_ =	sdelay $0x3  }
0x264: {  	s31 =	simm.s32 $0xC080  }
0x265: {  	[tilespmem:s31], [sflag:$0x1] =	stream.indirect_vreg.gather [hbm4b:s3+s2], $0x80, v4, vm0, $0xb8;
	[tilespmem:$0x10080] =	vst v63  }
0x266: {  	s18 =	simm.s32 $0xC880;
	v3 =	vperm.xlane v3, v2  }
0x267: {  	[tilespmem:s18], [sflag:$0x1] =	stream.indirect_vreg.gather [hbm4b:s4+s2], $0x80, v4, vm0, $0xb8;
	[tilespmem:$0x10080] =	vst v63  }
0x268: {  	s11 =	simm.s32 $0xD080;
	v3 =	vadd.s32 v1, v3  }
0x269: {  	[tilespmem:s11], [sflag:$0x1] =	stream.indirect_vreg.gather [hbm4b:s5+s2], $0x80, v4, vm0, $0xb8;
	[tilespmem:$0x10080] =	vst v63  }
0x26a: {  	s12 =	simm.s32 $0xD880  }
0x26b: {  	[tilespmem:s12], [sflag:$0x1] =	stream.indirect_vreg.gather [hbm4b:s6+s2], $0x80, v4, vm0, $0xb8;
	[tilespmem:$0x10080] =	vst v63  }
0x26c: {  	s25 =	simm.s32 $0xE080  }
0x26d: {  	[tilespmem:s25], [sflag:$0x1] =	stream.indirect_vreg.gather [hbm4b:s3+s2], $0x80, v3, vm0, $0xb8;
	[tilespmem:$0x10080] =	vst v63  }
0x26e: {  	s14 =	simm.s32 $0xE880  }
0x26f: {  	[tilespmem:s14], [sflag:$0x1] =	stream.indirect_vreg.gather [hbm4b:s4+s2], $0x80, v3, vm0, $0xb8;
	[tilespmem:$0x10080] =	vst v63  }
0x270: {  	s21 =	simm.s32 $0xF080  }
0x271: {  	[tilespmem:s21], [sflag:$0x1] =	stream.indirect_vreg.gather [hbm4b:s5+s2], $0x80, v3, vm0, $0xb8;
	[tilespmem:$0x10080] =	vst v63  }
0x272: {  	s22 =	simm.s32 $0xF880  }
0x273: {  	[tilespmem:s22], [sflag:$0x1] =	stream.indirect_vreg.gather [hbm4b:s6+s2], $0x80, v3, vm0, $0xb8;
	[tilespmem:$0x10080] =	vst v63  }
0x274: {  	_ =	swait.ge [sflag:s17], $0x10000  }
0x275: {  	[sflag:s17] =	ssyncset.done $0x0  }
0x276: {  	s22 =	rddreg [dreg:$0xd];
	[sflag:s17] =	ssyncadd.s32 $0xFFFF0000  }
0x277: {  	[hbm4b:s22+s2] =	stream.linear.scatter [tilespmem:s29], [sflag:$0x2], $0x10000, $0x38;
	[tilespmem:$0x10080] =	vst v63  }
0x278: {  	_ =	swait.ge [sflag:s8], $0x10000  }
0x279: {  	[sflag:s8] =	ssyncset.done $0x0  }
0x27a: {  	s22 =	rddreg [dreg:$0xe];
	[sflag:s8] =	ssyncadd.s32 $0xFFFF0000  }
0x27b: {  	[tilespmem:s2], [sflag:$0x2] =	stream.linear.gather [hbm4b:s22+s2], $0x40, $0x38;
	[tilespmem:$0x10080] =	vst v63  }
0x27c: {  	_ =	swait.ge [sflag:s8], $0x40  }
0x27d: {  	[sflag:s8] =	ssyncset.done $0x0  }
0x27e: {  	[sflag:s8] =	ssyncadd.s32 $0xFFFFFFC0  }
0x27f: {  	v3 =	vld [tilespmem:$0x0];
	_ =	sdelay $0x4  }
0x280: {  	v24 =	vshll.u32 v3, $0x3  }
0x281: {  	v3 =	vand.u32 $0x7, v3;
	v4 =	vand.u32 $0xFFFFFFC0, v24  }
0x282: {  	v3 =	vor.u32 v3, v4  }
0x283: {  	v4 =	vperm.xlane v3, v0;
	_ =	sdelay $0x1  }
0x284: {  	v4 =	vadd.s32 v1, v4;
	_ =	sdelay $0x4  }
0x285: {  	[tilespmem:s29], [sflag:$0x1] =	stream.indirect_vreg.gather [hbm4b:s3+s2], $0x80, v4, vm0, $0xb8;
	[tilespmem:$0x10080] =	vst v63  }
0x286: {  	s22 =	simm.s32 $0x880;
	v3 =	vperm.xlane v3, v2  }
0x287: {  	[tilespmem:s22], [sflag:$0x1] =	stream.indirect_vreg.gather [hbm4b:s4+s2], $0x80, v4, vm0, $0xb8;
	[tilespmem:$0x10080] =	vst v63  }
0x288: {  	v3 =	vadd.s32 v1, v3;
	s22 =	simm.s32 $0x1080  }
0x289: {  	[tilespmem:s22], [sflag:$0x1] =	stream.indirect_vreg.gather [hbm4b:s5+s2], $0x80, v4, vm0, $0xb8;
	[tilespmem:$0x10080] =	vst v63  }
0x28a: {  	s22 =	simm.s32 $0x1880  }
0x28b: {  	[tilespmem:s22], [sflag:$0x1] =	stream.indirect_vreg.gather [hbm4b:s6+s2], $0x80, v4, vm0, $0xb8;
	[tilespmem:$0x10080] =	vst v63  }
0x28c: {  	s22 =	simm.s32 $0x2080  }
0x28d: {  	[tilespmem:s22], [sflag:$0x1] =	stream.indirect_vreg.gather [hbm4b:s3+s2], $0x80, v3, vm0, $0xb8;
	[tilespmem:$0x10080] =	vst v63  }
0x28e: {  	s22 =	simm.s32 $0x2880  }
0x28f: {  	[tilespmem:s22], [sflag:$0x1] =	stream.indirect_vreg.gather [hbm4b:s4+s2], $0x80, v3, vm0, $0xb8;
	[tilespmem:$0x10080] =	vst v63  }
0x290: {  	s22 =	simm.s32 $0x3080  }
0x291: {  	[tilespmem:s22], [sflag:$0x1] =	stream.indirect_vreg.gather [hbm4b:s5+s2], $0x80, v3, vm0, $0xb8;
	[tilespmem:$0x10080] =	vst v63  }
0x292: {  	s22 =	simm.s32 $0x3880  }
0x293: {  	[tilespmem:s22], [sflag:$0x1] =	stream.indirect_vreg.gather [hbm4b:s6+s2], $0x80, v3, vm0, $0xb8;
	[tilespmem:$0x10080] =	vst v63  }
0x294: {  	v3 =	vld [tilespmem:$0x10];
	_ =	sdelay $0x4  }
0x295: {  	v25 =	vshll.u32 v3, $0x3  }
0x296: {  	v3 =	vand.u32 $0x7, v3;
	v4 =	vand.u32 $0xFFFFFFC0, v25  }
0x297: {  	v3 =	vor.u32 v3, v4  }
0x298: {  	v4 =	vperm.xlane v3, v0;
	_ =	sdelay $0x1  }
0x299: {  	v4 =	vadd.s32 v1, v4;
	_ =	sdelay $0x3  }
0x29a: {  	s22 =	simm.s32 $0x4080  }
0x29b: {  	[tilespmem:s22], [sflag:$0x1] =	stream.indirect_vreg.gather [hbm4b:s3+s2], $0x80, v4, vm0, $0xb8;
	[tilespmem:$0x10080] =	vst v63  }
0x29c: {  	s23 =	simm.s32 $0x4880;
	v3 =	vperm.xlane v3, v2  }
0x29d: {  	[tilespmem:s23], [sflag:$0x1] =	stream.indirect_vreg.gather [hbm4b:s4+s2], $0x80, v4, vm0, $0xb8;
	[tilespmem:$0x10080] =	vst v63  }
0x29e: {  	s26 =	simm.s32 $0x5080;
	v3 =	vadd.s32 v1, v3  }
0x29f: {  	[tilespmem:s26], [sflag:$0x1] =	stream.indirect_vreg.gather [hbm4b:s5+s2], $0x80, v4, vm0, $0xb8;
	[tilespmem:$0x10080] =	vst v63  }
0x2a0: {  	s26 =	simm.s32 $0x5880  }
0x2a1: {  	[tilespmem:s26], [sflag:$0x1] =	stream.indirect_vreg.gather [hbm4b:s6+s2], $0x80, v4, vm0, $0xb8;
	[tilespmem:$0x10080] =	vst v63  }
0x2a2: {  	s30 =	simm.s32 $0x6080  }
0x2a3: {  	[tilespmem:s30], [sflag:$0x1] =	stream.indirect_vreg.gather [hbm4b:s3+s2], $0x80, v3, vm0, $0xb8;
	[tilespmem:$0x10080] =	vst v63  }
0x2a4: {  	s19 =	simm.s32 $0x6880  }
0x2a5: {  	[tilespmem:s19], [sflag:$0x1] =	stream.indirect_vreg.gather [hbm4b:s4+s2], $0x80, v3, vm0, $0xb8;
	[tilespmem:$0x10080] =	vst v63  }
0x2a6: {  	s24 =	simm.s32 $0x7080  }
0x2a7: {  	[tilespmem:s24], [sflag:$0x1] =	stream.indirect_vreg.gather [hbm4b:s5+s2], $0x80, v3, vm0, $0xb8;
	[tilespmem:$0x10080] =	vst v63  }
0x2a8: {  	s0 =	simm.s32 $0x7880  }
0x2a9: {  	[tilespmem:s0], [sflag:$0x1] =	stream.indirect_vreg.gather [hbm4b:s6+s2], $0x80, v3, vm0, $0xb8;
	[tilespmem:$0x10080] =	vst v63  }
0x2aa: {  	v3 =	vld [tilespmem:$0x20];
	_ =	sdelay $0x4  }
0x2ab: {  	v26 =	vshll.u32 v3, $0x3  }
0x2ac: {  	v3 =	vand.u32 $0x7, v3;
	v4 =	vand.u32 $0xFFFFFFC0, v26  }
0x2ad: {  	v3 =	vor.u32 v3, v4  }
0x2ae: {  	v4 =	vperm.xlane v3, v0;
	_ =	sdelay $0x1  }
0x2af: {  	v4 =	vadd.s32 v1, v4;
	_ =	sdelay $0x3  }
0x2b0: {  	s20 =	simm.s32 $0x8080  }
0x2b1: {  	[tilespmem:s20], [sflag:$0x1] =	stream.indirect_vreg.gather [hbm4b:s3+s2], $0x80, v4, vm0, $0xb8;
	[tilespmem:$0x10080] =	vst v63  }
0x2b2: {  	s16 =	simm.s32 $0x8880;
	v3 =	vperm.xlane v3, v2  }
0x2b3: {  	[tilespmem:s16], [sflag:$0x1] =	stream.indirect_vreg.gather [hbm4b:s4+s2], $0x80, v4, vm0, $0xb8;
	[tilespmem:$0x10080] =	vst v63  }
0x2b4: {  	s1 =	simm.s32 $0x9080;
	v3 =	vadd.s32 v1, v3  }
0x2b5: {  	[tilespmem:s1], [sflag:$0x1] =	stream.indirect_vreg.gather [hbm4b:s5+s2], $0x80, v4, vm0, $0xb8;
	[tilespmem:$0x10080] =	vst v63  }
0x2b6: {  	s7 =	simm.s32 $0x9880  }
0x2b7: {  	[tilespmem:s7], [sflag:$0x1] =	stream.indirect_vreg.gather [hbm4b:s6+s2], $0x80, v4, vm0, $0xb8;
	[tilespmem:$0x10080] =	vst v63  }
0x2b8: {  	s9 =	simm.s32 $0xA080  }
0x2b9: {  	[tilespmem:s9], [sflag:$0x1] =	stream.indirect_vreg.gather [hbm4b:s3+s2], $0x80, v3, vm0, $0xb8;
	[tilespmem:$0x10080] =	vst v63  }
0x2ba: {  	s10 =	simm.s32 $0xA880  }
0x2bb: {  	[tilespmem:s10], [sflag:$0x1] =	stream.indirect_vreg.gather [hbm4b:s4+s2], $0x80, v3, vm0, $0xb8;
	[tilespmem:$0x10080] =	vst v63  }
0x2bc: {  	s13 =	simm.s32 $0xB080  }
0x2bd: {  	[tilespmem:s13], [sflag:$0x1] =	stream.indirect_vreg.gather [hbm4b:s5+s2], $0x80, v3, vm0, $0xb8;
	[tilespmem:$0x10080] =	vst v63  }
0x2be: {  	s28 =	simm.s32 $0xB880  }
0x2bf: {  	[tilespmem:s28], [sflag:$0x1] =	stream.indirect_vreg.gather [hbm4b:s6+s2], $0x80, v3, vm0, $0xb8;
	[tilespmem:$0x10080] =	vst v63  }
0x2c0: {  	v3 =	vld [tilespmem:$0x30];
	_ =	sdelay $0x4  }
0x2c1: {  	v27 =	vshll.u32 v3, $0x3  }
0x2c2: {  	v3 =	vand.u32 $0x7, v3;
	v4 =	vand.u32 $0xFFFFFFC0, v27  }
0x2c3: {  	v3 =	vor.u32 v3, v4  }
0x2c4: {  	v4 =	vperm.xlane v3, v0;
	_ =	sdelay $0x1  }
0x2c5: {  	v4 =	vadd.s32 v1, v4;
	_ =	sdelay $0x3  }
0x2c6: {  	s31 =	simm.s32 $0xC080  }
0x2c7: {  	[tilespmem:s31], [sflag:$0x1] =	stream.indirect_vreg.gather [hbm4b:s3+s2], $0x80, v4, vm0, $0xb8;
	[tilespmem:$0x10080] =	vst v63  }
0x2c8: {  	s20 =	simm.s32 $0xC880;
	v3 =	vperm.xlane v3, v2  }
0x2c9: {  	[tilespmem:s20], [sflag:$0x1] =	stream.indirect_vreg.gather [hbm4b:s4+s2], $0x80, v4, vm0, $0xb8;
	[tilespmem:$0x10080] =	vst v63  }
0x2ca: {  	s11 =	simm.s32 $0xD080;
	v3 =	vadd.s32 v1, v3  }
0x2cb: {  	[tilespmem:s11], [sflag:$0x1] =	stream.indirect_vreg.gather [hbm4b:s5+s2], $0x80, v4, vm0, $0xb8;
	[tilespmem:$0x10080] =	vst v63  }
0x2cc: {  	s12 =	simm.s32 $0xD880  }
0x2cd: {  	[tilespmem:s12], [sflag:$0x1] =	stream.indirect_vreg.gather [hbm4b:s6+s2], $0x80, v4, vm0, $0xb8;
	[tilespmem:$0x10080] =	vst v63  }
0x2ce: {  	s25 =	simm.s32 $0xE080  }
0x2cf: {  	[tilespmem:s25], [sflag:$0x1] =	stream.indirect_vreg.gather [hbm4b:s3+s2], $0x80, v3, vm0, $0xb8;
	[tilespmem:$0x10080] =	vst v63  }
0x2d0: {  	s14 =	simm.s32 $0xE880  }
0x2d1: {  	[tilespmem:s14], [sflag:$0x1] =	stream.indirect_vreg.gather [hbm4b:s4+s2], $0x80, v3, vm0, $0xb8;
	[tilespmem:$0x10080] =	vst v63  }
0x2d2: {  	s15 =	simm.s32 $0xF080  }
0x2d3: {  	[tilespmem:s15], [sflag:$0x1] =	stream.indirect_vreg.gather [hbm4b:s5+s2], $0x80, v3, vm0, $0xb8;
	[tilespmem:$0x10080] =	vst v63  }
0x2d4: {  	s21 =	simm.s32 $0xF880  }
0x2d5: {  	[tilespmem:s21], [sflag:$0x1] =	stream.indirect_vreg.gather [hbm4b:s6+s2], $0x80, v3, vm0, $0xb8;
	[tilespmem:$0x10080] =	vst v63  }
0x2d6: {  	_ =	swait.ge [sflag:s17], $0x10000  }
0x2d7: {  	[sflag:s17] =	ssyncset.done $0x0  }
0x2d8: {  	s25 =	rddreg [dreg:$0xf];
	[sflag:s17] =	ssyncadd.s32 $0xFFFF0000  }
0x2d9: {  	[hbm4b:s25+s2] =	stream.linear.scatter [tilespmem:s29], [sflag:$0x2], $0x10000, $0x38;
	[tilespmem:$0x10080] =	vst v63  }
0x2da: {  	_ =	swait.ge [sflag:s8], $0x10000  }
0x2db: {  	[sflag:s8] =	ssyncset.done $0x0  }
0x2dc: {  	s21 =	rddreg [dreg:$0x10];
	[sflag:s8] =	ssyncadd.s32 $0xFFFF0000  }
0x2dd: {  	[tilespmem:s2], [sflag:$0x2] =	stream.linear.gather [hbm4b:s21+s2], $0x40, $0x38;
	[tilespmem:$0x10080] =	vst v63  }
0x2de: {  	_ =	swait.ge [sflag:s8], $0x40  }
0x2df: {  	[sflag:s8] =	ssyncset.done $0x0  }
0x2e0: {  	[sflag:s8] =	ssyncadd.s32 $0xFFFFFFC0  }
0x2e1: {  	v3 =	vld [tilespmem:$0x0];
	_ =	sdelay $0x4  }
0x2e2: {  	v28 =	vshll.u32 v3, $0x3  }
0x2e3: {  	v3 =	vand.u32 $0x7, v3;
	v4 =	vand.u32 $0xFFFFFFC0, v28  }
0x2e4: {  	v3 =	vor.u32 v3, v4  }
0x2e5: {  	v4 =	vperm.xlane v3, v0;
	_ =	sdelay $0x1  }
0x2e6: {  	v4 =	vadd.s32 v1, v4;
	_ =	sdelay $0x4  }
0x2e7: {  	[tilespmem:s29], [sflag:$0x1] =	stream.indirect_vreg.gather [hbm4b:s3+s2], $0x80, v4, vm0, $0xb8;
	[tilespmem:$0x10080] =	vst v63  }
0x2e8: {  	s25 =	simm.s32 $0x880;
	v3 =	vperm.xlane v3, v2  }
0x2e9: {  	[tilespmem:s25], [sflag:$0x1] =	stream.indirect_vreg.gather [hbm4b:s4+s2], $0x80, v4, vm0, $0xb8;
	[tilespmem:$0x10080] =	vst v63  }
0x2ea: {  	s21 =	simm.s32 $0x1080;
	v3 =	vadd.s32 v1, v3  }
0x2eb: {  	[tilespmem:s21], [sflag:$0x1] =	stream.indirect_vreg.gather [hbm4b:s5+s2], $0x80, v4, vm0, $0xb8;
	[tilespmem:$0x10080] =	vst v63  }
0x2ec: {  	s25 =	simm.s32 $0x1880  }
0x2ed: {  	[tilespmem:s25], [sflag:$0x1] =	stream.indirect_vreg.gather [hbm4b:s6+s2], $0x80, v4, vm0, $0xb8;
	[tilespmem:$0x10080] =	vst v63  }
0x2ee: {  	s21 =	simm.s32 $0x2080  }
0x2ef: {  	[tilespmem:s21], [sflag:$0x1] =	stream.indirect_vreg.gather [hbm4b:s3+s2], $0x80, v3, vm0, $0xb8;
	[tilespmem:$0x10080] =	vst v63  }
0x2f0: {  	s25 =	simm.s32 $0x2880  }
0x2f1: {  	[tilespmem:s25], [sflag:$0x1] =	stream.indirect_vreg.gather [hbm4b:s4+s2], $0x80, v3, vm0, $0xb8;
	[tilespmem:$0x10080] =	vst v63  }
0x2f2: {  	s21 =	simm.s32 $0x3080  }
0x2f3: {  	[tilespmem:s21], [sflag:$0x1] =	stream.indirect_vreg.gather [hbm4b:s5+s2], $0x80, v3, vm0, $0xb8;
	[tilespmem:$0x10080] =	vst v63  }
0x2f4: {  	s25 =	simm.s32 $0x3880  }
0x2f5: {  	[tilespmem:s25], [sflag:$0x1] =	stream.indirect_vreg.gather [hbm4b:s6+s2], $0x80, v3, vm0, $0xb8;
	[tilespmem:$0x10080] =	vst v63  }
0x2f6: {  	v3 =	vld [tilespmem:$0x10];
	_ =	sdelay $0x4  }
0x2f7: {  	v29 =	vshll.u32 v3, $0x3  }
0x2f8: {  	v3 =	vand.u32 $0x7, v3;
	v4 =	vand.u32 $0xFFFFFFC0, v29  }
0x2f9: {  	v3 =	vor.u32 v3, v4  }
0x2fa: {  	v4 =	vperm.xlane v3, v0;
	_ =	sdelay $0x1  }
0x2fb: {  	v4 =	vadd.s32 v1, v4;
	_ =	sdelay $0x3  }
0x2fc: {  	s21 =	simm.s32 $0x4080  }
0x2fd: {  	[tilespmem:s21], [sflag:$0x1] =	stream.indirect_vreg.gather [hbm4b:s3+s2], $0x80, v4, vm0, $0xb8;
	[tilespmem:$0x10080] =	vst v63  }
0x2fe: {  	s22 =	simm.s32 $0x4880;
	v3 =	vperm.xlane v3, v2  }
0x2ff: {  	[tilespmem:s22], [sflag:$0x1] =	stream.indirect_vreg.gather [hbm4b:s4+s2], $0x80, v4, vm0, $0xb8;
	[tilespmem:$0x10080] =	vst v63  }
0x300: {  	s23 =	simm.s32 $0x5080;
	v3 =	vadd.s32 v1, v3  }
0x301: {  	[tilespmem:s23], [sflag:$0x1] =	stream.indirect_vreg.gather [hbm4b:s5+s2], $0x80, v4, vm0, $0xb8;
	[tilespmem:$0x10080] =	vst v63  }
0x302: {  	s23 =	simm.s32 $0x5880  }
0x303: {  	[tilespmem:s23], [sflag:$0x1] =	stream.indirect_vreg.gather [hbm4b:s6+s2], $0x80, v4, vm0, $0xb8;
	[tilespmem:$0x10080] =	vst v63  }
0x304: {  	s26 =	simm.s32 $0x6080  }
0x305: {  	[tilespmem:s26], [sflag:$0x1] =	stream.indirect_vreg.gather [hbm4b:s3+s2], $0x80, v3, vm0, $0xb8;
	[tilespmem:$0x10080] =	vst v63  }
0x306: {  	s30 =	simm.s32 $0x6880  }
0x307: {  	[tilespmem:s30], [sflag:$0x1] =	stream.indirect_vreg.gather [hbm4b:s4+s2], $0x80, v3, vm0, $0xb8;
	[tilespmem:$0x10080] =	vst v63  }
0x308: {  	s24 =	simm.s32 $0x7080  }
0x309: {  	[tilespmem:s24], [sflag:$0x1] =	stream.indirect_vreg.gather [hbm4b:s5+s2], $0x80, v3, vm0, $0xb8;
	[tilespmem:$0x10080] =	vst v63  }
0x30a: {  	s0 =	simm.s32 $0x7880  }
0x30b: {  	[tilespmem:s0], [sflag:$0x1] =	stream.indirect_vreg.gather [hbm4b:s6+s2], $0x80, v3, vm0, $0xb8;
	[tilespmem:$0x10080] =	vst v63  }
0x30c: {  	v3 =	vld [tilespmem:$0x20];
	_ =	sdelay $0x4  }
0x30d: {  	v30 =	vshll.u32 v3, $0x3  }
0x30e: {  	v3 =	vand.u32 $0x7, v3;
	v4 =	vand.u32 $0xFFFFFFC0, v30  }
0x30f: {  	v3 =	vor.u32 v3, v4  }
0x310: {  	v4 =	vperm.xlane v3, v0;
	_ =	sdelay $0x1  }
0x311: {  	v4 =	vadd.s32 v1, v4;
	_ =	sdelay $0x3  }
0x312: {  	s19 =	simm.s32 $0x8080  }
0x313: {  	[tilespmem:s19], [sflag:$0x1] =	stream.indirect_vreg.gather [hbm4b:s3+s2], $0x80, v4, vm0, $0xb8;
	[tilespmem:$0x10080] =	vst v63  }
0x314: {  	s16 =	simm.s32 $0x8880;
	v3 =	vperm.xlane v3, v2  }
0x315: {  	[tilespmem:s16], [sflag:$0x1] =	stream.indirect_vreg.gather [hbm4b:s4+s2], $0x80, v4, vm0, $0xb8;
	[tilespmem:$0x10080] =	vst v63  }
0x316: {  	s1 =	simm.s32 $0x9080;
	v3 =	vadd.s32 v1, v3  }
0x317: {  	[tilespmem:s1], [sflag:$0x1] =	stream.indirect_vreg.gather [hbm4b:s5+s2], $0x80, v4, vm0, $0xb8;
	[tilespmem:$0x10080] =	vst v63  }
0x318: {  	s7 =	simm.s32 $0x9880  }
0x319: {  	[tilespmem:s7], [sflag:$0x1] =	stream.indirect_vreg.gather [hbm4b:s6+s2], $0x80, v4, vm0, $0xb8;
	[tilespmem:$0x10080] =	vst v63  }
0x31a: {  	s9 =	simm.s32 $0xA080  }
0x31b: {  	[tilespmem:s9], [sflag:$0x1] =	stream.indirect_vreg.gather [hbm4b:s3+s2], $0x80, v3, vm0, $0xb8;
	[tilespmem:$0x10080] =	vst v63  }
0x31c: {  	s10 =	simm.s32 $0xA880  }
0x31d: {  	[tilespmem:s10], [sflag:$0x1] =	stream.indirect_vreg.gather [hbm4b:s4+s2], $0x80, v3, vm0, $0xb8;
	[tilespmem:$0x10080] =	vst v63  }
0x31e: {  	s13 =	simm.s32 $0xB080  }
0x31f: {  	[tilespmem:s13], [sflag:$0x1] =	stream.indirect_vreg.gather [hbm4b:s5+s2], $0x80, v3, vm0, $0xb8;
	[tilespmem:$0x10080] =	vst v63  }
0x320: {  	s24 =	simm.s32 $0xB880  }
0x321: {  	[tilespmem:s24], [sflag:$0x1] =	stream.indirect_vreg.gather [hbm4b:s6+s2], $0x80, v3, vm0, $0xb8;
	[tilespmem:$0x10080] =	vst v63  }
0x322: {  	v3 =	vld [tilespmem:$0x30];
	_ =	sdelay $0x4  }
0x323: {  	v31 =	vshll.u32 v3, $0x3  }
0x324: {  	v3 =	vand.u32 $0x7, v3;
	v4 =	vand.u32 $0xFFFFFFC0, v31  }
0x325: {  	v3 =	vor.u32 v3, v4  }
0x326: {  	v4 =	vperm.xlane v3, v0;
	_ =	sdelay $0x1  }
0x327: {  	v4 =	vadd.s32 v1, v4;
	_ =	sdelay $0x3  }
0x328: {  	s31 =	simm.s32 $0xC080  }
0x329: {  	[tilespmem:s31], [sflag:$0x1] =	stream.indirect_vreg.gather [hbm4b:s3+s2], $0x80, v4, vm0, $0xb8;
	[tilespmem:$0x10080] =	vst v63  }
0x32a: {  	s24 =	simm.s32 $0xC880;
	v3 =	vperm.xlane v3, v2  }
0x32b: {  	[tilespmem:s24], [sflag:$0x1] =	stream.indirect_vreg.gather [hbm4b:s4+s2], $0x80, v4, vm0, $0xb8;
	[tilespmem:$0x10080] =	vst v63  }
0x32c: {  	s28 =	simm.s32 $0xD080;
	v3 =	vadd.s32 v1, v3  }
0x32d: {  	[tilespmem:s28], [sflag:$0x1] =	stream.indirect_vreg.gather [hbm4b:s5+s2], $0x80, v4, vm0, $0xb8;
	[tilespmem:$0x10080] =	vst v63  }
0x32e: {  	s11 =	simm.s32 $0xD880  }
0x32f: {  	[tilespmem:s11], [sflag:$0x1] =	stream.indirect_vreg.gather [hbm4b:s6+s2], $0x80, v4, vm0, $0xb8;
	[tilespmem:$0x10080] =	vst v63  }
0x330: {  	s20 =	simm.s32 $0xE080  }
0x331: {  	[tilespmem:s20], [sflag:$0x1] =	stream.indirect_vreg.gather [hbm4b:s3+s2], $0x80, v3, vm0, $0xb8;
	[tilespmem:$0x10080] =	vst v63  }
0x332: {  	s14 =	simm.s32 $0xE880  }
0x333: {  	[tilespmem:s14], [sflag:$0x1] =	stream.indirect_vreg.gather [hbm4b:s4+s2], $0x80, v3, vm0, $0xb8;
	[tilespmem:$0x10080] =	vst v63  }
0x334: {  	s12 =	simm.s32 $0xF080  }
0x335: {  	[tilespmem:s12], [sflag:$0x1] =	stream.indirect_vreg.gather [hbm4b:s5+s2], $0x80, v3, vm0, $0xb8;
	[tilespmem:$0x10080] =	vst v63  }
0x336: {  	s15 =	simm.s32 $0xF880  }
0x337: {  	[tilespmem:s15], [sflag:$0x1] =	stream.indirect_vreg.gather [hbm4b:s6+s2], $0x80, v3, vm0, $0xb8;
	[tilespmem:$0x10080] =	vst v63  }
0x338: {  	_ =	swait.ge [sflag:s17], $0x10000  }
0x339: {  	[sflag:s17] =	ssyncset.done $0x0  }
0x33a: {  	s15 =	rddreg [dreg:$0x11];
	[sflag:s17] =	ssyncadd.s32 $0xFFFF0000  }
0x33b: {  	[hbm4b:s15+s2] =	stream.linear.scatter [tilespmem:s29], [sflag:$0x2], $0x10000, $0x38;
	[tilespmem:$0x10080] =	vst v63  }
0x33c: {  	_ =	swait.ge [sflag:s8], $0x10000  }
0x33d: {  	[sflag:s8] =	ssyncset.done $0x0  }
0x33e: {  	s15 =	rddreg [dreg:$0x12];
	[sflag:s8] =	ssyncadd.s32 $0xFFFF0000  }
0x33f: {  	[tilespmem:s2], [sflag:$0x2] =	stream.linear.gather [hbm4b:s15+s2], $0x40, $0x38;
	[tilespmem:$0x10080] =	vst v63  }
0x340: {  	_ =	swait.ge [sflag:s8], $0x40  }
0x341: {  	[sflag:s8] =	ssyncset.done $0x0  }
0x342: {  	[sflag:s8] =	ssyncadd.s32 $0xFFFFFFC0  }
0x343: {  	v3 =	vld [tilespmem:$0x0];
	_ =	sdelay $0x4  }
0x344: {  	v32 =	vshll.u32 v3, $0x3  }
0x345: {  	v3 =	vand.u32 $0x7, v3;
	v4 =	vand.u32 $0xFFFFFFC0, v32  }
0x346: {  	v3 =	vor.u32 v3, v4  }
0x347: {  	v4 =	vperm.xlane v3, v0;
	_ =	sdelay $0x1  }
0x348: {  	v4 =	vadd.s32 v1, v4;
	_ =	sdelay $0x4  }
0x349: {  	[tilespmem:s29], [sflag:$0x1] =	stream.indirect_vreg.gather [hbm4b:s3+s2], $0x80, v4, vm0, $0xb8;
	[tilespmem:$0x10080] =	vst v63  }
0x34a: {  	s18 =	simm.s32 $0x880;
	v3 =	vperm.xlane v3, v2  }
0x34b: {  	[tilespmem:s18], [sflag:$0x1] =	stream.indirect_vreg.gather [hbm4b:s4+s2], $0x80, v4, vm0, $0xb8;
	[tilespmem:$0x10080] =	vst v63  }
0x34c: {  	v3 =	vadd.s32 v1, v3;
	s18 =	simm.s32 $0x1080  }
0x34d: {  	[tilespmem:s18], [sflag:$0x1] =	stream.indirect_vreg.gather [hbm4b:s5+s2], $0x80, v4, vm0, $0xb8;
	[tilespmem:$0x10080] =	vst v63  }
0x34e: {  	s18 =	simm.s32 $0x1880  }
0x34f: {  	[tilespmem:s18], [sflag:$0x1] =	stream.indirect_vreg.gather [hbm4b:s6+s2], $0x80, v4, vm0, $0xb8;
	[tilespmem:$0x10080] =	vst v63  }
0x350: {  	s18 =	simm.s32 $0x2080  }
0x351: {  	[tilespmem:s18], [sflag:$0x1] =	stream.indirect_vreg.gather [hbm4b:s3+s2], $0x80, v3, vm0, $0xb8;
	[tilespmem:$0x10080] =	vst v63  }
0x352: {  	s18 =	simm.s32 $0x2880  }
0x353: {  	[tilespmem:s18], [sflag:$0x1] =	stream.indirect_vreg.gather [hbm4b:s4+s2], $0x80, v3, vm0, $0xb8;
	[tilespmem:$0x10080] =	vst v63  }
0x354: {  	s18 =	simm.s32 $0x3080  }
0x355: {  	[tilespmem:s18], [sflag:$0x1] =	stream.indirect_vreg.gather [hbm4b:s5+s2], $0x80, v3, vm0, $0xb8;
	[tilespmem:$0x10080] =	vst v63  }
0x356: {  	s18 =	simm.s32 $0x3880  }
0x357: {  	[tilespmem:s18], [sflag:$0x1] =	stream.indirect_vreg.gather [hbm4b:s6+s2], $0x80, v3, vm0, $0xb8;
	[tilespmem:$0x10080] =	vst v63  }
0x358: {  	v3 =	vld [tilespmem:$0x10];
	_ =	sdelay $0x4  }
0x359: {  	v33 =	vshll.u32 v3, $0x3  }
0x35a: {  	v3 =	vand.u32 $0x7, v3;
	v4 =	vand.u32 $0xFFFFFFC0, v33  }
0x35b: {  	v3 =	vor.u32 v3, v4  }
0x35c: {  	v4 =	vperm.xlane v3, v0;
	_ =	sdelay $0x1  }
0x35d: {  	v4 =	vadd.s32 v1, v4;
	_ =	sdelay $0x3  }
0x35e: {  	s18 =	simm.s32 $0x4080  }
0x35f: {  	[tilespmem:s18], [sflag:$0x1] =	stream.indirect_vreg.gather [hbm4b:s3+s2], $0x80, v4, vm0, $0xb8;
	[tilespmem:$0x10080] =	vst v63  }
0x360: {  	s21 =	simm.s32 $0x4880;
	v3 =	vperm.xlane v3, v2  }
0x361: {  	[tilespmem:s21], [sflag:$0x1] =	stream.indirect_vreg.gather [hbm4b:s4+s2], $0x80, v4, vm0, $0xb8;
	[tilespmem:$0x10080] =	vst v63  }
0x362: {  	s25 =	simm.s32 $0x5080;
	v3 =	vadd.s32 v1, v3  }
0x363: {  	[tilespmem:s25], [sflag:$0x1] =	stream.indirect_vreg.gather [hbm4b:s5+s2], $0x80, v4, vm0, $0xb8;
	[tilespmem:$0x10080] =	vst v63  }
0x364: {  	s23 =	simm.s32 $0x5880  }
0x365: {  	[tilespmem:s23], [sflag:$0x1] =	stream.indirect_vreg.gather [hbm4b:s6+s2], $0x80, v4, vm0, $0xb8;
	[tilespmem:$0x10080] =	vst v63  }
0x366: {  	s22 =	simm.s32 $0x6080  }
0x367: {  	[tilespmem:s22], [sflag:$0x1] =	stream.indirect_vreg.gather [hbm4b:s3+s2], $0x80, v3, vm0, $0xb8;
	[tilespmem:$0x10080] =	vst v63  }
0x368: {  	s26 =	simm.s32 $0x6880  }
0x369: {  	[tilespmem:s26], [sflag:$0x1] =	stream.indirect_vreg.gather [hbm4b:s4+s2], $0x80, v3, vm0, $0xb8;
	[tilespmem:$0x10080] =	vst v63  }
0x36a: {  	s30 =	simm.s32 $0x7080  }
0x36b: {  	[tilespmem:s30], [sflag:$0x1] =	stream.indirect_vreg.gather [hbm4b:s5+s2], $0x80, v3, vm0, $0xb8;
	[tilespmem:$0x10080] =	vst v63  }
0x36c: {  	s0 =	simm.s32 $0x7880  }
0x36d: {  	[tilespmem:s0], [sflag:$0x1] =	stream.indirect_vreg.gather [hbm4b:s6+s2], $0x80, v3, vm0, $0xb8;
	[tilespmem:$0x10080] =	vst v63  }
0x36e: {  	v3 =	vld [tilespmem:$0x20];
	_ =	sdelay $0x4  }
0x36f: {  	v34 =	vshll.u32 v3, $0x3  }
0x370: {  	v3 =	vand.u32 $0x7, v3;
	v4 =	vand.u32 $0xFFFFFFC0, v34  }
0x371: {  	v3 =	vor.u32 v3, v4  }
0x372: {  	v4 =	vperm.xlane v3, v0;
	_ =	sdelay $0x1  }
0x373: {  	v4 =	vadd.s32 v1, v4;
	_ =	sdelay $0x3  }
0x374: {  	s19 =	simm.s32 $0x8080  }
0x375: {  	[tilespmem:s19], [sflag:$0x1] =	stream.indirect_vreg.gather [hbm4b:s3+s2], $0x80, v4, vm0, $0xb8;
	[tilespmem:$0x10080] =	vst v63  }
0x376: {  	s16 =	simm.s32 $0x8880;
	v3 =	vperm.xlane v3, v2  }
0x377: {  	[tilespmem:s16], [sflag:$0x1] =	stream.indirect_vreg.gather [hbm4b:s4+s2], $0x80, v4, vm0, $0xb8;
	[tilespmem:$0x10080] =	vst v63  }
0x378: {  	s1 =	simm.s32 $0x9080;
	v3 =	vadd.s32 v1, v3  }
0x379: {  	[tilespmem:s1], [sflag:$0x1] =	stream.indirect_vreg.gather [hbm4b:s5+s2], $0x80, v4, vm0, $0xb8;
	[tilespmem:$0x10080] =	vst v63  }
0x37a: {  	s7 =	simm.s32 $0x9880  }
0x37b: {  	[tilespmem:s7], [sflag:$0x1] =	stream.indirect_vreg.gather [hbm4b:s6+s2], $0x80, v4, vm0, $0xb8;
	[tilespmem:$0x10080] =	vst v63  }
0x37c: {  	s9 =	simm.s32 $0xA080  }
0x37d: {  	[tilespmem:s9], [sflag:$0x1] =	stream.indirect_vreg.gather [hbm4b:s3+s2], $0x80, v3, vm0, $0xb8;
	[tilespmem:$0x10080] =	vst v63  }
0x37e: {  	s10 =	simm.s32 $0xA880  }
0x37f: {  	[tilespmem:s10], [sflag:$0x1] =	stream.indirect_vreg.gather [hbm4b:s4+s2], $0x80, v3, vm0, $0xb8;
	[tilespmem:$0x10080] =	vst v63  }
0x380: {  	s13 =	simm.s32 $0xB080  }
0x381: {  	[tilespmem:s13], [sflag:$0x1] =	stream.indirect_vreg.gather [hbm4b:s5+s2], $0x80, v3, vm0, $0xb8;
	[tilespmem:$0x10080] =	vst v63  }
0x382: {  	s30 =	simm.s32 $0xB880  }
0x383: {  	[tilespmem:s30], [sflag:$0x1] =	stream.indirect_vreg.gather [hbm4b:s6+s2], $0x80, v3, vm0, $0xb8;
	[tilespmem:$0x10080] =	vst v63  }
0x384: {  	v3 =	vld [tilespmem:$0x30];
	_ =	sdelay $0x4  }
0x385: {  	v35 =	vshll.u32 v3, $0x3  }
0x386: {  	v3 =	vand.u32 $0x7, v3;
	v4 =	vand.u32 $0xFFFFFFC0, v35  }
0x387: {  	v3 =	vor.u32 v3, v4  }
0x388: {  	v4 =	vperm.xlane v3, v0;
	_ =	sdelay $0x1  }
0x389: {  	v4 =	vadd.s32 v1, v4;
	_ =	sdelay $0x3  }
0x38a: {  	s31 =	simm.s32 $0xC080  }
0x38b: {  	[tilespmem:s31], [sflag:$0x1] =	stream.indirect_vreg.gather [hbm4b:s3+s2], $0x80, v4, vm0, $0xb8;
	[tilespmem:$0x10080] =	vst v63  }
0x38c: {  	s26 =	simm.s32 $0xC880;
	v3 =	vperm.xlane v3, v2  }
0x38d: {  	[tilespmem:s26], [sflag:$0x1] =	stream.indirect_vreg.gather [hbm4b:s4+s2], $0x80, v4, vm0, $0xb8;
	[tilespmem:$0x10080] =	vst v63  }
0x38e: {  	s28 =	simm.s32 $0xD080;
	v3 =	vadd.s32 v1, v3  }
0x38f: {  	[tilespmem:s28], [sflag:$0x1] =	stream.indirect_vreg.gather [hbm4b:s5+s2], $0x80, v4, vm0, $0xb8;
	[tilespmem:$0x10080] =	vst v63  }
0x390: {  	s24 =	simm.s32 $0xD880  }
0x391: {  	[tilespmem:s24], [sflag:$0x1] =	stream.indirect_vreg.gather [hbm4b:s6+s2], $0x80, v4, vm0, $0xb8;
	[tilespmem:$0x10080] =	vst v63  }
0x392: {  	s20 =	simm.s32 $0xE080  }
0x393: {  	[tilespmem:s20], [sflag:$0x1] =	stream.indirect_vreg.gather [hbm4b:s3+s2], $0x80, v3, vm0, $0xb8;
	[tilespmem:$0x10080] =	vst v63  }
0x394: {  	s11 =	simm.s32 $0xE880  }
0x395: {  	[tilespmem:s11], [sflag:$0x1] =	stream.indirect_vreg.gather [hbm4b:s4+s2], $0x80, v3, vm0, $0xb8;
	[tilespmem:$0x10080] =	vst v63  }
0x396: {  	s12 =	simm.s32 $0xF080  }
0x397: {  	[tilespmem:s12], [sflag:$0x1] =	stream.indirect_vreg.gather [hbm4b:s5+s2], $0x80, v3, vm0, $0xb8;
	[tilespmem:$0x10080] =	vst v63  }
0x398: {  	s14 =	simm.s32 $0xF880  }
0x399: {  	[tilespmem:s14], [sflag:$0x1] =	stream.indirect_vreg.gather [hbm4b:s6+s2], $0x80, v3, vm0, $0xb8;
	[tilespmem:$0x10080] =	vst v63  }
0x39a: {  	_ =	swait.ge [sflag:s17], $0x10000  }
0x39b: {  	[sflag:s17] =	ssyncset.done $0x0  }
0x39c: {  	s28 =	rddreg [dreg:$0x13];
	[sflag:s17] =	ssyncadd.s32 $0xFFFF0000  }
0x39d: {  	[hbm4b:s28+s2] =	stream.linear.scatter [tilespmem:s29], [sflag:$0x2], $0x10000, $0x38;
	[tilespmem:$0x10080] =	vst v63  }
0x39e: {  	_ =	swait.ge [sflag:s8], $0x10000  }
0x39f: {  	[sflag:s8] =	ssyncset.done $0x0  }
0x3a0: {  	s28 =	rddreg [dreg:$0x14];
	[sflag:s8] =	ssyncadd.s32 $0xFFFF0000  }
0x3a1: {  	[tilespmem:s2], [sflag:$0x2] =	stream.linear.gather [hbm4b:s28+s2], $0x40, $0x38;
	[tilespmem:$0x10080] =	vst v63  }
0x3a2: {  	_ =	swait.ge [sflag:s8], $0x40  }
0x3a3: {  	[sflag:s8] =	ssyncset.done $0x0  }
0x3a4: {  	[sflag:s8] =	ssyncadd.s32 $0xFFFFFFC0  }
0x3a5: {  	v3 =	vld [tilespmem:$0x0];
	_ =	sdelay $0x4  }
0x3a6: {  	v36 =	vshll.u32 v3, $0x3  }
0x3a7: {  	v3 =	vand.u32 $0x7, v3;
	v4 =	vand.u32 $0xFFFFFFC0, v36  }
0x3a8: {  	v3 =	vor.u32 v3, v4  }
0x3a9: {  	v4 =	vperm.xlane v3, v0;
	_ =	sdelay $0x1  }
0x3aa: {  	v4 =	vadd.s32 v1, v4;
	_ =	sdelay $0x4  }
0x3ab: {  	[tilespmem:s29], [sflag:$0x1] =	stream.indirect_vreg.gather [hbm4b:s3+s2], $0x80, v4, vm0, $0xb8;
	[tilespmem:$0x10080] =	vst v63  }
0x3ac: {  	s28 =	simm.s32 $0x880;
	v3 =	vperm.xlane v3, v2  }
0x3ad: {  	[tilespmem:s28], [sflag:$0x1] =	stream.indirect_vreg.gather [hbm4b:s4+s2], $0x80, v4, vm0, $0xb8;
	[tilespmem:$0x10080] =	vst v63  }
0x3ae: {  	v3 =	vadd.s32 v1, v3;
	s28 =	simm.s32 $0x1080  }
0x3af: {  	[tilespmem:s28], [sflag:$0x1] =	stream.indirect_vreg.gather [hbm4b:s5+s2], $0x80, v4, vm0, $0xb8;
	[tilespmem:$0x10080] =	vst v63  }
0x3b0: {  	s18 =	simm.s32 $0x1880  }
0x3b1: {  	[tilespmem:s18], [sflag:$0x1] =	stream.indirect_vreg.gather [hbm4b:s6+s2], $0x80, v4, vm0, $0xb8;
	[tilespmem:$0x10080] =	vst v63  }
0x3b2: {  	s18 =	simm.s32 $0x2080  }
0x3b3: {  	[tilespmem:s18], [sflag:$0x1] =	stream.indirect_vreg.gather [hbm4b:s3+s2], $0x80, v3, vm0, $0xb8;
	[tilespmem:$0x10080] =	vst v63  }
0x3b4: {  	s18 =	simm.s32 $0x2880  }
0x3b5: {  	[tilespmem:s18], [sflag:$0x1] =	stream.indirect_vreg.gather [hbm4b:s4+s2], $0x80, v3, vm0, $0xb8;
	[tilespmem:$0x10080] =	vst v63  }
0x3b6: {  	s18 =	simm.s32 $0x3080  }
0x3b7: {  	[tilespmem:s18], [sflag:$0x1] =	stream.indirect_vreg.gather [hbm4b:s5+s2], $0x80, v3, vm0, $0xb8;
	[tilespmem:$0x10080] =	vst v63  }
0x3b8: {  	s18 =	simm.s32 $0x3880  }
0x3b9: {  	[tilespmem:s18], [sflag:$0x1] =	stream.indirect_vreg.gather [hbm4b:s6+s2], $0x80, v3, vm0, $0xb8;
	[tilespmem:$0x10080] =	vst v63  }
0x3ba: {  	v3 =	vld [tilespmem:$0x10];
	_ =	sdelay $0x4  }
0x3bb: {  	v37 =	vshll.u32 v3, $0x3  }
0x3bc: {  	v3 =	vand.u32 $0x7, v3;
	v4 =	vand.u32 $0xFFFFFFC0, v37  }
0x3bd: {  	v3 =	vor.u32 v3, v4  }
0x3be: {  	v4 =	vperm.xlane v3, v0;
	_ =	sdelay $0x1  }
0x3bf: {  	v4 =	vadd.s32 v1, v4;
	_ =	sdelay $0x3  }
0x3c0: {  	s18 =	simm.s32 $0x4080  }
0x3c1: {  	[tilespmem:s18], [sflag:$0x1] =	stream.indirect_vreg.gather [hbm4b:s3+s2], $0x80, v4, vm0, $0xb8;
	[tilespmem:$0x10080] =	vst v63  }
0x3c2: {  	s15 =	simm.s32 $0x4880;
	v3 =	vperm.xlane v3, v2  }
0x3c3: {  	[tilespmem:s15], [sflag:$0x1] =	stream.indirect_vreg.gather [hbm4b:s4+s2], $0x80, v4, vm0, $0xb8;
	[tilespmem:$0x10080] =	vst v63  }
0x3c4: {  	v3 =	vadd.s32 v1, v3;
	s18 =	simm.s32 $0x5080  }
0x3c5: {  	[tilespmem:s18], [sflag:$0x1] =	stream.indirect_vreg.gather [hbm4b:s5+s2], $0x80, v4, vm0, $0xb8;
	[tilespmem:$0x10080] =	vst v63  }
0x3c6: {  	s25 =	simm.s32 $0x5880  }
0x3c7: {  	[tilespmem:s25], [sflag:$0x1] =	stream.indirect_vreg.gather [hbm4b:s6+s2], $0x80, v4, vm0, $0xb8;
	[tilespmem:$0x10080] =	vst v63  }
0x3c8: {  	s21 =	simm.s32 $0x6080  }
0x3c9: {  	[tilespmem:s21], [sflag:$0x1] =	stream.indirect_vreg.gather [hbm4b:s3+s2], $0x80, v3, vm0, $0xb8;
	[tilespmem:$0x10080] =	vst v63  }
0x3ca: {  	s23 =	simm.s32 $0x6880  }
0x3cb: {  	[tilespmem:s23], [sflag:$0x1] =	stream.indirect_vreg.gather [hbm4b:s4+s2], $0x80, v3, vm0, $0xb8;
	[tilespmem:$0x10080] =	vst v63  }
0x3cc: {  	s22 =	simm.s32 $0x7080  }
0x3cd: {  	[tilespmem:s22], [sflag:$0x1] =	stream.indirect_vreg.gather [hbm4b:s5+s2], $0x80, v3, vm0, $0xb8;
	[tilespmem:$0x10080] =	vst v63  }
0x3ce: {  	s0 =	simm.s32 $0x7880  }
0x3cf: {  	[tilespmem:s0], [sflag:$0x1] =	stream.indirect_vreg.gather [hbm4b:s6+s2], $0x80, v3, vm0, $0xb8;
	[tilespmem:$0x10080] =	vst v63  }
0x3d0: {  	v3 =	vld [tilespmem:$0x20];
	_ =	sdelay $0x4  }
0x3d1: {  	v38 =	vshll.u32 v3, $0x3  }
0x3d2: {  	v3 =	vand.u32 $0x7, v3;
	v4 =	vand.u32 $0xFFFFFFC0, v38  }
0x3d3: {  	v3 =	vor.u32 v3, v4  }
0x3d4: {  	v4 =	vperm.xlane v3, v0;
	_ =	sdelay $0x1  }
0x3d5: {  	v4 =	vadd.s32 v1, v4;
	_ =	sdelay $0x3  }
0x3d6: {  	s19 =	simm.s32 $0x8080  }
0x3d7: {  	[tilespmem:s19], [sflag:$0x1] =	stream.indirect_vreg.gather [hbm4b:s3+s2], $0x80, v4, vm0, $0xb8;
	[tilespmem:$0x10080] =	vst v63  }
0x3d8: {  	s16 =	simm.s32 $0x8880;
	v3 =	vperm.xlane v3, v2  }
0x3d9: {  	[tilespmem:s16], [sflag:$0x1] =	stream.indirect_vreg.gather [hbm4b:s4+s2], $0x80, v4, vm0, $0xb8;
	[tilespmem:$0x10080] =	vst v63  }
0x3da: {  	s1 =	simm.s32 $0x9080;
	v3 =	vadd.s32 v1, v3  }
0x3db: {  	[tilespmem:s1], [sflag:$0x1] =	stream.indirect_vreg.gather [hbm4b:s5+s2], $0x80, v4, vm0, $0xb8;
	[tilespmem:$0x10080] =	vst v63  }
0x3dc: {  	s7 =	simm.s32 $0x9880  }
0x3dd: {  	[tilespmem:s7], [sflag:$0x1] =	stream.indirect_vreg.gather [hbm4b:s6+s2], $0x80, v4, vm0, $0xb8;
	[tilespmem:$0x10080] =	vst v63  }
0x3de: {  	s9 =	simm.s32 $0xA080  }
0x3df: {  	[tilespmem:s9], [sflag:$0x1] =	stream.indirect_vreg.gather [hbm4b:s3+s2], $0x80, v3, vm0, $0xb8;
	[tilespmem:$0x10080] =	vst v63  }
0x3e0: {  	s10 =	simm.s32 $0xA880  }
0x3e1: {  	[tilespmem:s10], [sflag:$0x1] =	stream.indirect_vreg.gather [hbm4b:s4+s2], $0x80, v3, vm0, $0xb8;
	[tilespmem:$0x10080] =	vst v63  }
0x3e2: {  	s13 =	simm.s32 $0xB080  }
0x3e3: {  	[tilespmem:s13], [sflag:$0x1] =	stream.indirect_vreg.gather [hbm4b:s5+s2], $0x80, v3, vm0, $0xb8;
	[tilespmem:$0x10080] =	vst v63  }
0x3e4: {  	s30 =	simm.s32 $0xB880  }
0x3e5: {  	[tilespmem:s30], [sflag:$0x1] =	stream.indirect_vreg.gather [hbm4b:s6+s2], $0x80, v3, vm0, $0xb8;
	[tilespmem:$0x10080] =	vst v63  }
0x3e6: {  	v3 =	vld [tilespmem:$0x30];
	_ =	sdelay $0x4  }
0x3e7: {  	v39 =	vshll.u32 v3, $0x3  }
0x3e8: {  	v3 =	vand.u32 $0x7, v3;
	v4 =	vand.u32 $0xFFFFFFC0, v39  }
0x3e9: {  	v3 =	vor.u32 v3, v4  }
0x3ea: {  	v4 =	vperm.xlane v3, v0;
	_ =	sdelay $0x1  }
0x3eb: {  	v4 =	vadd.s32 v1, v4;
	_ =	sdelay $0x3  }
0x3ec: {  	s31 =	simm.s32 $0xC080  }
0x3ed: {  	[tilespmem:s31], [sflag:$0x1] =	stream.indirect_vreg.gather [hbm4b:s3+s2], $0x80, v4, vm0, $0xb8;
	[tilespmem:$0x10080] =	vst v63  }
0x3ee: {  	s23 =	simm.s32 $0xC880;
	v3 =	vperm.xlane v3, v2  }
0x3ef: {  	[tilespmem:s23], [sflag:$0x1] =	stream.indirect_vreg.gather [hbm4b:s4+s2], $0x80, v4, vm0, $0xb8;
	[tilespmem:$0x10080] =	vst v63  }
0x3f0: {  	s26 =	simm.s32 $0xD080;
	v3 =	vadd.s32 v1, v3  }
0x3f1: {  	[tilespmem:s26], [sflag:$0x1] =	stream.indirect_vreg.gather [hbm4b:s5+s2], $0x80, v4, vm0, $0xb8;
	[tilespmem:$0x10080] =	vst v63  }
0x3f2: {  	s24 =	simm.s32 $0xD880  }
0x3f3: {  	[tilespmem:s24], [sflag:$0x1] =	stream.indirect_vreg.gather [hbm4b:s6+s2], $0x80, v4, vm0, $0xb8;
	[tilespmem:$0x10080] =	vst v63  }
0x3f4: {  	s20 =	simm.s32 $0xE080  }
0x3f5: {  	[tilespmem:s20], [sflag:$0x1] =	stream.indirect_vreg.gather [hbm4b:s3+s2], $0x80, v3, vm0, $0xb8;
	[tilespmem:$0x10080] =	vst v63  }
0x3f6: {  	s11 =	simm.s32 $0xE880  }
0x3f7: {  	[tilespmem:s11], [sflag:$0x1] =	stream.indirect_vreg.gather [hbm4b:s4+s2], $0x80, v3, vm0, $0xb8;
	[tilespmem:$0x10080] =	vst v63  }
0x3f8: {  	s12 =	simm.s32 $0xF080  }
0x3f9: {  	[tilespmem:s12], [sflag:$0x1] =	stream.indirect_vreg.gather [hbm4b:s5+s2], $0x80, v3, vm0, $0xb8;
	[tilespmem:$0x10080] =	vst v63  }
0x3fa: {  	s14 =	simm.s32 $0xF880  }
0x3fb: {  	[tilespmem:s14], [sflag:$0x1] =	stream.indirect_vreg.gather [hbm4b:s6+s2], $0x80, v3, vm0, $0xb8;
	[tilespmem:$0x10080] =	vst v63  }
0x3fc: {  	_ =	swait.ge [sflag:s17], $0x10000  }
0x3fd: {  	[sflag:s17] =	ssyncset.done $0x0  }
0x3fe: {  	s26 =	rddreg [dreg:$0x15];
	[sflag:s17] =	ssyncadd.s32 $0xFFFF0000  }
0x3ff: {  	[hbm4b:s26+s2] =	stream.linear.scatter [tilespmem:s29], [sflag:$0x2], $0x10000, $0x38;
	[tilespmem:$0x10080] =	vst v63  }
0x400: {  	_ =	swait.ge [sflag:s8], $0x10000  }
0x401: {  	[sflag:s8] =	ssyncset.done $0x0  }
0x402: {  	s24 =	rddreg [dreg:$0x16];
	[sflag:s8] =	ssyncadd.s32 $0xFFFF0000  }
0x403: {  	[tilespmem:s2], [sflag:$0x2] =	stream.linear.gather [hbm4b:s24+s2], $0x40, $0x38;
	[tilespmem:$0x10080] =	vst v63  }
0x404: {  	_ =	swait.ge [sflag:s8], $0x40  }
0x405: {  	[sflag:s8] =	ssyncset.done $0x0  }
0x406: {  	[sflag:s8] =	ssyncadd.s32 $0xFFFFFFC0  }
0x407: {  	v3 =	vld [tilespmem:$0x0];
	_ =	sdelay $0x4  }
0x408: {  	v40 =	vshll.u32 v3, $0x3  }
0x409: {  	v3 =	vand.u32 $0x7, v3;
	v4 =	vand.u32 $0xFFFFFFC0, v40  }
0x40a: {  	v3 =	vor.u32 v3, v4  }
0x40b: {  	v4 =	vperm.xlane v3, v0;
	_ =	sdelay $0x1  }
0x40c: {  	v4 =	vadd.s32 v1, v4;
	_ =	sdelay $0x4  }
0x40d: {  	[tilespmem:s29], [sflag:$0x1] =	stream.indirect_vreg.gather [hbm4b:s3+s2], $0x80, v4, vm0, $0xb8;
	[tilespmem:$0x10080] =	vst v63  }
0x40e: {  	s26 =	simm.s32 $0x880;
	v3 =	vperm.xlane v3, v2  }
0x40f: {  	[tilespmem:s26], [sflag:$0x1] =	stream.indirect_vreg.gather [hbm4b:s4+s2], $0x80, v4, vm0, $0xb8;
	[tilespmem:$0x10080] =	vst v63  }
0x410: {  	s28 =	simm.s32 $0x1080;
	v3 =	vadd.s32 v1, v3  }
0x411: {  	[tilespmem:s28], [sflag:$0x1] =	stream.indirect_vreg.gather [hbm4b:s5+s2], $0x80, v4, vm0, $0xb8;
	[tilespmem:$0x10080] =	vst v63  }
0x412: {  	s28 =	simm.s32 $0x1880  }
0x413: {  	[tilespmem:s28], [sflag:$0x1] =	stream.indirect_vreg.gather [hbm4b:s6+s2], $0x80, v4, vm0, $0xb8;
	[tilespmem:$0x10080] =	vst v63  }
0x414: {  	s26 =	simm.s32 $0x2080  }
0x415: {  	[tilespmem:s26], [sflag:$0x1] =	stream.indirect_vreg.gather [hbm4b:s3+s2], $0x80, v3, vm0, $0xb8;
	[tilespmem:$0x10080] =	vst v63  }
0x416: {  	s28 =	simm.s32 $0x2880  }
0x417: {  	[tilespmem:s28], [sflag:$0x1] =	stream.indirect_vreg.gather [hbm4b:s4+s2], $0x80, v3, vm0, $0xb8;
	[tilespmem:$0x10080] =	vst v63  }
0x418: {  	s26 =	simm.s32 $0x3080  }
0x419: {  	[tilespmem:s26], [sflag:$0x1] =	stream.indirect_vreg.gather [hbm4b:s5+s2], $0x80, v3, vm0, $0xb8;
	[tilespmem:$0x10080] =	vst v63  }
0x41a: {  	s28 =	simm.s32 $0x3880  }
0x41b: {  	[tilespmem:s28], [sflag:$0x1] =	stream.indirect_vreg.gather [hbm4b:s6+s2], $0x80, v3, vm0, $0xb8;
	[tilespmem:$0x10080] =	vst v63  }
0x41c: {  	v3 =	vld [tilespmem:$0x10];
	_ =	sdelay $0x4  }
0x41d: {  	v41 =	vshll.u32 v3, $0x3  }
0x41e: {  	v3 =	vand.u32 $0x7, v3;
	v4 =	vand.u32 $0xFFFFFFC0, v41  }
0x41f: {  	v3 =	vor.u32 v3, v4  }
0x420: {  	v4 =	vperm.xlane v3, v0;
	_ =	sdelay $0x1  }
0x421: {  	v4 =	vadd.s32 v1, v4;
	_ =	sdelay $0x3  }
0x422: {  	s26 =	simm.s32 $0x4080  }
0x423: {  	[tilespmem:s26], [sflag:$0x1] =	stream.indirect_vreg.gather [hbm4b:s3+s2], $0x80, v4, vm0, $0xb8;
	[tilespmem:$0x10080] =	vst v63  }
0x424: {  	s15 =	simm.s32 $0x4880;
	v3 =	vperm.xlane v3, v2  }
0x425: {  	[tilespmem:s15], [sflag:$0x1] =	stream.indirect_vreg.gather [hbm4b:s4+s2], $0x80, v4, vm0, $0xb8;
	[tilespmem:$0x10080] =	vst v63  }
0x426: {  	s28 =	simm.s32 $0x5080;
	v3 =	vadd.s32 v1, v3  }
0x427: {  	[tilespmem:s28], [sflag:$0x1] =	stream.indirect_vreg.gather [hbm4b:s5+s2], $0x80, v4, vm0, $0xb8;
	[tilespmem:$0x10080] =	vst v63  }
0x428: {  	s25 =	simm.s32 $0x5880  }
0x429: {  	[tilespmem:s25], [sflag:$0x1] =	stream.indirect_vreg.gather [hbm4b:s6+s2], $0x80, v4, vm0, $0xb8;
	[tilespmem:$0x10080] =	vst v63  }
0x42a: {  	s21 =	simm.s32 $0x6080  }
0x42b: {  	[tilespmem:s21], [sflag:$0x1] =	stream.indirect_vreg.gather [hbm4b:s3+s2], $0x80, v3, vm0, $0xb8;
	[tilespmem:$0x10080] =	vst v63  }
0x42c: {  	s21 =	simm.s32 $0x6880  }
0x42d: {  	[tilespmem:s21], [sflag:$0x1] =	stream.indirect_vreg.gather [hbm4b:s4+s2], $0x80, v3, vm0, $0xb8;
	[tilespmem:$0x10080] =	vst v63  }
0x42e: {  	s22 =	simm.s32 $0x7080  }
0x42f: {  	[tilespmem:s22], [sflag:$0x1] =	stream.indirect_vreg.gather [hbm4b:s5+s2], $0x80, v3, vm0, $0xb8;
	[tilespmem:$0x10080] =	vst v63  }
0x430: {  	s0 =	simm.s32 $0x7880  }
0x431: {  	[tilespmem:s0], [sflag:$0x1] =	stream.indirect_vreg.gather [hbm4b:s6+s2], $0x80, v3, vm0, $0xb8;
	[tilespmem:$0x10080] =	vst v63  }
0x432: {  	v3 =	vld [tilespmem:$0x20];
	_ =	sdelay $0x4  }
0x433: {  	v42 =	vshll.u32 v3, $0x3  }
0x434: {  	v3 =	vand.u32 $0x7, v3;
	v4 =	vand.u32 $0xFFFFFFC0, v42  }
0x435: {  	v3 =	vor.u32 v3, v4  }
0x436: {  	v4 =	vperm.xlane v3, v0;
	_ =	sdelay $0x1  }
0x437: {  	v4 =	vadd.s32 v1, v4;
	_ =	sdelay $0x3  }
0x438: {  	s19 =	simm.s32 $0x8080  }
0x439: {  	[tilespmem:s19], [sflag:$0x1] =	stream.indirect_vreg.gather [hbm4b:s3+s2], $0x80, v4, vm0, $0xb8;
	[tilespmem:$0x10080] =	vst v63  }
0x43a: {  	s16 =	simm.s32 $0x8880;
	v3 =	vperm.xlane v3, v2  }
0x43b: {  	[tilespmem:s16], [sflag:$0x1] =	stream.indirect_vreg.gather [hbm4b:s4+s2], $0x80, v4, vm0, $0xb8;
	[tilespmem:$0x10080] =	vst v63  }
0x43c: {  	s1 =	simm.s32 $0x9080;
	v3 =	vadd.s32 v1, v3  }
0x43d: {  	[tilespmem:s1], [sflag:$0x1] =	stream.indirect_vreg.gather [hbm4b:s5+s2], $0x80, v4, vm0, $0xb8;
	[tilespmem:$0x10080] =	vst v63  }
0x43e: {  	s7 =	simm.s32 $0x9880  }
0x43f: {  	[tilespmem:s7], [sflag:$0x1] =	stream.indirect_vreg.gather [hbm4b:s6+s2], $0x80, v4, vm0, $0xb8;
	[tilespmem:$0x10080] =	vst v63  }
0x440: {  	s9 =	simm.s32 $0xA080  }
0x441: {  	[tilespmem:s9], [sflag:$0x1] =	stream.indirect_vreg.gather [hbm4b:s3+s2], $0x80, v3, vm0, $0xb8;
	[tilespmem:$0x10080] =	vst v63  }
0x442: {  	s10 =	simm.s32 $0xA880  }
0x443: {  	[tilespmem:s10], [sflag:$0x1] =	stream.indirect_vreg.gather [hbm4b:s4+s2], $0x80, v3, vm0, $0xb8;
	[tilespmem:$0x10080] =	vst v63  }
0x444: {  	s13 =	simm.s32 $0xB080  }
0x445: {  	[tilespmem:s13], [sflag:$0x1] =	stream.indirect_vreg.gather [hbm4b:s5+s2], $0x80, v3, vm0, $0xb8;
	[tilespmem:$0x10080] =	vst v63  }
0x446: {  	s30 =	simm.s32 $0xB880  }
0x447: {  	[tilespmem:s30], [sflag:$0x1] =	stream.indirect_vreg.gather [hbm4b:s6+s2], $0x80, v3, vm0, $0xb8;
	[tilespmem:$0x10080] =	vst v63  }
0x448: {  	v3 =	vld [tilespmem:$0x30];
	_ =	sdelay $0x4  }
0x449: {  	v43 =	vshll.u32 v3, $0x3  }
0x44a: {  	v3 =	vand.u32 $0x7, v3;
	v4 =	vand.u32 $0xFFFFFFC0, v43  }
0x44b: {  	v3 =	vor.u32 v3, v4  }
0x44c: {  	v4 =	vperm.xlane v3, v0;
	_ =	sdelay $0x1  }
0x44d: {  	v4 =	vadd.s32 v1, v4;
	_ =	sdelay $0x3  }
0x44e: {  	s25 =	simm.s32 $0xC080  }
0x44f: {  	[tilespmem:s25], [sflag:$0x1] =	stream.indirect_vreg.gather [hbm4b:s3+s2], $0x80, v4, vm0, $0xb8;
	[tilespmem:$0x10080] =	vst v63  }
0x450: {  	v3 =	vperm.xlane v3, v2;
	s25 =	simm.s32 $0xC880  }
0x451: {  	[tilespmem:s25], [sflag:$0x1] =	stream.indirect_vreg.gather [hbm4b:s4+s2], $0x80, v4, vm0, $0xb8;
	[tilespmem:$0x10080] =	vst v63  }
0x452: {  	s31 =	simm.s32 $0xD080;
	v3 =	vadd.s32 v1, v3  }
0x453: {  	[tilespmem:s31], [sflag:$0x1] =	stream.indirect_vreg.gather [hbm4b:s5+s2], $0x80, v4, vm0, $0xb8;
	[tilespmem:$0x10080] =	vst v63  }
0x454: {  	s23 =	simm.s32 $0xD880  }
0x455: {  	[tilespmem:s23], [sflag:$0x1] =	stream.indirect_vreg.gather [hbm4b:s6+s2], $0x80, v4, vm0, $0xb8;
	[tilespmem:$0x10080] =	vst v63  }
0x456: {  	s20 =	simm.s32 $0xE080  }
0x457: {  	[tilespmem:s20], [sflag:$0x1] =	stream.indirect_vreg.gather [hbm4b:s3+s2], $0x80, v3, vm0, $0xb8;
	[tilespmem:$0x10080] =	vst v63  }
0x458: {  	s11 =	simm.s32 $0xE880  }
0x459: {  	[tilespmem:s11], [sflag:$0x1] =	stream.indirect_vreg.gather [hbm4b:s4+s2], $0x80, v3, vm0, $0xb8;
	[tilespmem:$0x10080] =	vst v63  }
0x45a: {  	s12 =	simm.s32 $0xF080  }
0x45b: {  	[tilespmem:s12], [sflag:$0x1] =	stream.indirect_vreg.gather [hbm4b:s5+s2], $0x80, v3, vm0, $0xb8;
	[tilespmem:$0x10080] =	vst v63  }
0x45c: {  	s14 =	simm.s32 $0xF880  }
0x45d: {  	[tilespmem:s14], [sflag:$0x1] =	stream.indirect_vreg.gather [hbm4b:s6+s2], $0x80, v3, vm0, $0xb8;
	[tilespmem:$0x10080] =	vst v63  }
0x45e: {  	_ =	swait.ge [sflag:s17], $0x10000  }
0x45f: {  	[sflag:s17] =	ssyncset.done $0x0  }
0x460: {  	s31 =	rddreg [dreg:$0x17];
	[sflag:s17] =	ssyncadd.s32 $0xFFFF0000  }
0x461: {  	[hbm4b:s31+s2] =	stream.linear.scatter [tilespmem:s29], [sflag:$0x2], $0x10000, $0x38;
	[tilespmem:$0x10080] =	vst v63  }
0x462: {  	_ =	swait.ge [sflag:s8], $0x10000  }
0x463: {  	[sflag:s8] =	ssyncset.done $0x0  }
0x464: {  	s31 =	rddreg [dreg:$0x18];
	[sflag:s8] =	ssyncadd.s32 $0xFFFF0000  }
0x465: {  	[tilespmem:s2], [sflag:$0x2] =	stream.linear.gather [hbm4b:s31+s2], $0x40, $0x38;
	[tilespmem:$0x10080] =	vst v63  }
0x466: {  	_ =	swait.ge [sflag:s8], $0x40  }
0x467: {  	[sflag:s8] =	ssyncset.done $0x0  }
0x468: {  	[sflag:s8] =	ssyncadd.s32 $0xFFFFFFC0  }
0x469: {  	v3 =	vld [tilespmem:$0x0];
	_ =	sdelay $0x4  }
0x46a: {  	v44 =	vshll.u32 v3, $0x3  }
0x46b: {  	v3 =	vand.u32 $0x7, v3;
	v4 =	vand.u32 $0xFFFFFFC0, v44  }
0x46c: {  	v3 =	vor.u32 v3, v4  }
0x46d: {  	v4 =	vperm.xlane v3, v0;
	_ =	sdelay $0x1  }
0x46e: {  	v4 =	vadd.s32 v1, v4;
	_ =	sdelay $0x4  }
0x46f: {  	[tilespmem:s29], [sflag:$0x1] =	stream.indirect_vreg.gather [hbm4b:s3+s2], $0x80, v4, vm0, $0xb8;
	[tilespmem:$0x10080] =	vst v63  }
0x470: {  	s31 =	simm.s32 $0x880;
	v3 =	vperm.xlane v3, v2  }
0x471: {  	[tilespmem:s31], [sflag:$0x1] =	stream.indirect_vreg.gather [hbm4b:s4+s2], $0x80, v4, vm0, $0xb8;
	[tilespmem:$0x10080] =	vst v63  }
0x472: {  	s24 =	simm.s32 $0x1080;
	v3 =	vadd.s32 v1, v3  }
0x473: {  	[tilespmem:s24], [sflag:$0x1] =	stream.indirect_vreg.gather [hbm4b:s5+s2], $0x80, v4, vm0, $0xb8;
	[tilespmem:$0x10080] =	vst v63  }
0x474: {  	s31 =	simm.s32 $0x1880  }
0x475: {  	[tilespmem:s31], [sflag:$0x1] =	stream.indirect_vreg.gather [hbm4b:s6+s2], $0x80, v4, vm0, $0xb8;
	[tilespmem:$0x10080] =	vst v63  }
0x476: {  	s31 =	simm.s32 $0x2080  }
0x477: {  	[tilespmem:s31], [sflag:$0x1] =	stream.indirect_vreg.gather [hbm4b:s3+s2], $0x80, v3, vm0, $0xb8;
	[tilespmem:$0x10080] =	vst v63  }
0x478: {  	s31 =	simm.s32 $0x2880  }
0x479: {  	[tilespmem:s31], [sflag:$0x1] =	stream.indirect_vreg.gather [hbm4b:s4+s2], $0x80, v3, vm0, $0xb8;
	[tilespmem:$0x10080] =	vst v63  }
0x47a: {  	s31 =	simm.s32 $0x3080  }
0x47b: {  	[tilespmem:s31], [sflag:$0x1] =	stream.indirect_vreg.gather [hbm4b:s5+s2], $0x80, v3, vm0, $0xb8;
	[tilespmem:$0x10080] =	vst v63  }
0x47c: {  	s31 =	simm.s32 $0x3880  }
0x47d: {  	[tilespmem:s31], [sflag:$0x1] =	stream.indirect_vreg.gather [hbm4b:s6+s2], $0x80, v3, vm0, $0xb8;
	[tilespmem:$0x10080] =	vst v63  }
0x47e: {  	v3 =	vld [tilespmem:$0x10];
	_ =	sdelay $0x4  }
0x47f: {  	v45 =	vshll.u32 v3, $0x3  }
0x480: {  	v3 =	vand.u32 $0x7, v3;
	v4 =	vand.u32 $0xFFFFFFC0, v45  }
0x481: {  	v3 =	vor.u32 v3, v4  }
0x482: {  	v4 =	vperm.xlane v3, v0;
	_ =	sdelay $0x1  }
0x483: {  	v4 =	vadd.s32 v1, v4;
	_ =	sdelay $0x3  }
0x484: {  	s31 =	simm.s32 $0x4080  }
0x485: {  	[tilespmem:s31], [sflag:$0x1] =	stream.indirect_vreg.gather [hbm4b:s3+s2], $0x80, v4, vm0, $0xb8;
	[tilespmem:$0x10080] =	vst v63  }
0x486: {  	s15 =	simm.s32 $0x4880;
	v3 =	vperm.xlane v3, v2  }
0x487: {  	[tilespmem:s15], [sflag:$0x1] =	stream.indirect_vreg.gather [hbm4b:s4+s2], $0x80, v4, vm0, $0xb8;
	[tilespmem:$0x10080] =	vst v63  }
0x488: {  	v3 =	vadd.s32 v1, v3;
	s31 =	simm.s32 $0x5080  }
0x489: {  	[tilespmem:s31], [sflag:$0x1] =	stream.indirect_vreg.gather [hbm4b:s5+s2], $0x80, v4, vm0, $0xb8;
	[tilespmem:$0x10080] =	vst v63  }
0x48a: {  	s28 =	simm.s32 $0x5880  }
0x48b: {  	[tilespmem:s28], [sflag:$0x1] =	stream.indirect_vreg.gather [hbm4b:s6+s2], $0x80, v4, vm0, $0xb8;
	[tilespmem:$0x10080] =	vst v63  }
0x48c: {  	s26 =	simm.s32 $0x6080  }
0x48d: {  	[tilespmem:s26], [sflag:$0x1] =	stream.indirect_vreg.gather [hbm4b:s3+s2], $0x80, v3, vm0, $0xb8;
	[tilespmem:$0x10080] =	vst v63  }
0x48e: {  	s21 =	simm.s32 $0x6880  }
0x48f: {  	[tilespmem:s21], [sflag:$0x1] =	stream.indirect_vreg.gather [hbm4b:s4+s2], $0x80, v3, vm0, $0xb8;
	[tilespmem:$0x10080] =	vst v63  }
0x490: {  	s22 =	simm.s32 $0x7080  }
0x491: {  	[tilespmem:s22], [sflag:$0x1] =	stream.indirect_vreg.gather [hbm4b:s5+s2], $0x80, v3, vm0, $0xb8;
	[tilespmem:$0x10080] =	vst v63  }
0x492: {  	s0 =	simm.s32 $0x7880  }
0x493: {  	[tilespmem:s0], [sflag:$0x1] =	stream.indirect_vreg.gather [hbm4b:s6+s2], $0x80, v3, vm0, $0xb8;
	[tilespmem:$0x10080] =	vst v63  }
0x494: {  	v3 =	vld [tilespmem:$0x20];
	_ =	sdelay $0x4  }
0x495: {  	v46 =	vshll.u32 v3, $0x3  }
0x496: {  	v3 =	vand.u32 $0x7, v3;
	v4 =	vand.u32 $0xFFFFFFC0, v46  }
0x497: {  	v3 =	vor.u32 v3, v4  }
0x498: {  	v4 =	vperm.xlane v3, v0;
	_ =	sdelay $0x1  }
0x499: {  	v4 =	vadd.s32 v1, v4;
	_ =	sdelay $0x3  }
0x49a: {  	s19 =	simm.s32 $0x8080  }
0x49b: {  	[tilespmem:s19], [sflag:$0x1] =	stream.indirect_vreg.gather [hbm4b:s3+s2], $0x80, v4, vm0, $0xb8;
	[tilespmem:$0x10080] =	vst v63  }
0x49c: {  	s16 =	simm.s32 $0x8880;
	v3 =	vperm.xlane v3, v2  }
0x49d: {  	[tilespmem:s16], [sflag:$0x1] =	stream.indirect_vreg.gather [hbm4b:s4+s2], $0x80, v4, vm0, $0xb8;
	[tilespmem:$0x10080] =	vst v63  }
0x49e: {  	s1 =	simm.s32 $0x9080;
	v3 =	vadd.s32 v1, v3  }
0x49f: {  	[tilespmem:s1], [sflag:$0x1] =	stream.indirect_vreg.gather [hbm4b:s5+s2], $0x80, v4, vm0, $0xb8;
	[tilespmem:$0x10080] =	vst v63  }
0x4a0: {  	s7 =	simm.s32 $0x9880  }
0x4a1: {  	[tilespmem:s7], [sflag:$0x1] =	stream.indirect_vreg.gather [hbm4b:s6+s2], $0x80, v4, vm0, $0xb8;
	[tilespmem:$0x10080] =	vst v63  }
0x4a2: {  	s9 =	simm.s32 $0xA080  }
0x4a3: {  	[tilespmem:s9], [sflag:$0x1] =	stream.indirect_vreg.gather [hbm4b:s3+s2], $0x80, v3, vm0, $0xb8;
	[tilespmem:$0x10080] =	vst v63  }
0x4a4: {  	s10 =	simm.s32 $0xA880  }
0x4a5: {  	[tilespmem:s10], [sflag:$0x1] =	stream.indirect_vreg.gather [hbm4b:s4+s2], $0x80, v3, vm0, $0xb8;
	[tilespmem:$0x10080] =	vst v63  }
0x4a6: {  	s13 =	simm.s32 $0xB080  }
0x4a7: {  	[tilespmem:s13], [sflag:$0x1] =	stream.indirect_vreg.gather [hbm4b:s5+s2], $0x80, v3, vm0, $0xb8;
	[tilespmem:$0x10080] =	vst v63  }
0x4a8: {  	s30 =	simm.s32 $0xB880  }
0x4a9: {  	[tilespmem:s30], [sflag:$0x1] =	stream.indirect_vreg.gather [hbm4b:s6+s2], $0x80, v3, vm0, $0xb8;
	[tilespmem:$0x10080] =	vst v63  }
0x4aa: {  	v3 =	vld [tilespmem:$0x30];
	_ =	sdelay $0x4  }
0x4ab: {  	v47 =	vshll.u32 v3, $0x3  }
0x4ac: {  	v3 =	vand.u32 $0x7, v3;
	v4 =	vand.u32 $0xFFFFFFC0, v47  }
0x4ad: {  	v3 =	vor.u32 v3, v4  }
0x4ae: {  	v4 =	vperm.xlane v3, v0;
	_ =	sdelay $0x1  }
0x4af: {  	v4 =	vadd.s32 v1, v4;
	_ =	sdelay $0x3  }
0x4b0: {  	s26 =	simm.s32 $0xC080  }
0x4b1: {  	[tilespmem:s26], [sflag:$0x1] =	stream.indirect_vreg.gather [hbm4b:s3+s2], $0x80, v4, vm0, $0xb8;
	[tilespmem:$0x10080] =	vst v63  }
0x4b2: {  	v3 =	vperm.xlane v3, v2;
	s26 =	simm.s32 $0xC880  }
0x4b3: {  	[tilespmem:s26], [sflag:$0x1] =	stream.indirect_vreg.gather [hbm4b:s4+s2], $0x80, v4, vm0, $0xb8;
	[tilespmem:$0x10080] =	vst v63  }
0x4b4: {  	s25 =	simm.s32 $0xD080;
	v3 =	vadd.s32 v1, v3  }
0x4b5: {  	[tilespmem:s25], [sflag:$0x1] =	stream.indirect_vreg.gather [hbm4b:s5+s2], $0x80, v4, vm0, $0xb8;
	[tilespmem:$0x10080] =	vst v63  }
0x4b6: {  	s23 =	simm.s32 $0xD880  }
0x4b7: {  	[tilespmem:s23], [sflag:$0x1] =	stream.indirect_vreg.gather [hbm4b:s6+s2], $0x80, v4, vm0, $0xb8;
	[tilespmem:$0x10080] =	vst v63  }
0x4b8: {  	s20 =	simm.s32 $0xE080  }
0x4b9: {  	[tilespmem:s20], [sflag:$0x1] =	stream.indirect_vreg.gather [hbm4b:s3+s2], $0x80, v3, vm0, $0xb8;
	[tilespmem:$0x10080] =	vst v63  }
0x4ba: {  	s11 =	simm.s32 $0xE880  }
0x4bb: {  	[tilespmem:s11], [sflag:$0x1] =	stream.indirect_vreg.gather [hbm4b:s4+s2], $0x80, v3, vm0, $0xb8;
	[tilespmem:$0x10080] =	vst v63  }
0x4bc: {  	s12 =	simm.s32 $0xF080  }
0x4bd: {  	[tilespmem:s12], [sflag:$0x1] =	stream.indirect_vreg.gather [hbm4b:s5+s2], $0x80, v3, vm0, $0xb8;
	[tilespmem:$0x10080] =	vst v63  }
0x4be: {  	s14 =	simm.s32 $0xF880  }
0x4bf: {  	[tilespmem:s14], [sflag:$0x1] =	stream.indirect_vreg.gather [hbm4b:s6+s2], $0x80, v3, vm0, $0xb8;
	[tilespmem:$0x10080] =	vst v63  }
0x4c0: {  	_ =	swait.ge [sflag:s17], $0x10000  }
0x4c1: {  	[sflag:s17] =	ssyncset.done $0x0  }
0x4c2: {  	s14 =	rddreg [dreg:$0x19];
	[sflag:s17] =	ssyncadd.s32 $0xFFFF0000  }
0x4c3: {  	[hbm4b:s14+s2] =	stream.linear.scatter [tilespmem:s29], [sflag:$0x2], $0x10000, $0x38;
	[tilespmem:$0x10080] =	vst v63  }
0x4c4: {  	_ =	swait.ge [sflag:s8], $0x10000  }
0x4c5: {  	[sflag:s8] =	ssyncset.done $0x0  }
0x4c6: {  	s14 =	rddreg [dreg:$0x1a];
	[sflag:s8] =	ssyncadd.s32 $0xFFFF0000  }
0x4c7: {  	[tilespmem:s2], [sflag:$0x2] =	stream.linear.gather [hbm4b:s14+s2], $0x40, $0x38;
	[tilespmem:$0x10080] =	vst v63  }
0x4c8: {  	_ =	swait.ge [sflag:s8], $0x40  }
0x4c9: {  	[sflag:s8] =	ssyncset.done $0x0  }
0x4ca: {  	[sflag:s8] =	ssyncadd.s32 $0xFFFFFFC0  }
0x4cb: {  	v3 =	vld [tilespmem:$0x0];
	_ =	sdelay $0x4  }
0x4cc: {  	v48 =	vshll.u32 v3, $0x3  }
0x4cd: {  	v3 =	vand.u32 $0x7, v3;
	v4 =	vand.u32 $0xFFFFFFC0, v48  }
0x4ce: {  	v3 =	vor.u32 v3, v4  }
0x4cf: {  	v4 =	vperm.xlane v3, v0;
	_ =	sdelay $0x1  }
0x4d0: {  	v4 =	vadd.s32 v1, v4;
	_ =	sdelay $0x4  }
0x4d1: {  	[tilespmem:s29], [sflag:$0x1] =	stream.indirect_vreg.gather [hbm4b:s3+s2], $0x80, v4, vm0, $0xb8;
	[tilespmem:$0x10080] =	vst v63  }
0x4d2: {  	s18 =	simm.s32 $0x880;
	v3 =	vperm.xlane v3, v2  }
0x4d3: {  	[tilespmem:s18], [sflag:$0x1] =	stream.indirect_vreg.gather [hbm4b:s4+s2], $0x80, v4, vm0, $0xb8;
	[tilespmem:$0x10080] =	vst v63  }
0x4d4: {  	s24 =	simm.s32 $0x1080;
	v3 =	vadd.s32 v1, v3  }
0x4d5: {  	[tilespmem:s24], [sflag:$0x1] =	stream.indirect_vreg.gather [hbm4b:s5+s2], $0x80, v4, vm0, $0xb8;
	[tilespmem:$0x10080] =	vst v63  }
0x4d6: {  	s24 =	simm.s32 $0x1880  }
0x4d7: {  	[tilespmem:s24], [sflag:$0x1] =	stream.indirect_vreg.gather [hbm4b:s6+s2], $0x80, v4, vm0, $0xb8;
	[tilespmem:$0x10080] =	vst v63  }
0x4d8: {  	s24 =	simm.s32 $0x2080  }
0x4d9: {  	[tilespmem:s24], [sflag:$0x1] =	stream.indirect_vreg.gather [hbm4b:s3+s2], $0x80, v3, vm0, $0xb8;
	[tilespmem:$0x10080] =	vst v63  }
0x4da: {  	s24 =	simm.s32 $0x2880  }
0x4db: {  	[tilespmem:s24], [sflag:$0x1] =	stream.indirect_vreg.gather [hbm4b:s4+s2], $0x80, v3, vm0, $0xb8;
	[tilespmem:$0x10080] =	vst v63  }
0x4dc: {  	s24 =	simm.s32 $0x3080  }
0x4dd: {  	[tilespmem:s24], [sflag:$0x1] =	stream.indirect_vreg.gather [hbm4b:s5+s2], $0x80, v3, vm0, $0xb8;
	[tilespmem:$0x10080] =	vst v63  }
0x4de: {  	s24 =	simm.s32 $0x3880  }
0x4df: {  	[tilespmem:s24], [sflag:$0x1] =	stream.indirect_vreg.gather [hbm4b:s6+s2], $0x80, v3, vm0, $0xb8;
	[tilespmem:$0x10080] =	vst v63  }
0x4e0: {  	v3 =	vld [tilespmem:$0x10];
	_ =	sdelay $0x4  }
0x4e1: {  	v49 =	vshll.u32 v3, $0x3  }
0x4e2: {  	v3 =	vand.u32 $0x7, v3;
	v4 =	vand.u32 $0xFFFFFFC0, v49  }
0x4e3: {  	v3 =	vor.u32 v3, v4  }
0x4e4: {  	v4 =	vperm.xlane v3, v0;
	_ =	sdelay $0x1  }
0x4e5: {  	v4 =	vadd.s32 v1, v4;
	_ =	sdelay $0x3  }
0x4e6: {  	s24 =	simm.s32 $0x4080  }
0x4e7: {  	[tilespmem:s24], [sflag:$0x1] =	stream.indirect_vreg.gather [hbm4b:s3+s2], $0x80, v4, vm0, $0xb8;
	[tilespmem:$0x10080] =	vst v63  }
0x4e8: {  	s15 =	simm.s32 $0x4880;
	v3 =	vperm.xlane v3, v2  }
0x4e9: {  	[tilespmem:s15], [sflag:$0x1] =	stream.indirect_vreg.gather [hbm4b:s4+s2], $0x80, v4, vm0, $0xb8;
	[tilespmem:$0x10080] =	vst v63  }
0x4ea: {  	s31 =	simm.s32 $0x5080;
	v3 =	vadd.s32 v1, v3  }
0x4eb: {  	[tilespmem:s31], [sflag:$0x1] =	stream.indirect_vreg.gather [hbm4b:s5+s2], $0x80, v4, vm0, $0xb8;
	[tilespmem:$0x10080] =	vst v63  }
0x4ec: {  	s24 =	simm.s32 $0x5880  }
0x4ed: {  	[tilespmem:s24], [sflag:$0x1] =	stream.indirect_vreg.gather [hbm4b:s6+s2], $0x80, v4, vm0, $0xb8;
	[tilespmem:$0x10080] =	vst v63  }
0x4ee: {  	s28 =	simm.s32 $0x6080  }
0x4ef: {  	[tilespmem:s28], [sflag:$0x1] =	stream.indirect_vreg.gather [hbm4b:s3+s2], $0x80, v3, vm0, $0xb8;
	[tilespmem:$0x10080] =	vst v63  }
0x4f0: {  	s21 =	simm.s32 $0x6880  }
0x4f1: {  	[tilespmem:s21], [sflag:$0x1] =	stream.indirect_vreg.gather [hbm4b:s4+s2], $0x80, v3, vm0, $0xb8;
	[tilespmem:$0x10080] =	vst v63  }
0x4f2: {  	s22 =	simm.s32 $0x7080  }
0x4f3: {  	[tilespmem:s22], [sflag:$0x1] =	stream.indirect_vreg.gather [hbm4b:s5+s2], $0x80, v3, vm0, $0xb8;
	[tilespmem:$0x10080] =	vst v63  }
0x4f4: {  	s0 =	simm.s32 $0x7880  }
0x4f5: {  	[tilespmem:s0], [sflag:$0x1] =	stream.indirect_vreg.gather [hbm4b:s6+s2], $0x80, v3, vm0, $0xb8;
	[tilespmem:$0x10080] =	vst v63  }
0x4f6: {  	v3 =	vld [tilespmem:$0x20];
	_ =	sdelay $0x4  }
0x4f7: {  	v50 =	vshll.u32 v3, $0x3  }
0x4f8: {  	v3 =	vand.u32 $0x7, v3;
	v4 =	vand.u32 $0xFFFFFFC0, v50  }
0x4f9: {  	v3 =	vor.u32 v3, v4  }
0x4fa: {  	v4 =	vperm.xlane v3, v0;
	_ =	sdelay $0x1  }
0x4fb: {  	v4 =	vadd.s32 v1, v4;
	_ =	sdelay $0x3  }
0x4fc: {  	s19 =	simm.s32 $0x8080  }
0x4fd: {  	[tilespmem:s19], [sflag:$0x1] =	stream.indirect_vreg.gather [hbm4b:s3+s2], $0x80, v4, vm0, $0xb8;
	[tilespmem:$0x10080] =	vst v63  }
0x4fe: {  	s16 =	simm.s32 $0x8880;
	v3 =	vperm.xlane v3, v2  }
0x4ff: {  	[tilespmem:s16], [sflag:$0x1] =	stream.indirect_vreg.gather [hbm4b:s4+s2], $0x80, v4, vm0, $0xb8;
	[tilespmem:$0x10080] =	vst v63  }
0x500: {  	s1 =	simm.s32 $0x9080;
	v3 =	vadd.s32 v1, v3  }
0x501: {  	[tilespmem:s1], [sflag:$0x1] =	stream.indirect_vreg.gather [hbm4b:s5+s2], $0x80, v4, vm0, $0xb8;
	[tilespmem:$0x10080] =	vst v63  }
0x502: {  	s7 =	simm.s32 $0x9880  }
0x503: {  	[tilespmem:s7], [sflag:$0x1] =	stream.indirect_vreg.gather [hbm4b:s6+s2], $0x80, v4, vm0, $0xb8;
	[tilespmem:$0x10080] =	vst v63  }
0x504: {  	s9 =	simm.s32 $0xA080  }
0x505: {  	[tilespmem:s9], [sflag:$0x1] =	stream.indirect_vreg.gather [hbm4b:s3+s2], $0x80, v3, vm0, $0xb8;
	[tilespmem:$0x10080] =	vst v63  }
0x506: {  	s10 =	simm.s32 $0xA880  }
0x507: {  	[tilespmem:s10], [sflag:$0x1] =	stream.indirect_vreg.gather [hbm4b:s4+s2], $0x80, v3, vm0, $0xb8;
	[tilespmem:$0x10080] =	vst v63  }
0x508: {  	s13 =	simm.s32 $0xB080  }
0x509: {  	[tilespmem:s13], [sflag:$0x1] =	stream.indirect_vreg.gather [hbm4b:s5+s2], $0x80, v3, vm0, $0xb8;
	[tilespmem:$0x10080] =	vst v63  }
0x50a: {  	s30 =	simm.s32 $0xB880  }
0x50b: {  	[tilespmem:s30], [sflag:$0x1] =	stream.indirect_vreg.gather [hbm4b:s6+s2], $0x80, v3, vm0, $0xb8;
	[tilespmem:$0x10080] =	vst v63  }
0x50c: {  	v3 =	vld [tilespmem:$0x30];
	_ =	sdelay $0x4  }
0x50d: {  	v51 =	vshll.u32 v3, $0x3  }
0x50e: {  	v3 =	vand.u32 $0x7, v3;
	v4 =	vand.u32 $0xFFFFFFC0, v51  }
0x50f: {  	v3 =	vor.u32 v3, v4  }
0x510: {  	v4 =	vperm.xlane v3, v0;
	_ =	sdelay $0x1  }
0x511: {  	v4 =	vadd.s32 v1, v4;
	_ =	sdelay $0x3  }
0x512: {  	s30 =	simm.s32 $0xC080  }
0x513: {  	[tilespmem:s30], [sflag:$0x1] =	stream.indirect_vreg.gather [hbm4b:s3+s2], $0x80, v4, vm0, $0xb8;
	[tilespmem:$0x10080] =	vst v63  }
0x514: {  	s22 =	simm.s32 $0xC880;
	v3 =	vperm.xlane v3, v2  }
0x515: {  	[tilespmem:s22], [sflag:$0x1] =	stream.indirect_vreg.gather [hbm4b:s4+s2], $0x80, v4, vm0, $0xb8;
	[tilespmem:$0x10080] =	vst v63  }
0x516: {  	s26 =	simm.s32 $0xD080;
	v3 =	vadd.s32 v1, v3  }
0x517: {  	[tilespmem:s26], [sflag:$0x1] =	stream.indirect_vreg.gather [hbm4b:s5+s2], $0x80, v4, vm0, $0xb8;
	[tilespmem:$0x10080] =	vst v63  }
0x518: {  	s23 =	simm.s32 $0xD880  }
0x519: {  	[tilespmem:s23], [sflag:$0x1] =	stream.indirect_vreg.gather [hbm4b:s6+s2], $0x80, v4, vm0, $0xb8;
	[tilespmem:$0x10080] =	vst v63  }
0x51a: {  	s25 =	simm.s32 $0xE080  }
0x51b: {  	[tilespmem:s25], [sflag:$0x1] =	stream.indirect_vreg.gather [hbm4b:s3+s2], $0x80, v3, vm0, $0xb8;
	[tilespmem:$0x10080] =	vst v63  }
0x51c: {  	s20 =	simm.s32 $0xE880  }
0x51d: {  	[tilespmem:s20], [sflag:$0x1] =	stream.indirect_vreg.gather [hbm4b:s4+s2], $0x80, v3, vm0, $0xb8;
	[tilespmem:$0x10080] =	vst v63  }
0x51e: {  	s11 =	simm.s32 $0xF080  }
0x51f: {  	[tilespmem:s11], [sflag:$0x1] =	stream.indirect_vreg.gather [hbm4b:s5+s2], $0x80, v3, vm0, $0xb8;
	[tilespmem:$0x10080] =	vst v63  }
0x520: {  	s12 =	simm.s32 $0xF880  }
0x521: {  	[tilespmem:s12], [sflag:$0x1] =	stream.indirect_vreg.gather [hbm4b:s6+s2], $0x80, v3, vm0, $0xb8;
	[tilespmem:$0x10080] =	vst v63  }
0x522: {  	_ =	swait.ge [sflag:s17], $0x10000  }
0x523: {  	[sflag:s17] =	ssyncset.done $0x0  }
0x524: {  	s23 =	rddreg [dreg:$0x1b];
	[sflag:s17] =	ssyncadd.s32 $0xFFFF0000  }
0x525: {  	[hbm4b:s23+s2] =	stream.linear.scatter [tilespmem:s29], [sflag:$0x2], $0x10000, $0x38;
	[tilespmem:$0x10080] =	vst v63  }
0x526: {  	_ =	swait.ge [sflag:s8], $0x10000  }
0x527: {  	[sflag:s8] =	ssyncset.done $0x0  }
0x528: {  	s25 =	rddreg [dreg:$0x1c];
	[sflag:s8] =	ssyncadd.s32 $0xFFFF0000  }
0x529: {  	[tilespmem:s2], [sflag:$0x2] =	stream.linear.gather [hbm4b:s25+s2], $0x40, $0x38;
	[tilespmem:$0x10080] =	vst v63  }
0x52a: {  	_ =	swait.ge [sflag:s8], $0x40  }
0x52b: {  	[sflag:s8] =	ssyncset.done $0x0  }
0x52c: {  	[sflag:s8] =	ssyncadd.s32 $0xFFFFFFC0  }
0x52d: {  	v3 =	vld [tilespmem:$0x0];
	_ =	sdelay $0x4  }
0x52e: {  	v52 =	vshll.u32 v3, $0x3  }
0x52f: {  	v3 =	vand.u32 $0x7, v3;
	v4 =	vand.u32 $0xFFFFFFC0, v52  }
0x530: {  	v3 =	vor.u32 v3, v4  }
0x531: {  	v4 =	vperm.xlane v3, v0;
	_ =	sdelay $0x1  }
0x532: {  	v4 =	vadd.s32 v1, v4;
	_ =	sdelay $0x4  }
0x533: {  	[tilespmem:s29], [sflag:$0x1] =	stream.indirect_vreg.gather [hbm4b:s3+s2], $0x80, v4, vm0, $0xb8;
	[tilespmem:$0x10080] =	vst v63  }
0x534: {  	s23 =	simm.s32 $0x880;
	v3 =	vperm.xlane v3, v2  }
0x535: {  	[tilespmem:s23], [sflag:$0x1] =	stream.indirect_vreg.gather [hbm4b:s4+s2], $0x80, v4, vm0, $0xb8;
	[tilespmem:$0x10080] =	vst v63  }
0x536: {  	s14 =	simm.s32 $0x1080;
	v3 =	vadd.s32 v1, v3  }
0x537: {  	[tilespmem:s14], [sflag:$0x1] =	stream.indirect_vreg.gather [hbm4b:s5+s2], $0x80, v4, vm0, $0xb8;
	[tilespmem:$0x10080] =	vst v63  }
0x538: {  	s25 =	simm.s32 $0x1880  }
0x539: {  	[tilespmem:s25], [sflag:$0x1] =	stream.indirect_vreg.gather [hbm4b:s6+s2], $0x80, v4, vm0, $0xb8;
	[tilespmem:$0x10080] =	vst v63  }
0x53a: {  	s23 =	simm.s32 $0x2080  }
0x53b: {  	[tilespmem:s23], [sflag:$0x1] =	stream.indirect_vreg.gather [hbm4b:s3+s2], $0x80, v3, vm0, $0xb8;
	[tilespmem:$0x10080] =	vst v63  }
0x53c: {  	s25 =	simm.s32 $0x2880  }
0x53d: {  	[tilespmem:s25], [sflag:$0x1] =	stream.indirect_vreg.gather [hbm4b:s4+s2], $0x80, v3, vm0, $0xb8;
	[tilespmem:$0x10080] =	vst v63  }
0x53e: {  	s23 =	simm.s32 $0x3080  }
0x53f: {  	[tilespmem:s23], [sflag:$0x1] =	stream.indirect_vreg.gather [hbm4b:s5+s2], $0x80, v3, vm0, $0xb8;
	[tilespmem:$0x10080] =	vst v63  }
0x540: {  	s25 =	simm.s32 $0x3880  }
0x541: {  	[tilespmem:s25], [sflag:$0x1] =	stream.indirect_vreg.gather [hbm4b:s6+s2], $0x80, v3, vm0, $0xb8;
	[tilespmem:$0x10080] =	vst v63  }
0x542: {  	v3 =	vld [tilespmem:$0x10];
	_ =	sdelay $0x4  }
0x543: {  	v53 =	vshll.u32 v3, $0x3  }
0x544: {  	v3 =	vand.u32 $0x7, v3;
	v4 =	vand.u32 $0xFFFFFFC0, v53  }
0x545: {  	v3 =	vor.u32 v3, v4  }
0x546: {  	v4 =	vperm.xlane v3, v0;
	_ =	sdelay $0x1  }
0x547: {  	v4 =	vadd.s32 v1, v4;
	_ =	sdelay $0x3  }
0x548: {  	s23 =	simm.s32 $0x4080  }
0x549: {  	[tilespmem:s23], [sflag:$0x1] =	stream.indirect_vreg.gather [hbm4b:s3+s2], $0x80, v4, vm0, $0xb8;
	[tilespmem:$0x10080] =	vst v63  }
0x54a: {  	s15 =	simm.s32 $0x4880;
	v3 =	vperm.xlane v3, v2  }
0x54b: {  	[tilespmem:s15], [sflag:$0x1] =	stream.indirect_vreg.gather [hbm4b:s4+s2], $0x80, v4, vm0, $0xb8;
	[tilespmem:$0x10080] =	vst v63  }
0x54c: {  	s25 =	simm.s32 $0x5080;
	v3 =	vadd.s32 v1, v3  }
0x54d: {  	[tilespmem:s25], [sflag:$0x1] =	stream.indirect_vreg.gather [hbm4b:s5+s2], $0x80, v4, vm0, $0xb8;
	[tilespmem:$0x10080] =	vst v63  }
0x54e: {  	s24 =	simm.s32 $0x5880  }
0x54f: {  	[tilespmem:s24], [sflag:$0x1] =	stream.indirect_vreg.gather [hbm4b:s6+s2], $0x80, v4, vm0, $0xb8;
	[tilespmem:$0x10080] =	vst v63  }
0x550: {  	s31 =	simm.s32 $0x6080  }
0x551: {  	[tilespmem:s31], [sflag:$0x1] =	stream.indirect_vreg.gather [hbm4b:s3+s2], $0x80, v3, vm0, $0xb8;
	[tilespmem:$0x10080] =	vst v63  }
0x552: {  	s28 =	simm.s32 $0x6880  }
0x553: {  	[tilespmem:s28], [sflag:$0x1] =	stream.indirect_vreg.gather [hbm4b:s4+s2], $0x80, v3, vm0, $0xb8;
	[tilespmem:$0x10080] =	vst v63  }
0x554: {  	s21 =	simm.s32 $0x7080  }
0x555: {  	[tilespmem:s21], [sflag:$0x1] =	stream.indirect_vreg.gather [hbm4b:s5+s2], $0x80, v3, vm0, $0xb8;
	[tilespmem:$0x10080] =	vst v63  }
0x556: {  	s0 =	simm.s32 $0x7880  }
0x557: {  	[tilespmem:s0], [sflag:$0x1] =	stream.indirect_vreg.gather [hbm4b:s6+s2], $0x80, v3, vm0, $0xb8;
	[tilespmem:$0x10080] =	vst v63  }
0x558: {  	v3 =	vld [tilespmem:$0x20];
	_ =	sdelay $0x4  }
0x559: {  	v54 =	vshll.u32 v3, $0x3  }
0x55a: {  	v3 =	vand.u32 $0x7, v3;
	v4 =	vand.u32 $0xFFFFFFC0, v54  }
0x55b: {  	v3 =	vor.u32 v3, v4  }
0x55c: {  	v4 =	vperm.xlane v3, v0;
	_ =	sdelay $0x1  }
0x55d: {  	v4 =	vadd.s32 v1, v4;
	_ =	sdelay $0x3  }
0x55e: {  	s19 =	simm.s32 $0x8080  }
0x55f: {  	[tilespmem:s19], [sflag:$0x1] =	stream.indirect_vreg.gather [hbm4b:s3+s2], $0x80, v4, vm0, $0xb8;
	[tilespmem:$0x10080] =	vst v63  }
0x560: {  	s16 =	simm.s32 $0x8880;
	v3 =	vperm.xlane v3, v2  }
0x561: {  	[tilespmem:s16], [sflag:$0x1] =	stream.indirect_vreg.gather [hbm4b:s4+s2], $0x80, v4, vm0, $0xb8;
	[tilespmem:$0x10080] =	vst v63  }
0x562: {  	s1 =	simm.s32 $0x9080;
	v3 =	vadd.s32 v1, v3  }
0x563: {  	[tilespmem:s1], [sflag:$0x1] =	stream.indirect_vreg.gather [hbm4b:s5+s2], $0x80, v4, vm0, $0xb8;
	[tilespmem:$0x10080] =	vst v63  }
0x564: {  	s7 =	simm.s32 $0x9880  }
0x565: {  	[tilespmem:s7], [sflag:$0x1] =	stream.indirect_vreg.gather [hbm4b:s6+s2], $0x80, v4, vm0, $0xb8;
	[tilespmem:$0x10080] =	vst v63  }
0x566: {  	s9 =	simm.s32 $0xA080  }
0x567: {  	[tilespmem:s9], [sflag:$0x1] =	stream.indirect_vreg.gather [hbm4b:s3+s2], $0x80, v3, vm0, $0xb8;
	[tilespmem:$0x10080] =	vst v63  }
0x568: {  	s10 =	simm.s32 $0xA880  }
0x569: {  	[tilespmem:s10], [sflag:$0x1] =	stream.indirect_vreg.gather [hbm4b:s4+s2], $0x80, v3, vm0, $0xb8;
	[tilespmem:$0x10080] =	vst v63  }
0x56a: {  	s13 =	simm.s32 $0xB080  }
0x56b: {  	[tilespmem:s13], [sflag:$0x1] =	stream.indirect_vreg.gather [hbm4b:s5+s2], $0x80, v3, vm0, $0xb8;
	[tilespmem:$0x10080] =	vst v63  }
0x56c: {  	s28 =	simm.s32 $0xB880  }
0x56d: {  	[tilespmem:s28], [sflag:$0x1] =	stream.indirect_vreg.gather [hbm4b:s6+s2], $0x80, v3, vm0, $0xb8;
	[tilespmem:$0x10080] =	vst v63  }
0x56e: {  	v3 =	vld [tilespmem:$0x30];
	_ =	sdelay $0x4  }
0x56f: {  	v55 =	vshll.u32 v3, $0x3  }
0x570: {  	v3 =	vand.u32 $0x7, v3;
	v4 =	vand.u32 $0xFFFFFFC0, v55  }
0x571: {  	v3 =	vor.u32 v3, v4  }
0x572: {  	v4 =	vperm.xlane v3, v0;
	_ =	sdelay $0x1  }
0x573: {  	v4 =	vadd.s32 v1, v4;
	_ =	sdelay $0x3  }
0x574: {  	s31 =	simm.s32 $0xC080  }
0x575: {  	[tilespmem:s31], [sflag:$0x1] =	stream.indirect_vreg.gather [hbm4b:s3+s2], $0x80, v4, vm0, $0xb8;
	[tilespmem:$0x10080] =	vst v63  }
0x576: {  	v3 =	vperm.xlane v3, v2;
	s31 =	simm.s32 $0xC880  }
0x577: {  	[tilespmem:s31], [sflag:$0x1] =	stream.indirect_vreg.gather [hbm4b:s4+s2], $0x80, v4, vm0, $0xb8;
	[tilespmem:$0x10080] =	vst v63  }
0x578: {  	s26 =	simm.s32 $0xD080;
	v3 =	vadd.s32 v1, v3  }
0x579: {  	[tilespmem:s26], [sflag:$0x1] =	stream.indirect_vreg.gather [hbm4b:s5+s2], $0x80, v4, vm0, $0xb8;
	[tilespmem:$0x10080] =	vst v63  }
0x57a: {  	s30 =	simm.s32 $0xD880  }
0x57b: {  	[tilespmem:s30], [sflag:$0x1] =	stream.indirect_vreg.gather [hbm4b:s6+s2], $0x80, v4, vm0, $0xb8;
	[tilespmem:$0x10080] =	vst v63  }
0x57c: {  	s22 =	simm.s32 $0xE080  }
0x57d: {  	[tilespmem:s22], [sflag:$0x1] =	stream.indirect_vreg.gather [hbm4b:s3+s2], $0x80, v3, vm0, $0xb8;
	[tilespmem:$0x10080] =	vst v63  }
0x57e: {  	s20 =	simm.s32 $0xE880  }
0x57f: {  	[tilespmem:s20], [sflag:$0x1] =	stream.indirect_vreg.gather [hbm4b:s4+s2], $0x80, v3, vm0, $0xb8;
	[tilespmem:$0x10080] =	vst v63  }
0x580: {  	s11 =	simm.s32 $0xF080  }
0x581: {  	[tilespmem:s11], [sflag:$0x1] =	stream.indirect_vreg.gather [hbm4b:s5+s2], $0x80, v3, vm0, $0xb8;
	[tilespmem:$0x10080] =	vst v63  }
0x582: {  	s12 =	simm.s32 $0xF880  }
0x583: {  	[tilespmem:s12], [sflag:$0x1] =	stream.indirect_vreg.gather [hbm4b:s6+s2], $0x80, v3, vm0, $0xb8;
	[tilespmem:$0x10080] =	vst v63  }
0x584: {  	_ =	swait.ge [sflag:s17], $0x10000  }
0x585: {  	[sflag:s17] =	ssyncset.done $0x0  }
0x586: {  	s22 =	rddreg [dreg:$0x1d];
	[sflag:s17] =	ssyncadd.s32 $0xFFFF0000  }
0x587: {  	[hbm4b:s22+s2] =	stream.linear.scatter [tilespmem:s29], [sflag:$0x2], $0x10000, $0x38;
	[tilespmem:$0x10080] =	vst v63  }
0x588: {  	_ =	swait.ge [sflag:s8], $0x10000  }
0x589: {  	[sflag:s8] =	ssyncset.done $0x0  }
0x58a: {  	s12 =	rddreg [dreg:$0x1e];
	[sflag:s8] =	ssyncadd.s32 $0xFFFF0000  }
0x58b: {  	[tilespmem:s2], [sflag:$0x2] =	stream.linear.gather [hbm4b:s12+s2], $0x40, $0x38;
	[tilespmem:$0x10080] =	vst v63  }
0x58c: {  	_ =	swait.ge [sflag:s8], $0x40  }
0x58d: {  	[sflag:s8] =	ssyncset.done $0x0  }
0x58e: {  	[sflag:s8] =	ssyncadd.s32 $0xFFFFFFC0  }
0x58f: {  	v3 =	vld [tilespmem:$0x0];
	_ =	sdelay $0x4  }
0x590: {  	v56 =	vshll.u32 v3, $0x3  }
0x591: {  	v3 =	vand.u32 $0x7, v3;
	v4 =	vand.u32 $0xFFFFFFC0, v56  }
0x592: {  	v3 =	vor.u32 v3, v4  }
0x593: {  	v4 =	vperm.xlane v3, v0;
	_ =	sdelay $0x1  }
0x594: {  	v4 =	vadd.s32 v1, v4;
	_ =	sdelay $0x4  }
0x595: {  	[tilespmem:s29], [sflag:$0x1] =	stream.indirect_vreg.gather [hbm4b:s3+s2], $0x80, v4, vm0, $0xb8;
	[tilespmem:$0x10080] =	vst v63  }
0x596: {  	s22 =	simm.s32 $0x880;
	v3 =	vperm.xlane v3, v2  }
0x597: {  	[tilespmem:s22], [sflag:$0x1] =	stream.indirect_vreg.gather [hbm4b:s4+s2], $0x80, v4, vm0, $0xb8;
	[tilespmem:$0x10080] =	vst v63  }
0x598: {  	s14 =	simm.s32 $0x1080;
	v3 =	vadd.s32 v1, v3  }
0x599: {  	[tilespmem:s14], [sflag:$0x1] =	stream.indirect_vreg.gather [hbm4b:s5+s2], $0x80, v4, vm0, $0xb8;
	[tilespmem:$0x10080] =	vst v63  }
0x59a: {  	s18 =	simm.s32 $0x1880  }
0x59b: {  	[tilespmem:s18], [sflag:$0x1] =	stream.indirect_vreg.gather [hbm4b:s6+s2], $0x80, v4, vm0, $0xb8;
	[tilespmem:$0x10080] =	vst v63  }
0x59c: {  	s22 =	simm.s32 $0x2080  }
0x59d: {  	[tilespmem:s22], [sflag:$0x1] =	stream.indirect_vreg.gather [hbm4b:s3+s2], $0x80, v3, vm0, $0xb8;
	[tilespmem:$0x10080] =	vst v63  }
0x59e: {  	s18 =	simm.s32 $0x2880  }
0x59f: {  	[tilespmem:s18], [sflag:$0x1] =	stream.indirect_vreg.gather [hbm4b:s4+s2], $0x80, v3, vm0, $0xb8;
	[tilespmem:$0x10080] =	vst v63  }
0x5a0: {  	s22 =	simm.s32 $0x3080  }
0x5a1: {  	[tilespmem:s22], [sflag:$0x1] =	stream.indirect_vreg.gather [hbm4b:s5+s2], $0x80, v3, vm0, $0xb8;
	[tilespmem:$0x10080] =	vst v63  }
0x5a2: {  	s18 =	simm.s32 $0x3880  }
0x5a3: {  	[tilespmem:s18], [sflag:$0x1] =	stream.indirect_vreg.gather [hbm4b:s6+s2], $0x80, v3, vm0, $0xb8;
	[tilespmem:$0x10080] =	vst v63  }
0x5a4: {  	v3 =	vld [tilespmem:$0x10];
	_ =	sdelay $0x4  }
0x5a5: {  	v57 =	vshll.u32 v3, $0x3  }
0x5a6: {  	v3 =	vand.u32 $0x7, v3;
	v4 =	vand.u32 $0xFFFFFFC0, v57  }
0x5a7: {  	v3 =	vor.u32 v3, v4  }
0x5a8: {  	v4 =	vperm.xlane v3, v0;
	_ =	sdelay $0x1  }
0x5a9: {  	v4 =	vadd.s32 v1, v4;
	_ =	sdelay $0x3  }
0x5aa: {  	s22 =	simm.s32 $0x4080  }
0x5ab: {  	[tilespmem:s22], [sflag:$0x1] =	stream.indirect_vreg.gather [hbm4b:s3+s2], $0x80, v4, vm0, $0xb8;
	[tilespmem:$0x10080] =	vst v63  }
0x5ac: {  	s15 =	simm.s32 $0x4880;
	v3 =	vperm.xlane v3, v2  }
0x5ad: {  	[tilespmem:s15], [sflag:$0x1] =	stream.indirect_vreg.gather [hbm4b:s4+s2], $0x80, v4, vm0, $0xb8;
	[tilespmem:$0x10080] =	vst v63  }
0x5ae: {  	s23 =	simm.s32 $0x5080;
	v3 =	vadd.s32 v1, v3  }
0x5af: {  	[tilespmem:s23], [sflag:$0x1] =	stream.indirect_vreg.gather [hbm4b:s5+s2], $0x80, v4, vm0, $0xb8;
	[tilespmem:$0x10080] =	vst v63  }
0x5b0: {  	s24 =	simm.s32 $0x5880  }
0x5b1: {  	[tilespmem:s24], [sflag:$0x1] =	stream.indirect_vreg.gather [hbm4b:s6+s2], $0x80, v4, vm0, $0xb8;
	[tilespmem:$0x10080] =	vst v63  }
0x5b2: {  	s24 =	simm.s32 $0x6080  }
0x5b3: {  	[tilespmem:s24], [sflag:$0x1] =	stream.indirect_vreg.gather [hbm4b:s3+s2], $0x80, v3, vm0, $0xb8;
	[tilespmem:$0x10080] =	vst v63  }
0x5b4: {  	s25 =	simm.s32 $0x6880  }
0x5b5: {  	[tilespmem:s25], [sflag:$0x1] =	stream.indirect_vreg.gather [hbm4b:s4+s2], $0x80, v3, vm0, $0xb8;
	[tilespmem:$0x10080] =	vst v63  }
0x5b6: {  	s21 =	simm.s32 $0x7080  }
0x5b7: {  	[tilespmem:s21], [sflag:$0x1] =	stream.indirect_vreg.gather [hbm4b:s5+s2], $0x80, v3, vm0, $0xb8;
	[tilespmem:$0x10080] =	vst v63  }
0x5b8: {  	s0 =	simm.s32 $0x7880  }
0x5b9: {  	[tilespmem:s0], [sflag:$0x1] =	stream.indirect_vreg.gather [hbm4b:s6+s2], $0x80, v3, vm0, $0xb8;
	[tilespmem:$0x10080] =	vst v63  }
0x5ba: {  	v3 =	vld [tilespmem:$0x20];
	_ =	sdelay $0x4  }
0x5bb: {  	v58 =	vshll.u32 v3, $0x3  }
0x5bc: {  	v3 =	vand.u32 $0x7, v3;
	v4 =	vand.u32 $0xFFFFFFC0, v58  }
0x5bd: {  	v3 =	vor.u32 v3, v4  }
0x5be: {  	v4 =	vperm.xlane v3, v0;
	_ =	sdelay $0x1  }
0x5bf: {  	v4 =	vadd.s32 v1, v4;
	_ =	sdelay $0x3  }
0x5c0: {  	s19 =	simm.s32 $0x8080  }
0x5c1: {  	[tilespmem:s19], [sflag:$0x1] =	stream.indirect_vreg.gather [hbm4b:s3+s2], $0x80, v4, vm0, $0xb8;
	[tilespmem:$0x10080] =	vst v63  }
0x5c2: {  	s16 =	simm.s32 $0x8880;
	v3 =	vperm.xlane v3, v2  }
0x5c3: {  	[tilespmem:s16], [sflag:$0x1] =	stream.indirect_vreg.gather [hbm4b:s4+s2], $0x80, v4, vm0, $0xb8;
	[tilespmem:$0x10080] =	vst v63  }
0x5c4: {  	s1 =	simm.s32 $0x9080;
	v3 =	vadd.s32 v1, v3  }
0x5c5: {  	[tilespmem:s1], [sflag:$0x1] =	stream.indirect_vreg.gather [hbm4b:s5+s2], $0x80, v4, vm0, $0xb8;
	[tilespmem:$0x10080] =	vst v63  }
0x5c6: {  	s7 =	simm.s32 $0x9880  }
0x5c7: {  	[tilespmem:s7], [sflag:$0x1] =	stream.indirect_vreg.gather [hbm4b:s6+s2], $0x80, v4, vm0, $0xb8;
	[tilespmem:$0x10080] =	vst v63  }
0x5c8: {  	s9 =	simm.s32 $0xA080  }
0x5c9: {  	[tilespmem:s9], [sflag:$0x1] =	stream.indirect_vreg.gather [hbm4b:s3+s2], $0x80, v3, vm0, $0xb8;
	[tilespmem:$0x10080] =	vst v63  }
0x5ca: {  	s10 =	simm.s32 $0xA880  }
0x5cb: {  	[tilespmem:s10], [sflag:$0x1] =	stream.indirect_vreg.gather [hbm4b:s4+s2], $0x80, v3, vm0, $0xb8;
	[tilespmem:$0x10080] =	vst v63  }
0x5cc: {  	s13 =	simm.s32 $0xB080  }
0x5cd: {  	[tilespmem:s13], [sflag:$0x1] =	stream.indirect_vreg.gather [hbm4b:s5+s2], $0x80, v3, vm0, $0xb8;
	[tilespmem:$0x10080] =	vst v63  }
0x5ce: {  	s28 =	simm.s32 $0xB880  }
0x5cf: {  	[tilespmem:s28], [sflag:$0x1] =	stream.indirect_vreg.gather [hbm4b:s6+s2], $0x80, v3, vm0, $0xb8;
	[tilespmem:$0x10080] =	vst v63  }
0x5d0: {  	v3 =	vld [tilespmem:$0x30];
	_ =	sdelay $0x4  }
0x5d1: {  	v59 =	vshll.u32 v3, $0x3  }
0x5d2: {  	v3 =	vand.u32 $0x7, v3;
	v4 =	vand.u32 $0xFFFFFFC0, v59  }
0x5d3: {  	v3 =	vor.u32 v3, v4  }
0x5d4: {  	v4 =	vperm.xlane v3, v0;
	_ =	sdelay $0x1  }
0x5d5: {  	v4 =	vadd.s32 v1, v4;
	_ =	sdelay $0x3  }
0x5d6: {  	s18 =	simm.s32 $0xC080  }
0x5d7: {  	[tilespmem:s18], [sflag:$0x1] =	stream.indirect_vreg.gather [hbm4b:s3+s2], $0x80, v4, vm0, $0xb8;
	[tilespmem:$0x10080] =	vst v63  }
0x5d8: {  	s16 =	simm.s32 $0xC880;
	v3 =	vperm.xlane v3, v2  }
0x5d9: {  	[tilespmem:s16], [sflag:$0x1] =	stream.indirect_vreg.gather [hbm4b:s4+s2], $0x80, v4, vm0, $0xb8;
	[tilespmem:$0x10080] =	vst v63  }
0x5da: {  	s26 =	simm.s32 $0xD080;
	v3 =	vadd.s32 v1, v3  }
0x5db: {  	[tilespmem:s26], [sflag:$0x1] =	stream.indirect_vreg.gather [hbm4b:s5+s2], $0x80, v4, vm0, $0xb8;
	[tilespmem:$0x10080] =	vst v63  }
0x5dc: {  	s31 =	simm.s32 $0xD880  }
0x5dd: {  	[tilespmem:s31], [sflag:$0x1] =	stream.indirect_vreg.gather [hbm4b:s6+s2], $0x80, v4, vm0, $0xb8;
	[tilespmem:$0x10080] =	vst v63  }
0x5de: {  	s30 =	simm.s32 $0xE080  }
0x5df: {  	[tilespmem:s30], [sflag:$0x1] =	stream.indirect_vreg.gather [hbm4b:s3+s2], $0x80, v3, vm0, $0xb8;
	[tilespmem:$0x10080] =	vst v63  }
0x5e0: {  	s20 =	simm.s32 $0xE880  }
0x5e1: {  	[tilespmem:s20], [sflag:$0x1] =	stream.indirect_vreg.gather [hbm4b:s4+s2], $0x80, v3, vm0, $0xb8;
	[tilespmem:$0x10080] =	vst v63  }
0x5e2: {  	s11 =	simm.s32 $0xF080  }
0x5e3: {  	[tilespmem:s11], [sflag:$0x1] =	stream.indirect_vreg.gather [hbm4b:s5+s2], $0x80, v3, vm0, $0xb8;
	[tilespmem:$0x10080] =	vst v63  }
0x5e4: {  	s18 =	simm.s32 $0xF880  }
0x5e5: {  	[tilespmem:s18], [sflag:$0x1] =	stream.indirect_vreg.gather [hbm4b:s6+s2], $0x80, v3, vm0, $0xb8;
	[tilespmem:$0x10080] =	vst v63  }
0x5e6: {  	_ =	swait.ge [sflag:s17], $0x10000  }
0x5e7: {  	[sflag:s17] =	ssyncset.done $0x0  }
0x5e8: {  	s30 =	rddreg [dreg:$0x1f];
	[sflag:s17] =	ssyncadd.s32 $0xFFFF0000  }
0x5e9: {  	[hbm4b:s30+s2] =	stream.linear.scatter [tilespmem:s29], [sflag:$0x2], $0x10000, $0x38;
	[tilespmem:$0x10080] =	vst v63  }
0x5ea: {  	_ =	swait.ge [sflag:s8], $0x10000  }
0x5eb: {  	s30 =	sld [smem:$0x7FC]  }
0x5ec: {  	[sflag:s8] =	ssyncset.done $0x0  }
0x5ed: {  	[sflag:s8] =	ssyncadd.s32 $0xFFFF0000  }
0x5ee: {  	[tilespmem:s2], [sflag:$0x2] =	stream.linear.gather [hbm4b:s30+s2], $0x40, $0x38;
	[tilespmem:$0x10080] =	vst v63  }
0x5ef: {  	_ =	swait.ge [sflag:s8], $0x40  }
0x5f0: {  	[sflag:s8] =	ssyncset.done $0x0  }
0x5f1: {  	[sflag:s8] =	ssyncadd.s32 $0xFFFFFFC0  }
0x5f2: {  	v3 =	vld [tilespmem:$0x0];
	_ =	sdelay $0x4  }
0x5f3: {  	v60 =	vshll.u32 v3, $0x3  }
0x5f4: {  	v3 =	vand.u32 $0x7, v3;
	v4 =	vand.u32 $0xFFFFFFC0, v60  }
0x5f5: {  	v3 =	vor.u32 v3, v4  }
0x5f6: {  	v4 =	vperm.xlane v3, v0;
	_ =	sdelay $0x1  }
0x5f7: {  	v4 =	vadd.s32 v1, v4;
	_ =	sdelay $0x4  }
0x5f8: {  	[tilespmem:s29], [sflag:$0x1] =	stream.indirect_vreg.gather [hbm4b:s3+s2], $0x80, v4, vm0, $0xb8;
	[tilespmem:$0x10080] =	vst v63  }
0x5f9: {  	s30 =	simm.s32 $0x880;
	v3 =	vperm.xlane v3, v2  }
0x5fa: {  	[tilespmem:s30], [sflag:$0x1] =	stream.indirect_vreg.gather [hbm4b:s4+s2], $0x80, v4, vm0, $0xb8;
	[tilespmem:$0x10080] =	vst v63  }
0x5fb: {  	s12 =	simm.s32 $0x1080;
	v3 =	vadd.s32 v1, v3  }
0x5fc: {  	[tilespmem:s12], [sflag:$0x1] =	stream.indirect_vreg.gather [hbm4b:s5+s2], $0x80, v4, vm0, $0xb8;
	[tilespmem:$0x10080] =	vst v63  }
0x5fd: {  	s30 =	simm.s32 $0x1880  }
0x5fe: {  	[tilespmem:s30], [sflag:$0x1] =	stream.indirect_vreg.gather [hbm4b:s6+s2], $0x80, v4, vm0, $0xb8;
	[tilespmem:$0x10080] =	vst v63  }
0x5ff: {  	s18 =	simm.s32 $0x2080  }
0x600: {  	[tilespmem:s18], [sflag:$0x1] =	stream.indirect_vreg.gather [hbm4b:s3+s2], $0x80, v3, vm0, $0xb8;
	[tilespmem:$0x10080] =	vst v63  }
0x601: {  	s30 =	simm.s32 $0x2880  }
0x602: {  	[tilespmem:s30], [sflag:$0x1] =	stream.indirect_vreg.gather [hbm4b:s4+s2], $0x80, v3, vm0, $0xb8;
	[tilespmem:$0x10080] =	vst v63  }
0x603: {  	s18 =	simm.s32 $0x3080  }
0x604: {  	[tilespmem:s18], [sflag:$0x1] =	stream.indirect_vreg.gather [hbm4b:s5+s2], $0x80, v3, vm0, $0xb8;
	[tilespmem:$0x10080] =	vst v63  }
0x605: {  	s30 =	simm.s32 $0x3880  }
0x606: {  	[tilespmem:s30], [sflag:$0x1] =	stream.indirect_vreg.gather [hbm4b:s6+s2], $0x80, v3, vm0, $0xb8;
	[tilespmem:$0x10080] =	vst v63  }
0x607: {  	v3 =	vld [tilespmem:$0x10];
	_ =	sdelay $0x4  }
0x608: {  	v61 =	vshll.u32 v3, $0x3  }
0x609: {  	v3 =	vand.u32 $0x7, v3;
	v4 =	vand.u32 $0xFFFFFFC0, v61  }
0x60a: {  	v3 =	vor.u32 v3, v4  }
0x60b: {  	v4 =	vperm.xlane v3, v0;
	_ =	sdelay $0x1  }
0x60c: {  	v4 =	vadd.s32 v1, v4;
	_ =	sdelay $0x3  }
0x60d: {  	s18 =	simm.s32 $0x4080  }
0x60e: {  	[tilespmem:s18], [sflag:$0x1] =	stream.indirect_vreg.gather [hbm4b:s3+s2], $0x80, v4, vm0, $0xb8;
	[tilespmem:$0x10080] =	vst v63  }
0x60f: {  	s14 =	simm.s32 $0x4880;
	v3 =	vperm.xlane v3, v2  }
0x610: {  	[tilespmem:s14], [sflag:$0x1] =	stream.indirect_vreg.gather [hbm4b:s4+s2], $0x80, v4, vm0, $0xb8;
	[tilespmem:$0x10080] =	vst v63  }
0x611: {  	s22 =	simm.s32 $0x5080;
	v3 =	vadd.s32 v1, v3  }
0x612: {  	[tilespmem:s22], [sflag:$0x1] =	stream.indirect_vreg.gather [hbm4b:s5+s2], $0x80, v4, vm0, $0xb8;
	[tilespmem:$0x10080] =	vst v63  }
0x613: {  	s23 =	simm.s32 $0x5880  }
0x614: {  	[tilespmem:s23], [sflag:$0x1] =	stream.indirect_vreg.gather [hbm4b:s6+s2], $0x80, v4, vm0, $0xb8;
	[tilespmem:$0x10080] =	vst v63  }
0x615: {  	s23 =	simm.s32 $0x6080  }
0x616: {  	[tilespmem:s23], [sflag:$0x1] =	stream.indirect_vreg.gather [hbm4b:s3+s2], $0x80, v3, vm0, $0xb8;
	[tilespmem:$0x10080] =	vst v63  }
0x617: {  	s24 =	simm.s32 $0x6880  }
0x618: {  	[tilespmem:s24], [sflag:$0x1] =	stream.indirect_vreg.gather [hbm4b:s4+s2], $0x80, v3, vm0, $0xb8;
	[tilespmem:$0x10080] =	vst v63  }
0x619: {  	s25 =	simm.s32 $0x7080  }
0x61a: {  	[tilespmem:s25], [sflag:$0x1] =	stream.indirect_vreg.gather [hbm4b:s5+s2], $0x80, v3, vm0, $0xb8;
	[tilespmem:$0x10080] =	vst v63  }
0x61b: {  	s15 =	simm.s32 $0x7880  }
0x61c: {  	[tilespmem:s15], [sflag:$0x1] =	stream.indirect_vreg.gather [hbm4b:s6+s2], $0x80, v3, vm0, $0xb8;
	[tilespmem:$0x10080] =	vst v63  }
0x61d: {  	v3 =	vld [tilespmem:$0x20];
	_ =	sdelay $0x4  }
0x61e: {  	v62 =	vshll.u32 v3, $0x3  }
0x61f: {  	v3 =	vand.u32 $0x7, v3;
	v4 =	vand.u32 $0xFFFFFFC0, v62  }
0x620: {  	v3 =	vor.u32 v3, v4  }
0x621: {  	v4 =	vperm.xlane v3, v0;
	_ =	sdelay $0x1  }
0x622: {  	v4 =	vadd.s32 v1, v4;
	_ =	sdelay $0x3  }
0x623: {  	s21 =	simm.s32 $0x8080  }
0x624: {  	[tilespmem:s21], [sflag:$0x1] =	stream.indirect_vreg.gather [hbm4b:s3+s2], $0x80, v4, vm0, $0xb8;
	[tilespmem:$0x10080] =	vst v63  }
0x625: {  	s19 =	simm.s32 $0x8880;
	v3 =	vperm.xlane v3, v2  }
0x626: {  	[tilespmem:s19], [sflag:$0x1] =	stream.indirect_vreg.gather [hbm4b:s4+s2], $0x80, v4, vm0, $0xb8;
	[tilespmem:$0x10080] =	vst v63  }
0x627: {  	s0 =	simm.s32 $0x9080;
	v3 =	vadd.s32 v1, v3  }
0x628: {  	[tilespmem:s0], [sflag:$0x1] =	stream.indirect_vreg.gather [hbm4b:s5+s2], $0x80, v4, vm0, $0xb8;
	[tilespmem:$0x10080] =	vst v63  }
0x629: {  	s1 =	simm.s32 $0x9880  }
0x62a: {  	[tilespmem:s1], [sflag:$0x1] =	stream.indirect_vreg.gather [hbm4b:s6+s2], $0x80, v4, vm0, $0xb8;
	[tilespmem:$0x10080] =	vst v63  }
0x62b: {  	s7 =	simm.s32 $0xA080  }
0x62c: {  	[tilespmem:s7], [sflag:$0x1] =	stream.indirect_vreg.gather [hbm4b:s3+s2], $0x80, v3, vm0, $0xb8;
	[tilespmem:$0x10080] =	vst v63  }
0x62d: {  	s9 =	simm.s32 $0xA880  }
0x62e: {  	[tilespmem:s9], [sflag:$0x1] =	stream.indirect_vreg.gather [hbm4b:s4+s2], $0x80, v3, vm0, $0xb8;
	[tilespmem:$0x10080] =	vst v63  }
0x62f: {  	s10 =	simm.s32 $0xB080  }
0x630: {  	[tilespmem:s10], [sflag:$0x1] =	stream.indirect_vreg.gather [hbm4b:s5+s2], $0x80, v3, vm0, $0xb8;
	[tilespmem:$0x10080] =	vst v63  }
0x631: {  	s28 =	simm.s32 $0xB880  }
0x632: {  	[tilespmem:s28], [sflag:$0x1] =	stream.indirect_vreg.gather [hbm4b:s6+s2], $0x80, v3, vm0, $0xb8;
	[tilespmem:$0x10080] =	vst v63  }
0x633: {  	v3 =	vld [tilespmem:$0x30];
	_ =	sdelay $0x4  }
0x634: {  	v63 =	vshll.u32 v3, $0x3  }
0x635: {  	v3 =	vand.u32 $0x7, v3;
	v4 =	vand.u32 $0xFFFFFFC0, v63  }
0x636: {  	v3 =	vor.u32 v3, v4  }
0x637: {  	v4 =	vperm.xlane v3, v0;
	_ =	sdelay $0x1  }
0x638: {  	v4 =	vadd.s32 v1, v4;
	_ =	sdelay $0x3  }
0x639: {  	s25 =	simm.s32 $0xC080  }
0x63a: {  	[tilespmem:s25], [sflag:$0x1] =	stream.indirect_vreg.gather [hbm4b:s3+s2], $0x80, v4, vm0, $0xb8;
	[tilespmem:$0x10080] =	vst v63  }
0x63b: {  	s28 =	simm.s32 $0xC880;
	v3 =	vperm.xlane v3, v2  }
0x63c: {  	[tilespmem:s28], [sflag:$0x1] =	stream.indirect_vreg.gather [hbm4b:s4+s2], $0x80, v4, vm0, $0xb8;
	[tilespmem:$0x10080] =	vst v63  }
0x63d: {  	s13 =	simm.s32 $0xD080;
	v3 =	vadd.s32 v1, v3  }
0x63e: {  	[tilespmem:s13], [sflag:$0x1] =	stream.indirect_vreg.gather [hbm4b:s5+s2], $0x80, v4, vm0, $0xb8;
	[tilespmem:$0x10080] =	vst v63  }
0x63f: {  	s31 =	simm.s32 $0xD880  }
0x640: {  	[tilespmem:s31], [sflag:$0x1] =	stream.indirect_vreg.gather [hbm4b:s6+s2], $0x80, v4, vm0, $0xb8;
	[tilespmem:$0x10080] =	vst v63  }
0x641: {  	s26 =	simm.s32 $0xE080  }
0x642: {  	[tilespmem:s26], [sflag:$0x1] =	stream.indirect_vreg.gather [hbm4b:s3+s2], $0x80, v3, vm0, $0xb8;
	[tilespmem:$0x10080] =	vst v63  }
0x643: {  	s16 =	simm.s32 $0xE880  }
0x644: {  	[tilespmem:s16], [sflag:$0x1] =	stream.indirect_vreg.gather [hbm4b:s4+s2], $0x80, v3, vm0, $0xb8;
	[tilespmem:$0x10080] =	vst v63  }
0x645: {  	s20 =	simm.s32 $0xF080  }
0x646: {  	[tilespmem:s20], [sflag:$0x1] =	stream.indirect_vreg.gather [hbm4b:s5+s2], $0x80, v3, vm0, $0xb8;
	[tilespmem:$0x10080] =	vst v63  }
0x647: {  	s11 =	simm.s32 $0xF880  }
0x648: {  	[tilespmem:s11], [sflag:$0x1] =	stream.indirect_vreg.gather [hbm4b:s6+s2], $0x80, v3, vm0, $0xb8;
	[tilespmem:$0x10080] =	vst v63  }
0x649: {  	_ =	swait.ge [sflag:s17], $0x10000  }
0x64a: {  	s31 =	sld [smem:$0x7FB];
	_ =	sdelay $0x1  }
0x64b: {  	s30 =	sld [smem:$0x7FD]  }
0x64c: {  	[sflag:s17] =	ssyncset.done $0x0;
	p0 =	sne.s32 s31, $0x1  }
.Ltmp0:
0x64d: {  	[sflag:s17] =	ssyncadd.s32 $0xFFFF0000;
	(pc) =	sbr.rel @p0 .LBB2_1-.Ltmp0, $4  }
0x64e: {  	[hbm4b:s30+s2] =	stream.linear.scatter [tilespmem:s29], [sflag:$0x2], $0x10000, $0x38;
	[tilespmem:$0x10080] =	vst v63  }
0x64f: {  	_ =	swait.ge [sflag:s8], $0x10000  }
0x650: {  	[sflag:s8] =	ssyncset.done $0x0  }
0x651: {  	s18 =	sadd.s32 $0xFFFFFFFF, s31;
	[sflag:s8] =	ssyncadd.s32 $0xFFFF0000  }
0x652: {  	_ =	sfence.sel $0x180000  }
0x653: {  	[bflag:$0x0] =	sbarrier.arrive $0xFFFF  }
0x654: {  	_ =	strace $0x90000047  }
0x655: {  	s0 =	stileid.u32;
	[bflag:$0x2] =	sbarrier.arrive $0xFFFF  }
0x656: {  	p0 =	sne.s32 s0, $0x0;
	s0 =	rddreg [dreg:$0x1]  }
0x657: {  	s0 =	sadd.s32 @!p0 $0x100000, s0  }
0x658: {  	[sflag:s0] =	ssyncadd.tile.s32 @!p0 $0x1;
	_ =	shalt  }
.Lfunc_end2:
_tile_overlayer_lowered:
.L_overlay_start_2:
0x659: {  	(tag) =	ssettag $0x2  }
0x65a: {  	s0 =	rddreg [dreg:$0x0];
	s2 =	stileid.u32  }
0x65b: {  	s1 =	rddreg [dreg:$0x1];
	p0 =	sne.s32 s2, $0x0  }
0x65c: {  	s3 =	rddreg [dreg:$0x2];
	[bflag:$0x3] =	sbarrier.arrive $0xFFFF;
	s2 =	simm.s32 @!p0 $0x1C02  }
0x65d: {  	[timem:s3], [sflag:s2] =	dma.local @!p0 [hbm:s0], s1  }
0x65e: {  	s0 =	simm.s32 @!p0 $0x2  }
0x65f: {  	_ =	swait.ge @!p0 [sflag:s0], s1  }
0x660: {  	s1 =	ssub.s32 @!p0 $0x0, s1;
	[sflag:s0] =	ssyncset.done @!p0 $0x0  }
0x661: {  	[sflag:s0] =	ssyncadd.s32 @!p0 s1  }
0x662: {  	[bflag:$0x3] =	sbarrier.arrive $0xFFFF  }
0x663: {  	_ =	shalt  }

// kernel: kernel.13.cloned.1.call-start
scs
__scs_entry_jumppad:
0x0: {  	(pc) =	sbr.rel $0x88, $3  }
0x1: {  	(tag) =	ssettag $0x0;
	lr =	simm.s32 $0x1  }
0x2: {  	[smem:$0x3F9B] =	sst lr;
	_ =	strace $0xD0000000  }
0x3: {  	_ = 	snop  }
0x4: {  	_ = 	snop  }
0x5: {  	_ = 	snop  }
0x6: {  	_ = 	snop  }
0x7: {  	_ = 	snop  }
__scs_overlays_trampoline_lowered:
0x8: {  	[smem:$0x3FAA] =	sst s0  }
0x9: {  	[smem:$0x3FAB] =	sst s1  }
0xa: {  	[smem:$0x3FAC] =	sst s2  }
0xb: {  	[smem:$0x3FAD] =	sst s3  }
0xc: {  	[smem:$0x3FAE] =	sst s4  }
0xd: {  	[smem:$0x3FAF] =	sst s5  }
0xe: {  	[smem:$0x3FB0] =	sst s6  }
0xf: {  	[smem:$0x3FB1] =	sst s7  }
0x10: {  	[smem:$0x3FB2] =	sst s8  }
0x11: {  	[smem:$0x3FB3] =	sst s9;
	s0 =	simm.s32 @!p0 $0x0  }
0x12: {  	s1 =	sld [smem:$0x3F99];
	s0 =	simm.s32 @p0 $0x1  }
0x13: {  	[smem:$0x3FB4] =	sst s0;
	s0 =	simm.s32 @!p1 $0x0  }
0x14: {  	s2 =	sld [smem:$0x3F98];
	s0 =	simm.s32 @p1 $0x1  }
0x15: {  	[smem:$0x3FB5] =	sst s0;
	s0 =	simm.s32 @!p2 $0x0  }
0x16: {  	s3 =	sld [smem:$0x3FDB];
	s0 =	simm.s32 @p2 $0x1  }
0x17: {  	s4 =	simm.s32 $0x1BF5;
	[smem:$0x3FB7] =	sst s0  }
0x18: {  	s0 =	sld [smem:$0x3F9A];
	_ =	swait.ge [sflag:s4], $0x0  }
0x19: {  	s7 =	sld [smem:$0x3F9B]  }
0x1a: {  	s8 =	sadd.s32 $0xFFFFE003, lr  }
0x1b: {  	s9 =	sadd.s32 $0xFFFFFEF7, lr;
	s5 =	simm.s32 $0xFFFFFFFF;
	p2 =	slt.u32 s8, $0xFFFFF086  }
0x1c: {  	p1 =	slt.u32 s9, $0xF7A;
	s5 =	simm.s32 @!p2 $0x0  }
0x1d: {  	s5 =	simm.s32 @p1 $0x1;
	p0 =	seq.s32 s7, s2  }
0x1e: {  	s7 =	smul.u32 @!p0 $0xF7A, s2;
	p2 =	seq.s32 @!p0 s5, $0x0  }
0x1f: {  	s9 =	smul.u32 $0xF7A, s1;
	s8 =	simm.s32 @!p0 $0x1BF5;
	p2 =	por !p2, p0  }
0x20: {  	[sflag:s8] =	ssyncset.s32 @!p0 $0xFFFFF086;
	s6 =	sadd.s32 @!p0 s3, s7;
	s7 =	simm.s32 @!p0 $0x108  }
0x21: {  	s3 =	sadd.s32 s3, s9;
	s6 =	sadd.s32 @!p0 $0x88, s6;
	s7 =	simm.s32 @p2 $0x1082  }
0x22: {  	[simem:s7], [sflag:s8] =	dma.local @!p0 [hbm:s6], $0xF7A  }
0x23: {  	s9 =	sor.u32 $0xD0000000, s2;
	s6 =	simm.s32 $0x108;
	_ =	swait.ge @!p0 [sflag:s8], $0x0  }
0x24: {  	s3 =	sadd.s32 $0x88, s3;
	s6 =	simm.s32 @!p1 $0x1082;
	[sflag:s4] =	ssyncset.s32 $0xFFFFF086  }
0x25: {  	[simem:s6], [sflag:s4] =	dma.local [hbm:s3], $0xF7A  }
0x26: {  	[smem:$0x3F9B] =	sst s1;
	(tag) =	ssettag s2;
	_ =	strace s9  }
0x27: {  	s1 =	sld [smem:$0x3FAB]  }
0x28: {  	s2 =	sld [smem:$0x3FAC]  }
0x29: {  	s4 =	sld [smem:$0x3FAE]  }
0x2a: {  	p0 =	seq.s32 s5, $0x0;
	s5 =	sld [smem:$0x3FAF]  }
0x2b: {  	s6 =	sld [smem:$0x3FB0]  }
0x2c: {  	s7 =	sld [smem:$0x3FB1]  }
0x2d: {  	s3 =	simm.s32 $0x108;
	s8 =	sld [smem:$0x3FB2]  }
0x2e: {  	s3 =	simm.s32 @!p0 $0x1082;
	s9 =	sld [smem:$0x3FB3]  }
0x2f: {  	lr =	sadd.s32 s0, s3;
	s0 =	sld [smem:$0x3FAA]  }
0x30: {  	s3 =	sld [smem:$0x3FAD]  }
0x31: {  	[smem:$0x3FB6] =	sst s10  }
0x32: {  	s10 =	sld [smem:$0x3FB4];
	_ =	sdelay $0x3  }
0x33: {  	p0 =	seq.s32 s10, $0x1;
	s10 =	sld [smem:$0x3FB6];
	_ =	sdelay $0x3  }
0x34: {  	[smem:$0x3FB6] =	sst s10  }
0x35: {  	s10 =	sld [smem:$0x3FB5];
	_ =	sdelay $0x3  }
0x36: {  	p1 =	seq.s32 s10, $0x1;
	s10 =	sld [smem:$0x3FB6];
	_ =	sdelay $0x3  }
0x37: {  	[smem:$0x3FB6] =	sst s10  }
0x38: {  	s10 =	sld [smem:$0x3FB7]  }
0x39: {  	_ = 	snop;
	(pc) =	sbr.ind lr, $3  }
0x3a: {  	_ = 	snop  }
0x3b: {  	_ = 	snop  }
0x3c: {  	p2 =	seq.s32 s10, $0x1;
	s10 =	sld [smem:$0x3FB6]  }
0x3d: {  	_ =	shalt  }
0x3e: {  	_ =	shalt  }
0x3f: {  	_ =	shalt  }
0x40: {  	_ =	shalt  }
0x41: {  	_ =	shalt  }
0x42: {  	_ =	shalt  }
0x43: {  	_ =	shalt  }
0x44: {  	_ =	shalt  }
0x45: {  	_ =	shalt  }
0x46: {  	_ =	shalt  }
0x47: {  	_ =	shalt  }
0x48: {  	_ =	shalt  }
0x49: {  	_ =	shalt  }
0x4a: {  	_ =	shalt  }
0x4b: {  	_ =	shalt  }
0x4c: {  	_ =	shalt  }
0x4d: {  	_ =	shalt  }
0x4e: {  	_ =	shalt  }
0x4f: {  	_ =	shalt  }
0x50: {  	_ =	shalt  }
0x51: {  	_ =	shalt  }
0x52: {  	_ =	shalt  }
0x53: {  	_ =	shalt  }
0x54: {  	_ =	shalt  }
0x55: {  	_ =	shalt  }
0x56: {  	_ =	shalt  }
0x57: {  	_ =	shalt  }
0x58: {  	_ =	shalt  }
0x59: {  	_ =	shalt  }
0x5a: {  	_ =	shalt  }
0x5b: {  	_ =	shalt  }
0x5c: {  	_ =	shalt  }
0x5d: {  	_ =	shalt  }
0x5e: {  	_ =	shalt  }
0x5f: {  	_ =	shalt  }
0x60: {  	_ =	shalt  }
0x61: {  	_ =	shalt  }
0x62: {  	_ =	shalt  }
0x63: {  	_ =	shalt  }
0x64: {  	_ =	shalt  }
0x65: {  	_ =	shalt  }
0x66: {  	_ =	shalt  }
0x67: {  	_ =	shalt  }
0x68: {  	_ =	shalt  }
0x69: {  	_ =	shalt  }
0x6a: {  	_ =	shalt  }
0x6b: {  	_ =	shalt  }
0x6c: {  	_ =	shalt  }
0x6d: {  	_ =	shalt  }
0x6e: {  	_ =	shalt  }
0x6f: {  	_ =	shalt  }
0x70: {  	_ =	shalt  }
0x71: {  	_ =	shalt  }
0x72: {  	_ =	shalt  }
0x73: {  	_ =	shalt  }
0x74: {  	_ =	shalt  }
0x75: {  	_ =	shalt  }
0x76: {  	_ =	shalt  }
0x77: {  	_ =	shalt  }
0x78: {  	_ =	shalt  }
0x79: {  	_ =	shalt  }
0x7a: {  	_ =	shalt  }
0x7b: {  	_ =	shalt  }
0x7c: {  	_ =	shalt  }
0x7d: {  	_ =	shalt  }
0x7e: {  	_ =	shalt  }
0x7f: {  	_ =	shalt  }
0x80: {  	_ =	shalt  }
0x81: {  	_ =	shalt  }
0x82: {  	_ =	shalt  }
0x83: {  	_ =	shalt  }
0x84: {  	_ =	shalt  }
0x85: {  	_ =	shalt  }
0x86: {  	_ =	shalt  }
0x87: {  	_ =	shalt  }
.Lfunc_end0:
.L_simem_size_0:
called_computation.1_lowered:
.L_overlay_start_0:
0x88: {  	s2 =	sld [smem:$0x3FD9]  }
0x89: {  	s3 =	sld [smem:$0x3FFE];
	_ =	sdelay $0x1  }
0x8a: {  	s1 =	srdreg.scid  }
0x8b: {  	s0 =	sand.u32 $0x1, s1  }
0x8c: {  	s17 =	sshll.u32 s0, $0xA;
	s2 =	sadd.s32 s3, s2  }
0x8d: {  	s2 =	sadd.s32 s2, s17  }
0x8e: {  	[smem:$0x3FC2] =	sst s2  }
0x8f: {  	_ = 	snop  }
0x90: {  	s2 =	sld [smem:$0x3FD0];
	(tm) =	ssettm $0x1  }
0x91: {  	s18 =	sld [smem:$0x3FFB];
	_ =	sdelay $0x3  }
0x92: {  	_ =	strace s18  }
0x93: {  	s3 =	sld [smem:$0x3FFC];
	_ =	sdelay $0x3  }
0x94: {  	_ =	strace s3  }
0x95: {  	s3 =	sld [smem:$0x3FFD];
	_ =	sdelay $0x3  }
0x96: {  	_ =	strace s3  }
0x97: {  	_ =	strace $0x8FFFFFFF  }
0x98: {  	s19 =	sld [smem:$0x3FDB];
	_ =	sdelay $0x1  }
0x99: {  	s4 =	simm.s32 $_scs_section_size  }
0x9a: {  	s5 =	simm.s32 $_size__tile_overlayer_lowered;
	s6 =	simm.s32 $_tile_overlayer_lowered  }
0x9b: {  	s22 =	simm.s32 $0x1BFF;
	s21 =	sshll.u32 s6, $0x1;
	s3 =	sadd.s32 s4, s19  }
0x9c: {  	s7 =	simm.s32 $0x0;
	s20 =	sshll.u32 s5, $0x1;
	s5 =	sadd.s32 s21, s3  }
0x9d: {  	[timem:s7], [sflag:s22] =	dma.local [hbm:s5], s20  }
0x9e: {  	_ =	swait.ge [sflag:s22], s20  }
0x9f: {  	s4 =	ssub.s32 $0x0, s20;
	[sflag:s22] =	ssyncset.done $0x0  }
0xa0: {  	[sflag:s22] =	ssyncadd.s32 s4;
	_ =	sdelay $0x1  }
0xa1: {  	s23 =	simm.s32 $0x1B8B  }
0xa2: {  	_ =	swait.ge [sflag:s23], $0x1  }
0xa3: {  	[sflag:s23] =	ssyncset.done $0x0  }
0xa4: {  	s25 =	simm.s32 $0x1B8E;
	s24 =	sld [smem:$0x3FFE];
	[sflag:s23] =	ssyncadd.s32 $0xFFFFFFFF  }
0xa5: {  	s26 =	simm.s32 $execute0_lowered;
	[smem:$0x3FD2] =	sst s25  }
0xa6: {  	s5 =	sshll.u32 s26, $0x1;
	_ =	strace $0x80000049;
	[dreg:$0x1] =	wrdreg $0xFFFFFFFF  }
0xa7: {  	s28 =	simm.s32 $_size_execute0_lowered;
	s3 =	sadd.s32 s3, s5;
	[dreg:$0x0] =	wrdreg $0x0  }
0xa8: {  	s5 =	sshll.u32 s28, $0x1;
	[dreg:$0x2] =	wrdreg s3  }
0xa9: {  	[dreg:$0x3] =	wrdreg s5  }
0xaa: {  	[dreg:$0x4] =	wrdreg $0xC0  }
0xab: {  	_ =	task [dreg:s7], $0x5FFFF  }
0xac: {  	[dreg:$0x1] =	wrdreg $0xFFFFFFFF  }
0xad: {  	[dreg:$0x0] =	wrdreg $0x60  }
0xae: {  	[dreg:$0x2] =	wrdreg s24  }
0xaf: {  	[dreg:$0x3] =	wrdreg s2  }
0xb0: {  	[dreg:$0x4] =	wrdreg $0x9  }
0xb1: {  	_ =	task.clear_ibuf [dreg:s7], $0x5FFFF;
	_ =	strace $0x90000049  }
0xb2: {  	s29 =	simm.s32 $0x9;
	_ =	strace $0x8000004B  }
0xb3: {  	_ =	swait.ge [sflag:s29], $0x1  }
0xb4: {  	[sflag:s29] =	ssyncadd.s32 $0xFFFFFFFF  }
0xb5: {  	_ =	strace $0x9000004B  }
0xb6: {  	_ =	sfence  }
0xb7: {  	s30 =	sld [smem:$0x0];
	_ =	sdelay $0x2  }
0xb8: {  	s31 =	sshll.u32 s1, $0xD;
	s1 =	sshrl.u32 s1, $0x2  }
0xb9: {  	s3 =	sand.u32 $0x4000, s31;
	s1 =	sadd.s32 s1, s30  }
0xba: {  	s0 =	sor.u32 s3, s0;
	s1 =	sshll.u32 s1, $0x11  }
0xbb: {  	s0 =	sor.u32 s1, s0  }
0xbc: {  	s0 =	sadd.s32 $0x8F2B, s0  }
0xbd: {  	[sflag:s0] =	ssyncadd.remote.s32 $0x1  }
0xbe: {  	_ =	sfence.sel $0xFFFF  }
0xbf: {  	[dreg:$0x0] =	wrdreg $0xFFFFFFFF;
	(pc) =	sbr.abs _section_cstart, $3  }
0xc0: {  	[dreg:$0x1] =	wrdreg $0xFFFFFFFF  }
0xc1: {  	_ =	task.clear_ibuf [dreg:s7], $0x2FFFF;
	_ =	strace $0x9FFFFFFF  }
0xc2: {  	(tm) =	ssettm $0x7FFFFFFF  }
0xc3: {  	_ =	shalt  }
tec
execute0_lowered:
.L_overlay_start_1:
0x0: {  	(tag) =	ssettag $0x1  }
0x1: {  	s1 =	srdreg.scid  }
0x2: {  	s8 =	rddreg [dreg:$0x0];
	s0 =	stileid.u32  }
0x3: {  	s3 =	rddreg [dreg:$0x1];
	s2 =	simm.s32 $0x0;
	s6 =	sand.u32 $0x1, s1  }
0x4: {  	s4 =	sshll.u32 s0, $0xA;
	s1 =	rddreg [dreg:$0x2];
	s5 =	sshll.u32 s6, $0x9  }
0x5: {  	s7 =	simm.s32 $0x1;
	[smem:$0x7FF] =	sst s2;
	s9 =	sor.u32 s5, s4  }
0x6: {  	_ =	strace $0x8000004A;
	s10 =	ssub.s32 $0x2, s6;
	s4 =	sshrl.u32 s9, $0x3  }
0x7: {  	s6 =	simm.s32 $0x200;
	s4 =	sadd.s32 s3, s4;
	s3 =	simm.s32 $0x2  }
0x8: {  	[tilespmem:s2], [sflag:$0x2] =	stream.linear.gather [hbm4b:s4+s2], $0x200, $0x38;
	[tilespmem:$0x10200] =	vst v63  }
0x9: {  	s5 =	sadd.s32 $0x718A00, s8;
	s11 =	sshrl.u32 s10, $0x1;
	_ =	swait.ge [sflag:s3], $0x200  }
0xa: {  	s9 =	sshll.u32 s9, $0x4;
	s31 =	ssub.s32 s10, s11;
	[sflag:s3] =	ssyncset.done $0x0  }
0xb: {  	s8 =	sadd.s32 s9, s8;
	s9 =	smax.u32 s31, $0x1;
	[sflag:s3] =	ssyncadd.s32 $0xFFFFFE00  }
0xc: {  	[tilespmem:s6], [sflag:$0x1] =	stream.indirect.gather [hbm4b:s5+s6], $0x80, s2, s6, $0xb8;
	[tilespmem:$0x10200] =	vst v63  }
0xd: {  	p0 =	sne.s32 s9, $0x1;
	_ =	swait.ge [sflag:s7], $0x10000  }
.Ltmp0:
0xe: {  	[sflag:s7] =	ssyncset.done $0x0;
	(pc) =	sbr.rel @!p0 .LBB2_2-.Ltmp0, $4  }
0xf: {  	s8 =	sadd.s32 $0x2000, s8;
	[sflag:s7] =	ssyncadd.s32 $0xFFFF0000  }
0x10: {  	[hbm4b:s8+s2] =	stream.linear.scatter [tilespmem:s6], [sflag:$0x2], $0x10000, $0x38;
	[tilespmem:$0x10200] =	vst v63  }
0x11: {  	_ =	swait.ge [sflag:s3], $0x10000  }
0x12: {  	s9 =	sadd.s32 $0xFFFFFFFF, s9;
	[sflag:s3] =	ssyncset.done $0x0  }
.LBB2_1:
0x13: {  	p0 =	sne.s32 s9, $0x1;
	s9 =	sadd.s32 $0xFFFFFFFF, s9;
	[sflag:s3] =	ssyncadd.s32 $0xFFFF0000  }
0x14: {  	[tilespmem:s2], [sflag:$0x2] =	stream.linear.gather [hbm4b:s4+s2], $0x200, $0x38;
	[tilespmem:$0x10200] =	vst v63  }
0x15: {  	_ =	swait.ge [sflag:s3], $0x200  }
0x16: {  	[sflag:s3] =	ssyncset.done $0x0  }
0x17: {  	[sflag:s3] =	ssyncadd.s32 $0xFFFFFE00  }
0x18: {  	[tilespmem:s6], [sflag:$0x1] =	stream.indirect.gather [hbm4b:s5+s6], $0x80, s2, s6, $0xb8;
	[tilespmem:$0x10200] =	vst v63  }
0x19: {  	_ =	swait.ge [sflag:s7], $0x10000  }
.Ltmp1:
0x1a: {  	[sflag:s7] =	ssyncset.done $0x0;
	(pc) =	sbr.rel @p0 .LBB2_1-.Ltmp1, $4  }
0x1b: {  	[sflag:s7] =	ssyncadd.s32 $0xFFFF0000  }
0x1c: {  	[hbm4b:s8+s2] =	stream.linear.scatter [tilespmem:s6], [sflag:$0x2], $0x10000, $0x38;
	[tilespmem:$0x10200] =	vst v63  }
0x1d: {  	_ =	swait.ge [sflag:s3], $0x10000  }
0x1e: {  	[sflag:s3] =	ssyncset.done $0x0  }
.LBB2_2:
0x1f: {  	[sflag:s3] =	ssyncadd.s32 $0xFFFF0000  }
0x20: {  	_ =	sfence.sel $0x180000  }
0x21: {  	[bflag:$0x0] =	sbarrier.arrive $0xFFFF  }
0x22: {  	p0 =	sne.s32 s0, $0x0;
	_ =	strace $0x9000004A  }
0x23: {  	s0 =	sadd.s32 @!p0 $0x100000, s1;
	[bflag:$0x2] =	sbarrier.arrive $0xFFFF  }
0x24: {  	[sflag:s0] =	ssyncadd.tile.s32 @!p0 $0x1;
	_ =	shalt  }
.Lfunc_end2:
_tile_overlayer_lowered:
.L_overlay_start_2:
0x25: {  	(tag) =	ssettag $0x2  }
0x26: {  	s0 =	rddreg [dreg:$0x0];
	s2 =	stileid.u32  }
0x27: {  	s1 =	rddreg [dreg:$0x1];
	p0 =	sne.s32 s2, $0x0  }
0x28: {  	s3 =	rddreg [dreg:$0x2];
	[bflag:$0x3] =	sbarrier.arrive $0xFFFF;
	s2 =	simm.s32 @!p0 $0x1C02  }
0x29: {  	[timem:s3], [sflag:s2] =	dma.local @!p0 [hbm:s0], s1  }
0x2a: {  	s0 =	simm.s32 @!p0 $0x2  }
0x2b: {  	_ =	swait.ge @!p0 [sflag:s0], s1  }
0x2c: {  	s1 =	ssub.s32 @!p0 $0x0, s1;
	[sflag:s0] =	ssyncset.done @!p0 $0x0  }
0x2d: {  	[sflag:s0] =	ssyncadd.s32 @!p0 s1  }
0x2e: {  	[bflag:$0x3] =	sbarrier.arrive $0xFFFF  }
0x2f: {  	_ =	shalt  }

</sc_bundles>
